<compile_context>
chip_gen: v7x
topology: tpu7x:2x2x1
jax: 0.10.2.dev20260603
libtpu: 0.0.44.dev20260713+nightly
codegen_flags: <defaults>
</compile_context>

<pallas_src>
import functools
import math

import numpy as np
import jax
import jax.numpy as jnp
from jax import lax
from jax.experimental import pallas as pl
from jax.experimental.pallas import tpu as pltpu
from jax.experimental.pallas import tpu_sc as plsc

N = 10000
E = 320000
H = 128
LAT = 32
HD = 256
NMAX = 50
DC = 128
NG = 200
AH = NMAX * (NMAX - 1) // 2
AHP = 1280
ADJF = NMAX * NMAX

NC, NS = 2, 16
NW = NC * NS
EPT = E // NW
EB = 125
KB = EPT // EB
CH = 16
NCH = KB // CH
RPT = 624
TOFF = NS * RPT
TAIL = N - TOFF

BR = 1000
NBLK = N // BR

_BNS = 1.0 / math.sqrt(1.0 + 1e-5)

def _threefry2x32_np(k0, k1, x0, x1):
    rot = [[13, 15, 26, 6], [17, 29, 16, 24]]

    def rotl(v, d):
        return ((v << np.uint32(d)) | (v >> np.uint32(32 - d))).astype(np.uint32)

    ks = [k0, k1, np.uint32(0x1BD11BDA) ^ k0 ^ k1]
    x0 = (x0 + ks[0]).astype(np.uint32)
    x1 = (x1 + ks[1]).astype(np.uint32)
    for r in range(5):
        for d in rot[r % 2]:
            x0 = (x0 + x1).astype(np.uint32)
            x1 = rotl(x1, d) ^ x0
        x0 = (x0 + ks[(r + 1) % 3]).astype(np.uint32)
        x1 = (x1 + ks[(r + 2) % 3] + np.uint32(r + 1)).astype(np.uint32)
    return x0, x1


def _gumbel_np(seed, shape):
    n = int(np.prod(shape))
    b0, b1 = _threefry2x32_np(np.uint32(seed >> 32), np.uint32(seed & 0xFFFFFFFF),
                              np.zeros(n, np.uint32), np.arange(n, dtype=np.uint32))
    bits = b0 ^ b1
    u = ((bits >> np.uint32(9)) | np.uint32(0x3F800000)).view(np.float32) \
        - np.float32(1.0)
    tiny = np.float32(np.finfo(np.float32).tiny)
    u = np.maximum(tiny, (u * (np.float32(1.0) - tiny) + tiny).astype(np.float32))
    return (-np.log(-np.log(u))).astype(np.float32).reshape(shape)


_GN = _gumbel_np(42, (NG, AH, 2))
_GDIFF = _GN[:, :, 0] - _GN[:, :, 1]

_IU = np.triu_indices(NMAX, 1)
_PFULL = np.zeros((AHP, ADJF), np.float32)
_PFULL[np.arange(AH), _IU[0] * NMAX + _IU[1]] = 1.0
_PFULL[np.arange(AH), _IU[1] * NMAX + _IU[0]] = 1.0


def _leaky(t):
    return jnp.where(t > 0, t, 0.2 * t)


def _sc_scatter_body(h_hbm, z_hbm, src_hbm, dst_hbm, out_hbm,
                     src_v, dst_v, bufs, agg, semsG, semsS):
    buf = list(bufs)
    semG = list(semsG)
    semS = list(semsS)
    cid = lax.axis_index("c")
    sid = lax.axis_index("s")
    wid = cid * NS + sid
    row0 = sid * RPT

    @pl.when(cid == 0)
    def _():
        pltpu.sync_copy(h_hbm.at[pl.ds(row0, RPT)], agg.at[pl.ds(row0, RPT)])

        @pl.when(sid == NS - 1)
        def _():
            pltpu.sync_copy(h_hbm.at[pl.ds(TOFF, TAIL)], agg.at[pl.ds(TOFF, TAIL)])

    @pl.when(cid != 0)
    def _():
        pltpu.sync_copy(z_hbm.at[pl.ds(row0, RPT)], agg.at[pl.ds(row0, RPT)])

        @pl.when(sid == NS - 1)
        def _():
            pltpu.sync_copy(z_hbm.at[pl.ds(TOFF, TAIL)], agg.at[pl.ds(TOFF, TAIL)])

    plsc.subcore_barrier()

    @pl.loop(0, NCH)
    def _(ci):
        cbase = wid * KB + ci * CH
        pltpu.sync_copy(src_hbm.at[pl.ds(cbase, CH)], src_v)
        pltpu.sync_copy(dst_hbm.at[pl.ds(cbase, CH)], dst_v)
        pltpu.async_copy(h_hbm.at[src_v.at[0]], buf[0], semG[0])

        pltpu.async_copy(h_hbm.at[src_v.at[1]], buf[1], semG[1])
        for b in range(CH):
            j = b % 2
            pltpu.make_async_copy(h_hbm.at[src_v.at[b]], buf[j], semG[j]).wait()
            pltpu.sync_copy(buf[j], agg.at[dst_v.at[b]], add=True)
            if b + 2 < CH:
                pltpu.async_copy(h_hbm.at[src_v.at[b + 2]], buf[j], semG[j])

    plsc.subcore_barrier()

    pltpu.sync_copy(agg.at[pl.ds(row0, RPT)], out_hbm.at[cid, pl.ds(row0, RPT)])

    @pl.when(sid == NS - 1)
    def _():
        pltpu.sync_copy(agg.at[pl.ds(TOFF, TAIL)], out_hbm.at[cid, pl.ds(TOFF, TAIL)])


@functools.lru_cache(maxsize=1)
def _sc_scatter_kernel():
    return pl.kernel(
        _sc_scatter_body,
        out_type=jax.ShapeDtypeStruct((2, N, H), jnp.float32),
        mesh=plsc.VectorSubcoreMesh(core_axis_name="c", subcore_axis_name="s",
                                    num_cores=NC, num_subcores=NS),
        scratch_types=[
            pltpu.VMEM((CH, EB), jnp.int32),
            pltpu.VMEM((CH, EB), jnp.int32),
            tuple(pltpu.VMEM((EB, H), jnp.float32) for _ in range(2)),
            pltpu.VMEM_SHARED((N, H), jnp.float32),
            tuple(pltpu.SemaphoreType.DMA for _ in range(2)),
            tuple(pltpu.SemaphoreType.DMA for _ in range(2)),
        ],
    )


def _sc_scatter(h, zeros, src2, dst2):
    return _sc_scatter_kernel()(h, zeros, src2, dst2)


def _mlp_body(p0_ref, p1_ref, W_ref, b_ref, s_ref, be_ref, W2_ref, b2_ref, o_ref):
    a = p0_ref[...] + p1_ref[...]
    t = jnp.dot(a, W_ref[...], preferred_element_type=jnp.float32) + b_ref[...]
    t = _leaky(t)
    t = t * s_ref[...] + be_ref[...]
    t = jnp.dot(t, W2_ref[...], preferred_element_type=jnp.float32) + b2_ref[...]
    o_ref[...] = _leaky(t)


def _mlp(p0, p1, W, b, s, be, W2, b2):
    full = lambda shp: pl.BlockSpec(shp, lambda i: (0,) * len(shp))
    return pl.pallas_call(
        _mlp_body,
        grid=(NBLK,),
        in_specs=[
            pl.BlockSpec((BR, H), lambda i: (i, 0)),
            pl.BlockSpec((BR, H), lambda i: (i, 0)),
            full((H, H)), full((1, H)), full((1, H)), full((1, H)),
            full((H, H)), full((1, H)),
        ],
        out_specs=pl.BlockSpec((BR, H), lambda i: (i, 0)),
        out_shape=jax.ShapeDtypeStruct((N, H), jnp.float32),
    )(p0, p1, W, b, s, be, W2, b2)


def _mlp_pool_dec_body(p0_ref, p1_ref, batch_ref, W_ref, b_ref, s_ref, be_ref,
                       W2_ref, b2_ref, cond_ref, es_ref, eb_ref, fcW_ref,
                       fcb_ref, muW_ref, mub_ref, c0W_ref, c0b_ref, c1W_ref,
                       c1b_ref, d0Wz_ref, d0Wc_ref, d0b_ref, s0_ref, b0_ref,
                       d1Wh_ref, d1Wc_ref, d1b_ref, s1_ref, b1_ref,
                       Wd_ref, gdt_ref, P_ref, o_ref, g_acc):
    f32 = jnp.float32
    dot = lambda a, b: jnp.dot(a, b, preferred_element_type=f32)
    a = p0_ref[...] + p1_ref[...]
    t = dot(a, W_ref[...]) + b_ref[...]
    t = _leaky(t)
    t = t * s_ref[...] + be_ref[...]
    t = dot(t, W2_ref[...]) + b2_ref[...]
    t = _leaky(t)
    bb = batch_ref[0]
    onehot = (lax.broadcasted_iota(jnp.int32, (NG, BR), 0) == bb)
    contrib = dot(onehot.astype(f32), t)

    @pl.when(pl.program_id(0) == 0)
    def _():
        g_acc[...] = contrib

    @pl.when(pl.program_id(0) != 0)
    def _():
        g_acc[...] += contrib

    @pl.when(pl.program_id(0) == NBLK - 1)
    def _():
        gb = g_acc[...] * es_ref[...] + eb_ref[...]
        gf = dot(gb, fcW_ref[...]) + fcb_ref[...]
        z = dot(gf, muW_ref[...]) + mub_ref[...]
        c = jnp.maximum(dot(cond_ref[...], c0W_ref[...]) + c0b_ref[...], 0.0)
        c = dot(c, c1W_ref[...]) + c1b_ref[...]
        h0 = jnp.maximum(dot(z, d0Wz_ref[...]) + dot(c, d0Wc_ref[...])
                         + d0b_ref[...], 0.0)
        h0 = h0 * s0_ref[...] + b0_ref[...]
        h1 = jnp.maximum(dot(h0, d1Wh_ref[...]) + dot(c, d1Wc_ref[...])
                         + d1b_ref[...], 0.0)
        h1 = h1 * s1_ref[...] + b1_ref[...]
        delta = dot(h1, Wd_ref[...]) + gdt_ref[...]
        vals = (delta >= 0).astype(jnp.bfloat16)
        o_ref[...] = dot(vals, P_ref[...])


def _mlp_pool_dec(p0, p1, batch3, W, b, s, be, W2, b2, *dec):
    full = lambda shp: pl.BlockSpec(shp, lambda i: (0,) * len(shp))
    return pl.pallas_call(
        _mlp_pool_dec_body,
        grid=(NBLK,),
        in_specs=[
            pl.BlockSpec((BR, H), lambda i: (i, 0)),
            pl.BlockSpec((BR, H), lambda i: (i, 0)),
            pl.BlockSpec((1, 1, BR), lambda i: (i, 0, 0)),
            full((H, H)), full((1, H)), full((1, H)), full((1, H)),
            full((H, H)), full((1, H)),
        ] + [full(d.shape) for d in dec],
        out_specs=pl.BlockSpec((NG, ADJF), lambda i: (0, 0)),
        out_shape=jax.ShapeDtypeStruct((NG, ADJF), jnp.float32),
        scratch_shapes=[pltpu.VMEM((NG, H), jnp.float32)],
    )(p0, p1, batch3, W, b, s, be, W2, b2, *dec)


def kernel(x, cond, params, edge_index, batch):
    p = params
    f32 = jnp.float32
    row = lambda v: v.reshape(1, -1).astype(f32)

    src2 = edge_index[0].reshape(NW * KB, EB)
    dst2 = edge_index[1].reshape(NW * KB, EB)
    zeros = jnp.zeros((N, H), f32)
    batch3 = batch.reshape(NBLK, 1, BR)

    pp = _sc_scatter(x, zeros, src2, dst2)
    h1 = _mlp(pp[0], pp[1], p['c0W'], row(p['c0b']), row(p['c0g'] * _BNS),
              row(p['c0be']), p['c0W2'], row(p['c0b2']))
    Wd = p['d2W'][:, 0::2] - p['d2W'][:, 1::2]
    Wd = jnp.pad(Wd, ((0, 0), (0, AHP - AH)))
    gdiff = jnp.asarray(_GDIFF) + (p['d2b'][0::2] - p['d2b'][1::2])[None, :]
    gdt = jnp.pad(gdiff, ((0, 0), (0, AHP - AH)), constant_values=-1e9)
    P = jnp.asarray(_PFULL, jnp.bfloat16)

    pp2 = _sc_scatter(h1, zeros, src2, dst2)
    adjf = _mlp_pool_dec(
        pp2[0], pp2[1], batch3, p['c1W'], row(p['c1b']),
        row(p['c1g'] * _BNS), row(p['c1be']), p['c1W2'], row(p['c1b2']),
        cond, row(p['ebn_g'] * _BNS), row(p['ebn_b']),
        p['fcW'], row(p['fcb']), p['muW'], row(p['mub']),
        p['cm0W'], row(p['cm0b']), p['cm1W'], row(p['cm1b']),
        p['d0W'][:LAT], p['d0W'][LAT:], row(p['d0b']),
        row(p['dbn0_g'] * _BNS), row(p['dbn0_b']),
        p['d1W'][:HD], p['d1W'][HD:], row(p['d1b']),
        row(p['dbn1_g'] * _BNS), row(p['dbn1_b']),
        Wd, gdt, P)
    return adjf.reshape(NG, NMAX, NMAX)

# --- scband reference (transcript-rebuilt; emitter-appended) ---
"""Pipeline reference for scband-variational-auto-encoder-52450140618881 (READ-ONLY COPY).

The authoritative reference and input builder live on the scoring server;
editing this copy changes nothing except your own understanding.
"""

import jax, jax.numpy as jnp
import numpy as np

N = 10000
E = 320000
DF = 128
H = 128
LAT = 32
HD = 256
NMAX = 50
DC = 128
NG = 200
ADJ_HALF = NMAX * (NMAX - 1) // 2


def _lin(key, i, o):
    return 0.02 * jax.random.normal(key, (i, o), jnp.float32)


def setup_inputs(seed: int = 0):
    key = jax.random.key(seed)
    ks = jax.random.split(key, 48)
    x = jax.random.normal(ks[0], (N, DF), jnp.float32)
    edge_index = jax.random.randint(ks[1], (2, E), 0, N, dtype=jnp.int32)
    batch = jnp.sort(jax.random.randint(ks[2], (N,), 0, NG, dtype=jnp.int32))
    cond = jax.random.normal(ks[3], (NG, DC), jnp.float32)
    params = {
        'c0W': _lin(ks[4], DF, H), 'c0b': jnp.zeros((H,), jnp.float32),
        'c0g': jnp.ones((H,), jnp.float32), 'c0be': jnp.zeros((H,), jnp.float32),
        'c0W2': _lin(ks[5], H, H), 'c0b2': jnp.zeros((H,), jnp.float32),
        'c1W': _lin(ks[6], H, H), 'c1b': jnp.zeros((H,), jnp.float32),
        'c1g': jnp.ones((H,), jnp.float32), 'c1be': jnp.zeros((H,), jnp.float32),
        'c1W2': _lin(ks[7], H, H), 'c1b2': jnp.zeros((H,), jnp.float32),
        'ebn_g': jnp.ones((H,), jnp.float32), 'ebn_b': jnp.zeros((H,), jnp.float32),
        'fcW': _lin(ks[8], H, H), 'fcb': jnp.zeros((H,), jnp.float32),
        'muW': _lin(ks[9], H, LAT), 'mub': jnp.zeros((LAT,), jnp.float32),
        'lvW': _lin(ks[10], H, LAT), 'lvb': jnp.zeros((LAT,), jnp.float32),
        'cm0W': _lin(ks[11], DC, DC), 'cm0b': jnp.zeros((DC,), jnp.float32),
        'cm1W': _lin(ks[12], DC, DC), 'cm1b': jnp.zeros((DC,), jnp.float32),
        'd0W': _lin(ks[13], LAT + DC, HD), 'd0b': jnp.zeros((HD,), jnp.float32),
        'd1W': _lin(ks[14], HD + DC, HD), 'd1b': jnp.zeros((HD,), jnp.float32),
        'd2W': _lin(ks[15], HD, 2 * ADJ_HALF), 'd2b': jnp.zeros((2 * ADJ_HALF,), jnp.float32),
        'dbn0_g': jnp.ones((HD,), jnp.float32), 'dbn0_b': jnp.zeros((HD,), jnp.float32),
        'dbn1_g': jnp.ones((HD,), jnp.float32), 'dbn1_b': jnp.zeros((HD,), jnp.float32),
    }
    return {'x': x, 'cond': cond, 'params': params, 'edge_index': edge_index, 'batch': batch}


def _bn_eval(h, g, b):
    # BatchNorm1d in eval mode with running_mean=0, running_var=1
    return h / jnp.sqrt(1.0 + 1e-05) * g + b


def _leaky(h):
    return jnp.where(h > 0, h, 0.2 * h)


def _gin_mlp(h, p, pre):
    h = h @ p[pre + 'W'] + p[pre + 'b']
    h = _leaky(h)
    h = _bn_eval(h, p[pre + 'g'], p[pre + 'be'])
    h = h @ p[pre + 'W2'] + p[pre + 'b2']
    return _leaky(h)


def _forward(x, cond, params, edge_index, batch):
    src = edge_index[0]
    dst = edge_index[1]
    h = x
    for pre in ('c0', 'c1'):
        # GINConv (eps=0): nn((1+eps)*x + sum_{j in N(i)} x_j)
        agg = jax.ops.segment_sum(h[src], dst, num_segments=N)
        h = _gin_mlp(agg + h, params, pre)
    # global_add_pool over graph ids
    g = jax.ops.segment_sum(h, batch, num_segments=NG)
    g = _bn_eval(g, params['ebn_g'], params['ebn_b'])
    g = g @ params['fcW'] + params['fcb']
    mu = g @ params['muW'] + params['mub']
    # eval-mode reparameterize: z = mu (logvar branch has no effect on output)
    z = mu
    c = jax.nn.relu(cond @ params['cm0W'] + params['cm0b']) @ params['cm1W'] + params['cm1b']
    h = jnp.concatenate([z, c], axis=1)
    h = jax.nn.relu(h @ params['d0W'] + params['d0b'])
    h = _bn_eval(h, params['dbn0_g'], params['dbn0_b'])
    h = jnp.concatenate([h, c], axis=1)
    h = jax.nn.relu(h @ params['d1W'] + params['d1b'])
    h = _bn_eval(h, params['dbn1_g'], params['dbn1_b'])
    logits = (h @ params['d2W'] + params['d2b']).reshape(NG, ADJ_HALF, 2)
    # gumbel_softmax(tau=1, hard=True) with fixed key
    gn = jax.random.gumbel(jax.random.key(42), logits.shape, jnp.float32)
    y_soft = jax.nn.softmax(logits + gn, axis=-1)
    y_hard = jax.nn.one_hot(jnp.argmax(y_soft, axis=-1), 2, dtype=y_soft.dtype)
    y = y_soft + jax.lax.stop_gradient(y_hard - y_soft)
    vals = y[:, :, 0]
    iu = jnp.triu_indices(NMAX, k=1)
    adj = jnp.zeros((NG, NMAX, NMAX), jnp.float32).at[:, iu[0], iu[1]].set(vals)
    adj = adj + jnp.transpose(adj, (0, 2, 1))
    return adj


def reference(x, cond, params, edge_index, batch):
    return _forward(x, cond, params, edge_index, batch)

if __name__ == "__main__":
    import jax
    _d = setup_inputs()
    print(jax.jit(kernel)(*tuple(_d.values())))

</pallas_src>

<mosaic_0001>
#map = affine_map<(d0, d1) -> (0, 0)>
#map1 = affine_map<(d0, d1) -> (0, 0, 0)>
module attributes {stable_mosaic.version = 14 : i64} {
  func.func @_sc_scatter_body(%arg0: i32, %arg1: i32, %arg2: memref<10000x128xf32, #tpu.memory_space<hbm>>, %arg3: memref<10000x128xf32, #tpu.memory_space<hbm>>, %arg4: memref<2560x125xi32, #tpu.memory_space<hbm>>, %arg5: memref<2560x125xi32, #tpu.memory_space<hbm>>, %arg6: memref<2x10000x128xf32, #tpu.memory_space<hbm>>, %arg7: memref<16x125xi32, #tpu.memory_space<vmem>>, %arg8: memref<16x125xi32, #tpu.memory_space<vmem>>, %arg9: memref<125x128xf32, #tpu.memory_space<vmem>>, %arg10: memref<125x128xf32, #tpu.memory_space<vmem>>, %arg11: memref<10000x128xf32, #tpu.memory_space<vmem_shared>>, %arg12: memref<!tpu.dma_semaphore, #tpu.memory_space<semaphore_mem>>, %arg13: memref<!tpu.dma_semaphore, #tpu.memory_space<semaphore_mem>>, %arg14: memref<!tpu.dma_semaphore, #tpu.memory_space<semaphore_mem>>, %arg15: memref<!tpu.dma_semaphore, #tpu.memory_space<semaphore_mem>>) attributes {dimension_semantics = [#tpu.dimension_semantics<core_parallel>, #tpu.dimension_semantics<subcore_parallel>], iteration_bounds = array<i64: 2, 16>, scalar_prefetch = 0 : i64, scratch_operands = 9 : i64, tpu.core_type = #tpu.core_type<sc_vector_subcore>, window_params = [{transform_indices = #map}, {transform_indices = #map}, {transform_indices = #map}, {transform_indices = #map}, {transform_indices = #map1}]} {
    %mul3A = arith.constant 16 : i32
    %mul3A_0 = arith.muli %arg0, %mul3A : i32
    %add3A = arith.addi %mul3A_0, %arg1 : i32
    %mul3A_1 = arith.constant 624 : i32
    %mul3A_2 = arith.muli %arg1, %mul3A_1 : i32
    %eq3A = arith.constant 0 : i32
    %eq3A_3 = arith.cmpi eq, %arg0, %eq3A : i32
    %convert_element_type3A = arith.extui %eq3A_3 : i1 to i32
    %cond3A = arith.constant 0 : i32
    %cond3A_4 = arith.cmpi ne, %convert_element_type3A, %cond3A : i32
    scf.if %cond3A_4 {
      "tpu.region"() ({
        %run_scoped3A = tpu.sem_alloc : memref<!tpu.dma_semaphore, #tpu.memory_space<semaphore_mem>>
        %dma_start3A = arith.constant 0 : i32
        %dma_start3A_24 = tpu.memref_slice %arg11[%mul3A_2, %dma_start3A] : memref<10000x128xf32, #tpu.memory_space<vmem_shared>> -> memref<624x128xf32, #tpu.memory_space<vmem_shared>>
        %dma_start3A_25 = arith.constant 0 : i32
        %dma_start3A_26 = tpu.memref_slice %arg2[%mul3A_2, %dma_start3A_25] : memref<10000x128xf32, #tpu.memory_space<hbm>> -> memref<624x128xf32, #tpu.memory_space<hbm>>
        tpu.enqueue_dma source(%dma_start3A_26 : memref<624x128xf32, #tpu.memory_space<hbm>>) target(%dma_start3A_24 : memref<624x128xf32, #tpu.memory_space<vmem_shared>>) target_semaphore(%run_scoped3A : memref<!tpu.dma_semaphore, #tpu.memory_space<semaphore_mem>>)
        %dma_wait3A = arith.constant 0 : i32
        %dma_wait3A_27 = tpu.memref_slice %arg11[%mul3A_2, %dma_wait3A] : memref<10000x128xf32, #tpu.memory_space<vmem_shared>> -> memref<624x128xf32, #tpu.memory_space<vmem_shared>>
        %dma_wait3A_28 = arith.constant 0 : i32
        %dma_wait3A_29 = tpu.memref_slice %arg2[%mul3A_2, %dma_wait3A_28] : memref<10000x128xf32, #tpu.memory_space<hbm>> -> memref<624x128xf32, #tpu.memory_space<hbm>>
        tpu.wait_dma2 semaphore(%run_scoped3A : memref<!tpu.dma_semaphore, #tpu.memory_space<semaphore_mem>>) src(%dma_wait3A_29 : memref<624x128xf32, #tpu.memory_space<hbm>>) dst(%dma_wait3A_27 : memref<624x128xf32, #tpu.memory_space<vmem_shared>>)
        tpu.yield
      }) : () -> ()
      %eq3A_19 = arith.constant 15 : i32
      %eq3A_20 = arith.cmpi eq, %arg1, %eq3A_19 : i32
      %convert_element_type3A_21 = arith.extui %eq3A_20 : i1 to i32
      %cond3A_22 = arith.constant 0 : i32
      %cond3A_23 = arith.cmpi ne, %convert_element_type3A_21, %cond3A_22 : i32
      scf.if %cond3A_23 {
        "tpu.region"() ({
          %run_scoped3A = tpu.sem_alloc : memref<!tpu.dma_semaphore, #tpu.memory_space<semaphore_mem>>
          %dma_start3A = arith.constant 9984 : i32
          %dma_start3A_24 = arith.constant 0 : i32
          %dma_start3A_25 = tpu.memref_slice %arg11[%dma_start3A, %dma_start3A_24] : memref<10000x128xf32, #tpu.memory_space<vmem_shared>> -> memref<16x128xf32, #tpu.memory_space<vmem_shared>>
          %dma_start3A_26 = arith.constant 9984 : i32
          %dma_start3A_27 = arith.constant 0 : i32
          %dma_start3A_28 = tpu.memref_slice %arg2[%dma_start3A_26, %dma_start3A_27] : memref<10000x128xf32, #tpu.memory_space<hbm>> -> memref<16x128xf32, #tpu.memory_space<hbm>>
          tpu.enqueue_dma source(%dma_start3A_28 : memref<16x128xf32, #tpu.memory_space<hbm>>) target(%dma_start3A_25 : memref<16x128xf32, #tpu.memory_space<vmem_shared>>) target_semaphore(%run_scoped3A : memref<!tpu.dma_semaphore, #tpu.memory_space<semaphore_mem>>)
          %dma_wait3A = arith.constant 9984 : i32
          %dma_wait3A_29 = arith.constant 0 : i32
          %dma_wait3A_30 = tpu.memref_slice %arg11[%dma_wait3A, %dma_wait3A_29] : memref<10000x128xf32, #tpu.memory_space<vmem_shared>> -> memref<16x128xf32, #tpu.memory_space<vmem_shared>>
          %dma_wait3A_31 = arith.constant 9984 : i32
          %dma_wait3A_32 = arith.constant 0 : i32
          %dma_wait3A_33 = tpu.memref_slice %arg2[%dma_wait3A_31, %dma_wait3A_32] : memref<10000x128xf32, #tpu.memory_space<hbm>> -> memref<16x128xf32, #tpu.memory_space<hbm>>
          tpu.wait_dma2 semaphore(%run_scoped3A : memref<!tpu.dma_semaphore, #tpu.memory_space<semaphore_mem>>) src(%dma_wait3A_33 : memref<16x128xf32, #tpu.memory_space<hbm>>) dst(%dma_wait3A_30 : memref<16x128xf32, #tpu.memory_space<vmem_shared>>)
          tpu.yield
        }) : () -> ()
      } else {
      }
    } else {
    }
    %ne3A = arith.constant 0 : i32
    %ne3A_5 = arith.cmpi ne, %arg0, %ne3A : i32
    %convert_element_type3A_6 = arith.extui %ne3A_5 : i1 to i32
    %cond3A_7 = arith.constant 0 : i32
    %cond3A_8 = arith.cmpi ne, %convert_element_type3A_6, %cond3A_7 : i32
    scf.if %cond3A_8 {
      "tpu.region"() ({
        %run_scoped3A = tpu.sem_alloc : memref<!tpu.dma_semaphore, #tpu.memory_space<semaphore_mem>>
        %dma_start3A = arith.constant 0 : i32
        %dma_start3A_24 = tpu.memref_slice %arg11[%mul3A_2, %dma_start3A] : memref<10000x128xf32, #tpu.memory_space<vmem_shared>> -> memref<624x128xf32, #tpu.memory_space<vmem_shared>>
        %dma_start3A_25 = arith.constant 0 : i32
        %dma_start3A_26 = tpu.memref_slice %arg3[%mul3A_2, %dma_start3A_25] : memref<10000x128xf32, #tpu.memory_space<hbm>> -> memref<624x128xf32, #tpu.memory_space<hbm>>
        tpu.enqueue_dma source(%dma_start3A_26 : memref<624x128xf32, #tpu.memory_space<hbm>>) target(%dma_start3A_24 : memref<624x128xf32, #tpu.memory_space<vmem_shared>>) target_semaphore(%run_scoped3A : memref<!tpu.dma_semaphore, #tpu.memory_space<semaphore_mem>>)
        %dma_wait3A = arith.constant 0 : i32
        %dma_wait3A_27 = tpu.memref_slice %arg11[%mul3A_2, %dma_wait3A] : memref<10000x128xf32, #tpu.memory_space<vmem_shared>> -> memref<624x128xf32, #tpu.memory_space<vmem_shared>>
        %dma_wait3A_28 = arith.constant 0 : i32
        %dma_wait3A_29 = tpu.memref_slice %arg3[%mul3A_2, %dma_wait3A_28] : memref<10000x128xf32, #tpu.memory_space<hbm>> -> memref<624x128xf32, #tpu.memory_space<hbm>>
        tpu.wait_dma2 semaphore(%run_scoped3A : memref<!tpu.dma_semaphore, #tpu.memory_space<semaphore_mem>>) src(%dma_wait3A_29 : memref<624x128xf32, #tpu.memory_space<hbm>>) dst(%dma_wait3A_27 : memref<624x128xf32, #tpu.memory_space<vmem_shared>>)
        tpu.yield
      }) : () -> ()
      %eq3A_19 = arith.constant 15 : i32
      %eq3A_20 = arith.cmpi eq, %arg1, %eq3A_19 : i32
      %convert_element_type3A_21 = arith.extui %eq3A_20 : i1 to i32
      %cond3A_22 = arith.constant 0 : i32
      %cond3A_23 = arith.cmpi ne, %convert_element_type3A_21, %cond3A_22 : i32
      scf.if %cond3A_23 {
        "tpu.region"() ({
          %run_scoped3A = tpu.sem_alloc : memref<!tpu.dma_semaphore, #tpu.memory_space<semaphore_mem>>
          %dma_start3A = arith.constant 9984 : i32
          %dma_start3A_24 = arith.constant 0 : i32
          %dma_start3A_25 = tpu.memref_slice %arg11[%dma_start3A, %dma_start3A_24] : memref<10000x128xf32, #tpu.memory_space<vmem_shared>> -> memref<16x128xf32, #tpu.memory_space<vmem_shared>>
          %dma_start3A_26 = arith.constant 9984 : i32
          %dma_start3A_27 = arith.constant 0 : i32
          %dma_start3A_28 = tpu.memref_slice %arg3[%dma_start3A_26, %dma_start3A_27] : memref<10000x128xf32, #tpu.memory_space<hbm>> -> memref<16x128xf32, #tpu.memory_space<hbm>>
          tpu.enqueue_dma source(%dma_start3A_28 : memref<16x128xf32, #tpu.memory_space<hbm>>) target(%dma_start3A_25 : memref<16x128xf32, #tpu.memory_space<vmem_shared>>) target_semaphore(%run_scoped3A : memref<!tpu.dma_semaphore, #tpu.memory_space<semaphore_mem>>)
          %dma_wait3A = arith.constant 9984 : i32
          %dma_wait3A_29 = arith.constant 0 : i32
          %dma_wait3A_30 = tpu.memref_slice %arg11[%dma_wait3A, %dma_wait3A_29] : memref<10000x128xf32, #tpu.memory_space<vmem_shared>> -> memref<16x128xf32, #tpu.memory_space<vmem_shared>>
          %dma_wait3A_31 = arith.constant 9984 : i32
          %dma_wait3A_32 = arith.constant 0 : i32
          %dma_wait3A_33 = tpu.memref_slice %arg3[%dma_wait3A_31, %dma_wait3A_32] : memref<10000x128xf32, #tpu.memory_space<hbm>> -> memref<16x128xf32, #tpu.memory_space<hbm>>
          tpu.wait_dma2 semaphore(%run_scoped3A : memref<!tpu.dma_semaphore, #tpu.memory_space<semaphore_mem>>) src(%dma_wait3A_33 : memref<16x128xf32, #tpu.memory_space<hbm>>) dst(%dma_wait3A_30 : memref<16x128xf32, #tpu.memory_space<vmem_shared>>)
          tpu.yield
        }) : () -> ()
      } else {
      }
    } else {
    }
    %barrier3A = arith.constant 0 : index
    tpu.barrier barrier_id(%barrier3A)
    %scan3A = arith.constant 0 : i32
    %scan3A_9 = arith.constant 5 : i32
    %scan3A_10 = arith.addi %scan3A, %scan3A_9 : i32
    %scan3A_11 = arith.constant 1 : i32
    scf.for %scan3A_19 = %scan3A to %scan3A_10 step %scan3A_11  : i32 {
      %mul3A_20 = arith.constant 1 : i32
      %mul3A_21 = arith.muli %scan3A_19, %mul3A_20 : i32
      %add3A_22 = arith.constant 0 : i32
      %add3A_23 = arith.addi %add3A_22, %mul3A_21 : i32
      %mul3A_24 = arith.constant 80 : i32
      %mul3A_25 = arith.muli %add3A, %mul3A_24 : i32
      %mul3A_26 = arith.constant 16 : i32
      %mul3A_27 = arith.muli %add3A_23, %mul3A_26 : i32
      %add3A_28 = arith.addi %mul3A_25, %mul3A_27 : i32
      "tpu.region"() ({
        %run_scoped3A_266 = tpu.sem_alloc : memref<!tpu.dma_semaphore, #tpu.memory_space<semaphore_mem>>
        %dma_start3A_267 = arith.constant 0 : i32
        %dma_start3A_268 = tpu.memref_slice %arg4[%add3A_28, %dma_start3A_267] : memref<2560x125xi32, #tpu.memory_space<hbm>> -> memref<16x125xi32, #tpu.memory_space<hbm>>
        %dma_start3A_269 = arith.constant 0 : i32
        %dma_start3A_270 = tpu.memref_slice %arg4[%add3A_28, %dma_start3A_269] : memref<2560x125xi32, #tpu.memory_space<hbm>> -> memref<16x125xi32, #tpu.memory_space<hbm>>
        tpu.enqueue_dma source(%dma_start3A_270 : memref<16x125xi32, #tpu.memory_space<hbm>>) target(%arg7 : memref<16x125xi32, #tpu.memory_space<vmem>>) target_semaphore(%run_scoped3A_266 : memref<!tpu.dma_semaphore, #tpu.memory_space<semaphore_mem>>)
        %dma_wait3A_271 = arith.constant 0 : i32
        %dma_wait3A_272 = tpu.memref_slice %arg4[%add3A_28, %dma_wait3A_271] : memref<2560x125xi32, #tpu.memory_space<hbm>> -> memref<16x125xi32, #tpu.memory_space<hbm>>
        %dma_wait3A_273 = arith.constant 0 : i32
        %dma_wait3A_274 = tpu.memref_slice %arg4[%add3A_28, %dma_wait3A_273] : memref<2560x125xi32, #tpu.memory_space<hbm>> -> memref<16x125xi32, #tpu.memory_space<hbm>>
        tpu.wait_dma2 semaphore(%run_scoped3A_266 : memref<!tpu.dma_semaphore, #tpu.memory_space<semaphore_mem>>) src(%dma_wait3A_274 : memref<16x125xi32, #tpu.memory_space<hbm>>) dst(%arg7 : memref<16x125xi32, #tpu.memory_space<vmem>>)
        tpu.yield
      }) : () -> ()
      "tpu.region"() ({
        %run_scoped3A_266 = tpu.sem_alloc : memref<!tpu.dma_semaphore, #tpu.memory_space<semaphore_mem>>
        %dma_start3A_267 = arith.constant 0 : i32
        %dma_start3A_268 = tpu.memref_slice %arg5[%add3A_28, %dma_start3A_267] : memref<2560x125xi32, #tpu.memory_space<hbm>> -> memref<16x125xi32, #tpu.memory_space<hbm>>
        %dma_start3A_269 = arith.constant 0 : i32
        %dma_start3A_270 = tpu.memref_slice %arg5[%add3A_28, %dma_start3A_269] : memref<2560x125xi32, #tpu.memory_space<hbm>> -> memref<16x125xi32, #tpu.memory_space<hbm>>
        tpu.enqueue_dma source(%dma_start3A_270 : memref<16x125xi32, #tpu.memory_space<hbm>>) target(%arg8 : memref<16x125xi32, #tpu.memory_space<vmem>>) target_semaphore(%run_scoped3A_266 : memref<!tpu.dma_semaphore, #tpu.memory_space<semaphore_mem>>)
        %dma_wait3A_271 = arith.constant 0 : i32
        %dma_wait3A_272 = tpu.memref_slice %arg5[%add3A_28, %dma_wait3A_271] : memref<2560x125xi32, #tpu.memory_space<hbm>> -> memref<16x125xi32, #tpu.memory_space<hbm>>
        %dma_wait3A_273 = arith.constant 0 : i32
        %dma_wait3A_274 = tpu.memref_slice %arg5[%add3A_28, %dma_wait3A_273] : memref<2560x125xi32, #tpu.memory_space<hbm>> -> memref<16x125xi32, #tpu.memory_space<hbm>>
        tpu.wait_dma2 semaphore(%run_scoped3A_266 : memref<!tpu.dma_semaphore, #tpu.memory_space<semaphore_mem>>) src(%dma_wait3A_274 : memref<16x125xi32, #tpu.memory_space<hbm>>) dst(%arg8 : memref<16x125xi32, #tpu.memory_space<vmem>>)
        tpu.yield
      }) : () -> ()
      %dma_start3A = arith.constant 0 : i32
      %dma_start3A_29 = arith.constant 0 : i32
      %dma_start3A_30 = tpu.memref_slice %arg7[%dma_start3A, %dma_start3A_29] : memref<16x125xi32, #tpu.memory_space<vmem>> -> memref<1x125xi32, #tpu.memory_space<vmem>>
      %dma_start3A_31 = tpu.memref_squeeze %dma_start3A_30 : memref<1x125xi32, #tpu.memory_space<vmem>> -> memref<125xi32, #tpu.memory_space<vmem>>
      %dma_start3A_32 = arith.constant 0 : i32
      %dma_start3A_33 = arith.constant 0 : i32
      %dma_start3A_34 = tpu.memref_slice %arg2[%dma_start3A_32, %dma_start3A_33] : memref<10000x128xf32, #tpu.memory_space<hbm>> -> memref<10000x128xf32, #tpu.memory_space<hbm>>
      tpu.enqueue_indirect_dma source(%dma_start3A_34 : memref<10000x128xf32, #tpu.memory_space<hbm>>) target(%arg9 : memref<125x128xf32, #tpu.memory_space<vmem>>) offsets(%dma_start3A_31 : memref<125xi32, #tpu.memory_space<vmem>>) semaphore(%arg12 : memref<!tpu.dma_semaphore, #tpu.memory_space<semaphore_mem>>)
      %dma_start3A_35 = arith.constant 1 : i32
      %dma_start3A_36 = arith.constant 0 : i32
      %dma_start3A_37 = tpu.memref_slice %arg7[%dma_start3A_35, %dma_start3A_36] : memref<16x125xi32, #tpu.memory_space<vmem>> -> memref<1x125xi32, #tpu.memory_space<vmem>>
      %dma_start3A_38 = tpu.memref_squeeze %dma_start3A_37 : memref<1x125xi32, #tpu.memory_space<vmem>> -> memref<125xi32, #tpu.memory_space<vmem>>
      %dma_start3A_39 = arith.constant 0 : i32
      %dma_start3A_40 = arith.constant 0 : i32
      %dma_start3A_41 = tpu.memref_slice %arg2[%dma_start3A_39, %dma_start3A_40] : memref<10000x128xf32, #tpu.memory_space<hbm>> -> memref<10000x128xf32, #tpu.memory_space<hbm>>
      tpu.enqueue_indirect_dma source(%dma_start3A_41 : memref<10000x128xf32, #tpu.memory_space<hbm>>) target(%arg10 : memref<125x128xf32, #tpu.memory_space<vmem>>) offsets(%dma_start3A_38 : memref<125xi32, #tpu.memory_space<vmem>>) semaphore(%arg13 : memref<!tpu.dma_semaphore, #tpu.memory_space<semaphore_mem>>)
      %dma_wait3A = arith.constant 0 : i32
      %dma_wait3A_42 = arith.constant 0 : i32
      %dma_wait3A_43 = tpu.memref_slice %arg7[%dma_wait3A, %dma_wait3A_42] : memref<16x125xi32, #tpu.memory_space<vmem>> -> memref<1x125xi32, #tpu.memory_space<vmem>>
      %dma_wait3A_44 = tpu.memref_squeeze %dma_wait3A_43 : memref<1x125xi32, #tpu.memory_space<vmem>> -> memref<125xi32, #tpu.memory_space<vmem>>
      %dma_wait3A_45 = arith.constant 0 : i32
      %dma_wait3A_46 = arith.constant 0 : i32
      %dma_wait3A_47 = tpu.memref_slice %arg2[%dma_wait3A_45, %dma_wait3A_46] : memref<10000x128xf32, #tpu.memory_space<hbm>> -> memref<10000x128xf32, #tpu.memory_space<hbm>>
      tpu.wait_indirect_dma semaphore(%arg12 : memref<!tpu.dma_semaphore, #tpu.memory_space<semaphore_mem>>) src(%dma_wait3A_47 : memref<10000x128xf32, #tpu.memory_space<hbm>>) dst(%arg9 : memref<125x128xf32, #tpu.memory_space<vmem>>)
      %run_scoped3A = arith.constant 0 : i32
      "tpu.region"() ({
        %run_scoped3A_266 = tpu.sem_alloc : memref<!tpu.dma_semaphore, #tpu.memory_space<semaphore_mem>>
        %dma_start3A_267 = arith.constant 0 : i32
        %dma_start3A_268 = tpu.memref_slice %arg8[%run_scoped3A, %dma_start3A_267] : memref<16x125xi32, #tpu.memory_space<vmem>> -> memref<1x125xi32, #tpu.memory_space<vmem>>
        %dma_start3A_269 = tpu.memref_squeeze %dma_start3A_268 : memref<1x125xi32, #tpu.memory_space<vmem>> -> memref<125xi32, #tpu.memory_space<vmem>>
        %dma_start3A_270 = arith.constant 0 : i32
        %dma_start3A_271 = arith.constant 0 : i32
        %dma_start3A_272 = tpu.memref_slice %arg11[%dma_start3A_270, %dma_start3A_271] : memref<10000x128xf32, #tpu.memory_space<vmem_shared>> -> memref<10000x128xf32, #tpu.memory_space<vmem_shared>>
        tpu.enqueue_indirect_dma source(%arg9 : memref<125x128xf32, #tpu.memory_space<vmem>>) target(%dma_start3A_272 : memref<10000x128xf32, #tpu.memory_space<vmem_shared>>) offsets(%dma_start3A_269 : memref<125xi32, #tpu.memory_space<vmem>>) semaphore(%run_scoped3A_266 : memref<!tpu.dma_semaphore, #tpu.memory_space<semaphore_mem>>) {add = true}
        %dma_wait3A_273 = arith.constant 0 : i32
        %dma_wait3A_274 = tpu.memref_slice %arg8[%run_scoped3A, %dma_wait3A_273] : memref<16x125xi32, #tpu.memory_space<vmem>> -> memref<1x125xi32, #tpu.memory_space<vmem>>
        %dma_wait3A_275 = tpu.memref_squeeze %dma_wait3A_274 : memref<1x125xi32, #tpu.memory_space<vmem>> -> memref<125xi32, #tpu.memory_space<vmem>>
        %dma_wait3A_276 = arith.constant 0 : i32
        %dma_wait3A_277 = arith.constant 0 : i32
        %dma_wait3A_278 = tpu.memref_slice %arg11[%dma_wait3A_276, %dma_wait3A_277] : memref<10000x128xf32, #tpu.memory_space<vmem_shared>> -> memref<10000x128xf32, #tpu.memory_space<vmem_shared>>
        tpu.wait_indirect_dma semaphore(%run_scoped3A_266 : memref<!tpu.dma_semaphore, #tpu.memory_space<semaphore_mem>>) src(%arg9 : memref<125x128xf32, #tpu.memory_space<vmem>>) dst(%dma_wait3A_278 : memref<10000x128xf32, #tpu.memory_space<vmem_shared>>)
        tpu.yield
      }) : () -> ()
      %dma_start3A_48 = arith.constant 2 : i32
      %dma_start3A_49 = arith.constant 0 : i32
      %dma_start3A_50 = tpu.memref_slice %arg7[%dma_start3A_48, %dma_start3A_49] : memref<16x125xi32, #tpu.memory_space<vmem>> -> memref<1x125xi32, #tpu.memory_space<vmem>>
      %dma_start3A_51 = tpu.memref_squeeze %dma_start3A_50 : memref<1x125xi32, #tpu.memory_space<vmem>> -> memref<125xi32, #tpu.memory_space<vmem>>
      %dma_start3A_52 = arith.constant 0 : i32
      %dma_start3A_53 = arith.constant 0 : i32
      %dma_start3A_54 = tpu.memref_slice %arg2[%dma_start3A_52, %dma_start3A_53] : memref<10000x128xf32, #tpu.memory_space<hbm>> -> memref<10000x128xf32, #tpu.memory_space<hbm>>
      tpu.enqueue_indirect_dma source(%dma_start3A_54 : memref<10000x128xf32, #tpu.memory_space<hbm>>) target(%arg9 : memref<125x128xf32, #tpu.memory_space<vmem>>) offsets(%dma_start3A_51 : memref<125xi32, #tpu.memory_space<vmem>>) semaphore(%arg12 : memref<!tpu.dma_semaphore, #tpu.memory_space<semaphore_mem>>)
      %dma_wait3A_55 = arith.constant 1 : i32
      %dma_wait3A_56 = arith.constant 0 : i32
      %dma_wait3A_57 = tpu.memref_slice %arg7[%dma_wait3A_55, %dma_wait3A_56] : memref<16x125xi32, #tpu.memory_space<vmem>> -> memref<1x125xi32, #tpu.memory_space<vmem>>
      %dma_wait3A_58 = tpu.memref_squeeze %dma_wait3A_57 : memref<1x125xi32, #tpu.memory_space<vmem>> -> memref<125xi32, #tpu.memory_space<vmem>>
      %dma_wait3A_59 = arith.constant 0 : i32
      %dma_wait3A_60 = arith.constant 0 : i32
      %dma_wait3A_61 = tpu.memref_slice %arg2[%dma_wait3A_59, %dma_wait3A_60] : memref<10000x128xf32, #tpu.memory_space<hbm>> -> memref<10000x128xf32, #tpu.memory_space<hbm>>
      tpu.wait_indirect_dma semaphore(%arg13 : memref<!tpu.dma_semaphore, #tpu.memory_space<semaphore_mem>>) src(%dma_wait3A_61 : memref<10000x128xf32, #tpu.memory_space<hbm>>) dst(%arg10 : memref<125x128xf32, #tpu.memory_space<vmem>>)
      %run_scoped3A_62 = arith.constant 1 : i32
      "tpu.region"() ({
        %run_scoped3A_266 = tpu.sem_alloc : memref<!tpu.dma_semaphore, #tpu.memory_space<semaphore_mem>>
        %dma_start3A_267 = arith.constant 0 : i32
        %dma_start3A_268 = tpu.memref_slice %arg8[%run_scoped3A_62, %dma_start3A_267] : memref<16x125xi32, #tpu.memory_space<vmem>> -> memref<1x125xi32, #tpu.memory_space<vmem>>
        %dma_start3A_269 = tpu.memref_squeeze %dma_start3A_268 : memref<1x125xi32, #tpu.memory_space<vmem>> -> memref<125xi32, #tpu.memory_space<vmem>>
        %dma_start3A_270 = arith.constant 0 : i32
        %dma_start3A_271 = arith.constant 0 : i32
        %dma_start3A_272 = tpu.memref_slice %arg11[%dma_start3A_270, %dma_start3A_271] : memref<10000x128xf32, #tpu.memory_space<vmem_shared>> -> memref<10000x128xf32, #tpu.memory_space<vmem_shared>>
        tpu.enqueue_indirect_dma source(%arg10 : memref<125x128xf32, #tpu.memory_space<vmem>>) target(%dma_start3A_272 : memref<10000x128xf32, #tpu.memory_space<vmem_shared>>) offsets(%dma_start3A_269 : memref<125xi32, #tpu.memory_space<vmem>>) semaphore(%run_scoped3A_266 : memref<!tpu.dma_semaphore, #tpu.memory_space<semaphore_mem>>) {add = true}
        %dma_wait3A_273 = arith.constant 0 : i32
        %dma_wait3A_274 = tpu.memref_slice %arg8[%run_scoped3A_62, %dma_wait3A_273] : memref<16x125xi32, #tpu.memory_space<vmem>> -> memref<1x125xi32, #tpu.memory_space<vmem>>
        %dma_wait3A_275 = tpu.memref_squeeze %dma_wait3A_274 : memref<1x125xi32, #tpu.memory_space<vmem>> -> memref<125xi32, #tpu.memory_space<vmem>>
        %dma_wait3A_276 = arith.constant 0 : i32
        %dma_wait3A_277 = arith.constant 0 : i32
        %dma_wait3A_278 = tpu.memref_slice %arg11[%dma_wait3A_276, %dma_wait3A_277] : memref<10000x128xf32, #tpu.memory_space<vmem_shared>> -> memref<10000x128xf32, #tpu.memory_space<vmem_shared>>
        tpu.wait_indirect_dma semaphore(%run_scoped3A_266 : memref<!tpu.dma_semaphore, #tpu.memory_space<semaphore_mem>>) src(%arg10 : memref<125x128xf32, #tpu.memory_space<vmem>>) dst(%dma_wait3A_278 : memref<10000x128xf32, #tpu.memory_space<vmem_shared>>)
        tpu.yield
      }) : () -> ()
      %dma_start3A_63 = arith.constant 3 : i32
      %dma_start3A_64 = arith.constant 0 : i32
      %dma_start3A_65 = tpu.memref_slice %arg7[%dma_start3A_63, %dma_start3A_64] : memref<16x125xi32, #tpu.memory_space<vmem>> -> memref<1x125xi32, #tpu.memory_space<vmem>>
      %dma_start3A_66 = tpu.memref_squeeze %dma_start3A_65 : memref<1x125xi32, #tpu.memory_space<vmem>> -> memref<125xi32, #tpu.memory_space<vmem>>
      %dma_start3A_67 = arith.constant 0 : i32
      %dma_start3A_68 = arith.constant 0 : i32
      %dma_start3A_69 = tpu.memref_slice %arg2[%dma_start3A_67, %dma_start3A_68] : memref<10000x128xf32, #tpu.memory_space<hbm>> -> memref<10000x128xf32, #tpu.memory_space<hbm>>
      tpu.enqueue_indirect_dma source(%dma_start3A_69 : memref<10000x128xf32, #tpu.memory_space<hbm>>) target(%arg10 : memref<125x128xf32, #tpu.memory_space<vmem>>) offsets(%dma_start3A_66 : memref<125xi32, #tpu.memory_space<vmem>>) semaphore(%arg13 : memref<!tpu.dma_semaphore, #tpu.memory_space<semaphore_mem>>)
      %dma_wait3A_70 = arith.constant 2 : i32
      %dma_wait3A_71 = arith.constant 0 : i32
      %dma_wait3A_72 = tpu.memref_slice %arg7[%dma_wait3A_70, %dma_wait3A_71] : memref<16x125xi32, #tpu.memory_space<vmem>> -> memref<1x125xi32, #tpu.memory_space<vmem>>
      %dma_wait3A_73 = tpu.memref_squeeze %dma_wait3A_72 : memref<1x125xi32, #tpu.memory_space<vmem>> -> memref<125xi32, #tpu.memory_space<vmem>>
      %dma_wait3A_74 = arith.constant 0 : i32
      %dma_wait3A_75 = arith.constant 0 : i32
      %dma_wait3A_76 = tpu.memref_slice %arg2[%dma_wait3A_74, %dma_wait3A_75] : memref<10000x128xf32, #tpu.memory_space<hbm>> -> memref<10000x128xf32, #tpu.memory_space<hbm>>
      tpu.wait_indirect_dma semaphore(%arg12 : memref<!tpu.dma_semaphore, #tpu.memory_space<semaphore_mem>>) src(%dma_wait3A_76 : memref<10000x128xf32, #tpu.memory_space<hbm>>) dst(%arg9 : memref<125x128xf32, #tpu.memory_space<vmem>>)
      %run_scoped3A_77 = arith.constant 2 : i32
      "tpu.region"() ({
        %run_scoped3A_266 = tpu.sem_alloc : memref<!tpu.dma_semaphore, #tpu.memory_space<semaphore_mem>>
        %dma_start3A_267 = arith.constant 0 : i32
        %dma_start3A_268 = tpu.memref_slice %arg8[%run_scoped3A_77, %dma_start3A_267] : memref<16x125xi32, #tpu.memory_space<vmem>> -> memref<1x125xi32, #tpu.memory_space<vmem>>
        %dma_start3A_269 = tpu.memref_squeeze %dma_start3A_268 : memref<1x125xi32, #tpu.memory_space<vmem>> -> memref<125xi32, #tpu.memory_space<vmem>>
        %dma_start3A_270 = arith.constant 0 : i32
        %dma_start3A_271 = arith.constant 0 : i32
        %dma_start3A_272 = tpu.memref_slice %arg11[%dma_start3A_270, %dma_start3A_271] : memref<10000x128xf32, #tpu.memory_space<vmem_shared>> -> memref<10000x128xf32, #tpu.memory_space<vmem_shared>>
        tpu.enqueue_indirect_dma source(%arg9 : memref<125x128xf32, #tpu.memory_space<vmem>>) target(%dma_start3A_272 : memref<10000x128xf32, #tpu.memory_space<vmem_shared>>) offsets(%dma_start3A_269 : memref<125xi32, #tpu.memory_space<vmem>>) semaphore(%run_scoped3A_266 : memref<!tpu.dma_semaphore, #tpu.memory_space<semaphore_mem>>) {add = true}
        %dma_wait3A_273 = arith.constant 0 : i32
        %dma_wait3A_274 = tpu.memref_slice %arg8[%run_scoped3A_77, %dma_wait3A_273] : memref<16x125xi32, #tpu.memory_space<vmem>> -> memref<1x125xi32, #tpu.memory_space<vmem>>
        %dma_wait3A_275 = tpu.memref_squeeze %dma_wait3A_274 : memref<1x125xi32, #tpu.memory_space<vmem>> -> memref<125xi32, #tpu.memory_space<vmem>>
        %dma_wait3A_276 = arith.constant 0 : i32
        %dma_wait3A_277 = arith.constant 0 : i32
        %dma_wait3A_278 = tpu.memref_slice %arg11[%dma_wait3A_276, %dma_wait3A_277] : memref<10000x128xf32, #tpu.memory_space<vmem_shared>> -> memref<10000x128xf32, #tpu.memory_space<vmem_shared>>
        tpu.wait_indirect_dma semaphore(%run_scoped3A_266 : memref<!tpu.dma_semaphore, #tpu.memory_space<semaphore_mem>>) src(%arg9 : memref<125x128xf32, #tpu.memory_space<vmem>>) dst(%dma_wait3A_278 : memref<10000x128xf32, #tpu.memory_space<vmem_shared>>)
        tpu.yield
      }) : () -> ()
      %dma_start3A_78 = arith.constant 4 : i32
      %dma_start3A_79 = arith.constant 0 : i32
      %dma_start3A_80 = tpu.memref_slice %arg7[%dma_start3A_78, %dma_start3A_79] : memref<16x125xi32, #tpu.memory_space<vmem>> -> memref<1x125xi32, #tpu.memory_space<vmem>>
      %dma_start3A_81 = tpu.memref_squeeze %dma_start3A_80 : memref<1x125xi32, #tpu.memory_space<vmem>> -> memref<125xi32, #tpu.memory_space<vmem>>
      %dma_start3A_82 = arith.constant 0 : i32
      %dma_start3A_83 = arith.constant 0 : i32
      %dma_start3A_84 = tpu.memref_slice %arg2[%dma_start3A_82, %dma_start3A_83] : memref<10000x128xf32, #tpu.memory_space<hbm>> -> memref<10000x128xf32, #tpu.memory_space<hbm>>
      tpu.enqueue_indirect_dma source(%dma_start3A_84 : memref<10000x128xf32, #tpu.memory_space<hbm>>) target(%arg9 : memref<125x128xf32, #tpu.memory_space<vmem>>) offsets(%dma_start3A_81 : memref<125xi32, #tpu.memory_space<vmem>>) semaphore(%arg12 : memref<!tpu.dma_semaphore, #tpu.memory_space<semaphore_mem>>)
      %dma_wait3A_85 = arith.constant 3 : i32
      %dma_wait3A_86 = arith.constant 0 : i32
      %dma_wait3A_87 = tpu.memref_slice %arg7[%dma_wait3A_85, %dma_wait3A_86] : memref<16x125xi32, #tpu.memory_space<vmem>> -> memref<1x125xi32, #tpu.memory_space<vmem>>
      %dma_wait3A_88 = tpu.memref_squeeze %dma_wait3A_87 : memref<1x125xi32, #tpu.memory_space<vmem>> -> memref<125xi32, #tpu.memory_space<vmem>>
      %dma_wait3A_89 = arith.constant 0 : i32
      %dma_wait3A_90 = arith.constant 0 : i32
      %dma_wait3A_91 = tpu.memref_slice %arg2[%dma_wait3A_89, %dma_wait3A_90] : memref<10000x128xf32, #tpu.memory_space<hbm>> -> memref<10000x128xf32, #tpu.memory_space<hbm>>
      tpu.wait_indirect_dma semaphore(%arg13 : memref<!tpu.dma_semaphore, #tpu.memory_space<semaphore_mem>>) src(%dma_wait3A_91 : memref<10000x128xf32, #tpu.memory_space<hbm>>) dst(%arg10 : memref<125x128xf32, #tpu.memory_space<vmem>>)
      %run_scoped3A_92 = arith.constant 3 : i32
      "tpu.region"() ({
        %run_scoped3A_266 = tpu.sem_alloc : memref<!tpu.dma_semaphore, #tpu.memory_space<semaphore_mem>>
        %dma_start3A_267 = arith.constant 0 : i32
        %dma_start3A_268 = tpu.memref_slice %arg8[%run_scoped3A_92, %dma_start3A_267] : memref<16x125xi32, #tpu.memory_space<vmem>> -> memref<1x125xi32, #tpu.memory_space<vmem>>
        %dma_start3A_269 = tpu.memref_squeeze %dma_start3A_268 : memref<1x125xi32, #tpu.memory_space<vmem>> -> memref<125xi32, #tpu.memory_space<vmem>>
        %dma_start3A_270 = arith.constant 0 : i32
        %dma_start3A_271 = arith.constant 0 : i32
        %dma_start3A_272 = tpu.memref_slice %arg11[%dma_start3A_270, %dma_start3A_271] : memref<10000x128xf32, #tpu.memory_space<vmem_shared>> -> memref<10000x128xf32, #tpu.memory_space<vmem_shared>>
        tpu.enqueue_indirect_dma source(%arg10 : memref<125x128xf32, #tpu.memory_space<vmem>>) target(%dma_start3A_272 : memref<10000x128xf32, #tpu.memory_space<vmem_shared>>) offsets(%dma_start3A_269 : memref<125xi32, #tpu.memory_space<vmem>>) semaphore(%run_scoped3A_266 : memref<!tpu.dma_semaphore, #tpu.memory_space<semaphore_mem>>) {add = true}
        %dma_wait3A_273 = arith.constant 0 : i32
        %dma_wait3A_274 = tpu.memref_slice %arg8[%run_scoped3A_92, %dma_wait3A_273] : memref<16x125xi32, #tpu.memory_space<vmem>> -> memref<1x125xi32, #tpu.memory_space<vmem>>
        %dma_wait3A_275 = tpu.memref_squeeze %dma_wait3A_274 : memref<1x125xi32, #tpu.memory_space<vmem>> -> memref<125xi32, #tpu.memory_space<vmem>>
        %dma_wait3A_276 = arith.constant 0 : i32
        %dma_wait3A_277 = arith.constant 0 : i32
        %dma_wait3A_278 = tpu.memref_slice %arg11[%dma_wait3A_276, %dma_wait3A_277] : memref<10000x128xf32, #tpu.memory_space<vmem_shared>> -> memref<10000x128xf32, #tpu.memory_space<vmem_shared>>
        tpu.wait_indirect_dma semaphore(%run_scoped3A_266 : memref<!tpu.dma_semaphore, #tpu.memory_space<semaphore_mem>>) src(%arg10 : memref<125x128xf32, #tpu.memory_space<vmem>>) dst(%dma_wait3A_278 : memref<10000x128xf32, #tpu.memory_space<vmem_shared>>)
        tpu.yield
      }) : () -> ()
      %dma_start3A_93 = arith.constant 5 : i32
      %dma_start3A_94 = arith.constant 0 : i32
      %dma_start3A_95 = tpu.memref_slice %arg7[%dma_start3A_93, %dma_start3A_94] : memref<16x125xi32, #tpu.memory_space<vmem>> -> memref<1x125xi32, #tpu.memory_space<vmem>>
      %dma_start3A_96 = tpu.memref_squeeze %dma_start3A_95 : memref<1x125xi32, #tpu.memory_space<vmem>> -> memref<125xi32, #tpu.memory_space<vmem>>
      %dma_start3A_97 = arith.constant 0 : i32
      %dma_start3A_98 = arith.constant 0 : i32
      %dma_start3A_99 = tpu.memref_slice %arg2[%dma_start3A_97, %dma_start3A_98] : memref<10000x128xf32, #tpu.memory_space<hbm>> -> memref<10000x128xf32, #tpu.memory_space<hbm>>
      tpu.enqueue_indirect_dma source(%dma_start3A_99 : memref<10000x128xf32, #tpu.memory_space<hbm>>) target(%arg10 : memref<125x128xf32, #tpu.memory_space<vmem>>) offsets(%dma_start3A_96 : memref<125xi32, #tpu.memory_space<vmem>>) semaphore(%arg13 : memref<!tpu.dma_semaphore, #tpu.memory_space<semaphore_mem>>)
      %dma_wait3A_100 = arith.constant 4 : i32
      %dma_wait3A_101 = arith.constant 0 : i32
      %dma_wait3A_102 = tpu.memref_slice %arg7[%dma_wait3A_100, %dma_wait3A_101] : memref<16x125xi32, #tpu.memory_space<vmem>> -> memref<1x125xi32, #tpu.memory_space<vmem>>
      %dma_wait3A_103 = tpu.memref_squeeze %dma_wait3A_102 : memref<1x125xi32, #tpu.memory_space<vmem>> -> memref<125xi32, #tpu.memory_space<vmem>>
      %dma_wait3A_104 = arith.constant 0 : i32
      %dma_wait3A_105 = arith.constant 0 : i32
      %dma_wait3A_106 = tpu.memref_slice %arg2[%dma_wait3A_104, %dma_wait3A_105] : memref<10000x128xf32, #tpu.memory_space<hbm>> -> memref<10000x128xf32, #tpu.memory_space<hbm>>
      tpu.wait_indirect_dma semaphore(%arg12 : memref<!tpu.dma_semaphore, #tpu.memory_space<semaphore_mem>>) src(%dma_wait3A_106 : memref<10000x128xf32, #tpu.memory_space<hbm>>) dst(%arg9 : memref<125x128xf32, #tpu.memory_space<vmem>>)
      %run_scoped3A_107 = arith.constant 4 : i32
      "tpu.region"() ({
        %run_scoped3A_266 = tpu.sem_alloc : memref<!tpu.dma_semaphore, #tpu.memory_space<semaphore_mem>>
        %dma_start3A_267 = arith.constant 0 : i32
        %dma_start3A_268 = tpu.memref_slice %arg8[%run_scoped3A_107, %dma_start3A_267] : memref<16x125xi32, #tpu.memory_space<vmem>> -> memref<1x125xi32, #tpu.memory_space<vmem>>
        %dma_start3A_269 = tpu.memref_squeeze %dma_start3A_268 : memref<1x125xi32, #tpu.memory_space<vmem>> -> memref<125xi32, #tpu.memory_space<vmem>>
        %dma_start3A_270 = arith.constant 0 : i32
        %dma_start3A_271 = arith.constant 0 : i32
        %dma_start3A_272 = tpu.memref_slice %arg11[%dma_start3A_270, %dma_start3A_271] : memref<10000x128xf32, #tpu.memory_space<vmem_shared>> -> memref<10000x128xf32, #tpu.memory_space<vmem_shared>>
        tpu.enqueue_indirect_dma source(%arg9 : memref<125x128xf32, #tpu.memory_space<vmem>>) target(%dma_start3A_272 : memref<10000x128xf32, #tpu.memory_space<vmem_shared>>) offsets(%dma_start3A_269 : memref<125xi32, #tpu.memory_space<vmem>>) semaphore(%run_scoped3A_266 : memref<!tpu.dma_semaphore, #tpu.memory_space<semaphore_mem>>) {add = true}
        %dma_wait3A_273 = arith.constant 0 : i32
        %dma_wait3A_274 = tpu.memref_slice %arg8[%run_scoped3A_107, %dma_wait3A_273] : memref<16x125xi32, #tpu.memory_space<vmem>> -> memref<1x125xi32, #tpu.memory_space<vmem>>
        %dma_wait3A_275 = tpu.memref_squeeze %dma_wait3A_274 : memref<1x125xi32, #tpu.memory_space<vmem>> -> memref<125xi32, #tpu.memory_space<vmem>>
        %dma_wait3A_276 = arith.constant 0 : i32
        %dma_wait3A_277 = arith.constant 0 : i32
        %dma_wait3A_278 = tpu.memref_slice %arg11[%dma_wait3A_276, %dma_wait3A_277] : memref<10000x128xf32, #tpu.memory_space<vmem_shared>> -> memref<10000x128xf32, #tpu.memory_space<vmem_shared>>
        tpu.wait_indirect_dma semaphore(%run_scoped3A_266 : memref<!tpu.dma_semaphore, #tpu.memory_space<semaphore_mem>>) src(%arg9 : memref<125x128xf32, #tpu.memory_space<vmem>>) dst(%dma_wait3A_278 : memref<10000x128xf32, #tpu.memory_space<vmem_shared>>)
        tpu.yield
      }) : () -> ()
      %dma_start3A_108 = arith.constant 6 : i32
      %dma_start3A_109 = arith.constant 0 : i32
      %dma_start3A_110 = tpu.memref_slice %arg7[%dma_start3A_108, %dma_start3A_109] : memref<16x125xi32, #tpu.memory_space<vmem>> -> memref<1x125xi32, #tpu.memory_space<vmem>>
      %dma_start3A_111 = tpu.memref_squeeze %dma_start3A_110 : memref<1x125xi32, #tpu.memory_space<vmem>> -> memref<125xi32, #tpu.memory_space<vmem>>
      %dma_start3A_112 = arith.constant 0 : i32
      %dma_start3A_113 = arith.constant 0 : i32
      %dma_start3A_114 = tpu.memref_slice %arg2[%dma_start3A_112, %dma_start3A_113] : memref<10000x128xf32, #tpu.memory_space<hbm>> -> memref<10000x128xf32, #tpu.memory_space<hbm>>
      tpu.enqueue_indirect_dma source(%dma_start3A_114 : memref<10000x128xf32, #tpu.memory_space<hbm>>) target(%arg9 : memref<125x128xf32, #tpu.memory_space<vmem>>) offsets(%dma_start3A_111 : memref<125xi32, #tpu.memory_space<vmem>>) semaphore(%arg12 : memref<!tpu.dma_semaphore, #tpu.memory_space<semaphore_mem>>)
      %dma_wait3A_115 = arith.constant 5 : i32
      %dma_wait3A_116 = arith.constant 0 : i32
      %dma_wait3A_117 = tpu.memref_slice %arg7[%dma_wait3A_115, %dma_wait3A_116] : memref<16x125xi32, #tpu.memory_space<vmem>> -> memref<1x125xi32, #tpu.memory_space<vmem>>
      %dma_wait3A_118 = tpu.memref_squeeze %dma_wait3A_117 : memref<1x125xi32, #tpu.memory_space<vmem>> -> memref<125xi32, #tpu.memory_space<vmem>>
      %dma_wait3A_119 = arith.constant 0 : i32
      %dma_wait3A_120 = arith.constant 0 : i32
      %dma_wait3A_121 = tpu.memref_slice %arg2[%dma_wait3A_119, %dma_wait3A_120] : memref<10000x128xf32, #tpu.memory_space<hbm>> -> memref<10000x128xf32, #tpu.memory_space<hbm>>
      tpu.wait_indirect_dma semaphore(%arg13 : memref<!tpu.dma_semaphore, #tpu.memory_space<semaphore_mem>>) src(%dma_wait3A_121 : memref<10000x128xf32, #tpu.memory_space<hbm>>) dst(%arg10 : memref<125x128xf32, #tpu.memory_space<vmem>>)
      %run_scoped3A_122 = arith.constant 5 : i32
      "tpu.region"() ({
        %run_scoped3A_266 = tpu.sem_alloc : memref<!tpu.dma_semaphore, #tpu.memory_space<semaphore_mem>>
        %dma_start3A_267 = arith.constant 0 : i32
        %dma_start3A_268 = tpu.memref_slice %arg8[%run_scoped3A_122, %dma_start3A_267] : memref<16x125xi32, #tpu.memory_space<vmem>> -> memref<1x125xi32, #tpu.memory_space<vmem>>
        %dma_start3A_269 = tpu.memref_squeeze %dma_start3A_268 : memref<1x125xi32, #tpu.memory_space<vmem>> -> memref<125xi32, #tpu.memory_space<vmem>>
        %dma_start3A_270 = arith.constant 0 : i32
        %dma_start3A_271 = arith.constant 0 : i32
        %dma_start3A_272 = tpu.memref_slice %arg11[%dma_start3A_270, %dma_start3A_271] : memref<10000x128xf32, #tpu.memory_space<vmem_shared>> -> memref<10000x128xf32, #tpu.memory_space<vmem_shared>>
        tpu.enqueue_indirect_dma source(%arg10 : memref<125x128xf32, #tpu.memory_space<vmem>>) target(%dma_start3A_272 : memref<10000x128xf32, #tpu.memory_space<vmem_shared>>) offsets(%dma_start3A_269 : memref<125xi32, #tpu.memory_space<vmem>>) semaphore(%run_scoped3A_266 : memref<!tpu.dma_semaphore, #tpu.memory_space<semaphore_mem>>) {add = true}
        %dma_wait3A_273 = arith.constant 0 : i32
        %dma_wait3A_274 = tpu.memref_slice %arg8[%run_scoped3A_122, %dma_wait3A_273] : memref<16x125xi32, #tpu.memory_space<vmem>> -> memref<1x125xi32, #tpu.memory_space<vmem>>
        %dma_wait3A_275 = tpu.memref_squeeze %dma_wait3A_274 : memref<1x125xi32, #tpu.memory_space<vmem>> -> memref<125xi32, #tpu.memory_space<vmem>>
        %dma_wait3A_276 = arith.constant 0 : i32
        %dma_wait3A_277 = arith.constant 0 : i32
        %dma_wait3A_278 = tpu.memref_slice %arg11[%dma_wait3A_276, %dma_wait3A_277] : memref<10000x128xf32, #tpu.memory_space<vmem_shared>> -> memref<10000x128xf32, #tpu.memory_space<vmem_shared>>
        tpu.wait_indirect_dma semaphore(%run_scoped3A_266 : memref<!tpu.dma_semaphore, #tpu.memory_space<semaphore_mem>>) src(%arg10 : memref<125x128xf32, #tpu.memory_space<vmem>>) dst(%dma_wait3A_278 : memref<10000x128xf32, #tpu.memory_space<vmem_shared>>)
        tpu.yield
      }) : () -> ()
      %dma_start3A_123 = arith.constant 7 : i32
      %dma_start3A_124 = arith.constant 0 : i32
      %dma_start3A_125 = tpu.memref_slice %arg7[%dma_start3A_123, %dma_start3A_124] : memref<16x125xi32, #tpu.memory_space<vmem>> -> memref<1x125xi32, #tpu.memory_space<vmem>>
      %dma_start3A_126 = tpu.memref_squeeze %dma_start3A_125 : memref<1x125xi32, #tpu.memory_space<vmem>> -> memref<125xi32, #tpu.memory_space<vmem>>
      %dma_start3A_127 = arith.constant 0 : i32
      %dma_start3A_128 = arith.constant 0 : i32
      %dma_start3A_129 = tpu.memref_slice %arg2[%dma_start3A_127, %dma_start3A_128] : memref<10000x128xf32, #tpu.memory_space<hbm>> -> memref<10000x128xf32, #tpu.memory_space<hbm>>
      tpu.enqueue_indirect_dma source(%dma_start3A_129 : memref<10000x128xf32, #tpu.memory_space<hbm>>) target(%arg10 : memref<125x128xf32, #tpu.memory_space<vmem>>) offsets(%dma_start3A_126 : memref<125xi32, #tpu.memory_space<vmem>>) semaphore(%arg13 : memref<!tpu.dma_semaphore, #tpu.memory_space<semaphore_mem>>)
      %dma_wait3A_130 = arith.constant 6 : i32
      %dma_wait3A_131 = arith.constant 0 : i32
      %dma_wait3A_132 = tpu.memref_slice %arg7[%dma_wait3A_130, %dma_wait3A_131] : memref<16x125xi32, #tpu.memory_space<vmem>> -> memref<1x125xi32, #tpu.memory_space<vmem>>
      %dma_wait3A_133 = tpu.memref_squeeze %dma_wait3A_132 : memref<1x125xi32, #tpu.memory_space<vmem>> -> memref<125xi32, #tpu.memory_space<vmem>>
      %dma_wait3A_134 = arith.constant 0 : i32
      %dma_wait3A_135 = arith.constant 0 : i32
      %dma_wait3A_136 = tpu.memref_slice %arg2[%dma_wait3A_134, %dma_wait3A_135] : memref<10000x128xf32, #tpu.memory_space<hbm>> -> memref<10000x128xf32, #tpu.memory_space<hbm>>
      tpu.wait_indirect_dma semaphore(%arg12 : memref<!tpu.dma_semaphore, #tpu.memory_space<semaphore_mem>>) src(%dma_wait3A_136 : memref<10000x128xf32, #tpu.memory_space<hbm>>) dst(%arg9 : memref<125x128xf32, #tpu.memory_space<vmem>>)
      %run_scoped3A_137 = arith.constant 6 : i32
      "tpu.region"() ({
        %run_scoped3A_266 = tpu.sem_alloc : memref<!tpu.dma_semaphore, #tpu.memory_space<semaphore_mem>>
        %dma_start3A_267 = arith.constant 0 : i32
        %dma_start3A_268 = tpu.memref_slice %arg8[%run_scoped3A_137, %dma_start3A_267] : memref<16x125xi32, #tpu.memory_space<vmem>> -> memref<1x125xi32, #tpu.memory_space<vmem>>
        %dma_start3A_269 = tpu.memref_squeeze %dma_start3A_268 : memref<1x125xi32, #tpu.memory_space<vmem>> -> memref<125xi32, #tpu.memory_space<vmem>>
        %dma_start3A_270 = arith.constant 0 : i32
        %dma_start3A_271 = arith.constant 0 : i32
        %dma_start3A_272 = tpu.memref_slice %arg11[%dma_start3A_270, %dma_start3A_271] : memref<10000x128xf32, #tpu.memory_space<vmem_shared>> -> memref<10000x128xf32, #tpu.memory_space<vmem_shared>>
        tpu.enqueue_indirect_dma source(%arg9 : memref<125x128xf32, #tpu.memory_space<vmem>>) target(%dma_start3A_272 : memref<10000x128xf32, #tpu.memory_space<vmem_shared>>) offsets(%dma_start3A_269 : memref<125xi32, #tpu.memory_space<vmem>>) semaphore(%run_scoped3A_266 : memref<!tpu.dma_semaphore, #tpu.memory_space<semaphore_mem>>) {add = true}
        %dma_wait3A_273 = arith.constant 0 : i32
        %dma_wait3A_274 = tpu.memref_slice %arg8[%run_scoped3A_137, %dma_wait3A_273] : memref<16x125xi32, #tpu.memory_space<vmem>> -> memref<1x125xi32, #tpu.memory_space<vmem>>
        %dma_wait3A_275 = tpu.memref_squeeze %dma_wait3A_274 : memref<1x125xi32, #tpu.memory_space<vmem>> -> memref<125xi32, #tpu.memory_space<vmem>>
        %dma_wait3A_276 = arith.constant 0 : i32
        %dma_wait3A_277 = arith.constant 0 : i32
        %dma_wait3A_278 = tpu.memref_slice %arg11[%dma_wait3A_276, %dma_wait3A_277] : memref<10000x128xf32, #tpu.memory_space<vmem_shared>> -> memref<10000x128xf32, #tpu.memory_space<vmem_shared>>
        tpu.wait_indirect_dma semaphore(%run_scoped3A_266 : memref<!tpu.dma_semaphore, #tpu.memory_space<semaphore_mem>>) src(%arg9 : memref<125x128xf32, #tpu.memory_space<vmem>>) dst(%dma_wait3A_278 : memref<10000x128xf32, #tpu.memory_space<vmem_shared>>)
        tpu.yield
      }) : () -> ()
      %dma_start3A_138 = arith.constant 8 : i32
      %dma_start3A_139 = arith.constant 0 : i32
      %dma_start3A_140 = tpu.memref_slice %arg7[%dma_start3A_138, %dma_start3A_139] : memref<16x125xi32, #tpu.memory_space<vmem>> -> memref<1x125xi32, #tpu.memory_space<vmem>>
      %dma_start3A_141 = tpu.memref_squeeze %dma_start3A_140 : memref<1x125xi32, #tpu.memory_space<vmem>> -> memref<125xi32, #tpu.memory_space<vmem>>
      %dma_start3A_142 = arith.constant 0 : i32
      %dma_start3A_143 = arith.constant 0 : i32
      %dma_start3A_144 = tpu.memref_slice %arg2[%dma_start3A_142, %dma_start3A_143] : memref<10000x128xf32, #tpu.memory_space<hbm>> -> memref<10000x128xf32, #tpu.memory_space<hbm>>
      tpu.enqueue_indirect_dma source(%dma_start3A_144 : memref<10000x128xf32, #tpu.memory_space<hbm>>) target(%arg9 : memref<125x128xf32, #tpu.memory_space<vmem>>) offsets(%dma_start3A_141 : memref<125xi32, #tpu.memory_space<vmem>>) semaphore(%arg12 : memref<!tpu.dma_semaphore, #tpu.memory_space<semaphore_mem>>)
      %dma_wait3A_145 = arith.constant 7 : i32
      %dma_wait3A_146 = arith.constant 0 : i32
      %dma_wait3A_147 = tpu.memref_slice %arg7[%dma_wait3A_145, %dma_wait3A_146] : memref<16x125xi32, #tpu.memory_space<vmem>> -> memref<1x125xi32, #tpu.memory_space<vmem>>
      %dma_wait3A_148 = tpu.memref_squeeze %dma_wait3A_147 : memref<1x125xi32, #tpu.memory_space<vmem>> -> memref<125xi32, #tpu.memory_space<vmem>>
      %dma_wait3A_149 = arith.constant 0 : i32
      %dma_wait3A_150 = arith.constant 0 : i32
      %dma_wait3A_151 = tpu.memref_slice %arg2[%dma_wait3A_149, %dma_wait3A_150] : memref<10000x128xf32, #tpu.memory_space<hbm>> -> memref<10000x128xf32, #tpu.memory_space<hbm>>
      tpu.wait_indirect_dma semaphore(%arg13 : memref<!tpu.dma_semaphore, #tpu.memory_space<semaphore_mem>>) src(%dma_wait3A_151 : memref<10000x128xf32, #tpu.memory_space<hbm>>) dst(%arg10 : memref<125x128xf32, #tpu.memory_space<vmem>>)
      %run_scoped3A_152 = arith.constant 7 : i32
      "tpu.region"() ({
        %run_scoped3A_266 = tpu.sem_alloc : memref<!tpu.dma_semaphore, #tpu.memory_space<semaphore_mem>>
        %dma_start3A_267 = arith.constant 0 : i32
        %dma_start3A_268 = tpu.memref_slice %arg8[%run_scoped3A_152, %dma_start3A_267] : memref<16x125xi32, #tpu.memory_space<vmem>> -> memref<1x125xi32, #tpu.memory_space<vmem>>
        %dma_start3A_269 = tpu.memref_squeeze %dma_start3A_268 : memref<1x125xi32, #tpu.memory_space<vmem>> -> memref<125xi32, #tpu.memory_space<vmem>>
        %dma_start3A_270 = arith.constant 0 : i32
        %dma_start3A_271 = arith.constant 0 : i32
        %dma_start3A_272 = tpu.memref_slice %arg11[%dma_start3A_270, %dma_start3A_271] : memref<10000x128xf32, #tpu.memory_space<vmem_shared>> -> memref<10000x128xf32, #tpu.memory_space<vmem_shared>>
        tpu.enqueue_indirect_dma source(%arg10 : memref<125x128xf32, #tpu.memory_space<vmem>>) target(%dma_start3A_272 : memref<10000x128xf32, #tpu.memory_space<vmem_shared>>) offsets(%dma_start3A_269 : memref<125xi32, #tpu.memory_space<vmem>>) semaphore(%run_scoped3A_266 : memref<!tpu.dma_semaphore, #tpu.memory_space<semaphore_mem>>) {add = true}
        %dma_wait3A_273 = arith.constant 0 : i32
        %dma_wait3A_274 = tpu.memref_slice %arg8[%run_scoped3A_152, %dma_wait3A_273] : memref<16x125xi32, #tpu.memory_space<vmem>> -> memref<1x125xi32, #tpu.memory_space<vmem>>
        %dma_wait3A_275 = tpu.memref_squeeze %dma_wait3A_274 : memref<1x125xi32, #tpu.memory_space<vmem>> -> memref<125xi32, #tpu.memory_space<vmem>>
        %dma_wait3A_276 = arith.constant 0 : i32
        %dma_wait3A_277 = arith.constant 0 : i32
        %dma_wait3A_278 = tpu.memref_slice %arg11[%dma_wait3A_276, %dma_wait3A_277] : memref<10000x128xf32, #tpu.memory_space<vmem_shared>> -> memref<10000x128xf32, #tpu.memory_space<vmem_shared>>
        tpu.wait_indirect_dma semaphore(%run_scoped3A_266 : memref<!tpu.dma_semaphore, #tpu.memory_space<semaphore_mem>>) src(%arg10 : memref<125x128xf32, #tpu.memory_space<vmem>>) dst(%dma_wait3A_278 : memref<10000x128xf32, #tpu.memory_space<vmem_shared>>)
        tpu.yield
      }) : () -> ()
      %dma_start3A_153 = arith.constant 9 : i32
      %dma_start3A_154 = arith.constant 0 : i32
      %dma_start3A_155 = tpu.memref_slice %arg7[%dma_start3A_153, %dma_start3A_154] : memref<16x125xi32, #tpu.memory_space<vmem>> -> memref<1x125xi32, #tpu.memory_space<vmem>>
      %dma_start3A_156 = tpu.memref_squeeze %dma_start3A_155 : memref<1x125xi32, #tpu.memory_space<vmem>> -> memref<125xi32, #tpu.memory_space<vmem>>
      %dma_start3A_157 = arith.constant 0 : i32
      %dma_start3A_158 = arith.constant 0 : i32
      %dma_start3A_159 = tpu.memref_slice %arg2[%dma_start3A_157, %dma_start3A_158] : memref<10000x128xf32, #tpu.memory_space<hbm>> -> memref<10000x128xf32, #tpu.memory_space<hbm>>
      tpu.enqueue_indirect_dma source(%dma_start3A_159 : memref<10000x128xf32, #tpu.memory_space<hbm>>) target(%arg10 : memref<125x128xf32, #tpu.memory_space<vmem>>) offsets(%dma_start3A_156 : memref<125xi32, #tpu.memory_space<vmem>>) semaphore(%arg13 : memref<!tpu.dma_semaphore, #tpu.memory_space<semaphore_mem>>)
      %dma_wait3A_160 = arith.constant 8 : i32
      %dma_wait3A_161 = arith.constant 0 : i32
      %dma_wait3A_162 = tpu.memref_slice %arg7[%dma_wait3A_160, %dma_wait3A_161] : memref<16x125xi32, #tpu.memory_space<vmem>> -> memref<1x125xi32, #tpu.memory_space<vmem>>
      %dma_wait3A_163 = tpu.memref_squeeze %dma_wait3A_162 : memref<1x125xi32, #tpu.memory_space<vmem>> -> memref<125xi32, #tpu.memory_space<vmem>>
      %dma_wait3A_164 = arith.constant 0 : i32
      %dma_wait3A_165 = arith.constant 0 : i32
      %dma_wait3A_166 = tpu.memref_slice %arg2[%dma_wait3A_164, %dma_wait3A_165] : memref<10000x128xf32, #tpu.memory_space<hbm>> -> memref<10000x128xf32, #tpu.memory_space<hbm>>
      tpu.wait_indirect_dma semaphore(%arg12 : memref<!tpu.dma_semaphore, #tpu.memory_space<semaphore_mem>>) src(%dma_wait3A_166 : memref<10000x128xf32, #tpu.memory_space<hbm>>) dst(%arg9 : memref<125x128xf32, #tpu.memory_space<vmem>>)
      %run_scoped3A_167 = arith.constant 8 : i32
      "tpu.region"() ({
        %run_scoped3A_266 = tpu.sem_alloc : memref<!tpu.dma_semaphore, #tpu.memory_space<semaphore_mem>>
        %dma_start3A_267 = arith.constant 0 : i32
        %dma_start3A_268 = tpu.memref_slice %arg8[%run_scoped3A_167, %dma_start3A_267] : memref<16x125xi32, #tpu.memory_space<vmem>> -> memref<1x125xi32, #tpu.memory_space<vmem>>
        %dma_start3A_269 = tpu.memref_squeeze %dma_start3A_268 : memref<1x125xi32, #tpu.memory_space<vmem>> -> memref<125xi32, #tpu.memory_space<vmem>>
        %dma_start3A_270 = arith.constant 0 : i32
        %dma_start3A_271 = arith.constant 0 : i32
        %dma_start3A_272 = tpu.memref_slice %arg11[%dma_start3A_270, %dma_start3A_271] : memref<10000x128xf32, #tpu.memory_space<vmem_shared>> -> memref<10000x128xf32, #tpu.memory_space<vmem_shared>>
        tpu.enqueue_indirect_dma source(%arg9 : memref<125x128xf32, #tpu.memory_space<vmem>>) target(%dma_start3A_272 : memref<10000x128xf32, #tpu.memory_space<vmem_shared>>) offsets(%dma_start3A_269 : memref<125xi32, #tpu.memory_space<vmem>>) semaphore(%run_scoped3A_266 : memref<!tpu.dma_semaphore, #tpu.memory_space<semaphore_mem>>) {add = true}
        %dma_wait3A_273 = arith.constant 0 : i32
        %dma_wait3A_274 = tpu.memref_slice %arg8[%run_scoped3A_167, %dma_wait3A_273] : memref<16x125xi32, #tpu.memory_space<vmem>> -> memref<1x125xi32, #tpu.memory_space<vmem>>
        %dma_wait3A_275 = tpu.memref_squeeze %dma_wait3A_274 : memref<1x125xi32, #tpu.memory_space<vmem>> -> memref<125xi32, #tpu.memory_space<vmem>>
        %dma_wait3A_276 = arith.constant 0 : i32
        %dma_wait3A_277 = arith.constant 0 : i32
        %dma_wait3A_278 = tpu.memref_slice %arg11[%dma_wait3A_276, %dma_wait3A_277] : memref<10000x128xf32, #tpu.memory_space<vmem_shared>> -> memref<10000x128xf32, #tpu.memory_space<vmem_shared>>
        tpu.wait_indirect_dma semaphore(%run_scoped3A_266 : memref<!tpu.dma_semaphore, #tpu.memory_space<semaphore_mem>>) src(%arg9 : memref<125x128xf32, #tpu.memory_space<vmem>>) dst(%dma_wait3A_278 : memref<10000x128xf32, #tpu.memory_space<vmem_shared>>)
        tpu.yield
      }) : () -> ()
      %dma_start3A_168 = arith.constant 10 : i32
      %dma_start3A_169 = arith.constant 0 : i32
      %dma_start3A_170 = tpu.memref_slice %arg7[%dma_start3A_168, %dma_start3A_169] : memref<16x125xi32, #tpu.memory_space<vmem>> -> memref<1x125xi32, #tpu.memory_space<vmem>>
      %dma_start3A_171 = tpu.memref_squeeze %dma_start3A_170 : memref<1x125xi32, #tpu.memory_space<vmem>> -> memref<125xi32, #tpu.memory_space<vmem>>
      %dma_start3A_172 = arith.constant 0 : i32
      %dma_start3A_173 = arith.constant 0 : i32
      %dma_start3A_174 = tpu.memref_slice %arg2[%dma_start3A_172, %dma_start3A_173] : memref<10000x128xf32, #tpu.memory_space<hbm>> -> memref<10000x128xf32, #tpu.memory_space<hbm>>
      tpu.enqueue_indirect_dma source(%dma_start3A_174 : memref<10000x128xf32, #tpu.memory_space<hbm>>) target(%arg9 : memref<125x128xf32, #tpu.memory_space<vmem>>) offsets(%dma_start3A_171 : memref<125xi32, #tpu.memory_space<vmem>>) semaphore(%arg12 : memref<!tpu.dma_semaphore, #tpu.memory_space<semaphore_mem>>)
      %dma_wait3A_175 = arith.constant 9 : i32
      %dma_wait3A_176 = arith.constant 0 : i32
      %dma_wait3A_177 = tpu.memref_slice %arg7[%dma_wait3A_175, %dma_wait3A_176] : memref<16x125xi32, #tpu.memory_space<vmem>> -> memref<1x125xi32, #tpu.memory_space<vmem>>
      %dma_wait3A_178 = tpu.memref_squeeze %dma_wait3A_177 : memref<1x125xi32, #tpu.memory_space<vmem>> -> memref<125xi32, #tpu.memory_space<vmem>>
      %dma_wait3A_179 = arith.constant 0 : i32
      %dma_wait3A_180 = arith.constant 0 : i32
      %dma_wait3A_181 = tpu.memref_slice %arg2[%dma_wait3A_179, %dma_wait3A_180] : memref<10000x128xf32, #tpu.memory_space<hbm>> -> memref<10000x128xf32, #tpu.memory_space<hbm>>
      tpu.wait_indirect_dma semaphore(%arg13 : memref<!tpu.dma_semaphore, #tpu.memory_space<semaphore_mem>>) src(%dma_wait3A_181 : memref<10000x128xf32, #tpu.memory_space<hbm>>) dst(%arg10 : memref<125x128xf32, #tpu.memory_space<vmem>>)
      %run_scoped3A_182 = arith.constant 9 : i32
      "tpu.region"() ({
        %run_scoped3A_266 = tpu.sem_alloc : memref<!tpu.dma_semaphore, #tpu.memory_space<semaphore_mem>>
        %dma_start3A_267 = arith.constant 0 : i32
        %dma_start3A_268 = tpu.memref_slice %arg8[%run_scoped3A_182, %dma_start3A_267] : memref<16x125xi32, #tpu.memory_space<vmem>> -> memref<1x125xi32, #tpu.memory_space<vmem>>
        %dma_start3A_269 = tpu.memref_squeeze %dma_start3A_268 : memref<1x125xi32, #tpu.memory_space<vmem>> -> memref<125xi32, #tpu.memory_space<vmem>>
        %dma_start3A_270 = arith.constant 0 : i32
        %dma_start3A_271 = arith.constant 0 : i32
        %dma_start3A_272 = tpu.memref_slice %arg11[%dma_start3A_270, %dma_start3A_271] : memref<10000x128xf32, #tpu.memory_space<vmem_shared>> -> memref<10000x128xf32, #tpu.memory_space<vmem_shared>>
        tpu.enqueue_indirect_dma source(%arg10 : memref<125x128xf32, #tpu.memory_space<vmem>>) target(%dma_start3A_272 : memref<10000x128xf32, #tpu.memory_space<vmem_shared>>) offsets(%dma_start3A_269 : memref<125xi32, #tpu.memory_space<vmem>>) semaphore(%run_scoped3A_266 : memref<!tpu.dma_semaphore, #tpu.memory_space<semaphore_mem>>) {add = true}
        %dma_wait3A_273 = arith.constant 0 : i32
        %dma_wait3A_274 = tpu.memref_slice %arg8[%run_scoped3A_182, %dma_wait3A_273] : memref<16x125xi32, #tpu.memory_space<vmem>> -> memref<1x125xi32, #tpu.memory_space<vmem>>
        %dma_wait3A_275 = tpu.memref_squeeze %dma_wait3A_274 : memref<1x125xi32, #tpu.memory_space<vmem>> -> memref<125xi32, #tpu.memory_space<vmem>>
        %dma_wait3A_276 = arith.constant 0 : i32
        %dma_wait3A_277 = arith.constant 0 : i32
        %dma_wait3A_278 = tpu.memref_slice %arg11[%dma_wait3A_276, %dma_wait3A_277] : memref<10000x128xf32, #tpu.memory_space<vmem_shared>> -> memref<10000x128xf32, #tpu.memory_space<vmem_shared>>
        tpu.wait_indirect_dma semaphore(%run_scoped3A_266 : memref<!tpu.dma_semaphore, #tpu.memory_space<semaphore_mem>>) src(%arg10 : memref<125x128xf32, #tpu.memory_space<vmem>>) dst(%dma_wait3A_278 : memref<10000x128xf32, #tpu.memory_space<vmem_shared>>)
        tpu.yield
      }) : () -> ()
      %dma_start3A_183 = arith.constant 11 : i32
      %dma_start3A_184 = arith.constant 0 : i32
      %dma_start3A_185 = tpu.memref_slice %arg7[%dma_start3A_183, %dma_start3A_184] : memref<16x125xi32, #tpu.memory_space<vmem>> -> memref<1x125xi32, #tpu.memory_space<vmem>>
      %dma_start3A_186 = tpu.memref_squeeze %dma_start3A_185 : memref<1x125xi32, #tpu.memory_space<vmem>> -> memref<125xi32, #tpu.memory_space<vmem>>
      %dma_start3A_187 = arith.constant 0 : i32
      %dma_start3A_188 = arith.constant 0 : i32
      %dma_start3A_189 = tpu.memref_slice %arg2[%dma_start3A_187, %dma_start3A_188] : memref<10000x128xf32, #tpu.memory_space<hbm>> -> memref<10000x128xf32, #tpu.memory_space<hbm>>
      tpu.enqueue_indirect_dma source(%dma_start3A_189 : memref<10000x128xf32, #tpu.memory_space<hbm>>) target(%arg10 : memref<125x128xf32, #tpu.memory_space<vmem>>) offsets(%dma_start3A_186 : memref<125xi32, #tpu.memory_space<vmem>>) semaphore(%arg13 : memref<!tpu.dma_semaphore, #tpu.memory_space<semaphore_mem>>)
      %dma_wait3A_190 = arith.constant 10 : i32
      %dma_wait3A_191 = arith.constant 0 : i32
      %dma_wait3A_192 = tpu.memref_slice %arg7[%dma_wait3A_190, %dma_wait3A_191] : memref<16x125xi32, #tpu.memory_space<vmem>> -> memref<1x125xi32, #tpu.memory_space<vmem>>
      %dma_wait3A_193 = tpu.memref_squeeze %dma_wait3A_192 : memref<1x125xi32, #tpu.memory_space<vmem>> -> memref<125xi32, #tpu.memory_space<vmem>>
      %dma_wait3A_194 = arith.constant 0 : i32
      %dma_wait3A_195 = arith.constant 0 : i32
      %dma_wait3A_196 = tpu.memref_slice %arg2[%dma_wait3A_194, %dma_wait3A_195] : memref<10000x128xf32, #tpu.memory_space<hbm>> -> memref<10000x128xf32, #tpu.memory_space<hbm>>
      tpu.wait_indirect_dma semaphore(%arg12 : memref<!tpu.dma_semaphore, #tpu.memory_space<semaphore_mem>>) src(%dma_wait3A_196 : memref<10000x128xf32, #tpu.memory_space<hbm>>) dst(%arg9 : memref<125x128xf32, #tpu.memory_space<vmem>>)
      %run_scoped3A_197 = arith.constant 10 : i32
      "tpu.region"() ({
        %run_scoped3A_266 = tpu.sem_alloc : memref<!tpu.dma_semaphore, #tpu.memory_space<semaphore_mem>>
        %dma_start3A_267 = arith.constant 0 : i32
        %dma_start3A_268 = tpu.memref_slice %arg8[%run_scoped3A_197, %dma_start3A_267] : memref<16x125xi32, #tpu.memory_space<vmem>> -> memref<1x125xi32, #tpu.memory_space<vmem>>
        %dma_start3A_269 = tpu.memref_squeeze %dma_start3A_268 : memref<1x125xi32, #tpu.memory_space<vmem>> -> memref<125xi32, #tpu.memory_space<vmem>>
        %dma_start3A_270 = arith.constant 0 : i32
        %dma_start3A_271 = arith.constant 0 : i32
        %dma_start3A_272 = tpu.memref_slice %arg11[%dma_start3A_270, %dma_start3A_271] : memref<10000x128xf32, #tpu.memory_space<vmem_shared>> -> memref<10000x128xf32, #tpu.memory_space<vmem_shared>>
        tpu.enqueue_indirect_dma source(%arg9 : memref<125x128xf32, #tpu.memory_space<vmem>>) target(%dma_start3A_272 : memref<10000x128xf32, #tpu.memory_space<vmem_shared>>) offsets(%dma_start3A_269 : memref<125xi32, #tpu.memory_space<vmem>>) semaphore(%run_scoped3A_266 : memref<!tpu.dma_semaphore, #tpu.memory_space<semaphore_mem>>) {add = true}
        %dma_wait3A_273 = arith.constant 0 : i32
        %dma_wait3A_274 = tpu.memref_slice %arg8[%run_scoped3A_197, %dma_wait3A_273] : memref<16x125xi32, #tpu.memory_space<vmem>> -> memref<1x125xi32, #tpu.memory_space<vmem>>
        %dma_wait3A_275 = tpu.memref_squeeze %dma_wait3A_274 : memref<1x125xi32, #tpu.memory_space<vmem>> -> memref<125xi32, #tpu.memory_space<vmem>>
        %dma_wait3A_276 = arith.constant 0 : i32
        %dma_wait3A_277 = arith.constant 0 : i32
        %dma_wait3A_278 = tpu.memref_slice %arg11[%dma_wait3A_276, %dma_wait3A_277] : memref<10000x128xf32, #tpu.memory_space<vmem_shared>> -> memref<10000x128xf32, #tpu.memory_space<vmem_shared>>
        tpu.wait_indirect_dma semaphore(%run_scoped3A_266 : memref<!tpu.dma_semaphore, #tpu.memory_space<semaphore_mem>>) src(%arg9 : memref<125x128xf32, #tpu.memory_space<vmem>>) dst(%dma_wait3A_278 : memref<10000x128xf32, #tpu.memory_space<vmem_shared>>)
        tpu.yield
      }) : () -> ()
      %dma_start3A_198 = arith.constant 12 : i32
      %dma_start3A_199 = arith.constant 0 : i32
      %dma_start3A_200 = tpu.memref_slice %arg7[%dma_start3A_198, %dma_start3A_199] : memref<16x125xi32, #tpu.memory_space<vmem>> -> memref<1x125xi32, #tpu.memory_space<vmem>>
      %dma_start3A_201 = tpu.memref_squeeze %dma_start3A_200 : memref<1x125xi32, #tpu.memory_space<vmem>> -> memref<125xi32, #tpu.memory_space<vmem>>
      %dma_start3A_202 = arith.constant 0 : i32
      %dma_start3A_203 = arith.constant 0 : i32
      %dma_start3A_204 = tpu.memref_slice %arg2[%dma_start3A_202, %dma_start3A_203] : memref<10000x128xf32, #tpu.memory_space<hbm>> -> memref<10000x128xf32, #tpu.memory_space<hbm>>
      tpu.enqueue_indirect_dma source(%dma_start3A_204 : memref<10000x128xf32, #tpu.memory_space<hbm>>) target(%arg9 : memref<125x128xf32, #tpu.memory_space<vmem>>) offsets(%dma_start3A_201 : memref<125xi32, #tpu.memory_space<vmem>>) semaphore(%arg12 : memref<!tpu.dma_semaphore, #tpu.memory_space<semaphore_mem>>)
      %dma_wait3A_205 = arith.constant 11 : i32
      %dma_wait3A_206 = arith.constant 0 : i32
      %dma_wait3A_207 = tpu.memref_slice %arg7[%dma_wait3A_205, %dma_wait3A_206] : memref<16x125xi32, #tpu.memory_space<vmem>> -> memref<1x125xi32, #tpu.memory_space<vmem>>
      %dma_wait3A_208 = tpu.memref_squeeze %dma_wait3A_207 : memref<1x125xi32, #tpu.memory_space<vmem>> -> memref<125xi32, #tpu.memory_space<vmem>>
      %dma_wait3A_209 = arith.constant 0 : i32
      %dma_wait3A_210 = arith.constant 0 : i32
      %dma_wait3A_211 = tpu.memref_slice %arg2[%dma_wait3A_209, %dma_wait3A_210] : memref<10000x128xf32, #tpu.memory_space<hbm>> -> memref<10000x128xf32, #tpu.memory_space<hbm>>
      tpu.wait_indirect_dma semaphore(%arg13 : memref<!tpu.dma_semaphore, #tpu.memory_space<semaphore_mem>>) src(%dma_wait3A_211 : memref<10000x128xf32, #tpu.memory_space<hbm>>) dst(%arg10 : memref<125x128xf32, #tpu.memory_space<vmem>>)
      %run_scoped3A_212 = arith.constant 11 : i32
      "tpu.region"() ({
        %run_scoped3A_266 = tpu.sem_alloc : memref<!tpu.dma_semaphore, #tpu.memory_space<semaphore_mem>>
        %dma_start3A_267 = arith.constant 0 : i32
        %dma_start3A_268 = tpu.memref_slice %arg8[%run_scoped3A_212, %dma_start3A_267] : memref<16x125xi32, #tpu.memory_space<vmem>> -> memref<1x125xi32, #tpu.memory_space<vmem>>
        %dma_start3A_269 = tpu.memref_squeeze %dma_start3A_268 : memref<1x125xi32, #tpu.memory_space<vmem>> -> memref<125xi32, #tpu.memory_space<vmem>>
        %dma_start3A_270 = arith.constant 0 : i32
        %dma_start3A_271 = arith.constant 0 : i32
        %dma_start3A_272 = tpu.memref_slice %arg11[%dma_start3A_270, %dma_start3A_271] : memref<10000x128xf32, #tpu.memory_space<vmem_shared>> -> memref<10000x128xf32, #tpu.memory_space<vmem_shared>>
        tpu.enqueue_indirect_dma source(%arg10 : memref<125x128xf32, #tpu.memory_space<vmem>>) target(%dma_start3A_272 : memref<10000x128xf32, #tpu.memory_space<vmem_shared>>) offsets(%dma_start3A_269 : memref<125xi32, #tpu.memory_space<vmem>>) semaphore(%run_scoped3A_266 : memref<!tpu.dma_semaphore, #tpu.memory_space<semaphore_mem>>) {add = true}
        %dma_wait3A_273 = arith.constant 0 : i32
        %dma_wait3A_274 = tpu.memref_slice %arg8[%run_scoped3A_212, %dma_wait3A_273] : memref<16x125xi32, #tpu.memory_space<vmem>> -> memref<1x125xi32, #tpu.memory_space<vmem>>
        %dma_wait3A_275 = tpu.memref_squeeze %dma_wait3A_274 : memref<1x125xi32, #tpu.memory_space<vmem>> -> memref<125xi32, #tpu.memory_space<vmem>>
        %dma_wait3A_276 = arith.constant 0 : i32
        %dma_wait3A_277 = arith.constant 0 : i32
        %dma_wait3A_278 = tpu.memref_slice %arg11[%dma_wait3A_276, %dma_wait3A_277] : memref<10000x128xf32, #tpu.memory_space<vmem_shared>> -> memref<10000x128xf32, #tpu.memory_space<vmem_shared>>
        tpu.wait_indirect_dma semaphore(%run_scoped3A_266 : memref<!tpu.dma_semaphore, #tpu.memory_space<semaphore_mem>>) src(%arg10 : memref<125x128xf32, #tpu.memory_space<vmem>>) dst(%dma_wait3A_278 : memref<10000x128xf32, #tpu.memory_space<vmem_shared>>)
        tpu.yield
      }) : () -> ()
      %dma_start3A_213 = arith.constant 13 : i32
      %dma_start3A_214 = arith.constant 0 : i32
      %dma_start3A_215 = tpu.memref_slice %arg7[%dma_start3A_213, %dma_start3A_214] : memref<16x125xi32, #tpu.memory_space<vmem>> -> memref<1x125xi32, #tpu.memory_space<vmem>>
      %dma_start3A_216 = tpu.memref_squeeze %dma_start3A_215 : memref<1x125xi32, #tpu.memory_space<vmem>> -> memref<125xi32, #tpu.memory_space<vmem>>
      %dma_start3A_217 = arith.constant 0 : i32
      %dma_start3A_218 = arith.constant 0 : i32
      %dma_start3A_219 = tpu.memref_slice %arg2[%dma_start3A_217, %dma_start3A_218] : memref<10000x128xf32, #tpu.memory_space<hbm>> -> memref<10000x128xf32, #tpu.memory_space<hbm>>
      tpu.enqueue_indirect_dma source(%dma_start3A_219 : memref<10000x128xf32, #tpu.memory_space<hbm>>) target(%arg10 : memref<125x128xf32, #tpu.memory_space<vmem>>) offsets(%dma_start3A_216 : memref<125xi32, #tpu.memory_space<vmem>>) semaphore(%arg13 : memref<!tpu.dma_semaphore, #tpu.memory_space<semaphore_mem>>)
      %dma_wait3A_220 = arith.constant 12 : i32
      %dma_wait3A_221 = arith.constant 0 : i32
      %dma_wait3A_222 = tpu.memref_slice %arg7[%dma_wait3A_220, %dma_wait3A_221] : memref<16x125xi32, #tpu.memory_space<vmem>> -> memref<1x125xi32, #tpu.memory_space<vmem>>
      %dma_wait3A_223 = tpu.memref_squeeze %dma_wait3A_222 : memref<1x125xi32, #tpu.memory_space<vmem>> -> memref<125xi32, #tpu.memory_space<vmem>>
      %dma_wait3A_224 = arith.constant 0 : i32
      %dma_wait3A_225 = arith.constant 0 : i32
      %dma_wait3A_226 = tpu.memref_slice %arg2[%dma_wait3A_224, %dma_wait3A_225] : memref<10000x128xf32, #tpu.memory_space<hbm>> -> memref<10000x128xf32, #tpu.memory_space<hbm>>
      tpu.wait_indirect_dma semaphore(%arg12 : memref<!tpu.dma_semaphore, #tpu.memory_space<semaphore_mem>>) src(%dma_wait3A_226 : memref<10000x128xf32, #tpu.memory_space<hbm>>) dst(%arg9 : memref<125x128xf32, #tpu.memory_space<vmem>>)
      %run_scoped3A_227 = arith.constant 12 : i32
      "tpu.region"() ({
        %run_scoped3A_266 = tpu.sem_alloc : memref<!tpu.dma_semaphore, #tpu.memory_space<semaphore_mem>>
        %dma_start3A_267 = arith.constant 0 : i32
        %dma_start3A_268 = tpu.memref_slice %arg8[%run_scoped3A_227, %dma_start3A_267] : memref<16x125xi32, #tpu.memory_space<vmem>> -> memref<1x125xi32, #tpu.memory_space<vmem>>
        %dma_start3A_269 = tpu.memref_squeeze %dma_start3A_268 : memref<1x125xi32, #tpu.memory_space<vmem>> -> memref<125xi32, #tpu.memory_space<vmem>>
        %dma_start3A_270 = arith.constant 0 : i32
        %dma_start3A_271 = arith.constant 0 : i32
        %dma_start3A_272 = tpu.memref_slice %arg11[%dma_start3A_270, %dma_start3A_271] : memref<10000x128xf32, #tpu.memory_space<vmem_shared>> -> memref<10000x128xf32, #tpu.memory_space<vmem_shared>>
        tpu.enqueue_indirect_dma source(%arg9 : memref<125x128xf32, #tpu.memory_space<vmem>>) target(%dma_start3A_272 : memref<10000x128xf32, #tpu.memory_space<vmem_shared>>) offsets(%dma_start3A_269 : memref<125xi32, #tpu.memory_space<vmem>>) semaphore(%run_scoped3A_266 : memref<!tpu.dma_semaphore, #tpu.memory_space<semaphore_mem>>) {add = true}
        %dma_wait3A_273 = arith.constant 0 : i32
        %dma_wait3A_274 = tpu.memref_slice %arg8[%run_scoped3A_227, %dma_wait3A_273] : memref<16x125xi32, #tpu.memory_space<vmem>> -> memref<1x125xi32, #tpu.memory_space<vmem>>
        %dma_wait3A_275 = tpu.memref_squeeze %dma_wait3A_274 : memref<1x125xi32, #tpu.memory_space<vmem>> -> memref<125xi32, #tpu.memory_space<vmem>>
        %dma_wait3A_276 = arith.constant 0 : i32
        %dma_wait3A_277 = arith.constant 0 : i32
        %dma_wait3A_278 = tpu.memref_slice %arg11[%dma_wait3A_276, %dma_wait3A_277] : memref<10000x128xf32, #tpu.memory_space<vmem_shared>> -> memref<10000x128xf32, #tpu.memory_space<vmem_shared>>
        tpu.wait_indirect_dma semaphore(%run_scoped3A_266 : memref<!tpu.dma_semaphore, #tpu.memory_space<semaphore_mem>>) src(%arg9 : memref<125x128xf32, #tpu.memory_space<vmem>>) dst(%dma_wait3A_278 : memref<10000x128xf32, #tpu.memory_space<vmem_shared>>)
        tpu.yield
      }) : () -> ()
      %dma_start3A_228 = arith.constant 14 : i32
      %dma_start3A_229 = arith.constant 0 : i32
      %dma_start3A_230 = tpu.memref_slice %arg7[%dma_start3A_228, %dma_start3A_229] : memref<16x125xi32, #tpu.memory_space<vmem>> -> memref<1x125xi32, #tpu.memory_space<vmem>>
      %dma_start3A_231 = tpu.memref_squeeze %dma_start3A_230 : memref<1x125xi32, #tpu.memory_space<vmem>> -> memref<125xi32, #tpu.memory_space<vmem>>
      %dma_start3A_232 = arith.constant 0 : i32
      %dma_start3A_233 = arith.constant 0 : i32
      %dma_start3A_234 = tpu.memref_slice %arg2[%dma_start3A_232, %dma_start3A_233] : memref<10000x128xf32, #tpu.memory_space<hbm>> -> memref<10000x128xf32, #tpu.memory_space<hbm>>
      tpu.enqueue_indirect_dma source(%dma_start3A_234 : memref<10000x128xf32, #tpu.memory_space<hbm>>) target(%arg9 : memref<125x128xf32, #tpu.memory_space<vmem>>) offsets(%dma_start3A_231 : memref<125xi32, #tpu.memory_space<vmem>>) semaphore(%arg12 : memref<!tpu.dma_semaphore, #tpu.memory_space<semaphore_mem>>)
      %dma_wait3A_235 = arith.constant 13 : i32
      %dma_wait3A_236 = arith.constant 0 : i32
      %dma_wait3A_237 = tpu.memref_slice %arg7[%dma_wait3A_235, %dma_wait3A_236] : memref<16x125xi32, #tpu.memory_space<vmem>> -> memref<1x125xi32, #tpu.memory_space<vmem>>
      %dma_wait3A_238 = tpu.memref_squeeze %dma_wait3A_237 : memref<1x125xi32, #tpu.memory_space<vmem>> -> memref<125xi32, #tpu.memory_space<vmem>>
      %dma_wait3A_239 = arith.constant 0 : i32
      %dma_wait3A_240 = arith.constant 0 : i32
      %dma_wait3A_241 = tpu.memref_slice %arg2[%dma_wait3A_239, %dma_wait3A_240] : memref<10000x128xf32, #tpu.memory_space<hbm>> -> memref<10000x128xf32, #tpu.memory_space<hbm>>
      tpu.wait_indirect_dma semaphore(%arg13 : memref<!tpu.dma_semaphore, #tpu.memory_space<semaphore_mem>>) src(%dma_wait3A_241 : memref<10000x128xf32, #tpu.memory_space<hbm>>) dst(%arg10 : memref<125x128xf32, #tpu.memory_space<vmem>>)
      %run_scoped3A_242 = arith.constant 13 : i32
      "tpu.region"() ({
        %run_scoped3A_266 = tpu.sem_alloc : memref<!tpu.dma_semaphore, #tpu.memory_space<semaphore_mem>>
        %dma_start3A_267 = arith.constant 0 : i32
        %dma_start3A_268 = tpu.memref_slice %arg8[%run_scoped3A_242, %dma_start3A_267] : memref<16x125xi32, #tpu.memory_space<vmem>> -> memref<1x125xi32, #tpu.memory_space<vmem>>
        %dma_start3A_269 = tpu.memref_squeeze %dma_start3A_268 : memref<1x125xi32, #tpu.memory_space<vmem>> -> memref<125xi32, #tpu.memory_space<vmem>>
        %dma_start3A_270 = arith.constant 0 : i32
        %dma_start3A_271 = arith.constant 0 : i32
        %dma_start3A_272 = tpu.memref_slice %arg11[%dma_start3A_270, %dma_start3A_271] : memref<10000x128xf32, #tpu.memory_space<vmem_shared>> -> memref<10000x128xf32, #tpu.memory_space<vmem_shared>>
        tpu.enqueue_indirect_dma source(%arg10 : memref<125x128xf32, #tpu.memory_space<vmem>>) target(%dma_start3A_272 : memref<10000x128xf32, #tpu.memory_space<vmem_shared>>) offsets(%dma_start3A_269 : memref<125xi32, #tpu.memory_space<vmem>>) semaphore(%run_scoped3A_266 : memref<!tpu.dma_semaphore, #tpu.memory_space<semaphore_mem>>) {add = true}
        %dma_wait3A_273 = arith.constant 0 : i32
        %dma_wait3A_274 = tpu.memref_slice %arg8[%run_scoped3A_242, %dma_wait3A_273] : memref<16x125xi32, #tpu.memory_space<vmem>> -> memref<1x125xi32, #tpu.memory_space<vmem>>
        %dma_wait3A_275 = tpu.memref_squeeze %dma_wait3A_274 : memref<1x125xi32, #tpu.memory_space<vmem>> -> memref<125xi32, #tpu.memory_space<vmem>>
        %dma_wait3A_276 = arith.constant 0 : i32
        %dma_wait3A_277 = arith.constant 0 : i32
        %dma_wait3A_278 = tpu.memref_slice %arg11[%dma_wait3A_276, %dma_wait3A_277] : memref<10000x128xf32, #tpu.memory_space<vmem_shared>> -> memref<10000x128xf32, #tpu.memory_space<vmem_shared>>
        tpu.wait_indirect_dma semaphore(%run_scoped3A_266 : memref<!tpu.dma_semaphore, #tpu.memory_space<semaphore_mem>>) src(%arg10 : memref<125x128xf32, #tpu.memory_space<vmem>>) dst(%dma_wait3A_278 : memref<10000x128xf32, #tpu.memory_space<vmem_shared>>)
        tpu.yield
      }) : () -> ()
      %dma_start3A_243 = arith.constant 15 : i32
      %dma_start3A_244 = arith.constant 0 : i32
      %dma_start3A_245 = tpu.memref_slice %arg7[%dma_start3A_243, %dma_start3A_244] : memref<16x125xi32, #tpu.memory_space<vmem>> -> memref<1x125xi32, #tpu.memory_space<vmem>>
      %dma_start3A_246 = tpu.memref_squeeze %dma_start3A_245 : memref<1x125xi32, #tpu.memory_space<vmem>> -> memref<125xi32, #tpu.memory_space<vmem>>
      %dma_start3A_247 = arith.constant 0 : i32
      %dma_start3A_248 = arith.constant 0 : i32
      %dma_start3A_249 = tpu.memref_slice %arg2[%dma_start3A_247, %dma_start3A_248] : memref<10000x128xf32, #tpu.memory_space<hbm>> -> memref<10000x128xf32, #tpu.memory_space<hbm>>
      tpu.enqueue_indirect_dma source(%dma_start3A_249 : memref<10000x128xf32, #tpu.memory_space<hbm>>) target(%arg10 : memref<125x128xf32, #tpu.memory_space<vmem>>) offsets(%dma_start3A_246 : memref<125xi32, #tpu.memory_space<vmem>>) semaphore(%arg13 : memref<!tpu.dma_semaphore, #tpu.memory_space<semaphore_mem>>)
      %dma_wait3A_250 = arith.constant 14 : i32
      %dma_wait3A_251 = arith.constant 0 : i32
      %dma_wait3A_252 = tpu.memref_slice %arg7[%dma_wait3A_250, %dma_wait3A_251] : memref<16x125xi32, #tpu.memory_space<vmem>> -> memref<1x125xi32, #tpu.memory_space<vmem>>
      %dma_wait3A_253 = tpu.memref_squeeze %dma_wait3A_252 : memref<1x125xi32, #tpu.memory_space<vmem>> -> memref<125xi32, #tpu.memory_space<vmem>>
      %dma_wait3A_254 = arith.constant 0 : i32
      %dma_wait3A_255 = arith.constant 0 : i32
      %dma_wait3A_256 = tpu.memref_slice %arg2[%dma_wait3A_254, %dma_wait3A_255] : memref<10000x128xf32, #tpu.memory_space<hbm>> -> memref<10000x128xf32, #tpu.memory_space<hbm>>
      tpu.wait_indirect_dma semaphore(%arg12 : memref<!tpu.dma_semaphore, #tpu.memory_space<semaphore_mem>>) src(%dma_wait3A_256 : memref<10000x128xf32, #tpu.memory_space<hbm>>) dst(%arg9 : memref<125x128xf32, #tpu.memory_space<vmem>>)
      %run_scoped3A_257 = arith.constant 14 : i32
      "tpu.region"() ({
        %run_scoped3A_266 = tpu.sem_alloc : memref<!tpu.dma_semaphore, #tpu.memory_space<semaphore_mem>>
        %dma_start3A_267 = arith.constant 0 : i32
        %dma_start3A_268 = tpu.memref_slice %arg8[%run_scoped3A_257, %dma_start3A_267] : memref<16x125xi32, #tpu.memory_space<vmem>> -> memref<1x125xi32, #tpu.memory_space<vmem>>
        %dma_start3A_269 = tpu.memref_squeeze %dma_start3A_268 : memref<1x125xi32, #tpu.memory_space<vmem>> -> memref<125xi32, #tpu.memory_space<vmem>>
        %dma_start3A_270 = arith.constant 0 : i32
        %dma_start3A_271 = arith.constant 0 : i32
        %dma_start3A_272 = tpu.memref_slice %arg11[%dma_start3A_270, %dma_start3A_271] : memref<10000x128xf32, #tpu.memory_space<vmem_shared>> -> memref<10000x128xf32, #tpu.memory_space<vmem_shared>>
        tpu.enqueue_indirect_dma source(%arg9 : memref<125x128xf32, #tpu.memory_space<vmem>>) target(%dma_start3A_272 : memref<10000x128xf32, #tpu.memory_space<vmem_shared>>) offsets(%dma_start3A_269 : memref<125xi32, #tpu.memory_space<vmem>>) semaphore(%run_scoped3A_266 : memref<!tpu.dma_semaphore, #tpu.memory_space<semaphore_mem>>) {add = true}
        %dma_wait3A_273 = arith.constant 0 : i32
        %dma_wait3A_274 = tpu.memref_slice %arg8[%run_scoped3A_257, %dma_wait3A_273] : memref<16x125xi32, #tpu.memory_space<vmem>> -> memref<1x125xi32, #tpu.memory_space<vmem>>
        %dma_wait3A_275 = tpu.memref_squeeze %dma_wait3A_274 : memref<1x125xi32, #tpu.memory_space<vmem>> -> memref<125xi32, #tpu.memory_space<vmem>>
        %dma_wait3A_276 = arith.constant 0 : i32
        %dma_wait3A_277 = arith.constant 0 : i32
        %dma_wait3A_278 = tpu.memref_slice %arg11[%dma_wait3A_276, %dma_wait3A_277] : memref<10000x128xf32, #tpu.memory_space<vmem_shared>> -> memref<10000x128xf32, #tpu.memory_space<vmem_shared>>
        tpu.wait_indirect_dma semaphore(%run_scoped3A_266 : memref<!tpu.dma_semaphore, #tpu.memory_space<semaphore_mem>>) src(%arg9 : memref<125x128xf32, #tpu.memory_space<vmem>>) dst(%dma_wait3A_278 : memref<10000x128xf32, #tpu.memory_space<vmem_shared>>)
        tpu.yield
      }) : () -> ()
      %dma_wait3A_258 = arith.constant 15 : i32
      %dma_wait3A_259 = arith.constant 0 : i32
      %dma_wait3A_260 = tpu.memref_slice %arg7[%dma_wait3A_258, %dma_wait3A_259] : memref<16x125xi32, #tpu.memory_space<vmem>> -> memref<1x125xi32, #tpu.memory_space<vmem>>
      %dma_wait3A_261 = tpu.memref_squeeze %dma_wait3A_260 : memref<1x125xi32, #tpu.memory_space<vmem>> -> memref<125xi32, #tpu.memory_space<vmem>>
      %dma_wait3A_262 = arith.constant 0 : i32
      %dma_wait3A_263 = arith.constant 0 : i32
      %dma_wait3A_264 = tpu.memref_slice %arg2[%dma_wait3A_262, %dma_wait3A_263] : memref<10000x128xf32, #tpu.memory_space<hbm>> -> memref<10000x128xf32, #tpu.memory_space<hbm>>
      tpu.wait_indirect_dma semaphore(%arg13 : memref<!tpu.dma_semaphore, #tpu.memory_space<semaphore_mem>>) src(%dma_wait3A_264 : memref<10000x128xf32, #tpu.memory_space<hbm>>) dst(%arg10 : memref<125x128xf32, #tpu.memory_space<vmem>>)
      %run_scoped3A_265 = arith.constant 15 : i32
      "tpu.region"() ({
        %run_scoped3A_266 = tpu.sem_alloc : memref<!tpu.dma_semaphore, #tpu.memory_space<semaphore_mem>>
        %dma_start3A_267 = arith.constant 0 : i32
        %dma_start3A_268 = tpu.memref_slice %arg8[%run_scoped3A_265, %dma_start3A_267] : memref<16x125xi32, #tpu.memory_space<vmem>> -> memref<1x125xi32, #tpu.memory_space<vmem>>
        %dma_start3A_269 = tpu.memref_squeeze %dma_start3A_268 : memref<1x125xi32, #tpu.memory_space<vmem>> -> memref<125xi32, #tpu.memory_space<vmem>>
        %dma_start3A_270 = arith.constant 0 : i32
        %dma_start3A_271 = arith.constant 0 : i32
        %dma_start3A_272 = tpu.memref_slice %arg11[%dma_start3A_270, %dma_start3A_271] : memref<10000x128xf32, #tpu.memory_space<vmem_shared>> -> memref<10000x128xf32, #tpu.memory_space<vmem_shared>>
        tpu.enqueue_indirect_dma source(%arg10 : memref<125x128xf32, #tpu.memory_space<vmem>>) target(%dma_start3A_272 : memref<10000x128xf32, #tpu.memory_space<vmem_shared>>) offsets(%dma_start3A_269 : memref<125xi32, #tpu.memory_space<vmem>>) semaphore(%run_scoped3A_266 : memref<!tpu.dma_semaphore, #tpu.memory_space<semaphore_mem>>) {add = true}
        %dma_wait3A_273 = arith.constant 0 : i32
        %dma_wait3A_274 = tpu.memref_slice %arg8[%run_scoped3A_265, %dma_wait3A_273] : memref<16x125xi32, #tpu.memory_space<vmem>> -> memref<1x125xi32, #tpu.memory_space<vmem>>
        %dma_wait3A_275 = tpu.memref_squeeze %dma_wait3A_274 : memref<1x125xi32, #tpu.memory_space<vmem>> -> memref<125xi32, #tpu.memory_space<vmem>>
        %dma_wait3A_276 = arith.constant 0 : i32
        %dma_wait3A_277 = arith.constant 0 : i32
        %dma_wait3A_278 = tpu.memref_slice %arg11[%dma_wait3A_276, %dma_wait3A_277] : memref<10000x128xf32, #tpu.memory_space<vmem_shared>> -> memref<10000x128xf32, #tpu.memory_space<vmem_shared>>
        tpu.wait_indirect_dma semaphore(%run_scoped3A_266 : memref<!tpu.dma_semaphore, #tpu.memory_space<semaphore_mem>>) src(%arg10 : memref<125x128xf32, #tpu.memory_space<vmem>>) dst(%dma_wait3A_278 : memref<10000x128xf32, #tpu.memory_space<vmem_shared>>)
        tpu.yield
      }) : () -> ()
    }
    %scan3A_12 = arith.constant 5 : i32
    %barrier3A_13 = arith.constant 0 : index
    tpu.barrier barrier_id(%barrier3A_13)
    "tpu.region"() ({
      %run_scoped3A = tpu.sem_alloc : memref<!tpu.dma_semaphore, #tpu.memory_space<semaphore_mem>>
      %dma_start3A = arith.constant 0 : i32
      %dma_start3A_19 = tpu.memref_slice %arg6[%arg0, %mul3A_2, %dma_start3A] : memref<2x10000x128xf32, #tpu.memory_space<hbm>> -> memref<1x624x128xf32, #tpu.memory_space<hbm>>
      %dma_start3A_20 = tpu.memref_squeeze %dma_start3A_19 : memref<1x624x128xf32, #tpu.memory_space<hbm>> -> memref<624x128xf32, #tpu.memory_space<hbm>>
      %dma_start3A_21 = arith.constant 0 : i32
      %dma_start3A_22 = tpu.memref_slice %arg11[%mul3A_2, %dma_start3A_21] : memref<10000x128xf32, #tpu.memory_space<vmem_shared>> -> memref<624x128xf32, #tpu.memory_space<vmem_shared>>
      tpu.enqueue_dma source(%dma_start3A_22 : memref<624x128xf32, #tpu.memory_space<vmem_shared>>) target(%dma_start3A_20 : memref<624x128xf32, #tpu.memory_space<hbm>>) target_semaphore(%run_scoped3A : memref<!tpu.dma_semaphore, #tpu.memory_space<semaphore_mem>>)
      %dma_wait3A = arith.constant 0 : i32
      %dma_wait3A_23 = tpu.memref_slice %arg6[%arg0, %mul3A_2, %dma_wait3A] : memref<2x10000x128xf32, #tpu.memory_space<hbm>> -> memref<1x624x128xf32, #tpu.memory_space<hbm>>
      %dma_wait3A_24 = tpu.memref_squeeze %dma_wait3A_23 : memref<1x624x128xf32, #tpu.memory_space<hbm>> -> memref<624x128xf32, #tpu.memory_space<hbm>>
      %dma_wait3A_25 = arith.constant 0 : i32
      %dma_wait3A_26 = tpu.memref_slice %arg11[%mul3A_2, %dma_wait3A_25] : memref<10000x128xf32, #tpu.memory_space<vmem_shared>> -> memref<624x128xf32, #tpu.memory_space<vmem_shared>>
      tpu.wait_dma2 semaphore(%run_scoped3A : memref<!tpu.dma_semaphore, #tpu.memory_space<semaphore_mem>>) src(%dma_wait3A_26 : memref<624x128xf32, #tpu.memory_space<vmem_shared>>) dst(%dma_wait3A_24 : memref<624x128xf32, #tpu.memory_space<hbm>>)
      tpu.yield
    }) : () -> ()
    %eq3A_14 = arith.constant 15 : i32
    %eq3A_15 = arith.cmpi eq, %arg1, %eq3A_14 : i32
    %convert_element_type3A_16 = arith.extui %eq3A_15 : i1 to i32
    %cond3A_17 = arith.constant 0 : i32
    %cond3A_18 = arith.cmpi ne, %convert_element_type3A_16, %cond3A_17 : i32
    scf.if %cond3A_18 {
      "tpu.region"() ({
        %run_scoped3A = tpu.sem_alloc : memref<!tpu.dma_semaphore, #tpu.memory_space<semaphore_mem>>
        %dma_start3A = arith.constant 9984 : i32
        %dma_start3A_19 = arith.constant 0 : i32
        %dma_start3A_20 = tpu.memref_slice %arg6[%arg0, %dma_start3A, %dma_start3A_19] : memref<2x10000x128xf32, #tpu.memory_space<hbm>> -> memref<1x16x128xf32, #tpu.memory_space<hbm>>
        %dma_start3A_21 = tpu.memref_squeeze %dma_start3A_20 : memref<1x16x128xf32, #tpu.memory_space<hbm>> -> memref<16x128xf32, #tpu.memory_space<hbm>>
        %dma_start3A_22 = arith.constant 9984 : i32
        %dma_start3A_23 = arith.constant 0 : i32
        %dma_start3A_24 = tpu.memref_slice %arg11[%dma_start3A_22, %dma_start3A_23] : memref<10000x128xf32, #tpu.memory_space<vmem_shared>> -> memref<16x128xf32, #tpu.memory_space<vmem_shared>>
        tpu.enqueue_dma source(%dma_start3A_24 : memref<16x128xf32, #tpu.memory_space<vmem_shared>>) target(%dma_start3A_21 : memref<16x128xf32, #tpu.memory_space<hbm>>) target_semaphore(%run_scoped3A : memref<!tpu.dma_semaphore, #tpu.memory_space<semaphore_mem>>)
        %dma_wait3A = arith.constant 9984 : i32
        %dma_wait3A_25 = arith.constant 0 : i32
        %dma_wait3A_26 = tpu.memref_slice %arg6[%arg0, %dma_wait3A, %dma_wait3A_25] : memref<2x10000x128xf32, #tpu.memory_space<hbm>> -> memref<1x16x128xf32, #tpu.memory_space<hbm>>
        %dma_wait3A_27 = tpu.memref_squeeze %dma_wait3A_26 : memref<1x16x128xf32, #tpu.memory_space<hbm>> -> memref<16x128xf32, #tpu.memory_space<hbm>>
        %dma_wait3A_28 = arith.constant 9984 : i32
        %dma_wait3A_29 = arith.constant 0 : i32
        %dma_wait3A_30 = tpu.memref_slice %arg11[%dma_wait3A_28, %dma_wait3A_29] : memref<10000x128xf32, #tpu.memory_space<vmem_shared>> -> memref<16x128xf32, #tpu.memory_space<vmem_shared>>
        tpu.wait_dma2 semaphore(%run_scoped3A : memref<!tpu.dma_semaphore, #tpu.memory_space<semaphore_mem>>) src(%dma_wait3A_30 : memref<16x128xf32, #tpu.memory_space<vmem_shared>>) dst(%dma_wait3A_27 : memref<16x128xf32, #tpu.memory_space<hbm>>)
        tpu.yield
      }) : () -> ()
    } else {
    }
    return
  }
}

#map = affine_map<(d0, d1) -> (0, 0)>
#map1 = affine_map<(d0, d1) -> (0, 0, 0)>
module attributes {stable_mosaic.version = 14 : i64} {
  func.func @_sc_scatter_body(%arg0: i32, %arg1: i32, %arg2: memref<10000x128xf32, #tpu.memory_space<hbm>>, %arg3: memref<10000x128xf32, #tpu.memory_space<hbm>>, %arg4: memref<2560x125xi32, #tpu.memory_space<hbm>>, %arg5: memref<2560x125xi32, #tpu.memory_space<hbm>>, %arg6: memref<2x10000x128xf32, #tpu.memory_space<hbm>>, %arg7: memref<16x125xi32, #tpu.memory_space<vmem>>, %arg8: memref<16x125xi32, #tpu.memory_space<vmem>>, %arg9: memref<125x128xf32, #tpu.memory_space<vmem>>, %arg10: memref<125x128xf32, #tpu.memory_space<vmem>>, %arg11: memref<10000x128xf32, #tpu.memory_space<vmem_shared>>, %arg12: memref<!tpu.dma_semaphore, #tpu.memory_space<semaphore_mem>>, %arg13: memref<!tpu.dma_semaphore, #tpu.memory_space<semaphore_mem>>, %arg14: memref<!tpu.dma_semaphore, #tpu.memory_space<semaphore_mem>>, %arg15: memref<!tpu.dma_semaphore, #tpu.memory_space<semaphore_mem>>) attributes {dimension_semantics = [#tpu.dimension_semantics<core_parallel>, #tpu.dimension_semantics<subcore_parallel>], iteration_bounds = array<i64: 2, 16>, scalar_prefetch = 0 : i64, scratch_operands = 9 : i64, tpu.core_type = #tpu.core_type<sc_vector_subcore>, window_params = [{transform_indices = #map}, {transform_indices = #map}, {transform_indices = #map}, {transform_indices = #map}, {transform_indices = #map1}]} {
    %mul3A = arith.constant 16 : i32
    %mul3A_0 = arith.muli %arg0, %mul3A : i32
    %add3A = arith.addi %mul3A_0, %arg1 : i32
    %mul3A_1 = arith.constant 624 : i32
    %mul3A_2 = arith.muli %arg1, %mul3A_1 : i32
    %eq3A = arith.constant 0 : i32
    %eq3A_3 = arith.cmpi eq, %arg0, %eq3A : i32
    %convert_element_type3A = arith.extui %eq3A_3 : i1 to i32
    %cond3A = arith.constant 0 : i32
    %cond3A_4 = arith.cmpi ne, %convert_element_type3A, %cond3A : i32
    scf.if %cond3A_4 {
      "tpu.region"() ({
        %run_scoped3A = tpu.sem_alloc : memref<!tpu.dma_semaphore, #tpu.memory_space<semaphore_mem>>
        %dma_start3A = arith.constant 0 : i32
        %dma_start3A_24 = tpu.memref_slice %arg11[%mul3A_2, %dma_start3A] : memref<10000x128xf32, #tpu.memory_space<vmem_shared>> -> memref<624x128xf32, #tpu.memory_space<vmem_shared>>
        %dma_start3A_25 = arith.constant 0 : i32
        %dma_start3A_26 = tpu.memref_slice %arg2[%mul3A_2, %dma_start3A_25] : memref<10000x128xf32, #tpu.memory_space<hbm>> -> memref<624x128xf32, #tpu.memory_space<hbm>>
        tpu.enqueue_dma source(%dma_start3A_26 : memref<624x128xf32, #tpu.memory_space<hbm>>) target(%dma_start3A_24 : memref<624x128xf32, #tpu.memory_space<vmem_shared>>) target_semaphore(%run_scoped3A : memref<!tpu.dma_semaphore, #tpu.memory_space<semaphore_mem>>)
        %dma_wait3A = arith.constant 0 : i32
        %dma_wait3A_27 = tpu.memref_slice %arg11[%mul3A_2, %dma_wait3A] : memref<10000x128xf32, #tpu.memory_space<vmem_shared>> -> memref<624x128xf32, #tpu.memory_space<vmem_shared>>
        %dma_wait3A_28 = arith.constant 0 : i32
        %dma_wait3A_29 = tpu.memref_slice %arg2[%mul3A_2, %dma_wait3A_28] : memref<10000x128xf32, #tpu.memory_space<hbm>> -> memref<624x128xf32, #tpu.memory_space<hbm>>
        tpu.wait_dma2 semaphore(%run_scoped3A : memref<!tpu.dma_semaphore, #tpu.memory_space<semaphore_mem>>) src(%dma_wait3A_29 : memref<624x128xf32, #tpu.memory_space<hbm>>) dst(%dma_wait3A_27 : memref<624x128xf32, #tpu.memory_space<vmem_shared>>)
        tpu.yield
      }) : () -> ()
      %eq3A_19 = arith.constant 15 : i32
      %eq3A_20 = arith.cmpi eq, %arg1, %eq3A_19 : i32
      %convert_element_type3A_21 = arith.extui %eq3A_20 : i1 to i32
      %cond3A_22 = arith.constant 0 : i32
      %cond3A_23 = arith.cmpi ne, %convert_element_type3A_21, %cond3A_22 : i32
      scf.if %cond3A_23 {
        "tpu.region"() ({
          %run_scoped3A = tpu.sem_alloc : memref<!tpu.dma_semaphore, #tpu.memory_space<semaphore_mem>>
          %dma_start3A = arith.constant 9984 : i32
          %dma_start3A_24 = arith.constant 0 : i32
          %dma_start3A_25 = tpu.memref_slice %arg11[%dma_start3A, %dma_start3A_24] : memref<10000x128xf32, #tpu.memory_space<vmem_shared>> -> memref<16x128xf32, #tpu.memory_space<vmem_shared>>
          %dma_start3A_26 = arith.constant 9984 : i32
          %dma_start3A_27 = arith.constant 0 : i32
          %dma_start3A_28 = tpu.memref_slice %arg2[%dma_start3A_26, %dma_start3A_27] : memref<10000x128xf32, #tpu.memory_space<hbm>> -> memref<16x128xf32, #tpu.memory_space<hbm>>
          tpu.enqueue_dma source(%dma_start3A_28 : memref<16x128xf32, #tpu.memory_space<hbm>>) target(%dma_start3A_25 : memref<16x128xf32, #tpu.memory_space<vmem_shared>>) target_semaphore(%run_scoped3A : memref<!tpu.dma_semaphore, #tpu.memory_space<semaphore_mem>>)
          %dma_wait3A = arith.constant 9984 : i32
          %dma_wait3A_29 = arith.constant 0 : i32
          %dma_wait3A_30 = tpu.memref_slice %arg11[%dma_wait3A, %dma_wait3A_29] : memref<10000x128xf32, #tpu.memory_space<vmem_shared>> -> memref<16x128xf32, #tpu.memory_space<vmem_shared>>
          %dma_wait3A_31 = arith.constant 9984 : i32
          %dma_wait3A_32 = arith.constant 0 : i32
          %dma_wait3A_33 = tpu.memref_slice %arg2[%dma_wait3A_31, %dma_wait3A_32] : memref<10000x128xf32, #tpu.memory_space<hbm>> -> memref<16x128xf32, #tpu.memory_space<hbm>>
          tpu.wait_dma2 semaphore(%run_scoped3A : memref<!tpu.dma_semaphore, #tpu.memory_space<semaphore_mem>>) src(%dma_wait3A_33 : memref<16x128xf32, #tpu.memory_space<hbm>>) dst(%dma_wait3A_30 : memref<16x128xf32, #tpu.memory_space<vmem_shared>>)
          tpu.yield
        }) : () -> ()
      } else {
      }
    } else {
    }
    %ne3A = arith.constant 0 : i32
    %ne3A_5 = arith.cmpi ne, %arg0, %ne3A : i32
    %convert_element_type3A_6 = arith.extui %ne3A_5 : i1 to i32
    %cond3A_7 = arith.constant 0 : i32
    %cond3A_8 = arith.cmpi ne, %convert_element_type3A_6, %cond3A_7 : i32
    scf.if %cond3A_8 {
      "tpu.region"() ({
        %run_scoped3A = tpu.sem_alloc : memref<!tpu.dma_semaphore, #tpu.memory_space<semaphore_mem>>
        %dma_start3A = arith.constant 0 : i32
        %dma_start3A_24 = tpu.memref_slice %arg11[%mul3A_2, %dma_start3A] : memref<10000x128xf32, #tpu.memory_space<vmem_shared>> -> memref<624x128xf32, #tpu.memory_space<vmem_shared>>
        %dma_start3A_25 = arith.constant 0 : i32
        %dma_start3A_26 = tpu.memref_slice %arg3[%mul3A_2, %dma_start3A_25] : memref<10000x128xf32, #tpu.memory_space<hbm>> -> memref<624x128xf32, #tpu.memory_space<hbm>>
        tpu.enqueue_dma source(%dma_start3A_26 : memref<624x128xf32, #tpu.memory_space<hbm>>) target(%dma_start3A_24 : memref<624x128xf32, #tpu.memory_space<vmem_shared>>) target_semaphore(%run_scoped3A : memref<!tpu.dma_semaphore, #tpu.memory_space<semaphore_mem>>)
        %dma_wait3A = arith.constant 0 : i32
        %dma_wait3A_27 = tpu.memref_slice %arg11[%mul3A_2, %dma_wait3A] : memref<10000x128xf32, #tpu.memory_space<vmem_shared>> -> memref<624x128xf32, #tpu.memory_space<vmem_shared>>
        %dma_wait3A_28 = arith.constant 0 : i32
        %dma_wait3A_29 = tpu.memref_slice %arg3[%mul3A_2, %dma_wait3A_28] : memref<10000x128xf32, #tpu.memory_space<hbm>> -> memref<624x128xf32, #tpu.memory_space<hbm>>
        tpu.wait_dma2 semaphore(%run_scoped3A : memref<!tpu.dma_semaphore, #tpu.memory_space<semaphore_mem>>) src(%dma_wait3A_29 : memref<624x128xf32, #tpu.memory_space<hbm>>) dst(%dma_wait3A_27 : memref<624x128xf32, #tpu.memory_space<vmem_shared>>)
        tpu.yield
      }) : () -> ()
      %eq3A_19 = arith.constant 15 : i32
      %eq3A_20 = arith.cmpi eq, %arg1, %eq3A_19 : i32
      %convert_element_type3A_21 = arith.extui %eq3A_20 : i1 to i32
      %cond3A_22 = arith.constant 0 : i32
      %cond3A_23 = arith.cmpi ne, %convert_element_type3A_21, %cond3A_22 : i32
      scf.if %cond3A_23 {
        "tpu.region"() ({
          %run_scoped3A = tpu.sem_alloc : memref<!tpu.dma_semaphore, #tpu.memory_space<semaphore_mem>>
          %dma_start3A = arith.constant 9984 : i32
          %dma_start3A_24 = arith.constant 0 : i32
          %dma_start3A_25 = tpu.memref_slice %arg11[%dma_start3A, %dma_start3A_24] : memref<10000x128xf32, #tpu.memory_space<vmem_shared>> -> memref<16x128xf32, #tpu.memory_space<vmem_shared>>
          %dma_start3A_26 = arith.constant 9984 : i32
          %dma_start3A_27 = arith.constant 0 : i32
          %dma_start3A_28 = tpu.memref_slice %arg3[%dma_start3A_26, %dma_start3A_27] : memref<10000x128xf32, #tpu.memory_space<hbm>> -> memref<16x128xf32, #tpu.memory_space<hbm>>
          tpu.enqueue_dma source(%dma_start3A_28 : memref<16x128xf32, #tpu.memory_space<hbm>>) target(%dma_start3A_25 : memref<16x128xf32, #tpu.memory_space<vmem_shared>>) target_semaphore(%run_scoped3A : memref<!tpu.dma_semaphore, #tpu.memory_space<semaphore_mem>>)
          %dma_wait3A = arith.constant 9984 : i32
          %dma_wait3A_29 = arith.constant 0 : i32
          %dma_wait3A_30 = tpu.memref_slice %arg11[%dma_wait3A, %dma_wait3A_29] : memref<10000x128xf32, #tpu.memory_space<vmem_shared>> -> memref<16x128xf32, #tpu.memory_space<vmem_shared>>
          %dma_wait3A_31 = arith.constant 9984 : i32
          %dma_wait3A_32 = arith.constant 0 : i32
          %dma_wait3A_33 = tpu.memref_slice %arg3[%dma_wait3A_31, %dma_wait3A_32] : memref<10000x128xf32, #tpu.memory_space<hbm>> -> memref<16x128xf32, #tpu.memory_space<hbm>>
          tpu.wait_dma2 semaphore(%run_scoped3A : memref<!tpu.dma_semaphore, #tpu.memory_space<semaphore_mem>>) src(%dma_wait3A_33 : memref<16x128xf32, #tpu.memory_space<hbm>>) dst(%dma_wait3A_30 : memref<16x128xf32, #tpu.memory_space<vmem_shared>>)
          tpu.yield
        }) : () -> ()
      } else {
      }
    } else {
    }
    %barrier3A = arith.constant 0 : index
    tpu.barrier barrier_id(%barrier3A)
    %scan3A = arith.constant 0 : i32
    %scan3A_9 = arith.constant 5 : i32
    %scan3A_10 = arith.addi %scan3A, %scan3A_9 : i32
    %scan3A_11 = arith.constant 1 : i32
    scf.for %scan3A_19 = %scan3A to %scan3A_10 step %scan3A_11  : i32 {
      %mul3A_20 = arith.constant 1 : i32
      %mul3A_21 = arith.muli %scan3A_19, %mul3A_20 : i32
      %add3A_22 = arith.constant 0 : i32
      %add3A_23 = arith.addi %add3A_22, %mul3A_21 : i32
      %mul3A_24 = arith.constant 80 : i32
      %mul3A_25 = arith.muli %add3A, %mul3A_24 : i32
      %mul3A_26 = arith.constant 16 : i32
      %mul3A_27 = arith.muli %add3A_23, %mul3A_26 : i32
      %add3A_28 = arith.addi %mul3A_25, %mul3A_27 : i32
      "tpu.region"() ({
        %run_scoped3A_266 = tpu.sem_alloc : memref<!tpu.dma_semaphore, #tpu.memory_space<semaphore_mem>>
        %dma_start3A_267 = arith.constant 0 : i32
        %dma_start3A_268 = tpu.memref_slice %arg4[%add3A_28, %dma_start3A_267] : memref<2560x125xi32, #tpu.memory_space<hbm>> -> memref<16x125xi32, #tpu.memory_space<hbm>>
        %dma_start3A_269 = arith.constant 0 : i32
        %dma_start3A_270 = tpu.memref_slice %arg4[%add3A_28, %dma_start3A_269] : memref<2560x125xi32, #tpu.memory_space<hbm>> -> memref<16x125xi32, #tpu.memory_space<hbm>>
        tpu.enqueue_dma source(%dma_start3A_270 : memref<16x125xi32, #tpu.memory_space<hbm>>) target(%arg7 : memref<16x125xi32, #tpu.memory_space<vmem>>) target_semaphore(%run_scoped3A_266 : memref<!tpu.dma_semaphore, #tpu.memory_space<semaphore_mem>>)
        %dma_wait3A_271 = arith.constant 0 : i32
        %dma_wait3A_272 = tpu.memref_slice %arg4[%add3A_28, %dma_wait3A_271] : memref<2560x125xi32, #tpu.memory_space<hbm>> -> memref<16x125xi32, #tpu.memory_space<hbm>>
        %dma_wait3A_273 = arith.constant 0 : i32
        %dma_wait3A_274 = tpu.memref_slice %arg4[%add3A_28, %dma_wait3A_273] : memref<2560x125xi32, #tpu.memory_space<hbm>> -> memref<16x125xi32, #tpu.memory_space<hbm>>
        tpu.wait_dma2 semaphore(%run_scoped3A_266 : memref<!tpu.dma_semaphore, #tpu.memory_space<semaphore_mem>>) src(%dma_wait3A_274 : memref<16x125xi32, #tpu.memory_space<hbm>>) dst(%arg7 : memref<16x125xi32, #tpu.memory_space<vmem>>)
        tpu.yield
      }) : () -> ()
      "tpu.region"() ({
        %run_scoped3A_266 = tpu.sem_alloc : memref<!tpu.dma_semaphore, #tpu.memory_space<semaphore_mem>>
        %dma_start3A_267 = arith.constant 0 : i32
        %dma_start3A_268 = tpu.memref_slice %arg5[%add3A_28, %dma_start3A_267] : memref<2560x125xi32, #tpu.memory_space<hbm>> -> memref<16x125xi32, #tpu.memory_space<hbm>>
        %dma_start3A_269 = arith.constant 0 : i32
        %dma_start3A_270 = tpu.memref_slice %arg5[%add3A_28, %dma_start3A_269] : memref<2560x125xi32, #tpu.memory_space<hbm>> -> memref<16x125xi32, #tpu.memory_space<hbm>>
        tpu.enqueue_dma source(%dma_start3A_270 : memref<16x125xi32, #tpu.memory_space<hbm>>) target(%arg8 : memref<16x125xi32, #tpu.memory_space<vmem>>) target_semaphore(%run_scoped3A_266 : memref<!tpu.dma_semaphore, #tpu.memory_space<semaphore_mem>>)
        %dma_wait3A_271 = arith.constant 0 : i32
        %dma_wait3A_272 = tpu.memref_slice %arg5[%add3A_28, %dma_wait3A_271] : memref<2560x125xi32, #tpu.memory_space<hbm>> -> memref<16x125xi32, #tpu.memory_space<hbm>>
        %dma_wait3A_273 = arith.constant 0 : i32
        %dma_wait3A_274 = tpu.memref_slice %arg5[%add3A_28, %dma_wait3A_273] : memref<2560x125xi32, #tpu.memory_space<hbm>> -> memref<16x125xi32, #tpu.memory_space<hbm>>
        tpu.wait_dma2 semaphore(%run_scoped3A_266 : memref<!tpu.dma_semaphore, #tpu.memory_space<semaphore_mem>>) src(%dma_wait3A_274 : memref<16x125xi32, #tpu.memory_space<hbm>>) dst(%arg8 : memref<16x125xi32, #tpu.memory_space<vmem>>)
        tpu.yield
      }) : () -> ()
      %dma_start3A = arith.constant 0 : i32
      %dma_start3A_29 = arith.constant 0 : i32
      %dma_start3A_30 = tpu.memref_slice %arg7[%dma_start3A, %dma_start3A_29] : memref<16x125xi32, #tpu.memory_space<vmem>> -> memref<1x125xi32, #tpu.memory_space<vmem>>
      %dma_start3A_31 = tpu.memref_squeeze %dma_start3A_30 : memref<1x125xi32, #tpu.memory_space<vmem>> -> memref<125xi32, #tpu.memory_space<vmem>>
      %dma_start3A_32 = arith.constant 0 : i32
      %dma_start3A_33 = arith.constant 0 : i32
      %dma_start3A_34 = tpu.memref_slice %arg2[%dma_start3A_32, %dma_start3A_33] : memref<10000x128xf32, #tpu.memory_space<hbm>> -> memref<10000x128xf32, #tpu.memory_space<hbm>>
      tpu.enqueue_indirect_dma source(%dma_start3A_34 : memref<10000x128xf32, #tpu.memory_space<hbm>>) target(%arg9 : memref<125x128xf32, #tpu.memory_space<vmem>>) offsets(%dma_start3A_31 : memref<125xi32, #tpu.memory_space<vmem>>) semaphore(%arg12 : memref<!tpu.dma_semaphore, #tpu.memory_space<semaphore_mem>>)
      %dma_start3A_35 = arith.constant 1 : i32
      %dma_start3A_36 = arith.constant 0 : i32
      %dma_start3A_37 = tpu.memref_slice %arg7[%dma_start3A_35, %dma_start3A_36] : memref<16x125xi32, #tpu.memory_space<vmem>> -> memref<1x125xi32, #tpu.memory_space<vmem>>
      %dma_start3A_38 = tpu.memref_squeeze %dma_start3A_37 : memref<1x125xi32, #tpu.memory_space<vmem>> -> memref<125xi32, #tpu.memory_space<vmem>>
      %dma_start3A_39 = arith.constant 0 : i32
      %dma_start3A_40 = arith.constant 0 : i32
      %dma_start3A_41 = tpu.memref_slice %arg2[%dma_start3A_39, %dma_start3A_40] : memref<10000x128xf32, #tpu.memory_space<hbm>> -> memref<10000x128xf32, #tpu.memory_space<hbm>>
      tpu.enqueue_indirect_dma source(%dma_start3A_41 : memref<10000x128xf32, #tpu.memory_space<hbm>>) target(%arg10 : memref<125x128xf32, #tpu.memory_space<vmem>>) offsets(%dma_start3A_38 : memref<125xi32, #tpu.memory_space<vmem>>) semaphore(%arg13 : memref<!tpu.dma_semaphore, #tpu.memory_space<semaphore_mem>>)
      %dma_wait3A = arith.constant 0 : i32
      %dma_wait3A_42 = arith.constant 0 : i32
      %dma_wait3A_43 = tpu.memref_slice %arg7[%dma_wait3A, %dma_wait3A_42] : memref<16x125xi32, #tpu.memory_space<vmem>> -> memref<1x125xi32, #tpu.memory_space<vmem>>
      %dma_wait3A_44 = tpu.memref_squeeze %dma_wait3A_43 : memref<1x125xi32, #tpu.memory_space<vmem>> -> memref<125xi32, #tpu.memory_space<vmem>>
      %dma_wait3A_45 = arith.constant 0 : i32
      %dma_wait3A_46 = arith.constant 0 : i32
      %dma_wait3A_47 = tpu.memref_slice %arg2[%dma_wait3A_45, %dma_wait3A_46] : memref<10000x128xf32, #tpu.memory_space<hbm>> -> memref<10000x128xf32, #tpu.memory_space<hbm>>
      tpu.wait_indirect_dma semaphore(%arg12 : memref<!tpu.dma_semaphore, #tpu.memory_space<semaphore_mem>>) src(%dma_wait3A_47 : memref<10000x128xf32, #tpu.memory_space<hbm>>) dst(%arg9 : memref<125x128xf32, #tpu.memory_space<vmem>>)
      %run_scoped3A = arith.constant 0 : i32
      "tpu.region"() ({
        %run_scoped3A_266 = tpu.sem_alloc : memref<!tpu.dma_semaphore, #tpu.memory_space<semaphore_mem>>
        %dma_start3A_267 = arith.constant 0 : i32
        %dma_start3A_268 = tpu.memref_slice %arg8[%run_scoped3A, %dma_start3A_267] : memref<16x125xi32, #tpu.memory_space<vmem>> -> memref<1x125xi32, #tpu.memory_space<vmem>>
        %dma_start3A_269 = tpu.memref_squeeze %dma_start3A_268 : memref<1x125xi32, #tpu.memory_space<vmem>> -> memref<125xi32, #tpu.memory_space<vmem>>
        %dma_start3A_270 = arith.constant 0 : i32
        %dma_start3A_271 = arith.constant 0 : i32
        %dma_start3A_272 = tpu.memref_slice %arg11[%dma_start3A_270, %dma_start3A_271] : memref<10000x128xf32, #tpu.memory_space<vmem_shared>> -> memref<10000x128xf32, #tpu.memory_space<vmem_shared>>
        tpu.enqueue_indirect_dma source(%arg9 : memref<125x128xf32, #tpu.memory_space<vmem>>) target(%dma_start3A_272 : memref<10000x128xf32, #tpu.memory_space<vmem_shared>>) offsets(%dma_start3A_269 : memref<125xi32, #tpu.memory_space<vmem>>) semaphore(%run_scoped3A_266 : memref<!tpu.dma_semaphore, #tpu.memory_space<semaphore_mem>>) {add = true}
        %dma_wait3A_273 = arith.constant 0 : i32
        %dma_wait3A_274 = tpu.memref_slice %arg8[%run_scoped3A, %dma_wait3A_273] : memref<16x125xi32, #tpu.memory_space<vmem>> -> memref<1x125xi32, #tpu.memory_space<vmem>>
        %dma_wait3A_275 = tpu.memref_squeeze %dma_wait3A_274 : memref<1x125xi32, #tpu.memory_space<vmem>> -> memref<125xi32, #tpu.memory_space<vmem>>
        %dma_wait3A_276 = arith.constant 0 : i32
        %dma_wait3A_277 = arith.constant 0 : i32
        %dma_wait3A_278 = tpu.memref_slice %arg11[%dma_wait3A_276, %dma_wait3A_277] : memref<10000x128xf32, #tpu.memory_space<vmem_shared>> -> memref<10000x128xf32, #tpu.memory_space<vmem_shared>>
        tpu.wait_indirect_dma semaphore(%run_scoped3A_266 : memref<!tpu.dma_semaphore, #tpu.memory_space<semaphore_mem>>) src(%arg9 : memref<125x128xf32, #tpu.memory_space<vmem>>) dst(%dma_wait3A_278 : memref<10000x128xf32, #tpu.memory_space<vmem_shared>>)
        tpu.yield
      }) : () -> ()
      %dma_start3A_48 = arith.constant 2 : i32
      %dma_start3A_49 = arith.constant 0 : i32
      %dma_start3A_50 = tpu.memref_slice %arg7[%dma_start3A_48, %dma_start3A_49] : memref<16x125xi32, #tpu.memory_space<vmem>> -> memref<1x125xi32, #tpu.memory_space<vmem>>
      %dma_start3A_51 = tpu.memref_squeeze %dma_start3A_50 : memref<1x125xi32, #tpu.memory_space<vmem>> -> memref<125xi32, #tpu.memory_space<vmem>>
      %dma_start3A_52 = arith.constant 0 : i32
      %dma_start3A_53 = arith.constant 0 : i32
      %dma_start3A_54 = tpu.memref_slice %arg2[%dma_start3A_52, %dma_start3A_53] : memref<10000x128xf32, #tpu.memory_space<hbm>> -> memref<10000x128xf32, #tpu.memory_space<hbm>>
      tpu.enqueue_indirect_dma source(%dma_start3A_54 : memref<10000x128xf32, #tpu.memory_space<hbm>>) target(%arg9 : memref<125x128xf32, #tpu.memory_space<vmem>>) offsets(%dma_start3A_51 : memref<125xi32, #tpu.memory_space<vmem>>) semaphore(%arg12 : memref<!tpu.dma_semaphore, #tpu.memory_space<semaphore_mem>>)
      %dma_wait3A_55 = arith.constant 1 : i32
      %dma_wait3A_56 = arith.constant 0 : i32
      %dma_wait3A_57 = tpu.memref_slice %arg7[%dma_wait3A_55, %dma_wait3A_56] : memref<16x125xi32, #tpu.memory_space<vmem>> -> memref<1x125xi32, #tpu.memory_space<vmem>>
      %dma_wait3A_58 = tpu.memref_squeeze %dma_wait3A_57 : memref<1x125xi32, #tpu.memory_space<vmem>> -> memref<125xi32, #tpu.memory_space<vmem>>
      %dma_wait3A_59 = arith.constant 0 : i32
      %dma_wait3A_60 = arith.constant 0 : i32
      %dma_wait3A_61 = tpu.memref_slice %arg2[%dma_wait3A_59, %dma_wait3A_60] : memref<10000x128xf32, #tpu.memory_space<hbm>> -> memref<10000x128xf32, #tpu.memory_space<hbm>>
      tpu.wait_indirect_dma semaphore(%arg13 : memref<!tpu.dma_semaphore, #tpu.memory_space<semaphore_mem>>) src(%dma_wait3A_61 : memref<10000x128xf32, #tpu.memory_space<hbm>>) dst(%arg10 : memref<125x128xf32, #tpu.memory_space<vmem>>)
      %run_scoped3A_62 = arith.constant 1 : i32
      "tpu.region"() ({
        %run_scoped3A_266 = tpu.sem_alloc : memref<!tpu.dma_semaphore, #tpu.memory_space<semaphore_mem>>
        %dma_start3A_267 = arith.constant 0 : i32
        %dma_start3A_268 = tpu.memref_slice %arg8[%run_scoped3A_62, %dma_start3A_267] : memref<16x125xi32, #tpu.memory_space<vmem>> -> memref<1x125xi32, #tpu.memory_space<vmem>>
        %dma_start3A_269 = tpu.memref_squeeze %dma_start3A_268 : memref<1x125xi32, #tpu.memory_space<vmem>> -> memref<125xi32, #tpu.memory_space<vmem>>
        %dma_start3A_270 = arith.constant 0 : i32
        %dma_start3A_271 = arith.constant 0 : i32
        %dma_start3A_272 = tpu.memref_slice %arg11[%dma_start3A_270, %dma_start3A_271] : memref<10000x128xf32, #tpu.memory_space<vmem_shared>> -> memref<10000x128xf32, #tpu.memory_space<vmem_shared>>
        tpu.enqueue_indirect_dma source(%arg10 : memref<125x128xf32, #tpu.memory_space<vmem>>) target(%dma_start3A_272 : memref<10000x128xf32, #tpu.memory_space<vmem_shared>>) offsets(%dma_start3A_269 : memref<125xi32, #tpu.memory_space<vmem>>) semaphore(%run_scoped3A_266 : memref<!tpu.dma_semaphore, #tpu.memory_space<semaphore_mem>>) {add = true}
        %dma_wait3A_273 = arith.constant 0 : i32
        %dma_wait3A_274 = tpu.memref_slice %arg8[%run_scoped3A_62, %dma_wait3A_273] : memref<16x125xi32, #tpu.memory_space<vmem>> -> memref<1x125xi32, #tpu.memory_space<vmem>>
        %dma_wait3A_275 = tpu.memref_squeeze %dma_wait3A_274 : memref<1x125xi32, #tpu.memory_space<vmem>> -> memref<125xi32, #tpu.memory_space<vmem>>
        %dma_wait3A_276 = arith.constant 0 : i32
        %dma_wait3A_277 = arith.constant 0 : i32
        %dma_wait3A_278 = tpu.memref_slice %arg11[%dma_wait3A_276, %dma_wait3A_277] : memref<10000x128xf32, #tpu.memory_space<vmem_shared>> -> memref<10000x128xf32, #tpu.memory_space<vmem_shared>>
        tpu.wait_indirect_dma semaphore(%run_scoped3A_266 : memref<!tpu.dma_semaphore, #tpu.memory_space<semaphore_mem>>) src(%arg10 : memref<125x128xf32, #tpu.memory_space<vmem>>) dst(%dma_wait3A_278 : memref<10000x128xf32, #tpu.memory_space<vmem_shared>>)
        tpu.yield
      }) : () -> ()
      %dma_start3A_63 = arith.constant 3 : i32
      %dma_start3A_64 = arith.constant 0 : i32
      %dma_start3A_65 = tpu.memref_slice %arg7[%dma_start3A_63, %dma_start3A_64] : memref<16x125xi32, #tpu.memory_space<vmem>> -> memref<1x125xi32, #tpu.memory_space<vmem>>
      %dma_start3A_66 = tpu.memref_squeeze %dma_start3A_65 : memref<1x125xi32, #tpu.memory_space<vmem>> -> memref<125xi32, #tpu.memory_space<vmem>>
      %dma_start3A_67 = arith.constant 0 : i32
      %dma_start3A_68 = arith.constant 0 : i32
      %dma_start3A_69 = tpu.memref_slice %arg2[%dma_start3A_67, %dma_start3A_68] : memref<10000x128xf32, #tpu.memory_space<hbm>> -> memref<10000x128xf32, #tpu.memory_space<hbm>>
      tpu.enqueue_indirect_dma source(%dma_start3A_69 : memref<10000x128xf32, #tpu.memory_space<hbm>>) target(%arg10 : memref<125x128xf32, #tpu.memory_space<vmem>>) offsets(%dma_start3A_66 : memref<125xi32, #tpu.memory_space<vmem>>) semaphore(%arg13 : memref<!tpu.dma_semaphore, #tpu.memory_space<semaphore_mem>>)
      %dma_wait3A_70 = arith.constant 2 : i32
      %dma_wait3A_71 = arith.constant 0 : i32
      %dma_wait3A_72 = tpu.memref_slice %arg7[%dma_wait3A_70, %dma_wait3A_71] : memref<16x125xi32, #tpu.memory_space<vmem>> -> memref<1x125xi32, #tpu.memory_space<vmem>>
      %dma_wait3A_73 = tpu.memref_squeeze %dma_wait3A_72 : memref<1x125xi32, #tpu.memory_space<vmem>> -> memref<125xi32, #tpu.memory_space<vmem>>
      %dma_wait3A_74 = arith.constant 0 : i32
      %dma_wait3A_75 = arith.constant 0 : i32
      %dma_wait3A_76 = tpu.memref_slice %arg2[%dma_wait3A_74, %dma_wait3A_75] : memref<10000x128xf32, #tpu.memory_space<hbm>> -> memref<10000x128xf32, #tpu.memory_space<hbm>>
      tpu.wait_indirect_dma semaphore(%arg12 : memref<!tpu.dma_semaphore, #tpu.memory_space<semaphore_mem>>) src(%dma_wait3A_76 : memref<10000x128xf32, #tpu.memory_space<hbm>>) dst(%arg9 : memref<125x128xf32, #tpu.memory_space<vmem>>)
      %run_scoped3A_77 = arith.constant 2 : i32
      "tpu.region"() ({
        %run_scoped3A_266 = tpu.sem_alloc : memref<!tpu.dma_semaphore, #tpu.memory_space<semaphore_mem>>
        %dma_start3A_267 = arith.constant 0 : i32
        %dma_start3A_268 = tpu.memref_slice %arg8[%run_scoped3A_77, %dma_start3A_267] : memref<16x125xi32, #tpu.memory_space<vmem>> -> memref<1x125xi32, #tpu.memory_space<vmem>>
        %dma_start3A_269 = tpu.memref_squeeze %dma_start3A_268 : memref<1x125xi32, #tpu.memory_space<vmem>> -> memref<125xi32, #tpu.memory_space<vmem>>
        %dma_start3A_270 = arith.constant 0 : i32
        %dma_start3A_271 = arith.constant 0 : i32
        %dma_start3A_272 = tpu.memref_slice %arg11[%dma_start3A_270, %dma_start3A_271] : memref<10000x128xf32, #tpu.memory_space<vmem_shared>> -> memref<10000x128xf32, #tpu.memory_space<vmem_shared>>
        tpu.enqueue_indirect_dma source(%arg9 : memref<125x128xf32, #tpu.memory_space<vmem>>) target(%dma_start3A_272 : memref<10000x128xf32, #tpu.memory_space<vmem_shared>>) offsets(%dma_start3A_269 : memref<125xi32, #tpu.memory_space<vmem>>) semaphore(%run_scoped3A_266 : memref<!tpu.dma_semaphore, #tpu.memory_space<semaphore_mem>>) {add = true}
        %dma_wait3A_273 = arith.constant 0 : i32
        %dma_wait3A_274 = tpu.memref_slice %arg8[%run_scoped3A_77, %dma_wait3A_273] : memref<16x125xi32, #tpu.memory_space<vmem>> -> memref<1x125xi32, #tpu.memory_space<vmem>>
        %dma_wait3A_275 = tpu.memref_squeeze %dma_wait3A_274 : memref<1x125xi32, #tpu.memory_space<vmem>> -> memref<125xi32, #tpu.memory_space<vmem>>
        %dma_wait3A_276 = arith.constant 0 : i32
        %dma_wait3A_277 = arith.constant 0 : i32
        %dma_wait3A_278 = tpu.memref_slice %arg11[%dma_wait3A_276, %dma_wait3A_277] : memref<10000x128xf32, #tpu.memory_space<vmem_shared>> -> memref<10000x128xf32, #tpu.memory_space<vmem_shared>>
        tpu.wait_indirect_dma semaphore(%run_scoped3A_266 : memref<!tpu.dma_semaphore, #tpu.memory_space<semaphore_mem>>) src(%arg9 : memref<125x128xf32, #tpu.memory_space<vmem>>) dst(%dma_wait3A_278 : memref<10000x128xf32, #tpu.memory_space<vmem_shared>>)
        tpu.yield
      }) : () -> ()
      %dma_start3A_78 = arith.constant 4 : i32
      %dma_start3A_79 = arith.constant 0 : i32
      %dma_start3A_80 = tpu.memref_slice %arg7[%dma_start3A_78, %dma_start3A_79] : memref<16x125xi32, #tpu.memory_space<vmem>> -> memref<1x125xi32, #tpu.memory_space<vmem>>
      %dma_start3A_81 = tpu.memref_squeeze %dma_start3A_80 : memref<1x125xi32, #tpu.memory_space<vmem>> -> memref<125xi32, #tpu.memory_space<vmem>>
      %dma_start3A_82 = arith.constant 0 : i32
      %dma_start3A_83 = arith.constant 0 : i32
      %dma_start3A_84 = tpu.memref_slice %arg2[%dma_start3A_82, %dma_start3A_83] : memref<10000x128xf32, #tpu.memory_space<hbm>> -> memref<10000x128xf32, #tpu.memory_space<hbm>>
      tpu.enqueue_indirect_dma source(%dma_start3A_84 : memref<10000x128xf32, #tpu.memory_space<hbm>>) target(%arg9 : memref<125x128xf32, #tpu.memory_space<vmem>>) offsets(%dma_start3A_81 : memref<125xi32, #tpu.memory_space<vmem>>) semaphore(%arg12 : memref<!tpu.dma_semaphore, #tpu.memory_space<semaphore_mem>>)
      %dma_wait3A_85 = arith.constant 3 : i32
      %dma_wait3A_86 = arith.constant 0 : i32
      %dma_wait3A_87 = tpu.memref_slice %arg7[%dma_wait3A_85, %dma_wait3A_86] : memref<16x125xi32, #tpu.memory_space<vmem>> -> memref<1x125xi32, #tpu.memory_space<vmem>>
      %dma_wait3A_88 = tpu.memref_squeeze %dma_wait3A_87 : memref<1x125xi32, #tpu.memory_space<vmem>> -> memref<125xi32, #tpu.memory_space<vmem>>
      %dma_wait3A_89 = arith.constant 0 : i32
      %dma_wait3A_90 = arith.constant 0 : i32
      %dma_wait3A_91 = tpu.memref_slice %arg2[%dma_wait3A_89, %dma_wait3A_90] : memref<10000x128xf32, #tpu.memory_space<hbm>> -> memref<10000x128xf32, #tpu.memory_space<hbm>>
      tpu.wait_indirect_dma semaphore(%arg13 : memref<!tpu.dma_semaphore, #tpu.memory_space<semaphore_mem>>) src(%dma_wait3A_91 : memref<10000x128xf32, #tpu.memory_space<hbm>>) dst(%arg10 : memref<125x128xf32, #tpu.memory_space<vmem>>)
      %run_scoped3A_92 = arith.constant 3 : i32
      "tpu.region"() ({
        %run_scoped3A_266 = tpu.sem_alloc : memref<!tpu.dma_semaphore, #tpu.memory_space<semaphore_mem>>
        %dma_start3A_267 = arith.constant 0 : i32
        %dma_start3A_268 = tpu.memref_slice %arg8[%run_scoped3A_92, %dma_start3A_267] : memref<16x125xi32, #tpu.memory_space<vmem>> -> memref<1x125xi32, #tpu.memory_space<vmem>>
        %dma_start3A_269 = tpu.memref_squeeze %dma_start3A_268 : memref<1x125xi32, #tpu.memory_space<vmem>> -> memref<125xi32, #tpu.memory_space<vmem>>
        %dma_start3A_270 = arith.constant 0 : i32
        %dma_start3A_271 = arith.constant 0 : i32
        %dma_start3A_272 = tpu.memref_slice %arg11[%dma_start3A_270, %dma_start3A_271] : memref<10000x128xf32, #tpu.memory_space<vmem_shared>> -> memref<10000x128xf32, #tpu.memory_space<vmem_shared>>
        tpu.enqueue_indirect_dma source(%arg10 : memref<125x128xf32, #tpu.memory_space<vmem>>) target(%dma_start3A_272 : memref<10000x128xf32, #tpu.memory_space<vmem_shared>>) offsets(%dma_start3A_269 : memref<125xi32, #tpu.memory_space<vmem>>) semaphore(%run_scoped3A_266 : memref<!tpu.dma_semaphore, #tpu.memory_space<semaphore_mem>>) {add = true}
        %dma_wait3A_273 = arith.constant 0 : i32
        %dma_wait3A_274 = tpu.memref_slice %arg8[%run_scoped3A_92, %dma_wait3A_273] : memref<16x125xi32, #tpu.memory_space<vmem>> -> memref<1x125xi32, #tpu.memory_space<vmem>>
        %dma_wait3A_275 = tpu.memref_squeeze %dma_wait3A_274 : memref<1x125xi32, #tpu.memory_space<vmem>> -> memref<125xi32, #tpu.memory_space<vmem>>
        %dma_wait3A_276 = arith.constant 0 : i32
        %dma_wait3A_277 = arith.constant 0 : i32
        %dma_wait3A_278 = tpu.memref_slice %arg11[%dma_wait3A_276, %dma_wait3A_277] : memref<10000x128xf32, #tpu.memory_space<vmem_shared>> -> memref<10000x128xf32, #tpu.memory_space<vmem_shared>>
        tpu.wait_indirect_dma semaphore(%run_scoped3A_266 : memref<!tpu.dma_semaphore, #tpu.memory_space<semaphore_mem>>) src(%arg10 : memref<125x128xf32, #tpu.memory_space<vmem>>) dst(%dma_wait3A_278 : memref<10000x128xf32, #tpu.memory_space<vmem_shared>>)
        tpu.yield
      }) : () -> ()
      %dma_start3A_93 = arith.constant 5 : i32
      %dma_start3A_94 = arith.constant 0 : i32
      %dma_start3A_95 = tpu.memref_slice %arg7[%dma_start3A_93, %dma_start3A_94] : memref<16x125xi32, #tpu.memory_space<vmem>> -> memref<1x125xi32, #tpu.memory_space<vmem>>
      %dma_start3A_96 = tpu.memref_squeeze %dma_start3A_95 : memref<1x125xi32, #tpu.memory_space<vmem>> -> memref<125xi32, #tpu.memory_space<vmem>>
      %dma_start3A_97 = arith.constant 0 : i32
      %dma_start3A_98 = arith.constant 0 : i32
      %dma_start3A_99 = tpu.memref_slice %arg2[%dma_start3A_97, %dma_start3A_98] : memref<10000x128xf32, #tpu.memory_space<hbm>> -> memref<10000x128xf32, #tpu.memory_space<hbm>>
      tpu.enqueue_indirect_dma source(%dma_start3A_99 : memref<10000x128xf32, #tpu.memory_space<hbm>>) target(%arg10 : memref<125x128xf32, #tpu.memory_space<vmem>>) offsets(%dma_start3A_96 : memref<125xi32, #tpu.memory_space<vmem>>) semaphore(%arg13 : memref<!tpu.dma_semaphore, #tpu.memory_space<semaphore_mem>>)
      %dma_wait3A_100 = arith.constant 4 : i32
      %dma_wait3A_101 = arith.constant 0 : i32
      %dma_wait3A_102 = tpu.memref_slice %arg7[%dma_wait3A_100, %dma_wait3A_101] : memref<16x125xi32, #tpu.memory_space<vmem>> -> memref<1x125xi32, #tpu.memory_space<vmem>>
      %dma_wait3A_103 = tpu.memref_squeeze %dma_wait3A_102 : memref<1x125xi32, #tpu.memory_space<vmem>> -> memref<125xi32, #tpu.memory_space<vmem>>
      %dma_wait3A_104 = arith.constant 0 : i32
      %dma_wait3A_105 = arith.constant 0 : i32
      %dma_wait3A_106 = tpu.memref_slice %arg2[%dma_wait3A_104, %dma_wait3A_105] : memref<10000x128xf32, #tpu.memory_space<hbm>> -> memref<10000x128xf32, #tpu.memory_space<hbm>>
      tpu.wait_indirect_dma semaphore(%arg12 : memref<!tpu.dma_semaphore, #tpu.memory_space<semaphore_mem>>) src(%dma_wait3A_106 : memref<10000x128xf32, #tpu.memory_space<hbm>>) dst(%arg9 : memref<125x128xf32, #tpu.memory_space<vmem>>)
      %run_scoped3A_107 = arith.constant 4 : i32
      "tpu.region"() ({
        %run_scoped3A_266 = tpu.sem_alloc : memref<!tpu.dma_semaphore, #tpu.memory_space<semaphore_mem>>
        %dma_start3A_267 = arith.constant 0 : i32
        %dma_start3A_268 = tpu.memref_slice %arg8[%run_scoped3A_107, %dma_start3A_267] : memref<16x125xi32, #tpu.memory_space<vmem>> -> memref<1x125xi32, #tpu.memory_space<vmem>>
        %dma_start3A_269 = tpu.memref_squeeze %dma_start3A_268 : memref<1x125xi32, #tpu.memory_space<vmem>> -> memref<125xi32, #tpu.memory_space<vmem>>
        %dma_start3A_270 = arith.constant 0 : i32
        %dma_start3A_271 = arith.constant 0 : i32
        %dma_start3A_272 = tpu.memref_slice %arg11[%dma_start3A_270, %dma_start3A_271] : memref<10000x128xf32, #tpu.memory_space<vmem_shared>> -> memref<10000x128xf32, #tpu.memory_space<vmem_shared>>
        tpu.enqueue_indirect_dma source(%arg9 : memref<125x128xf32, #tpu.memory_space<vmem>>) target(%dma_start3A_272 : memref<10000x128xf32, #tpu.memory_space<vmem_shared>>) offsets(%dma_start3A_269 : memref<125xi32, #tpu.memory_space<vmem>>) semaphore(%run_scoped3A_266 : memref<!tpu.dma_semaphore, #tpu.memory_space<semaphore_mem>>) {add = true}
        %dma_wait3A_273 = arith.constant 0 : i32
        %dma_wait3A_274 = tpu.memref_slice %arg8[%run_scoped3A_107, %dma_wait3A_273] : memref<16x125xi32, #tpu.memory_space<vmem>> -> memref<1x125xi32, #tpu.memory_space<vmem>>
        %dma_wait3A_275 = tpu.memref_squeeze %dma_wait3A_274 : memref<1x125xi32, #tpu.memory_space<vmem>> -> memref<125xi32, #tpu.memory_space<vmem>>
        %dma_wait3A_276 = arith.constant 0 : i32
        %dma_wait3A_277 = arith.constant 0 : i32
        %dma_wait3A_278 = tpu.memref_slice %arg11[%dma_wait3A_276, %dma_wait3A_277] : memref<10000x128xf32, #tpu.memory_space<vmem_shared>> -> memref<10000x128xf32, #tpu.memory_space<vmem_shared>>
        tpu.wait_indirect_dma semaphore(%run_scoped3A_266 : memref<!tpu.dma_semaphore, #tpu.memory_space<semaphore_mem>>) src(%arg9 : memref<125x128xf32, #tpu.memory_space<vmem>>) dst(%dma_wait3A_278 : memref<10000x128xf32, #tpu.memory_space<vmem_shared>>)
        tpu.yield
      }) : () -> ()
      %dma_start3A_108 = arith.constant 6 : i32
      %dma_start3A_109 = arith.constant 0 : i32
      %dma_start3A_110 = tpu.memref_slice %arg7[%dma_start3A_108, %dma_start3A_109] : memref<16x125xi32, #tpu.memory_space<vmem>> -> memref<1x125xi32, #tpu.memory_space<vmem>>
      %dma_start3A_111 = tpu.memref_squeeze %dma_start3A_110 : memref<1x125xi32, #tpu.memory_space<vmem>> -> memref<125xi32, #tpu.memory_space<vmem>>
      %dma_start3A_112 = arith.constant 0 : i32
      %dma_start3A_113 = arith.constant 0 : i32
      %dma_start3A_114 = tpu.memref_slice %arg2[%dma_start3A_112, %dma_start3A_113] : memref<10000x128xf32, #tpu.memory_space<hbm>> -> memref<10000x128xf32, #tpu.memory_space<hbm>>
      tpu.enqueue_indirect_dma source(%dma_start3A_114 : memref<10000x128xf32, #tpu.memory_space<hbm>>) target(%arg9 : memref<125x128xf32, #tpu.memory_space<vmem>>) offsets(%dma_start3A_111 : memref<125xi32, #tpu.memory_space<vmem>>) semaphore(%arg12 : memref<!tpu.dma_semaphore, #tpu.memory_space<semaphore_mem>>)
      %dma_wait3A_115 = arith.constant 5 : i32
      %dma_wait3A_116 = arith.constant 0 : i32
      %dma_wait3A_117 = tpu.memref_slice %arg7[%dma_wait3A_115, %dma_wait3A_116] : memref<16x125xi32, #tpu.memory_space<vmem>> -> memref<1x125xi32, #tpu.memory_space<vmem>>
      %dma_wait3A_118 = tpu.memref_squeeze %dma_wait3A_117 : memref<1x125xi32, #tpu.memory_space<vmem>> -> memref<125xi32, #tpu.memory_space<vmem>>
      %dma_wait3A_119 = arith.constant 0 : i32
      %dma_wait3A_120 = arith.constant 0 : i32
      %dma_wait3A_121 = tpu.memref_slice %arg2[%dma_wait3A_119, %dma_wait3A_120] : memref<10000x128xf32, #tpu.memory_space<hbm>> -> memref<10000x128xf32, #tpu.memory_space<hbm>>
      tpu.wait_indirect_dma semaphore(%arg13 : memref<!tpu.dma_semaphore, #tpu.memory_space<semaphore_mem>>) src(%dma_wait3A_121 : memref<10000x128xf32, #tpu.memory_space<hbm>>) dst(%arg10 : memref<125x128xf32, #tpu.memory_space<vmem>>)
      %run_scoped3A_122 = arith.constant 5 : i32
      "tpu.region"() ({
        %run_scoped3A_266 = tpu.sem_alloc : memref<!tpu.dma_semaphore, #tpu.memory_space<semaphore_mem>>
        %dma_start3A_267 = arith.constant 0 : i32
        %dma_start3A_268 = tpu.memref_slice %arg8[%run_scoped3A_122, %dma_start3A_267] : memref<16x125xi32, #tpu.memory_space<vmem>> -> memref<1x125xi32, #tpu.memory_space<vmem>>
        %dma_start3A_269 = tpu.memref_squeeze %dma_start3A_268 : memref<1x125xi32, #tpu.memory_space<vmem>> -> memref<125xi32, #tpu.memory_space<vmem>>
        %dma_start3A_270 = arith.constant 0 : i32
        %dma_start3A_271 = arith.constant 0 : i32
        %dma_start3A_272 = tpu.memref_slice %arg11[%dma_start3A_270, %dma_start3A_271] : memref<10000x128xf32, #tpu.memory_space<vmem_shared>> -> memref<10000x128xf32, #tpu.memory_space<vmem_shared>>
        tpu.enqueue_indirect_dma source(%arg10 : memref<125x128xf32, #tpu.memory_space<vmem>>) target(%dma_start3A_272 : memref<10000x128xf32, #tpu.memory_space<vmem_shared>>) offsets(%dma_start3A_269 : memref<125xi32, #tpu.memory_space<vmem>>) semaphore(%run_scoped3A_266 : memref<!tpu.dma_semaphore, #tpu.memory_space<semaphore_mem>>) {add = true}
        %dma_wait3A_273 = arith.constant 0 : i32
        %dma_wait3A_274 = tpu.memref_slice %arg8[%run_scoped3A_122, %dma_wait3A_273] : memref<16x125xi32, #tpu.memory_space<vmem>> -> memref<1x125xi32, #tpu.memory_space<vmem>>
        %dma_wait3A_275 = tpu.memref_squeeze %dma_wait3A_274 : memref<1x125xi32, #tpu.memory_space<vmem>> -> memref<125xi32, #tpu.memory_space<vmem>>
        %dma_wait3A_276 = arith.constant 0 : i32
        %dma_wait3A_277 = arith.constant 0 : i32
        %dma_wait3A_278 = tpu.memref_slice %arg11[%dma_wait3A_276, %dma_wait3A_277] : memref<10000x128xf32, #tpu.memory_space<vmem_shared>> -> memref<10000x128xf32, #tpu.memory_space<vmem_shared>>
        tpu.wait_indirect_dma semaphore(%run_scoped3A_266 : memref<!tpu.dma_semaphore, #tpu.memory_space<semaphore_mem>>) src(%arg10 : memref<125x128xf32, #tpu.memory_space<vmem>>) dst(%dma_wait3A_278 : memref<10000x128xf32, #tpu.memory_space<vmem_shared>>)
        tpu.yield
      }) : () -> ()
      %dma_start3A_123 = arith.constant 7 : i32
      %dma_start3A_124 = arith.constant 0 : i32
      %dma_start3A_125 = tpu.memref_slice %arg7[%dma_start3A_123, %dma_start3A_124] : memref<16x125xi32, #tpu.memory_space<vmem>> -> memref<1x125xi32, #tpu.memory_space<vmem>>
      %dma_start3A_126 = tpu.memref_squeeze %dma_start3A_125 : memref<1x125xi32, #tpu.memory_space<vmem>> -> memref<125xi32, #tpu.memory_space<vmem>>
      %dma_start3A_127 = arith.constant 0 : i32
      %dma_start3A_128 = arith.constant 0 : i32
      %dma_start3A_129 = tpu.memref_slice %arg2[%dma_start3A_127, %dma_start3A_128] : memref<10000x128xf32, #tpu.memory_space<hbm>> -> memref<10000x128xf32, #tpu.memory_space<hbm>>
      tpu.enqueue_indirect_dma source(%dma_start3A_129 : memref<10000x128xf32, #tpu.memory_space<hbm>>) target(%arg10 : memref<125x128xf32, #tpu.memory_space<vmem>>) offsets(%dma_start3A_126 : memref<125xi32, #tpu.memory_space<vmem>>) semaphore(%arg13 : memref<!tpu.dma_semaphore, #tpu.memory_space<semaphore_mem>>)
      %dma_wait3A_130 = arith.constant 6 : i32
      %dma_wait3A_131 = arith.constant 0 : i32
      %dma_wait3A_132 = tpu.memref_slice %arg7[%dma_wait3A_130, %dma_wait3A_131] : memref<16x125xi32, #tpu.memory_space<vmem>> -> memref<1x125xi32, #tpu.memory_space<vmem>>
      %dma_wait3A_133 = tpu.memref_squeeze %dma_wait3A_132 : memref<1x125xi32, #tpu.memory_space<vmem>> -> memref<125xi32, #tpu.memory_space<vmem>>
      %dma_wait3A_134 = arith.constant 0 : i32
      %dma_wait3A_135 = arith.constant 0 : i32
      %dma_wait3A_136 = tpu.memref_slice %arg2[%dma_wait3A_134, %dma_wait3A_135] : memref<10000x128xf32, #tpu.memory_space<hbm>> -> memref<10000x128xf32, #tpu.memory_space<hbm>>
      tpu.wait_indirect_dma semaphore(%arg12 : memref<!tpu.dma_semaphore, #tpu.memory_space<semaphore_mem>>) src(%dma_wait3A_136 : memref<10000x128xf32, #tpu.memory_space<hbm>>) dst(%arg9 : memref<125x128xf32, #tpu.memory_space<vmem>>)
      %run_scoped3A_137 = arith.constant 6 : i32
      "tpu.region"() ({
        %run_scoped3A_266 = tpu.sem_alloc : memref<!tpu.dma_semaphore, #tpu.memory_space<semaphore_mem>>
        %dma_start3A_267 = arith.constant 0 : i32
        %dma_start3A_268 = tpu.memref_slice %arg8[%run_scoped3A_137, %dma_start3A_267] : memref<16x125xi32, #tpu.memory_space<vmem>> -> memref<1x125xi32, #tpu.memory_space<vmem>>
        %dma_start3A_269 = tpu.memref_squeeze %dma_start3A_268 : memref<1x125xi32, #tpu.memory_space<vmem>> -> memref<125xi32, #tpu.memory_space<vmem>>
        %dma_start3A_270 = arith.constant 0 : i32
        %dma_start3A_271 = arith.constant 0 : i32
        %dma_start3A_272 = tpu.memref_slice %arg11[%dma_start3A_270, %dma_start3A_271] : memref<10000x128xf32, #tpu.memory_space<vmem_shared>> -> memref<10000x128xf32, #tpu.memory_space<vmem_shared>>
        tpu.enqueue_indirect_dma source(%arg9 : memref<125x128xf32, #tpu.memory_space<vmem>>) target(%dma_start3A_272 : memref<10000x128xf32, #tpu.memory_space<vmem_shared>>) offsets(%dma_start3A_269 : memref<125xi32, #tpu.memory_space<vmem>>) semaphore(%run_scoped3A_266 : memref<!tpu.dma_semaphore, #tpu.memory_space<semaphore_mem>>) {add = true}
        %dma_wait3A_273 = arith.constant 0 : i32
        %dma_wait3A_274 = tpu.memref_slice %arg8[%run_scoped3A_137, %dma_wait3A_273] : memref<16x125xi32, #tpu.memory_space<vmem>> -> memref<1x125xi32, #tpu.memory_space<vmem>>
        %dma_wait3A_275 = tpu.memref_squeeze %dma_wait3A_274 : memref<1x125xi32, #tpu.memory_space<vmem>> -> memref<125xi32, #tpu.memory_space<vmem>>
        %dma_wait3A_276 = arith.constant 0 : i32
        %dma_wait3A_277 = arith.constant 0 : i32
        %dma_wait3A_278 = tpu.memref_slice %arg11[%dma_wait3A_276, %dma_wait3A_277] : memref<10000x128xf32, #tpu.memory_space<vmem_shared>> -> memref<10000x128xf32, #tpu.memory_space<vmem_shared>>
        tpu.wait_indirect_dma semaphore(%run_scoped3A_266 : memref<!tpu.dma_semaphore, #tpu.memory_space<semaphore_mem>>) src(%arg9 : memref<125x128xf32, #tpu.memory_space<vmem>>) dst(%dma_wait3A_278 : memref<10000x128xf32, #tpu.memory_space<vmem_shared>>)
        tpu.yield
      }) : () -> ()
      %dma_start3A_138 = arith.constant 8 : i32
      %dma_start3A_139 = arith.constant 0 : i32
      %dma_start3A_140 = tpu.memref_slice %arg7[%dma_start3A_138, %dma_start3A_139] : memref<16x125xi32, #tpu.memory_space<vmem>> -> memref<1x125xi32, #tpu.memory_space<vmem>>
      %dma_start3A_141 = tpu.memref_squeeze %dma_start3A_140 : memref<1x125xi32, #tpu.memory_space<vmem>> -> memref<125xi32, #tpu.memory_space<vmem>>
      %dma_start3A_142 = arith.constant 0 : i32
      %dma_start3A_143 = arith.constant 0 : i32
      %dma_start3A_144 = tpu.memref_slice %arg2[%dma_start3A_142, %dma_start3A_143] : memref<10000x128xf32, #tpu.memory_space<hbm>> -> memref<10000x128xf32, #tpu.memory_space<hbm>>
      tpu.enqueue_indirect_dma source(%dma_start3A_144 : memref<10000x128xf32, #tpu.memory_space<hbm>>) target(%arg9 : memref<125x128xf32, #tpu.memory_space<vmem>>) offsets(%dma_start3A_141 : memref<125xi32, #tpu.memory_space<vmem>>) semaphore(%arg12 : memref<!tpu.dma_semaphore, #tpu.memory_space<semaphore_mem>>)
      %dma_wait3A_145 = arith.constant 7 : i32
      %dma_wait3A_146 = arith.constant 0 : i32
      %dma_wait3A_147 = tpu.memref_slice %arg7[%dma_wait3A_145, %dma_wait3A_146] : memref<16x125xi32, #tpu.memory_space<vmem>> -> memref<1x125xi32, #tpu.memory_space<vmem>>
      %dma_wait3A_148 = tpu.memref_squeeze %dma_wait3A_147 : memref<1x125xi32, #tpu.memory_space<vmem>> -> memref<125xi32, #tpu.memory_space<vmem>>
      %dma_wait3A_149 = arith.constant 0 : i32
      %dma_wait3A_150 = arith.constant 0 : i32
      %dma_wait3A_151 = tpu.memref_slice %arg2[%dma_wait3A_149, %dma_wait3A_150] : memref<10000x128xf32, #tpu.memory_space<hbm>> -> memref<10000x128xf32, #tpu.memory_space<hbm>>
      tpu.wait_indirect_dma semaphore(%arg13 : memref<!tpu.dma_semaphore, #tpu.memory_space<semaphore_mem>>) src(%dma_wait3A_151 : memref<10000x128xf32, #tpu.memory_space<hbm>>) dst(%arg10 : memref<125x128xf32, #tpu.memory_space<vmem>>)
      %run_scoped3A_152 = arith.constant 7 : i32
      "tpu.region"() ({
        %run_scoped3A_266 = tpu.sem_alloc : memref<!tpu.dma_semaphore, #tpu.memory_space<semaphore_mem>>
        %dma_start3A_267 = arith.constant 0 : i32
        %dma_start3A_268 = tpu.memref_slice %arg8[%run_scoped3A_152, %dma_start3A_267] : memref<16x125xi32, #tpu.memory_space<vmem>> -> memref<1x125xi32, #tpu.memory_space<vmem>>
        %dma_start3A_269 = tpu.memref_squeeze %dma_start3A_268 : memref<1x125xi32, #tpu.memory_space<vmem>> -> memref<125xi32, #tpu.memory_space<vmem>>
        %dma_start3A_270 = arith.constant 0 : i32
        %dma_start3A_271 = arith.constant 0 : i32
        %dma_start3A_272 = tpu.memref_slice %arg11[%dma_start3A_270, %dma_start3A_271] : memref<10000x128xf32, #tpu.memory_space<vmem_shared>> -> memref<10000x128xf32, #tpu.memory_space<vmem_shared>>
        tpu.enqueue_indirect_dma source(%arg10 : memref<125x128xf32, #tpu.memory_space<vmem>>) target(%dma_start3A_272 : memref<10000x128xf32, #tpu.memory_space<vmem_shared>>) offsets(%dma_start3A_269 : memref<125xi32, #tpu.memory_space<vmem>>) semaphore(%run_scoped3A_266 : memref<!tpu.dma_semaphore, #tpu.memory_space<semaphore_mem>>) {add = true}
        %dma_wait3A_273 = arith.constant 0 : i32
        %dma_wait3A_274 = tpu.memref_slice %arg8[%run_scoped3A_152, %dma_wait3A_273] : memref<16x125xi32, #tpu.memory_space<vmem>> -> memref<1x125xi32, #tpu.memory_space<vmem>>
        %dma_wait3A_275 = tpu.memref_squeeze %dma_wait3A_274 : memref<1x125xi32, #tpu.memory_space<vmem>> -> memref<125xi32, #tpu.memory_space<vmem>>
        %dma_wait3A_276 = arith.constant 0 : i32
        %dma_wait3A_277 = arith.constant 0 : i32
        %dma_wait3A_278 = tpu.memref_slice %arg11[%dma_wait3A_276, %dma_wait3A_277] : memref<10000x128xf32, #tpu.memory_space<vmem_shared>> -> memref<10000x128xf32, #tpu.memory_space<vmem_shared>>
        tpu.wait_indirect_dma semaphore(%run_scoped3A_266 : memref<!tpu.dma_semaphore, #tpu.memory_space<semaphore_mem>>) src(%arg10 : memref<125x128xf32, #tpu.memory_space<vmem>>) dst(%dma_wait3A_278 : memref<10000x128xf32, #tpu.memory_space<vmem_shared>>)
        tpu.yield
      }) : () -> ()
      %dma_start3A_153 = arith.constant 9 : i32
      %dma_start3A_154 = arith.constant 0 : i32
      %dma_start3A_155 = tpu.memref_slice %arg7[%dma_start3A_153, %dma_start3A_154] : memref<16x125xi32, #tpu.memory_space<vmem>> -> memref<1x125xi32, #tpu.memory_space<vmem>>
      %dma_start3A_156 = tpu.memref_squeeze %dma_start3A_155 : memref<1x125xi32, #tpu.memory_space<vmem>> -> memref<125xi32, #tpu.memory_space<vmem>>
      %dma_start3A_157 = arith.constant 0 : i32
      %dma_start3A_158 = arith.constant 0 : i32
      %dma_start3A_159 = tpu.memref_slice %arg2[%dma_start3A_157, %dma_start3A_158] : memref<10000x128xf32, #tpu.memory_space<hbm>> -> memref<10000x128xf32, #tpu.memory_space<hbm>>
      tpu.enqueue_indirect_dma source(%dma_start3A_159 : memref<10000x128xf32, #tpu.memory_space<hbm>>) target(%arg10 : memref<125x128xf32, #tpu.memory_space<vmem>>) offsets(%dma_start3A_156 : memref<125xi32, #tpu.memory_space<vmem>>) semaphore(%arg13 : memref<!tpu.dma_semaphore, #tpu.memory_space<semaphore_mem>>)
      %dma_wait3A_160 = arith.constant 8 : i32
      %dma_wait3A_161 = arith.constant 0 : i32
      %dma_wait3A_162 = tpu.memref_slice %arg7[%dma_wait3A_160, %dma_wait3A_161] : memref<16x125xi32, #tpu.memory_space<vmem>> -> memref<1x125xi32, #tpu.memory_space<vmem>>
      %dma_wait3A_163 = tpu.memref_squeeze %dma_wait3A_162 : memref<1x125xi32, #tpu.memory_space<vmem>> -> memref<125xi32, #tpu.memory_space<vmem>>
      %dma_wait3A_164 = arith.constant 0 : i32
      %dma_wait3A_165 = arith.constant 0 : i32
      %dma_wait3A_166 = tpu.memref_slice %arg2[%dma_wait3A_164, %dma_wait3A_165] : memref<10000x128xf32, #tpu.memory_space<hbm>> -> memref<10000x128xf32, #tpu.memory_space<hbm>>
      tpu.wait_indirect_dma semaphore(%arg12 : memref<!tpu.dma_semaphore, #tpu.memory_space<semaphore_mem>>) src(%dma_wait3A_166 : memref<10000x128xf32, #tpu.memory_space<hbm>>) dst(%arg9 : memref<125x128xf32, #tpu.memory_space<vmem>>)
      %run_scoped3A_167 = arith.constant 8 : i32
      "tpu.region"() ({
        %run_scoped3A_266 = tpu.sem_alloc : memref<!tpu.dma_semaphore, #tpu.memory_space<semaphore_mem>>
        %dma_start3A_267 = arith.constant 0 : i32
        %dma_start3A_268 = tpu.memref_slice %arg8[%run_scoped3A_167, %dma_start3A_267] : memref<16x125xi32, #tpu.memory_space<vmem>> -> memref<1x125xi32, #tpu.memory_space<vmem>>
        %dma_start3A_269 = tpu.memref_squeeze %dma_start3A_268 : memref<1x125xi32, #tpu.memory_space<vmem>> -> memref<125xi32, #tpu.memory_space<vmem>>
        %dma_start3A_270 = arith.constant 0 : i32
        %dma_start3A_271 = arith.constant 0 : i32
        %dma_start3A_272 = tpu.memref_slice %arg11[%dma_start3A_270, %dma_start3A_271] : memref<10000x128xf32, #tpu.memory_space<vmem_shared>> -> memref<10000x128xf32, #tpu.memory_space<vmem_shared>>
        tpu.enqueue_indirect_dma source(%arg9 : memref<125x128xf32, #tpu.memory_space<vmem>>) target(%dma_start3A_272 : memref<10000x128xf32, #tpu.memory_space<vmem_shared>>) offsets(%dma_start3A_269 : memref<125xi32, #tpu.memory_space<vmem>>) semaphore(%run_scoped3A_266 : memref<!tpu.dma_semaphore, #tpu.memory_space<semaphore_mem>>) {add = true}
        %dma_wait3A_273 = arith.constant 0 : i32
        %dma_wait3A_274 = tpu.memref_slice %arg8[%run_scoped3A_167, %dma_wait3A_273] : memref<16x125xi32, #tpu.memory_space<vmem>> -> memref<1x125xi32, #tpu.memory_space<vmem>>
        %dma_wait3A_275 = tpu.memref_squeeze %dma_wait3A_274 : memref<1x125xi32, #tpu.memory_space<vmem>> -> memref<125xi32, #tpu.memory_space<vmem>>
        %dma_wait3A_276 = arith.constant 0 : i32
        %dma_wait3A_277 = arith.constant 0 : i32
        %dma_wait3A_278 = tpu.memref_slice %arg11[%dma_wait3A_276, %dma_wait3A_277] : memref<10000x128xf32, #tpu.memory_space<vmem_shared>> -> memref<10000x128xf32, #tpu.memory_space<vmem_shared>>
        tpu.wait_indirect_dma semaphore(%run_scoped3A_266 : memref<!tpu.dma_semaphore, #tpu.memory_space<semaphore_mem>>) src(%arg9 : memref<125x128xf32, #tpu.memory_space<vmem>>) dst(%dma_wait3A_278 : memref<10000x128xf32, #tpu.memory_space<vmem_shared>>)
        tpu.yield
      }) : () -> ()
      %dma_start3A_168 = arith.constant 10 : i32
      %dma_start3A_169 = arith.constant 0 : i32
      %dma_start3A_170 = tpu.memref_slice %arg7[%dma_start3A_168, %dma_start3A_169] : memref<16x125xi32, #tpu.memory_space<vmem>> -> memref<1x125xi32, #tpu.memory_space<vmem>>
      %dma_start3A_171 = tpu.memref_squeeze %dma_start3A_170 : memref<1x125xi32, #tpu.memory_space<vmem>> -> memref<125xi32, #tpu.memory_space<vmem>>
      %dma_start3A_172 = arith.constant 0 : i32
      %dma_start3A_173 = arith.constant 0 : i32
      %dma_start3A_174 = tpu.memref_slice %arg2[%dma_start3A_172, %dma_start3A_173] : memref<10000x128xf32, #tpu.memory_space<hbm>> -> memref<10000x128xf32, #tpu.memory_space<hbm>>
      tpu.enqueue_indirect_dma source(%dma_start3A_174 : memref<10000x128xf32, #tpu.memory_space<hbm>>) target(%arg9 : memref<125x128xf32, #tpu.memory_space<vmem>>) offsets(%dma_start3A_171 : memref<125xi32, #tpu.memory_space<vmem>>) semaphore(%arg12 : memref<!tpu.dma_semaphore, #tpu.memory_space<semaphore_mem>>)
      %dma_wait3A_175 = arith.constant 9 : i32
      %dma_wait3A_176 = arith.constant 0 : i32
      %dma_wait3A_177 = tpu.memref_slice %arg7[%dma_wait3A_175, %dma_wait3A_176] : memref<16x125xi32, #tpu.memory_space<vmem>> -> memref<1x125xi32, #tpu.memory_space<vmem>>
      %dma_wait3A_178 = tpu.memref_squeeze %dma_wait3A_177 : memref<1x125xi32, #tpu.memory_space<vmem>> -> memref<125xi32, #tpu.memory_space<vmem>>
      %dma_wait3A_179 = arith.constant 0 : i32
      %dma_wait3A_180 = arith.constant 0 : i32
      %dma_wait3A_181 = tpu.memref_slice %arg2[%dma_wait3A_179, %dma_wait3A_180] : memref<10000x128xf32, #tpu.memory_space<hbm>> -> memref<10000x128xf32, #tpu.memory_space<hbm>>
      tpu.wait_indirect_dma semaphore(%arg13 : memref<!tpu.dma_semaphore, #tpu.memory_space<semaphore_mem>>) src(%dma_wait3A_181 : memref<10000x128xf32, #tpu.memory_space<hbm>>) dst(%arg10 : memref<125x128xf32, #tpu.memory_space<vmem>>)
      %run_scoped3A_182 = arith.constant 9 : i32
      "tpu.region"() ({
        %run_scoped3A_266 = tpu.sem_alloc : memref<!tpu.dma_semaphore, #tpu.memory_space<semaphore_mem>>
        %dma_start3A_267 = arith.constant 0 : i32
        %dma_start3A_268 = tpu.memref_slice %arg8[%run_scoped3A_182, %dma_start3A_267] : memref<16x125xi32, #tpu.memory_space<vmem>> -> memref<1x125xi32, #tpu.memory_space<vmem>>
        %dma_start3A_269 = tpu.memref_squeeze %dma_start3A_268 : memref<1x125xi32, #tpu.memory_space<vmem>> -> memref<125xi32, #tpu.memory_space<vmem>>
        %dma_start3A_270 = arith.constant 0 : i32
        %dma_start3A_271 = arith.constant 0 : i32
        %dma_start3A_272 = tpu.memref_slice %arg11[%dma_start3A_270, %dma_start3A_271] : memref<10000x128xf32, #tpu.memory_space<vmem_shared>> -> memref<10000x128xf32, #tpu.memory_space<vmem_shared>>
        tpu.enqueue_indirect_dma source(%arg10 : memref<125x128xf32, #tpu.memory_space<vmem>>) target(%dma_start3A_272 : memref<10000x128xf32, #tpu.memory_space<vmem_shared>>) offsets(%dma_start3A_269 : memref<125xi32, #tpu.memory_space<vmem>>) semaphore(%run_scoped3A_266 : memref<!tpu.dma_semaphore, #tpu.memory_space<semaphore_mem>>) {add = true}
        %dma_wait3A_273 = arith.constant 0 : i32
        %dma_wait3A_274 = tpu.memref_slice %arg8[%run_scoped3A_182, %dma_wait3A_273] : memref<16x125xi32, #tpu.memory_space<vmem>> -> memref<1x125xi32, #tpu.memory_space<vmem>>
        %dma_wait3A_275 = tpu.memref_squeeze %dma_wait3A_274 : memref<1x125xi32, #tpu.memory_space<vmem>> -> memref<125xi32, #tpu.memory_space<vmem>>
        %dma_wait3A_276 = arith.constant 0 : i32
        %dma_wait3A_277 = arith.constant 0 : i32
        %dma_wait3A_278 = tpu.memref_slice %arg11[%dma_wait3A_276, %dma_wait3A_277] : memref<10000x128xf32, #tpu.memory_space<vmem_shared>> -> memref<10000x128xf32, #tpu.memory_space<vmem_shared>>
        tpu.wait_indirect_dma semaphore(%run_scoped3A_266 : memref<!tpu.dma_semaphore, #tpu.memory_space<semaphore_mem>>) src(%arg10 : memref<125x128xf32, #tpu.memory_space<vmem>>) dst(%dma_wait3A_278 : memref<10000x128xf32, #tpu.memory_space<vmem_shared>>)
        tpu.yield
      }) : () -> ()
      %dma_start3A_183 = arith.constant 11 : i32
      %dma_start3A_184 = arith.constant 0 : i32
      %dma_start3A_185 = tpu.memref_slice %arg7[%dma_start3A_183, %dma_start3A_184] : memref<16x125xi32, #tpu.memory_space<vmem>> -> memref<1x125xi32, #tpu.memory_space<vmem>>
      %dma_start3A_186 = tpu.memref_squeeze %dma_start3A_185 : memref<1x125xi32, #tpu.memory_space<vmem>> -> memref<125xi32, #tpu.memory_space<vmem>>
      %dma_start3A_187 = arith.constant 0 : i32
      %dma_start3A_188 = arith.constant 0 : i32
      %dma_start3A_189 = tpu.memref_slice %arg2[%dma_start3A_187, %dma_start3A_188] : memref<10000x128xf32, #tpu.memory_space<hbm>> -> memref<10000x128xf32, #tpu.memory_space<hbm>>
      tpu.enqueue_indirect_dma source(%dma_start3A_189 : memref<10000x128xf32, #tpu.memory_space<hbm>>) target(%arg10 : memref<125x128xf32, #tpu.memory_space<vmem>>) offsets(%dma_start3A_186 : memref<125xi32, #tpu.memory_space<vmem>>) semaphore(%arg13 : memref<!tpu.dma_semaphore, #tpu.memory_space<semaphore_mem>>)
      %dma_wait3A_190 = arith.constant 10 : i32
      %dma_wait3A_191 = arith.constant 0 : i32
      %dma_wait3A_192 = tpu.memref_slice %arg7[%dma_wait3A_190, %dma_wait3A_191] : memref<16x125xi32, #tpu.memory_space<vmem>> -> memref<1x125xi32, #tpu.memory_space<vmem>>
      %dma_wait3A_193 = tpu.memref_squeeze %dma_wait3A_192 : memref<1x125xi32, #tpu.memory_space<vmem>> -> memref<125xi32, #tpu.memory_space<vmem>>
      %dma_wait3A_194 = arith.constant 0 : i32
      %dma_wait3A_195 = arith.constant 0 : i32
      %dma_wait3A_196 = tpu.memref_slice %arg2[%dma_wait3A_194, %dma_wait3A_195] : memref<10000x128xf32, #tpu.memory_space<hbm>> -> memref<10000x128xf32, #tpu.memory_space<hbm>>
      tpu.wait_indirect_dma semaphore(%arg12 : memref<!tpu.dma_semaphore, #tpu.memory_space<semaphore_mem>>) src(%dma_wait3A_196 : memref<10000x128xf32, #tpu.memory_space<hbm>>) dst(%arg9 : memref<125x128xf32, #tpu.memory_space<vmem>>)
      %run_scoped3A_197 = arith.constant 10 : i32
      "tpu.region"() ({
        %run_scoped3A_266 = tpu.sem_alloc : memref<!tpu.dma_semaphore, #tpu.memory_space<semaphore_mem>>
        %dma_start3A_267 = arith.constant 0 : i32
        %dma_start3A_268 = tpu.memref_slice %arg8[%run_scoped3A_197, %dma_start3A_267] : memref<16x125xi32, #tpu.memory_space<vmem>> -> memref<1x125xi32, #tpu.memory_space<vmem>>
        %dma_start3A_269 = tpu.memref_squeeze %dma_start3A_268 : memref<1x125xi32, #tpu.memory_space<vmem>> -> memref<125xi32, #tpu.memory_space<vmem>>
        %dma_start3A_270 = arith.constant 0 : i32
        %dma_start3A_271 = arith.constant 0 : i32
        %dma_start3A_272 = tpu.memref_slice %arg11[%dma_start3A_270, %dma_start3A_271] : memref<10000x128xf32, #tpu.memory_space<vmem_shared>> -> memref<10000x128xf32, #tpu.memory_space<vmem_shared>>
        tpu.enqueue_indirect_dma source(%arg9 : memref<125x128xf32, #tpu.memory_space<vmem>>) target(%dma_start3A_272 : memref<10000x128xf32, #tpu.memory_space<vmem_shared>>) offsets(%dma_start3A_269 : memref<125xi32, #tpu.memory_space<vmem>>) semaphore(%run_scoped3A_266 : memref<!tpu.dma_semaphore, #tpu.memory_space<semaphore_mem>>) {add = true}
        %dma_wait3A_273 = arith.constant 0 : i32
        %dma_wait3A_274 = tpu.memref_slice %arg8[%run_scoped3A_197, %dma_wait3A_273] : memref<16x125xi32, #tpu.memory_space<vmem>> -> memref<1x125xi32, #tpu.memory_space<vmem>>
        %dma_wait3A_275 = tpu.memref_squeeze %dma_wait3A_274 : memref<1x125xi32, #tpu.memory_space<vmem>> -> memref<125xi32, #tpu.memory_space<vmem>>
        %dma_wait3A_276 = arith.constant 0 : i32
        %dma_wait3A_277 = arith.constant 0 : i32
        %dma_wait3A_278 = tpu.memref_slice %arg11[%dma_wait3A_276, %dma_wait3A_277] : memref<10000x128xf32, #tpu.memory_space<vmem_shared>> -> memref<10000x128xf32, #tpu.memory_space<vmem_shared>>
        tpu.wait_indirect_dma semaphore(%run_scoped3A_266 : memref<!tpu.dma_semaphore, #tpu.memory_space<semaphore_mem>>) src(%arg9 : memref<125x128xf32, #tpu.memory_space<vmem>>) dst(%dma_wait3A_278 : memref<10000x128xf32, #tpu.memory_space<vmem_shared>>)
        tpu.yield
      }) : () -> ()
      %dma_start3A_198 = arith.constant 12 : i32
      %dma_start3A_199 = arith.constant 0 : i32
      %dma_start3A_200 = tpu.memref_slice %arg7[%dma_start3A_198, %dma_start3A_199] : memref<16x125xi32, #tpu.memory_space<vmem>> -> memref<1x125xi32, #tpu.memory_space<vmem>>
      %dma_start3A_201 = tpu.memref_squeeze %dma_start3A_200 : memref<1x125xi32, #tpu.memory_space<vmem>> -> memref<125xi32, #tpu.memory_space<vmem>>
      %dma_start3A_202 = arith.constant 0 : i32
      %dma_start3A_203 = arith.constant 0 : i32
      %dma_start3A_204 = tpu.memref_slice %arg2[%dma_start3A_202, %dma_start3A_203] : memref<10000x128xf32, #tpu.memory_space<hbm>> -> memref<10000x128xf32, #tpu.memory_space<hbm>>
      tpu.enqueue_indirect_dma source(%dma_start3A_204 : memref<10000x128xf32, #tpu.memory_space<hbm>>) target(%arg9 : memref<125x128xf32, #tpu.memory_space<vmem>>) offsets(%dma_start3A_201 : memref<125xi32, #tpu.memory_space<vmem>>) semaphore(%arg12 : memref<!tpu.dma_semaphore, #tpu.memory_space<semaphore_mem>>)
      %dma_wait3A_205 = arith.constant 11 : i32
      %dma_wait3A_206 = arith.constant 0 : i32
      %dma_wait3A_207 = tpu.memref_slice %arg7[%dma_wait3A_205, %dma_wait3A_206] : memref<16x125xi32, #tpu.memory_space<vmem>> -> memref<1x125xi32, #tpu.memory_space<vmem>>
      %dma_wait3A_208 = tpu.memref_squeeze %dma_wait3A_207 : memref<1x125xi32, #tpu.memory_space<vmem>> -> memref<125xi32, #tpu.memory_space<vmem>>
      %dma_wait3A_209 = arith.constant 0 : i32
      %dma_wait3A_210 = arith.constant 0 : i32
      %dma_wait3A_211 = tpu.memref_slice %arg2[%dma_wait3A_209, %dma_wait3A_210] : memref<10000x128xf32, #tpu.memory_space<hbm>> -> memref<10000x128xf32, #tpu.memory_space<hbm>>
      tpu.wait_indirect_dma semaphore(%arg13 : memref<!tpu.dma_semaphore, #tpu.memory_space<semaphore_mem>>) src(%dma_wait3A_211 : memref<10000x128xf32, #tpu.memory_space<hbm>>) dst(%arg10 : memref<125x128xf32, #tpu.memory_space<vmem>>)
      %run_scoped3A_212 = arith.constant 11 : i32
      "tpu.region"() ({
        %run_scoped3A_266 = tpu.sem_alloc : memref<!tpu.dma_semaphore, #tpu.memory_space<semaphore_mem>>
        %dma_start3A_267 = arith.constant 0 : i32
        %dma_start3A_268 = tpu.memref_slice %arg8[%run_scoped3A_212, %dma_start3A_267] : memref<16x125xi32, #tpu.memory_space<vmem>> -> memref<1x125xi32, #tpu.memory_space<vmem>>
        %dma_start3A_269 = tpu.memref_squeeze %dma_start3A_268 : memref<1x125xi32, #tpu.memory_space<vmem>> -> memref<125xi32, #tpu.memory_space<vmem>>
        %dma_start3A_270 = arith.constant 0 : i32
        %dma_start3A_271 = arith.constant 0 : i32
        %dma_start3A_272 = tpu.memref_slice %arg11[%dma_start3A_270, %dma_start3A_271] : memref<10000x128xf32, #tpu.memory_space<vmem_shared>> -> memref<10000x128xf32, #tpu.memory_space<vmem_shared>>
        tpu.enqueue_indirect_dma source(%arg10 : memref<125x128xf32, #tpu.memory_space<vmem>>) target(%dma_start3A_272 : memref<10000x128xf32, #tpu.memory_space<vmem_shared>>) offsets(%dma_start3A_269 : memref<125xi32, #tpu.memory_space<vmem>>) semaphore(%run_scoped3A_266 : memref<!tpu.dma_semaphore, #tpu.memory_space<semaphore_mem>>) {add = true}
        %dma_wait3A_273 = arith.constant 0 : i32
        %dma_wait3A_274 = tpu.memref_slice %arg8[%run_scoped3A_212, %dma_wait3A_273] : memref<16x125xi32, #tpu.memory_space<vmem>> -> memref<1x125xi32, #tpu.memory_space<vmem>>
        %dma_wait3A_275 = tpu.memref_squeeze %dma_wait3A_274 : memref<1x125xi32, #tpu.memory_space<vmem>> -> memref<125xi32, #tpu.memory_space<vmem>>
        %dma_wait3A_276 = arith.constant 0 : i32
        %dma_wait3A_277 = arith.constant 0 : i32
        %dma_wait3A_278 = tpu.memref_slice %arg11[%dma_wait3A_276, %dma_wait3A_277] : memref<10000x128xf32, #tpu.memory_space<vmem_shared>> -> memref<10000x128xf32, #tpu.memory_space<vmem_shared>>
        tpu.wait_indirect_dma semaphore(%run_scoped3A_266 : memref<!tpu.dma_semaphore, #tpu.memory_space<semaphore_mem>>) src(%arg10 : memref<125x128xf32, #tpu.memory_space<vmem>>) dst(%dma_wait3A_278 : memref<10000x128xf32, #tpu.memory_space<vmem_shared>>)
        tpu.yield
      }) : () -> ()
      %dma_start3A_213 = arith.constant 13 : i32
      %dma_start3A_214 = arith.constant 0 : i32
      %dma_start3A_215 = tpu.memref_slice %arg7[%dma_start3A_213, %dma_start3A_214] : memref<16x125xi32, #tpu.memory_space<vmem>> -> memref<1x125xi32, #tpu.memory_space<vmem>>
      %dma_start3A_216 = tpu.memref_squeeze %dma_start3A_215 : memref<1x125xi32, #tpu.memory_space<vmem>> -> memref<125xi32, #tpu.memory_space<vmem>>
      %dma_start3A_217 = arith.constant 0 : i32
      %dma_start3A_218 = arith.constant 0 : i32
      %dma_start3A_219 = tpu.memref_slice %arg2[%dma_start3A_217, %dma_start3A_218] : memref<10000x128xf32, #tpu.memory_space<hbm>> -> memref<10000x128xf32, #tpu.memory_space<hbm>>
      tpu.enqueue_indirect_dma source(%dma_start3A_219 : memref<10000x128xf32, #tpu.memory_space<hbm>>) target(%arg10 : memref<125x128xf32, #tpu.memory_space<vmem>>) offsets(%dma_start3A_216 : memref<125xi32, #tpu.memory_space<vmem>>) semaphore(%arg13 : memref<!tpu.dma_semaphore, #tpu.memory_space<semaphore_mem>>)
      %dma_wait3A_220 = arith.constant 12 : i32
      %dma_wait3A_221 = arith.constant 0 : i32
      %dma_wait3A_222 = tpu.memref_slice %arg7[%dma_wait3A_220, %dma_wait3A_221] : memref<16x125xi32, #tpu.memory_space<vmem>> -> memref<1x125xi32, #tpu.memory_space<vmem>>
      %dma_wait3A_223 = tpu.memref_squeeze %dma_wait3A_222 : memref<1x125xi32, #tpu.memory_space<vmem>> -> memref<125xi32, #tpu.memory_space<vmem>>
      %dma_wait3A_224 = arith.constant 0 : i32
      %dma_wait3A_225 = arith.constant 0 : i32
      %dma_wait3A_226 = tpu.memref_slice %arg2[%dma_wait3A_224, %dma_wait3A_225] : memref<10000x128xf32, #tpu.memory_space<hbm>> -> memref<10000x128xf32, #tpu.memory_space<hbm>>
      tpu.wait_indirect_dma semaphore(%arg12 : memref<!tpu.dma_semaphore, #tpu.memory_space<semaphore_mem>>) src(%dma_wait3A_226 : memref<10000x128xf32, #tpu.memory_space<hbm>>) dst(%arg9 : memref<125x128xf32, #tpu.memory_space<vmem>>)
      %run_scoped3A_227 = arith.constant 12 : i32
      "tpu.region"() ({
        %run_scoped3A_266 = tpu.sem_alloc : memref<!tpu.dma_semaphore, #tpu.memory_space<semaphore_mem>>
        %dma_start3A_267 = arith.constant 0 : i32
        %dma_start3A_268 = tpu.memref_slice %arg8[%run_scoped3A_227, %dma_start3A_267] : memref<16x125xi32, #tpu.memory_space<vmem>> -> memref<1x125xi32, #tpu.memory_space<vmem>>
        %dma_start3A_269 = tpu.memref_squeeze %dma_start3A_268 : memref<1x125xi32, #tpu.memory_space<vmem>> -> memref<125xi32, #tpu.memory_space<vmem>>
        %dma_start3A_270 = arith.constant 0 : i32
        %dma_start3A_271 = arith.constant 0 : i32
        %dma_start3A_272 = tpu.memref_slice %arg11[%dma_start3A_270, %dma_start3A_271] : memref<10000x128xf32, #tpu.memory_space<vmem_shared>> -> memref<10000x128xf32, #tpu.memory_space<vmem_shared>>
        tpu.enqueue_indirect_dma source(%arg9 : memref<125x128xf32, #tpu.memory_space<vmem>>) target(%dma_start3A_272 : memref<10000x128xf32, #tpu.memory_space<vmem_shared>>) offsets(%dma_start3A_269 : memref<125xi32, #tpu.memory_space<vmem>>) semaphore(%run_scoped3A_266 : memref<!tpu.dma_semaphore, #tpu.memory_space<semaphore_mem>>) {add = true}
        %dma_wait3A_273 = arith.constant 0 : i32
        %dma_wait3A_274 = tpu.memref_slice %arg8[%run_scoped3A_227, %dma_wait3A_273] : memref<16x125xi32, #tpu.memory_space<vmem>> -> memref<1x125xi32, #tpu.memory_space<vmem>>
        %dma_wait3A_275 = tpu.memref_squeeze %dma_wait3A_274 : memref<1x125xi32, #tpu.memory_space<vmem>> -> memref<125xi32, #tpu.memory_space<vmem>>
        %dma_wait3A_276 = arith.constant 0 : i32
        %dma_wait3A_277 = arith.constant 0 : i32
        %dma_wait3A_278 = tpu.memref_slice %arg11[%dma_wait3A_276, %dma_wait3A_277] : memref<10000x128xf32, #tpu.memory_space<vmem_shared>> -> memref<10000x128xf32, #tpu.memory_space<vmem_shared>>
        tpu.wait_indirect_dma semaphore(%run_scoped3A_266 : memref<!tpu.dma_semaphore, #tpu.memory_space<semaphore_mem>>) src(%arg9 : memref<125x128xf32, #tpu.memory_space<vmem>>) dst(%dma_wait3A_278 : memref<10000x128xf32, #tpu.memory_space<vmem_shared>>)
        tpu.yield
      }) : () -> ()
      %dma_start3A_228 = arith.constant 14 : i32
      %dma_start3A_229 = arith.constant 0 : i32
      %dma_start3A_230 = tpu.memref_slice %arg7[%dma_start3A_228, %dma_start3A_229] : memref<16x125xi32, #tpu.memory_space<vmem>> -> memref<1x125xi32, #tpu.memory_space<vmem>>
      %dma_start3A_231 = tpu.memref_squeeze %dma_start3A_230 : memref<1x125xi32, #tpu.memory_space<vmem>> -> memref<125xi32, #tpu.memory_space<vmem>>
      %dma_start3A_232 = arith.constant 0 : i32
      %dma_start3A_233 = arith.constant 0 : i32
      %dma_start3A_234 = tpu.memref_slice %arg2[%dma_start3A_232, %dma_start3A_233] : memref<10000x128xf32, #tpu.memory_space<hbm>> -> memref<10000x128xf32, #tpu.memory_space<hbm>>
      tpu.enqueue_indirect_dma source(%dma_start3A_234 : memref<10000x128xf32, #tpu.memory_space<hbm>>) target(%arg9 : memref<125x128xf32, #tpu.memory_space<vmem>>) offsets(%dma_start3A_231 : memref<125xi32, #tpu.memory_space<vmem>>) semaphore(%arg12 : memref<!tpu.dma_semaphore, #tpu.memory_space<semaphore_mem>>)
      %dma_wait3A_235 = arith.constant 13 : i32
      %dma_wait3A_236 = arith.constant 0 : i32
      %dma_wait3A_237 = tpu.memref_slice %arg7[%dma_wait3A_235, %dma_wait3A_236] : memref<16x125xi32, #tpu.memory_space<vmem>> -> memref<1x125xi32, #tpu.memory_space<vmem>>
      %dma_wait3A_238 = tpu.memref_squeeze %dma_wait3A_237 : memref<1x125xi32, #tpu.memory_space<vmem>> -> memref<125xi32, #tpu.memory_space<vmem>>
      %dma_wait3A_239 = arith.constant 0 : i32
      %dma_wait3A_240 = arith.constant 0 : i32
      %dma_wait3A_241 = tpu.memref_slice %arg2[%dma_wait3A_239, %dma_wait3A_240] : memref<10000x128xf32, #tpu.memory_space<hbm>> -> memref<10000x128xf32, #tpu.memory_space<hbm>>
      tpu.wait_indirect_dma semaphore(%arg13 : memref<!tpu.dma_semaphore, #tpu.memory_space<semaphore_mem>>) src(%dma_wait3A_241 : memref<10000x128xf32, #tpu.memory_space<hbm>>) dst(%arg10 : memref<125x128xf32, #tpu.memory_space<vmem>>)
      %run_scoped3A_242 = arith.constant 13 : i32
      "tpu.region"() ({
        %run_scoped3A_266 = tpu.sem_alloc : memref<!tpu.dma_semaphore, #tpu.memory_space<semaphore_mem>>
        %dma_start3A_267 = arith.constant 0 : i32
        %dma_start3A_268 = tpu.memref_slice %arg8[%run_scoped3A_242, %dma_start3A_267] : memref<16x125xi32, #tpu.memory_space<vmem>> -> memref<1x125xi32, #tpu.memory_space<vmem>>
        %dma_start3A_269 = tpu.memref_squeeze %dma_start3A_268 : memref<1x125xi32, #tpu.memory_space<vmem>> -> memref<125xi32, #tpu.memory_space<vmem>>
        %dma_start3A_270 = arith.constant 0 : i32
        %dma_start3A_271 = arith.constant 0 : i32
        %dma_start3A_272 = tpu.memref_slice %arg11[%dma_start3A_270, %dma_start3A_271] : memref<10000x128xf32, #tpu.memory_space<vmem_shared>> -> memref<10000x128xf32, #tpu.memory_space<vmem_shared>>
        tpu.enqueue_indirect_dma source(%arg10 : memref<125x128xf32, #tpu.memory_space<vmem>>) target(%dma_start3A_272 : memref<10000x128xf32, #tpu.memory_space<vmem_shared>>) offsets(%dma_start3A_269 : memref<125xi32, #tpu.memory_space<vmem>>) semaphore(%run_scoped3A_266 : memref<!tpu.dma_semaphore, #tpu.memory_space<semaphore_mem>>) {add = true}
        %dma_wait3A_273 = arith.constant 0 : i32
        %dma_wait3A_274 = tpu.memref_slice %arg8[%run_scoped3A_242, %dma_wait3A_273] : memref<16x125xi32, #tpu.memory_space<vmem>> -> memref<1x125xi32, #tpu.memory_space<vmem>>
        %dma_wait3A_275 = tpu.memref_squeeze %dma_wait3A_274 : memref<1x125xi32, #tpu.memory_space<vmem>> -> memref<125xi32, #tpu.memory_space<vmem>>
        %dma_wait3A_276 = arith.constant 0 : i32
        %dma_wait3A_277 = arith.constant 0 : i32
        %dma_wait3A_278 = tpu.memref_slice %arg11[%dma_wait3A_276, %dma_wait3A_277] : memref<10000x128xf32, #tpu.memory_space<vmem_shared>> -> memref<10000x128xf32, #tpu.memory_space<vmem_shared>>
        tpu.wait_indirect_dma semaphore(%run_scoped3A_266 : memref<!tpu.dma_semaphore, #tpu.memory_space<semaphore_mem>>) src(%arg10 : memref<125x128xf32, #tpu.memory_space<vmem>>) dst(%dma_wait3A_278 : memref<10000x128xf32, #tpu.memory_space<vmem_shared>>)
        tpu.yield
      }) : () -> ()
      %dma_start3A_243 = arith.constant 15 : i32
      %dma_start3A_244 = arith.constant 0 : i32
      %dma_start3A_245 = tpu.memref_slice %arg7[%dma_start3A_243, %dma_start3A_244] : memref<16x125xi32, #tpu.memory_space<vmem>> -> memref<1x125xi32, #tpu.memory_space<vmem>>
      %dma_start3A_246 = tpu.memref_squeeze %dma_start3A_245 : memref<1x125xi32, #tpu.memory_space<vmem>> -> memref<125xi32, #tpu.memory_space<vmem>>
      %dma_start3A_247 = arith.constant 0 : i32
      %dma_start3A_248 = arith.constant 0 : i32
      %dma_start3A_249 = tpu.memref_slice %arg2[%dma_start3A_247, %dma_start3A_248] : memref<10000x128xf32, #tpu.memory_space<hbm>> -> memref<10000x128xf32, #tpu.memory_space<hbm>>
      tpu.enqueue_indirect_dma source(%dma_start3A_249 : memref<10000x128xf32, #tpu.memory_space<hbm>>) target(%arg10 : memref<125x128xf32, #tpu.memory_space<vmem>>) offsets(%dma_start3A_246 : memref<125xi32, #tpu.memory_space<vmem>>) semaphore(%arg13 : memref<!tpu.dma_semaphore, #tpu.memory_space<semaphore_mem>>)
      %dma_wait3A_250 = arith.constant 14 : i32
      %dma_wait3A_251 = arith.constant 0 : i32
      %dma_wait3A_252 = tpu.memref_slice %arg7[%dma_wait3A_250, %dma_wait3A_251] : memref<16x125xi32, #tpu.memory_space<vmem>> -> memref<1x125xi32, #tpu.memory_space<vmem>>
      %dma_wait3A_253 = tpu.memref_squeeze %dma_wait3A_252 : memref<1x125xi32, #tpu.memory_space<vmem>> -> memref<125xi32, #tpu.memory_space<vmem>>
      %dma_wait3A_254 = arith.constant 0 : i32
      %dma_wait3A_255 = arith.constant 0 : i32
      %dma_wait3A_256 = tpu.memref_slice %arg2[%dma_wait3A_254, %dma_wait3A_255] : memref<10000x128xf32, #tpu.memory_space<hbm>> -> memref<10000x128xf32, #tpu.memory_space<hbm>>
      tpu.wait_indirect_dma semaphore(%arg12 : memref<!tpu.dma_semaphore, #tpu.memory_space<semaphore_mem>>) src(%dma_wait3A_256 : memref<10000x128xf32, #tpu.memory_space<hbm>>) dst(%arg9 : memref<125x128xf32, #tpu.memory_space<vmem>>)
      %run_scoped3A_257 = arith.constant 14 : i32
      "tpu.region"() ({
        %run_scoped3A_266 = tpu.sem_alloc : memref<!tpu.dma_semaphore, #tpu.memory_space<semaphore_mem>>
        %dma_start3A_267 = arith.constant 0 : i32
        %dma_start3A_268 = tpu.memref_slice %arg8[%run_scoped3A_257, %dma_start3A_267] : memref<16x125xi32, #tpu.memory_space<vmem>> -> memref<1x125xi32, #tpu.memory_space<vmem>>
        %dma_start3A_269 = tpu.memref_squeeze %dma_start3A_268 : memref<1x125xi32, #tpu.memory_space<vmem>> -> memref<125xi32, #tpu.memory_space<vmem>>
        %dma_start3A_270 = arith.constant 0 : i32
        %dma_start3A_271 = arith.constant 0 : i32
        %dma_start3A_272 = tpu.memref_slice %arg11[%dma_start3A_270, %dma_start3A_271] : memref<10000x128xf32, #tpu.memory_space<vmem_shared>> -> memref<10000x128xf32, #tpu.memory_space<vmem_shared>>
        tpu.enqueue_indirect_dma source(%arg9 : memref<125x128xf32, #tpu.memory_space<vmem>>) target(%dma_start3A_272 : memref<10000x128xf32, #tpu.memory_space<vmem_shared>>) offsets(%dma_start3A_269 : memref<125xi32, #tpu.memory_space<vmem>>) semaphore(%run_scoped3A_266 : memref<!tpu.dma_semaphore, #tpu.memory_space<semaphore_mem>>) {add = true}
        %dma_wait3A_273 = arith.constant 0 : i32
        %dma_wait3A_274 = tpu.memref_slice %arg8[%run_scoped3A_257, %dma_wait3A_273] : memref<16x125xi32, #tpu.memory_space<vmem>> -> memref<1x125xi32, #tpu.memory_space<vmem>>
        %dma_wait3A_275 = tpu.memref_squeeze %dma_wait3A_274 : memref<1x125xi32, #tpu.memory_space<vmem>> -> memref<125xi32, #tpu.memory_space<vmem>>
        %dma_wait3A_276 = arith.constant 0 : i32
        %dma_wait3A_277 = arith.constant 0 : i32
        %dma_wait3A_278 = tpu.memref_slice %arg11[%dma_wait3A_276, %dma_wait3A_277] : memref<10000x128xf32, #tpu.memory_space<vmem_shared>> -> memref<10000x128xf32, #tpu.memory_space<vmem_shared>>
        tpu.wait_indirect_dma semaphore(%run_scoped3A_266 : memref<!tpu.dma_semaphore, #tpu.memory_space<semaphore_mem>>) src(%arg9 : memref<125x128xf32, #tpu.memory_space<vmem>>) dst(%dma_wait3A_278 : memref<10000x128xf32, #tpu.memory_space<vmem_shared>>)
        tpu.yield
      }) : () -> ()
      %dma_wait3A_258 = arith.constant 15 : i32
      %dma_wait3A_259 = arith.constant 0 : i32
      %dma_wait3A_260 = tpu.memref_slice %arg7[%dma_wait3A_258, %dma_wait3A_259] : memref<16x125xi32, #tpu.memory_space<vmem>> -> memref<1x125xi32, #tpu.memory_space<vmem>>
      %dma_wait3A_261 = tpu.memref_squeeze %dma_wait3A_260 : memref<1x125xi32, #tpu.memory_space<vmem>> -> memref<125xi32, #tpu.memory_space<vmem>>
      %dma_wait3A_262 = arith.constant 0 : i32
      %dma_wait3A_263 = arith.constant 0 : i32
      %dma_wait3A_264 = tpu.memref_slice %arg2[%dma_wait3A_262, %dma_wait3A_263] : memref<10000x128xf32, #tpu.memory_space<hbm>> -> memref<10000x128xf32, #tpu.memory_space<hbm>>
      tpu.wait_indirect_dma semaphore(%arg13 : memref<!tpu.dma_semaphore, #tpu.memory_space<semaphore_mem>>) src(%dma_wait3A_264 : memref<10000x128xf32, #tpu.memory_space<hbm>>) dst(%arg10 : memref<125x128xf32, #tpu.memory_space<vmem>>)
      %run_scoped3A_265 = arith.constant 15 : i32
      "tpu.region"() ({
        %run_scoped3A_266 = tpu.sem_alloc : memref<!tpu.dma_semaphore, #tpu.memory_space<semaphore_mem>>
        %dma_start3A_267 = arith.constant 0 : i32
        %dma_start3A_268 = tpu.memref_slice %arg8[%run_scoped3A_265, %dma_start3A_267] : memref<16x125xi32, #tpu.memory_space<vmem>> -> memref<1x125xi32, #tpu.memory_space<vmem>>
        %dma_start3A_269 = tpu.memref_squeeze %dma_start3A_268 : memref<1x125xi32, #tpu.memory_space<vmem>> -> memref<125xi32, #tpu.memory_space<vmem>>
        %dma_start3A_270 = arith.constant 0 : i32
        %dma_start3A_271 = arith.constant 0 : i32
        %dma_start3A_272 = tpu.memref_slice %arg11[%dma_start3A_270, %dma_start3A_271] : memref<10000x128xf32, #tpu.memory_space<vmem_shared>> -> memref<10000x128xf32, #tpu.memory_space<vmem_shared>>
        tpu.enqueue_indirect_dma source(%arg10 : memref<125x128xf32, #tpu.memory_space<vmem>>) target(%dma_start3A_272 : memref<10000x128xf32, #tpu.memory_space<vmem_shared>>) offsets(%dma_start3A_269 : memref<125xi32, #tpu.memory_space<vmem>>) semaphore(%run_scoped3A_266 : memref<!tpu.dma_semaphore, #tpu.memory_space<semaphore_mem>>) {add = true}
        %dma_wait3A_273 = arith.constant 0 : i32
        %dma_wait3A_274 = tpu.memref_slice %arg8[%run_scoped3A_265, %dma_wait3A_273] : memref<16x125xi32, #tpu.memory_space<vmem>> -> memref<1x125xi32, #tpu.memory_space<vmem>>
        %dma_wait3A_275 = tpu.memref_squeeze %dma_wait3A_274 : memref<1x125xi32, #tpu.memory_space<vmem>> -> memref<125xi32, #tpu.memory_space<vmem>>
        %dma_wait3A_276 = arith.constant 0 : i32
        %dma_wait3A_277 = arith.constant 0 : i32
        %dma_wait3A_278 = tpu.memref_slice %arg11[%dma_wait3A_276, %dma_wait3A_277] : memref<10000x128xf32, #tpu.memory_space<vmem_shared>> -> memref<10000x128xf32, #tpu.memory_space<vmem_shared>>
        tpu.wait_indirect_dma semaphore(%run_scoped3A_266 : memref<!tpu.dma_semaphore, #tpu.memory_space<semaphore_mem>>) src(%arg10 : memref<125x128xf32, #tpu.memory_space<vmem>>) dst(%dma_wait3A_278 : memref<10000x128xf32, #tpu.memory_space<vmem_shared>>)
        tpu.yield
      }) : () -> ()
    }
    %scan3A_12 = arith.constant 5 : i32
    %barrier3A_13 = arith.constant 0 : index
    tpu.barrier barrier_id(%barrier3A_13)
    "tpu.region"() ({
      %run_scoped3A = tpu.sem_alloc : memref<!tpu.dma_semaphore, #tpu.memory_space<semaphore_mem>>
      %dma_start3A = arith.constant 0 : i32
      %dma_start3A_19 = tpu.memref_slice %arg6[%arg0, %mul3A_2, %dma_start3A] : memref<2x10000x128xf32, #tpu.memory_space<hbm>> -> memref<1x624x128xf32, #tpu.memory_space<hbm>>
      %dma_start3A_20 = tpu.memref_squeeze %dma_start3A_19 : memref<1x624x128xf32, #tpu.memory_space<hbm>> -> memref<624x128xf32, #tpu.memory_space<hbm>>
      %dma_start3A_21 = arith.constant 0 : i32
      %dma_start3A_22 = tpu.memref_slice %arg11[%mul3A_2, %dma_start3A_21] : memref<10000x128xf32, #tpu.memory_space<vmem_shared>> -> memref<624x128xf32, #tpu.memory_space<vmem_shared>>
      tpu.enqueue_dma source(%dma_start3A_22 : memref<624x128xf32, #tpu.memory_space<vmem_shared>>) target(%dma_start3A_20 : memref<624x128xf32, #tpu.memory_space<hbm>>) target_semaphore(%run_scoped3A : memref<!tpu.dma_semaphore, #tpu.memory_space<semaphore_mem>>)
      %dma_wait3A = arith.constant 0 : i32
      %dma_wait3A_23 = tpu.memref_slice %arg6[%arg0, %mul3A_2, %dma_wait3A] : memref<2x10000x128xf32, #tpu.memory_space<hbm>> -> memref<1x624x128xf32, #tpu.memory_space<hbm>>
      %dma_wait3A_24 = tpu.memref_squeeze %dma_wait3A_23 : memref<1x624x128xf32, #tpu.memory_space<hbm>> -> memref<624x128xf32, #tpu.memory_space<hbm>>
      %dma_wait3A_25 = arith.constant 0 : i32
      %dma_wait3A_26 = tpu.memref_slice %arg11[%mul3A_2, %dma_wait3A_25] : memref<10000x128xf32, #tpu.memory_space<vmem_shared>> -> memref<624x128xf32, #tpu.memory_space<vmem_shared>>
      tpu.wait_dma2 semaphore(%run_scoped3A : memref<!tpu.dma_semaphore, #tpu.memory_space<semaphore_mem>>) src(%dma_wait3A_26 : memref<624x128xf32, #tpu.memory_space<vmem_shared>>) dst(%dma_wait3A_24 : memref<624x128xf32, #tpu.memory_space<hbm>>)
      tpu.yield
    }) : () -> ()
    %eq3A_14 = arith.constant 15 : i32
    %eq3A_15 = arith.cmpi eq, %arg1, %eq3A_14 : i32
    %convert_element_type3A_16 = arith.extui %eq3A_15 : i1 to i32
    %cond3A_17 = arith.constant 0 : i32
    %cond3A_18 = arith.cmpi ne, %convert_element_type3A_16, %cond3A_17 : i32
    scf.if %cond3A_18 {
      "tpu.region"() ({
        %run_scoped3A = tpu.sem_alloc : memref<!tpu.dma_semaphore, #tpu.memory_space<semaphore_mem>>
        %dma_start3A = arith.constant 9984 : i32
        %dma_start3A_19 = arith.constant 0 : i32
        %dma_start3A_20 = tpu.memref_slice %arg6[%arg0, %dma_start3A, %dma_start3A_19] : memref<2x10000x128xf32, #tpu.memory_space<hbm>> -> memref<1x16x128xf32, #tpu.memory_space<hbm>>
        %dma_start3A_21 = tpu.memref_squeeze %dma_start3A_20 : memref<1x16x128xf32, #tpu.memory_space<hbm>> -> memref<16x128xf32, #tpu.memory_space<hbm>>
        %dma_start3A_22 = arith.constant 9984 : i32
        %dma_start3A_23 = arith.constant 0 : i32
        %dma_start3A_24 = tpu.memref_slice %arg11[%dma_start3A_22, %dma_start3A_23] : memref<10000x128xf32, #tpu.memory_space<vmem_shared>> -> memref<16x128xf32, #tpu.memory_space<vmem_shared>>
        tpu.enqueue_dma source(%dma_start3A_24 : memref<16x128xf32, #tpu.memory_space<vmem_shared>>) target(%dma_start3A_21 : memref<16x128xf32, #tpu.memory_space<hbm>>) target_semaphore(%run_scoped3A : memref<!tpu.dma_semaphore, #tpu.memory_space<semaphore_mem>>)
        %dma_wait3A = arith.constant 9984 : i32
        %dma_wait3A_25 = arith.constant 0 : i32
        %dma_wait3A_26 = tpu.memref_slice %arg6[%arg0, %dma_wait3A, %dma_wait3A_25] : memref<2x10000x128xf32, #tpu.memory_space<hbm>> -> memref<1x16x128xf32, #tpu.memory_space<hbm>>
        %dma_wait3A_27 = tpu.memref_squeeze %dma_wait3A_26 : memref<1x16x128xf32, #tpu.memory_space<hbm>> -> memref<16x128xf32, #tpu.memory_space<hbm>>
        %dma_wait3A_28 = arith.constant 9984 : i32
        %dma_wait3A_29 = arith.constant 0 : i32
        %dma_wait3A_30 = tpu.memref_slice %arg11[%dma_wait3A_28, %dma_wait3A_29] : memref<10000x128xf32, #tpu.memory_space<vmem_shared>> -> memref<16x128xf32, #tpu.memory_space<vmem_shared>>
        tpu.wait_dma2 semaphore(%run_scoped3A : memref<!tpu.dma_semaphore, #tpu.memory_space<semaphore_mem>>) src(%dma_wait3A_30 : memref<16x128xf32, #tpu.memory_space<vmem_shared>>) dst(%dma_wait3A_27 : memref<16x128xf32, #tpu.memory_space<hbm>>)
        tpu.yield
      }) : () -> ()
    } else {
    }
    return
  }
}

module attributes {stable_mosaic.version = 14 : i64} {
  func.func @_mlp_body(%arg0: i32, %arg1: memref<1000x128xf32, #tpu.memory_space<vmem>>, %arg2: memref<1000x128xf32, #tpu.memory_space<vmem>>, %arg3: memref<128x128xf32, #tpu.memory_space<vmem>>, %arg4: memref<1x128xf32, #tpu.memory_space<vmem>>, %arg5: memref<1x128xf32, #tpu.memory_space<vmem>>, %arg6: memref<1x128xf32, #tpu.memory_space<vmem>>, %arg7: memref<128x128xf32, #tpu.memory_space<vmem>>, %arg8: memref<1x128xf32, #tpu.memory_space<vmem>>, %arg9: memref<1000x128xf32, #tpu.memory_space<vmem>>) attributes {dimension_semantics = [#tpu.dimension_semantics<arbitrary>], iteration_bounds = array<i64: 10>, scalar_prefetch = 0 : i64, scratch_operands = 0 : i64, tpu.core_type = #tpu.core_type<tc>, window_params = [{transform_indices = @transform_0, window_bounds = array<i64: 1000, 128>}, {transform_indices = @transform_1, window_bounds = array<i64: 1000, 128>}, {pipeline_mode = #tpu.pipeline_mode<synchronous>, transform_indices = @transform_2, window_bounds = array<i64: 128, 128>}, {pipeline_mode = #tpu.pipeline_mode<synchronous>, transform_indices = @transform_3, window_bounds = array<i64: 1, 128>}, {pipeline_mode = #tpu.pipeline_mode<synchronous>, transform_indices = @transform_4, window_bounds = array<i64: 1, 128>}, {pipeline_mode = #tpu.pipeline_mode<synchronous>, transform_indices = @transform_5, window_bounds = array<i64: 1, 128>}, {pipeline_mode = #tpu.pipeline_mode<synchronous>, transform_indices = @transform_6, window_bounds = array<i64: 128, 128>}, {pipeline_mode = #tpu.pipeline_mode<synchronous>, transform_indices = @transform_7, window_bounds = array<i64: 1, 128>}, {transform_indices = @transform_8, window_bounds = array<i64: 1000, 128>}]} {
    %get3A = arith.constant 0 : index
    %get3A_0 = arith.constant 0 : index
    %get3A_1 = vector.load %arg1[%get3A, %get3A_0] : memref<1000x128xf32, #tpu.memory_space<vmem>>, vector<1000x128xf32>
    %get3A_2 = arith.constant 0 : index
    %get3A_3 = arith.constant 0 : index
    %get3A_4 = vector.load %arg2[%get3A_2, %get3A_3] : memref<1000x128xf32, #tpu.memory_space<vmem>>, vector<1000x128xf32>
    %add3A = arith.addf %get3A_1, %get3A_4 : vector<1000x128xf32>
    %get3A_5 = arith.constant 0 : index
    %get3A_6 = arith.constant 0 : index
    %get3A_7 = vector.load %arg3[%get3A_5, %get3A_6] : memref<128x128xf32, #tpu.memory_space<vmem>>, vector<128x128xf32>
    %dot_general3A = arith.constant dense<0.000000e+00> : vector<1000x128xf32>
    %dot_general3A_8 = tpu.matmul %add3A, %get3A_7, %dot_general3A {dimension_numbers = #tpu.dot_dimension_numbers<[1], [0], [0], [1], [0, 0, 1, 1], [], []>, transpose_lhs_hint = false} : vector<1000x128xf32>, vector<128x128xf32>, vector<1000x128xf32> -> vector<1000x128xf32>
    %get3A_9 = arith.constant 0 : index
    %get3A_10 = arith.constant 0 : index
    %get3A_11 = vector.load %arg4[%get3A_9, %get3A_10] : memref<1x128xf32, #tpu.memory_space<vmem>>, vector<1x128xf32>
    %add3A_12 = vector.broadcast %get3A_11 : vector<1x128xf32> to vector<1000x128xf32>
    %add3A_13 = arith.addf %dot_general3A_8, %add3A_12 : vector<1000x128xf32>
    %gt3A = arith.constant 0.000000e+00 : f32
    %gt3A_14 = vector.broadcast %gt3A : f32 to vector<1000x128xf32>
    %gt3A_15 = arith.cmpf ogt, %add3A_13, %gt3A_14 : vector<1000x128xf32>
    %mul3A = arith.constant 2.000000e-01 : f32
    %mul3A_16 = vector.broadcast %mul3A : f32 to vector<1000x128xf32>
    %mul3A_17 = arith.mulf %mul3A_16, %add3A_13 : vector<1000x128xf32>
    %select_n3A = arith.select %gt3A_15, %add3A_13, %mul3A_17 : vector<1000x128xi1>, vector<1000x128xf32>
    %get3A_18 = arith.constant 0 : index
    %get3A_19 = arith.constant 0 : index
    %get3A_20 = vector.load %arg5[%get3A_18, %get3A_19] : memref<1x128xf32, #tpu.memory_space<vmem>>, vector<1x128xf32>
    %mul3A_21 = vector.broadcast %get3A_20 : vector<1x128xf32> to vector<1000x128xf32>
    %mul3A_22 = arith.mulf %select_n3A, %mul3A_21 : vector<1000x128xf32>
    %get3A_23 = arith.constant 0 : index
    %get3A_24 = arith.constant 0 : index
    %get3A_25 = vector.load %arg6[%get3A_23, %get3A_24] : memref<1x128xf32, #tpu.memory_space<vmem>>, vector<1x128xf32>
    %add3A_26 = vector.broadcast %get3A_25 : vector<1x128xf32> to vector<1000x128xf32>
    %add3A_27 = arith.addf %mul3A_22, %add3A_26 : vector<1000x128xf32>
    %get3A_28 = arith.constant 0 : index
    %get3A_29 = arith.constant 0 : index
    %get3A_30 = vector.load %arg7[%get3A_28, %get3A_29] : memref<128x128xf32, #tpu.memory_space<vmem>>, vector<128x128xf32>
    %dot_general3A_31 = arith.constant dense<0.000000e+00> : vector<1000x128xf32>
    %dot_general3A_32 = tpu.matmul %add3A_27, %get3A_30, %dot_general3A_31 {dimension_numbers = #tpu.dot_dimension_numbers<[1], [0], [0], [1], [0, 0, 1, 1], [], []>, transpose_lhs_hint = false} : vector<1000x128xf32>, vector<128x128xf32>, vector<1000x128xf32> -> vector<1000x128xf32>
    %get3A_33 = arith.constant 0 : index
    %get3A_34 = arith.constant 0 : index
    %get3A_35 = vector.load %arg8[%get3A_33, %get3A_34] : memref<1x128xf32, #tpu.memory_space<vmem>>, vector<1x128xf32>
    %add3A_36 = vector.broadcast %get3A_35 : vector<1x128xf32> to vector<1000x128xf32>
    %add3A_37 = arith.addf %dot_general3A_32, %add3A_36 : vector<1000x128xf32>
    %gt3A_38 = arith.constant 0.000000e+00 : f32
    %gt3A_39 = vector.broadcast %gt3A_38 : f32 to vector<1000x128xf32>
    %gt3A_40 = arith.cmpf ogt, %add3A_37, %gt3A_39 : vector<1000x128xf32>
    %mul3A_41 = arith.constant 2.000000e-01 : f32
    %mul3A_42 = vector.broadcast %mul3A_41 : f32 to vector<1000x128xf32>
    %mul3A_43 = arith.mulf %mul3A_42, %add3A_37 : vector<1000x128xf32>
    %select_n3A_44 = arith.select %gt3A_40, %add3A_37, %mul3A_43 : vector<1000x128xi1>, vector<1000x128xf32>
    %swap3A = arith.constant 0 : index
    %swap3A_45 = arith.constant 0 : index
    %swap3A_46 = vector.load %arg9[%swap3A, %swap3A_45] : memref<1000x128xf32, #tpu.memory_space<vmem>>, vector<1000x128xf32>
    tpu.vector_store %arg9[%swap3A, %swap3A_45], %select_n3A_44 {strides = array<i32>} : memref<1000x128xf32, #tpu.memory_space<vmem>>, vector<1000x128xf32>,
    return
  }
  func.func @transform_0(%arg0: i32) -> (i32, i32) {
    %c0_i32 = arith.constant 0 : i32
    %c0_i32_0 = arith.constant 0 : i32
    return %arg0, %c0_i32 : i32, i32
  }
  func.func @transform_1(%arg0: i32) -> (i32, i32) {
    %c0_i32 = arith.constant 0 : i32
    %c0_i32_0 = arith.constant 0 : i32
    return %arg0, %c0_i32 : i32, i32
  }
  func.func @transform_2(%arg0: i32) -> (i32, i32) {
    %c0_i32 = arith.constant 0 : i32
    %c0_i32_0 = arith.constant 0 : i32
    %c0_i32_1 = arith.constant 0 : i32
    return %c0_i32, %c0_i32_0 : i32, i32
  }
  func.func @transform_3(%arg0: i32) -> (i32, i32) {
    %c0_i32 = arith.constant 0 : i32
    %c0_i32_0 = arith.constant 0 : i32
    %c0_i32_1 = arith.constant 0 : i32
    return %c0_i32, %c0_i32_0 : i32, i32
  }
  func.func @transform_4(%arg0: i32) -> (i32, i32) {
    %c0_i32 = arith.constant 0 : i32
    %c0_i32_0 = arith.constant 0 : i32
    %c0_i32_1 = arith.constant 0 : i32
    return %c0_i32, %c0_i32_0 : i32, i32
  }
  func.func @transform_5(%arg0: i32) -> (i32, i32) {
    %c0_i32 = arith.constant 0 : i32
    %c0_i32_0 = arith.constant 0 : i32
    %c0_i32_1 = arith.constant 0 : i32
    return %c0_i32, %c0_i32_0 : i32, i32
  }
  func.func @transform_6(%arg0: i32) -> (i32, i32) {
    %c0_i32 = arith.constant 0 : i32
    %c0_i32_0 = arith.constant 0 : i32
    %c0_i32_1 = arith.constant 0 : i32
    return %c0_i32, %c0_i32_0 : i32, i32
  }
  func.func @transform_7(%arg0: i32) -> (i32, i32) {
    %c0_i32 = arith.constant 0 : i32
    %c0_i32_0 = arith.constant 0 : i32
    %c0_i32_1 = arith.constant 0 : i32
    return %c0_i32, %c0_i32_0 : i32, i32
  }
  func.func @transform_8(%arg0: i32) -> (i32, i32) {
    %c0_i32 = arith.constant 0 : i32
    %c0_i32_0 = arith.constant 0 : i32
    return %arg0, %c0_i32 : i32, i32
  }
}

module attributes {stable_mosaic.version = 14 : i64} {
  func.func @_mlp_pool_dec_body(%arg0: i32, %arg1: memref<1000x128xf32, #tpu.memory_space<vmem>>, %arg2: memref<1000x128xf32, #tpu.memory_space<vmem>>, %arg3: memref<1x1x1000xi32, #tpu.memory_space<vmem>>, %arg4: memref<128x128xf32, #tpu.memory_space<vmem>>, %arg5: memref<1x128xf32, #tpu.memory_space<vmem>>, %arg6: memref<1x128xf32, #tpu.memory_space<vmem>>, %arg7: memref<1x128xf32, #tpu.memory_space<vmem>>, %arg8: memref<128x128xf32, #tpu.memory_space<vmem>>, %arg9: memref<1x128xf32, #tpu.memory_space<vmem>>, %arg10: memref<200x128xf32, #tpu.memory_space<vmem>>, %arg11: memref<1x128xf32, #tpu.memory_space<vmem>>, %arg12: memref<1x128xf32, #tpu.memory_space<vmem>>, %arg13: memref<128x128xf32, #tpu.memory_space<vmem>>, %arg14: memref<1x128xf32, #tpu.memory_space<vmem>>, %arg15: memref<128x32xf32, #tpu.memory_space<vmem>>, %arg16: memref<1x32xf32, #tpu.memory_space<vmem>>, %arg17: memref<128x128xf32, #tpu.memory_space<vmem>>, %arg18: memref<1x128xf32, #tpu.memory_space<vmem>>, %arg19: memref<128x128xf32, #tpu.memory_space<vmem>>, %arg20: memref<1x128xf32, #tpu.memory_space<vmem>>, %arg21: memref<32x256xf32, #tpu.memory_space<vmem>>, %arg22: memref<128x256xf32, #tpu.memory_space<vmem>>, %arg23: memref<1x256xf32, #tpu.memory_space<vmem>>, %arg24: memref<1x256xf32, #tpu.memory_space<vmem>>, %arg25: memref<1x256xf32, #tpu.memory_space<vmem>>, %arg26: memref<256x256xf32, #tpu.memory_space<vmem>>, %arg27: memref<128x256xf32, #tpu.memory_space<vmem>>, %arg28: memref<1x256xf32, #tpu.memory_space<vmem>>, %arg29: memref<1x256xf32, #tpu.memory_space<vmem>>, %arg30: memref<1x256xf32, #tpu.memory_space<vmem>>, %arg31: memref<256x1280xf32, #tpu.memory_space<vmem>>, %arg32: memref<200x1280xf32, #tpu.memory_space<vmem>>, %arg33: memref<1280x2500xbf16, #tpu.memory_space<vmem>>, %arg34: memref<200x2500xf32, #tpu.memory_space<vmem>>, %arg35: memref<200x128xf32, #tpu.memory_space<vmem>>) attributes {dimension_semantics = [#tpu.dimension_semantics<arbitrary>], iteration_bounds = array<i64: 10>, scalar_prefetch = 0 : i64, scratch_operands = 1 : i64, tpu.core_type = #tpu.core_type<tc>, window_params = [{transform_indices = @transform_0, window_bounds = array<i64: 1000, 128>}, {transform_indices = @transform_1, window_bounds = array<i64: 1000, 128>}, {transform_indices = @transform_2, window_bounds = array<i64: 1, 1, 1000>}, {pipeline_mode = #tpu.pipeline_mode<synchronous>, transform_indices = @transform_3, window_bounds = array<i64: 128, 128>}, {pipeline_mode = #tpu.pipeline_mode<synchronous>, transform_indices = @transform_4, window_bounds = array<i64: 1, 128>}, {pipeline_mode = #tpu.pipeline_mode<synchronous>, transform_indices = @transform_5, window_bounds = array<i64: 1, 128>}, {pipeline_mode = #tpu.pipeline_mode<synchronous>, transform_indices = @transform_6, window_bounds = array<i64: 1, 128>}, {pipeline_mode = #tpu.pipeline_mode<synchronous>, transform_indices = @transform_7, window_bounds = array<i64: 128, 128>}, {pipeline_mode = #tpu.pipeline_mode<synchronous>, transform_indices = @transform_8, window_bounds = array<i64: 1, 128>}, {pipeline_mode = #tpu.pipeline_mode<synchronous>, transform_indices = @transform_9, window_bounds = array<i64: 200, 128>}, {pipeline_mode = #tpu.pipeline_mode<synchronous>, transform_indices = @transform_10, window_bounds = array<i64: 1, 128>}, {pipeline_mode = #tpu.pipeline_mode<synchronous>, transform_indices = @transform_11, window_bounds = array<i64: 1, 128>}, {pipeline_mode = #tpu.pipeline_mode<synchronous>, transform_indices = @transform_12, window_bounds = array<i64: 128, 128>}, {pipeline_mode = #tpu.pipeline_mode<synchronous>, transform_indices = @transform_13, window_bounds = array<i64: 1, 128>}, {pipeline_mode = #tpu.pipeline_mode<synchronous>, transform_indices = @transform_14, window_bounds = array<i64: 128, 32>}, {pipeline_mode = #tpu.pipeline_mode<synchronous>, transform_indices = @transform_15, window_bounds = array<i64: 1, 32>}, {pipeline_mode = #tpu.pipeline_mode<synchronous>, transform_indices = @transform_16, window_bounds = array<i64: 128, 128>}, {pipeline_mode = #tpu.pipeline_mode<synchronous>, transform_indices = @transform_17, window_bounds = array<i64: 1, 128>}, {pipeline_mode = #tpu.pipeline_mode<synchronous>, transform_indices = @transform_18, window_bounds = array<i64: 128, 128>}, {pipeline_mode = #tpu.pipeline_mode<synchronous>, transform_indices = @transform_19, window_bounds = array<i64: 1, 128>}, {pipeline_mode = #tpu.pipeline_mode<synchronous>, transform_indices = @transform_20, window_bounds = array<i64: 32, 256>}, {pipeline_mode = #tpu.pipeline_mode<synchronous>, transform_indices = @transform_21, window_bounds = array<i64: 128, 256>}, {pipeline_mode = #tpu.pipeline_mode<synchronous>, transform_indices = @transform_22, window_bounds = array<i64: 1, 256>}, {pipeline_mode = #tpu.pipeline_mode<synchronous>, transform_indices = @transform_23, window_bounds = array<i64: 1, 256>}, {pipeline_mode = #tpu.pipeline_mode<synchronous>, transform_indices = @transform_24, window_bounds = array<i64: 1, 256>}, {pipeline_mode = #tpu.pipeline_mode<synchronous>, transform_indices = @transform_25, window_bounds = array<i64: 256, 256>}, {pipeline_mode = #tpu.pipeline_mode<synchronous>, transform_indices = @transform_26, window_bounds = array<i64: 128, 256>}, {pipeline_mode = #tpu.pipeline_mode<synchronous>, transform_indices = @transform_27, window_bounds = array<i64: 1, 256>}, {pipeline_mode = #tpu.pipeline_mode<synchronous>, transform_indices = @transform_28, window_bounds = array<i64: 1, 256>}, {pipeline_mode = #tpu.pipeline_mode<synchronous>, transform_indices = @transform_29, window_bounds = array<i64: 1, 256>}, {pipeline_mode = #tpu.pipeline_mode<synchronous>, transform_indices = @transform_30, window_bounds = array<i64: 256, 1280>}, {pipeline_mode = #tpu.pipeline_mode<synchronous>, transform_indices = @transform_31, window_bounds = array<i64: 200, 1280>}, {pipeline_mode = #tpu.pipeline_mode<synchronous>, transform_indices = @transform_32, window_bounds = array<i64: 1280, 2500>}, {pipeline_mode = #tpu.pipeline_mode<synchronous>, transform_indices = @transform_33, window_bounds = array<i64: 200, 2500>}]} {
    %get3A = arith.constant 0 : index
    %get3A_0 = arith.constant 0 : index
    %get3A_1 = vector.load %arg1[%get3A, %get3A_0] : memref<1000x128xf32, #tpu.memory_space<vmem>>, vector<1000x128xf32>
    %get3A_2 = arith.constant 0 : index
    %get3A_3 = arith.constant 0 : index
    %get3A_4 = vector.load %arg2[%get3A_2, %get3A_3] : memref<1000x128xf32, #tpu.memory_space<vmem>>, vector<1000x128xf32>
    %add3A = arith.addf %get3A_1, %get3A_4 : vector<1000x128xf32>
    %get3A_5 = arith.constant 0 : index
    %get3A_6 = arith.constant 0 : index
    %get3A_7 = vector.load %arg4[%get3A_5, %get3A_6] : memref<128x128xf32, #tpu.memory_space<vmem>>, vector<128x128xf32>
    %dot_general3A = arith.constant dense<0.000000e+00> : vector<1000x128xf32>
    %dot_general3A_8 = tpu.matmul %add3A, %get3A_7, %dot_general3A {dimension_numbers = #tpu.dot_dimension_numbers<[1], [0], [0], [1], [0, 0, 1, 1], [], []>, transpose_lhs_hint = false} : vector<1000x128xf32>, vector<128x128xf32>, vector<1000x128xf32> -> vector<1000x128xf32>
    %get3A_9 = arith.constant 0 : index
    %get3A_10 = arith.constant 0 : index
    %get3A_11 = vector.load %arg5[%get3A_9, %get3A_10] : memref<1x128xf32, #tpu.memory_space<vmem>>, vector<1x128xf32>
    %add3A_12 = vector.broadcast %get3A_11 : vector<1x128xf32> to vector<1000x128xf32>
    %add3A_13 = arith.addf %dot_general3A_8, %add3A_12 : vector<1000x128xf32>
    %gt3A = arith.constant 0.000000e+00 : f32
    %gt3A_14 = vector.broadcast %gt3A : f32 to vector<1000x128xf32>
    %gt3A_15 = arith.cmpf ogt, %add3A_13, %gt3A_14 : vector<1000x128xf32>
    %mul3A = arith.constant 2.000000e-01 : f32
    %mul3A_16 = vector.broadcast %mul3A : f32 to vector<1000x128xf32>
    %mul3A_17 = arith.mulf %mul3A_16, %add3A_13 : vector<1000x128xf32>
    %select_n3A = arith.select %gt3A_15, %add3A_13, %mul3A_17 : vector<1000x128xi1>, vector<1000x128xf32>
    %get3A_18 = arith.constant 0 : index
    %get3A_19 = arith.constant 0 : index
    %get3A_20 = vector.load %arg6[%get3A_18, %get3A_19] : memref<1x128xf32, #tpu.memory_space<vmem>>, vector<1x128xf32>
    %mul3A_21 = vector.broadcast %get3A_20 : vector<1x128xf32> to vector<1000x128xf32>
    %mul3A_22 = arith.mulf %select_n3A, %mul3A_21 : vector<1000x128xf32>
    %get3A_23 = arith.constant 0 : index
    %get3A_24 = arith.constant 0 : index
    %get3A_25 = vector.load %arg7[%get3A_23, %get3A_24] : memref<1x128xf32, #tpu.memory_space<vmem>>, vector<1x128xf32>
    %add3A_26 = vector.broadcast %get3A_25 : vector<1x128xf32> to vector<1000x128xf32>
    %add3A_27 = arith.addf %mul3A_22, %add3A_26 : vector<1000x128xf32>
    %get3A_28 = arith.constant 0 : index
    %get3A_29 = arith.constant 0 : index
    %get3A_30 = vector.load %arg8[%get3A_28, %get3A_29] : memref<128x128xf32, #tpu.memory_space<vmem>>, vector<128x128xf32>
    %dot_general3A_31 = arith.constant dense<0.000000e+00> : vector<1000x128xf32>
    %dot_general3A_32 = tpu.matmul %add3A_27, %get3A_30, %dot_general3A_31 {dimension_numbers = #tpu.dot_dimension_numbers<[1], [0], [0], [1], [0, 0, 1, 1], [], []>, transpose_lhs_hint = false} : vector<1000x128xf32>, vector<128x128xf32>, vector<1000x128xf32> -> vector<1000x128xf32>
    %get3A_33 = arith.constant 0 : index
    %get3A_34 = arith.constant 0 : index
    %get3A_35 = vector.load %arg9[%get3A_33, %get3A_34] : memref<1x128xf32, #tpu.memory_space<vmem>>, vector<1x128xf32>
    %add3A_36 = vector.broadcast %get3A_35 : vector<1x128xf32> to vector<1000x128xf32>
    %add3A_37 = arith.addf %dot_general3A_32, %add3A_36 : vector<1000x128xf32>
    %gt3A_38 = arith.constant 0.000000e+00 : f32
    %gt3A_39 = vector.broadcast %gt3A_38 : f32 to vector<1000x128xf32>
    %gt3A_40 = arith.cmpf ogt, %add3A_37, %gt3A_39 : vector<1000x128xf32>
    %mul3A_41 = arith.constant 2.000000e-01 : f32
    %mul3A_42 = vector.broadcast %mul3A_41 : f32 to vector<1000x128xf32>
    %mul3A_43 = arith.mulf %mul3A_42, %add3A_37 : vector<1000x128xf32>
    %select_n3A_44 = arith.select %gt3A_40, %add3A_37, %mul3A_43 : vector<1000x128xi1>, vector<1000x128xf32>
    %get3A_45 = arith.constant 0 : index
    %get3A_46 = arith.constant 0 : index
    %get3A_47 = arith.constant 0 : index
    %get3A_48 = vector.load %arg3[%get3A_45, %get3A_46, %get3A_47] : memref<1x1x1000xi32, #tpu.memory_space<vmem>>, vector<1x1x1000xi32>
    %get3A_49 = vector.shape_cast %get3A_48 : vector<1x1x1000xi32> to vector<1x1000xi32>
    %iota3A = tpu.iota {dimensions = array<i32: 0>} : vector<200x1000xi32>
    %eq3A = vector.broadcast %get3A_49 : vector<1x1000xi32> to vector<200x1000xi32>
    %eq3A_50 = arith.cmpi eq, %iota3A, %eq3A : vector<200x1000xi32>
    %convert_element_type3A = arith.extui %eq3A_50 : vector<200x1000xi1> to vector<200x1000xi32>
    %convert_element_type3A_51 = arith.sitofp %convert_element_type3A : vector<200x1000xi32> to vector<200x1000xf32>
    %dot_general3A_52 = arith.constant dense<0.000000e+00> : vector<200x128xf32>
    %dot_general3A_53 = tpu.matmul %convert_element_type3A_51, %select_n3A_44, %dot_general3A_52 {dimension_numbers = #tpu.dot_dimension_numbers<[1], [0], [0], [1], [0, 0, 1, 1], [], []>, transpose_lhs_hint = false} : vector<200x1000xf32>, vector<1000x128xf32>, vector<200x128xf32> -> vector<200x128xf32>
    %eq3A_54 = arith.constant 0 : i32
    %eq3A_55 = arith.cmpi eq, %arg0, %eq3A_54 : i32
    %convert_element_type3A_56 = arith.extui %eq3A_55 : i1 to i32
    %cond3A = arith.constant 0 : i32
    %cond3A_57 = arith.cmpi ne, %convert_element_type3A_56, %cond3A : i32
    scf.if %cond3A_57 {
      %swap3A = arith.constant 0 : index
      %swap3A_67 = arith.constant 0 : index
      %swap3A_68 = vector.load %arg35[%swap3A, %swap3A_67] : memref<200x128xf32, #tpu.memory_space<vmem>>, vector<200x128xf32>
      tpu.vector_store %arg35[%swap3A, %swap3A_67], %dot_general3A_53 {strides = array<i32>} : memref<200x128xf32, #tpu.memory_space<vmem>>, vector<200x128xf32>,
    } else {
    }
    %ne3A = arith.constant 0 : i32
    %ne3A_58 = arith.cmpi ne, %arg0, %ne3A : i32
    %convert_element_type3A_59 = arith.extui %ne3A_58 : i1 to i32
    %cond3A_60 = arith.constant 0 : i32
    %cond3A_61 = arith.cmpi ne, %convert_element_type3A_59, %cond3A_60 : i32
    scf.if %cond3A_61 {
      %get3A_67 = arith.constant 0 : index
      %get3A_68 = arith.constant 0 : index
      %get3A_69 = vector.load %arg35[%get3A_67, %get3A_68] : memref<200x128xf32, #tpu.memory_space<vmem>>, vector<200x128xf32>
      %add3A_70 = arith.addf %get3A_69, %dot_general3A_53 : vector<200x128xf32>
      %swap3A = arith.constant 0 : index
      %swap3A_71 = arith.constant 0 : index
      %swap3A_72 = vector.load %arg35[%swap3A, %swap3A_71] : memref<200x128xf32, #tpu.memory_space<vmem>>, vector<200x128xf32>
      tpu.vector_store %arg35[%swap3A, %swap3A_71], %add3A_70 {strides = array<i32>} : memref<200x128xf32, #tpu.memory_space<vmem>>, vector<200x128xf32>,
    } else {
    }
    %eq3A_62 = arith.constant 9 : i32
    %eq3A_63 = arith.cmpi eq, %arg0, %eq3A_62 : i32
    %convert_element_type3A_64 = arith.extui %eq3A_63 : i1 to i32
    %cond3A_65 = arith.constant 0 : i32
    %cond3A_66 = arith.cmpi ne, %convert_element_type3A_64, %cond3A_65 : i32
    scf.if %cond3A_66 {
      %get3A_67 = arith.constant 0 : index
      %get3A_68 = arith.constant 0 : index
      %get3A_69 = vector.load %arg35[%get3A_67, %get3A_68] : memref<200x128xf32, #tpu.memory_space<vmem>>, vector<200x128xf32>
      %get3A_70 = arith.constant 0 : index
      %get3A_71 = arith.constant 0 : index
      %get3A_72 = vector.load %arg11[%get3A_70, %get3A_71] : memref<1x128xf32, #tpu.memory_space<vmem>>, vector<1x128xf32>
      %mul3A_73 = vector.broadcast %get3A_72 : vector<1x128xf32> to vector<200x128xf32>
      %mul3A_74 = arith.mulf %get3A_69, %mul3A_73 : vector<200x128xf32>
      %get3A_75 = arith.constant 0 : index
      %get3A_76 = arith.constant 0 : index
      %get3A_77 = vector.load %arg12[%get3A_75, %get3A_76] : memref<1x128xf32, #tpu.memory_space<vmem>>, vector<1x128xf32>
      %add3A_78 = vector.broadcast %get3A_77 : vector<1x128xf32> to vector<200x128xf32>
      %add3A_79 = arith.addf %mul3A_74, %add3A_78 : vector<200x128xf32>
      %get3A_80 = arith.constant 0 : index
      %get3A_81 = arith.constant 0 : index
      %get3A_82 = vector.load %arg13[%get3A_80, %get3A_81] : memref<128x128xf32, #tpu.memory_space<vmem>>, vector<128x128xf32>
      %dot_general3A_83 = arith.constant dense<0.000000e+00> : vector<200x128xf32>
      %dot_general3A_84 = tpu.matmul %add3A_79, %get3A_82, %dot_general3A_83 {dimension_numbers = #tpu.dot_dimension_numbers<[1], [0], [0], [1], [0, 0, 1, 1], [], []>, transpose_lhs_hint = false} : vector<200x128xf32>, vector<128x128xf32>, vector<200x128xf32> -> vector<200x128xf32>
      %get3A_85 = arith.constant 0 : index
      %get3A_86 = arith.constant 0 : index
      %get3A_87 = vector.load %arg14[%get3A_85, %get3A_86] : memref<1x128xf32, #tpu.memory_space<vmem>>, vector<1x128xf32>
      %add3A_88 = vector.broadcast %get3A_87 : vector<1x128xf32> to vector<200x128xf32>
      %add3A_89 = arith.addf %dot_general3A_84, %add3A_88 : vector<200x128xf32>
      %get3A_90 = arith.constant 0 : index
      %get3A_91 = arith.constant 0 : index
      %get3A_92 = vector.load %arg15[%get3A_90, %get3A_91] : memref<128x32xf32, #tpu.memory_space<vmem>>, vector<128x32xf32>
      %dot_general3A_93 = arith.constant dense<0.000000e+00> : vector<200x32xf32>
      %dot_general3A_94 = tpu.matmul %add3A_89, %get3A_92, %dot_general3A_93 {dimension_numbers = #tpu.dot_dimension_numbers<[1], [0], [0], [1], [0, 0, 1, 1], [], []>, transpose_lhs_hint = false} : vector<200x128xf32>, vector<128x32xf32>, vector<200x32xf32> -> vector<200x32xf32>
      %get3A_95 = arith.constant 0 : index
      %get3A_96 = arith.constant 0 : index
      %get3A_97 = vector.load %arg16[%get3A_95, %get3A_96] : memref<1x32xf32, #tpu.memory_space<vmem>>, vector<1x32xf32>
      %add3A_98 = vector.broadcast %get3A_97 : vector<1x32xf32> to vector<200x32xf32>
      %add3A_99 = arith.addf %dot_general3A_94, %add3A_98 : vector<200x32xf32>
      %get3A_100 = arith.constant 0 : index
      %get3A_101 = arith.constant 0 : index
      %get3A_102 = vector.load %arg10[%get3A_100, %get3A_101] : memref<200x128xf32, #tpu.memory_space<vmem>>, vector<200x128xf32>
      %get3A_103 = arith.constant 0 : index
      %get3A_104 = arith.constant 0 : index
      %get3A_105 = vector.load %arg17[%get3A_103, %get3A_104] : memref<128x128xf32, #tpu.memory_space<vmem>>, vector<128x128xf32>
      %dot_general3A_106 = arith.constant dense<0.000000e+00> : vector<200x128xf32>
      %dot_general3A_107 = tpu.matmul %get3A_102, %get3A_105, %dot_general3A_106 {dimension_numbers = #tpu.dot_dimension_numbers<[1], [0], [0], [1], [0, 0, 1, 1], [], []>, transpose_lhs_hint = false} : vector<200x128xf32>, vector<128x128xf32>, vector<200x128xf32> -> vector<200x128xf32>
      %get3A_108 = arith.constant 0 : index
      %get3A_109 = arith.constant 0 : index
      %get3A_110 = vector.load %arg18[%get3A_108, %get3A_109] : memref<1x128xf32, #tpu.memory_space<vmem>>, vector<1x128xf32>
      %add3A_111 = vector.broadcast %get3A_110 : vector<1x128xf32> to vector<200x128xf32>
      %add3A_112 = arith.addf %dot_general3A_107, %add3A_111 : vector<200x128xf32>
      %max3A = arith.constant 0.000000e+00 : f32
      %max3A_113 = vector.broadcast %max3A : f32 to vector<200x128xf32>
      %max3A_114 = arith.maximumf %add3A_112, %max3A_113 : vector<200x128xf32>
      %get3A_115 = arith.constant 0 : index
      %get3A_116 = arith.constant 0 : index
      %get3A_117 = vector.load %arg19[%get3A_115, %get3A_116] : memref<128x128xf32, #tpu.memory_space<vmem>>, vector<128x128xf32>
      %dot_general3A_118 = arith.constant dense<0.000000e+00> : vector<200x128xf32>
      %dot_general3A_119 = tpu.matmul %max3A_114, %get3A_117, %dot_general3A_118 {dimension_numbers = #tpu.dot_dimension_numbers<[1], [0], [0], [1], [0, 0, 1, 1], [], []>, transpose_lhs_hint = false} : vector<200x128xf32>, vector<128x128xf32>, vector<200x128xf32> -> vector<200x128xf32>
      %get3A_120 = arith.constant 0 : index
      %get3A_121 = arith.constant 0 : index
      %get3A_122 = vector.load %arg20[%get3A_120, %get3A_121] : memref<1x128xf32, #tpu.memory_space<vmem>>, vector<1x128xf32>
      %add3A_123 = vector.broadcast %get3A_122 : vector<1x128xf32> to vector<200x128xf32>
      %add3A_124 = arith.addf %dot_general3A_119, %add3A_123 : vector<200x128xf32>
      %get3A_125 = arith.constant 0 : index
      %get3A_126 = arith.constant 0 : index
      %get3A_127 = vector.load %arg21[%get3A_125, %get3A_126] : memref<32x256xf32, #tpu.memory_space<vmem>>, vector<32x256xf32>
      %dot_general3A_128 = arith.constant dense<0.000000e+00> : vector<200x256xf32>
      %dot_general3A_129 = tpu.matmul %add3A_99, %get3A_127, %dot_general3A_128 {dimension_numbers = #tpu.dot_dimension_numbers<[1], [0], [0], [1], [0, 0, 1, 1], [], []>, transpose_lhs_hint = false} : vector<200x32xf32>, vector<32x256xf32>, vector<200x256xf32> -> vector<200x256xf32>
      %get3A_130 = arith.constant 0 : index
      %get3A_131 = arith.constant 0 : index
      %get3A_132 = vector.load %arg22[%get3A_130, %get3A_131] : memref<128x256xf32, #tpu.memory_space<vmem>>, vector<128x256xf32>
      %dot_general3A_133 = arith.constant dense<0.000000e+00> : vector<200x256xf32>
      %dot_general3A_134 = tpu.matmul %add3A_124, %get3A_132, %dot_general3A_133 {dimension_numbers = #tpu.dot_dimension_numbers<[1], [0], [0], [1], [0, 0, 1, 1], [], []>, transpose_lhs_hint = false} : vector<200x128xf32>, vector<128x256xf32>, vector<200x256xf32> -> vector<200x256xf32>
      %add3A_135 = arith.addf %dot_general3A_129, %dot_general3A_134 : vector<200x256xf32>
      %get3A_136 = arith.constant 0 : index
      %get3A_137 = arith.constant 0 : index
      %get3A_138 = vector.load %arg23[%get3A_136, %get3A_137] : memref<1x256xf32, #tpu.memory_space<vmem>>, vector<1x256xf32>
      %add3A_139 = vector.broadcast %get3A_138 : vector<1x256xf32> to vector<200x256xf32>
      %add3A_140 = arith.addf %add3A_135, %add3A_139 : vector<200x256xf32>
      %max3A_141 = arith.constant 0.000000e+00 : f32
      %max3A_142 = vector.broadcast %max3A_141 : f32 to vector<200x256xf32>
      %max3A_143 = arith.maximumf %add3A_140, %max3A_142 : vector<200x256xf32>
      %get3A_144 = arith.constant 0 : index
      %get3A_145 = arith.constant 0 : index
      %get3A_146 = vector.load %arg24[%get3A_144, %get3A_145] : memref<1x256xf32, #tpu.memory_space<vmem>>, vector<1x256xf32>
      %mul3A_147 = vector.broadcast %get3A_146 : vector<1x256xf32> to vector<200x256xf32>
      %mul3A_148 = arith.mulf %max3A_143, %mul3A_147 : vector<200x256xf32>
      %get3A_149 = arith.constant 0 : index
      %get3A_150 = arith.constant 0 : index
      %get3A_151 = vector.load %arg25[%get3A_149, %get3A_150] : memref<1x256xf32, #tpu.memory_space<vmem>>, vector<1x256xf32>
      %add3A_152 = vector.broadcast %get3A_151 : vector<1x256xf32> to vector<200x256xf32>
      %add3A_153 = arith.addf %mul3A_148, %add3A_152 : vector<200x256xf32>
      %get3A_154 = arith.constant 0 : index
      %get3A_155 = arith.constant 0 : index
      %get3A_156 = vector.load %arg26[%get3A_154, %get3A_155] : memref<256x256xf32, #tpu.memory_space<vmem>>, vector<256x256xf32>
      %dot_general3A_157 = arith.constant dense<0.000000e+00> : vector<200x256xf32>
      %dot_general3A_158 = tpu.matmul %add3A_153, %get3A_156, %dot_general3A_157 {dimension_numbers = #tpu.dot_dimension_numbers<[1], [0], [0], [1], [0, 0, 1, 1], [], []>, transpose_lhs_hint = false} : vector<200x256xf32>, vector<256x256xf32>, vector<200x256xf32> -> vector<200x256xf32>
      %get3A_159 = arith.constant 0 : index
      %get3A_160 = arith.constant 0 : index
      %get3A_161 = vector.load %arg27[%get3A_159, %get3A_160] : memref<128x256xf32, #tpu.memory_space<vmem>>, vector<128x256xf32>
      %dot_general3A_162 = arith.constant dense<0.000000e+00> : vector<200x256xf32>
      %dot_general3A_163 = tpu.matmul %add3A_124, %get3A_161, %dot_general3A_162 {dimension_numbers = #tpu.dot_dimension_numbers<[1], [0], [0], [1], [0, 0, 1, 1], [], []>, transpose_lhs_hint = false} : vector<200x128xf32>, vector<128x256xf32>, vector<200x256xf32> -> vector<200x256xf32>
      %add3A_164 = arith.addf %dot_general3A_158, %dot_general3A_163 : vector<200x256xf32>
      %get3A_165 = arith.constant 0 : index
      %get3A_166 = arith.constant 0 : index
      %get3A_167 = vector.load %arg28[%get3A_165, %get3A_166] : memref<1x256xf32, #tpu.memory_space<vmem>>, vector<1x256xf32>
      %add3A_168 = vector.broadcast %get3A_167 : vector<1x256xf32> to vector<200x256xf32>
      %add3A_169 = arith.addf %add3A_164, %add3A_168 : vector<200x256xf32>
      %max3A_170 = arith.constant 0.000000e+00 : f32
      %max3A_171 = vector.broadcast %max3A_170 : f32 to vector<200x256xf32>
      %max3A_172 = arith.maximumf %add3A_169, %max3A_171 : vector<200x256xf32>
      %get3A_173 = arith.constant 0 : index
      %get3A_174 = arith.constant 0 : index
      %get3A_175 = vector.load %arg29[%get3A_173, %get3A_174] : memref<1x256xf32, #tpu.memory_space<vmem>>, vector<1x256xf32>
      %mul3A_176 = vector.broadcast %get3A_175 : vector<1x256xf32> to vector<200x256xf32>
      %mul3A_177 = arith.mulf %max3A_172, %mul3A_176 : vector<200x256xf32>
      %get3A_178 = arith.constant 0 : index
      %get3A_179 = arith.constant 0 : index
      %get3A_180 = vector.load %arg30[%get3A_178, %get3A_179] : memref<1x256xf32, #tpu.memory_space<vmem>>, vector<1x256xf32>
      %add3A_181 = vector.broadcast %get3A_180 : vector<1x256xf32> to vector<200x256xf32>
      %add3A_182 = arith.addf %mul3A_177, %add3A_181 : vector<200x256xf32>
      %get3A_183 = arith.constant 0 : index
      %get3A_184 = arith.constant 0 : index
      %get3A_185 = vector.load %arg31[%get3A_183, %get3A_184] : memref<256x1280xf32, #tpu.memory_space<vmem>>, vector<256x1280xf32>
      %dot_general3A_186 = arith.constant dense<0.000000e+00> : vector<200x1280xf32>
      %dot_general3A_187 = tpu.matmul %add3A_182, %get3A_185, %dot_general3A_186 {dimension_numbers = #tpu.dot_dimension_numbers<[1], [0], [0], [1], [0, 0, 1, 1], [], []>, transpose_lhs_hint = false} : vector<200x256xf32>, vector<256x1280xf32>, vector<200x1280xf32> -> vector<200x1280xf32>
      %get3A_188 = arith.constant 0 : index
      %get3A_189 = arith.constant 0 : index
      %get3A_190 = vector.load %arg32[%get3A_188, %get3A_189] : memref<200x1280xf32, #tpu.memory_space<vmem>>, vector<200x1280xf32>
      %add3A_191 = arith.addf %dot_general3A_187, %get3A_190 : vector<200x1280xf32>
      %ge3A = arith.constant 0.000000e+00 : f32
      %ge3A_192 = vector.broadcast %ge3A : f32 to vector<200x1280xf32>
      %ge3A_193 = arith.cmpf oge, %add3A_191, %ge3A_192 : vector<200x1280xf32>
      %convert_element_type3A_194 = arith.extui %ge3A_193 : vector<200x1280xi1> to vector<200x1280xi32>
      %convert_element_type3A_195 = arith.sitofp %convert_element_type3A_194 : vector<200x1280xi32> to vector<200x1280xf32>
      %convert_element_type3A_196 = arith.truncf %convert_element_type3A_195 : vector<200x1280xf32> to vector<200x1280xbf16>
      %get3A_197 = arith.constant 0 : index
      %get3A_198 = arith.constant 0 : index
      %get3A_199 = vector.load %arg33[%get3A_197, %get3A_198] : memref<1280x2500xbf16, #tpu.memory_space<vmem>>, vector<1280x2500xbf16>
      %dot_general3A_200 = arith.constant dense<0.000000e+00> : vector<200x2500xf32>
      %dot_general3A_201 = tpu.matmul %convert_element_type3A_196, %get3A_199, %dot_general3A_200 {dimension_numbers = #tpu.dot_dimension_numbers<[1], [0], [0], [1], [0, 0, 1, 1], [], []>, transpose_lhs_hint = false} : vector<200x1280xbf16>, vector<1280x2500xbf16>, vector<200x2500xf32> -> vector<200x2500xf32>
      %swap3A = arith.constant 0 : index
      %swap3A_202 = arith.constant 0 : index
      %swap3A_203 = vector.load %arg34[%swap3A, %swap3A_202] : memref<200x2500xf32, #tpu.memory_space<vmem>>, vector<200x2500xf32>
      tpu.vector_store %arg34[%swap3A, %swap3A_202], %dot_general3A_201 {strides = array<i32>} : memref<200x2500xf32, #tpu.memory_space<vmem>>, vector<200x2500xf32>,
    } else {
    }
    return
  }
  func.func @transform_0(%arg0: i32) -> (i32, i32) {
    %c0_i32 = arith.constant 0 : i32
    %c0_i32_0 = arith.constant 0 : i32
    return %arg0, %c0_i32 : i32, i32
  }
  func.func @transform_1(%arg0: i32) -> (i32, i32) {
    %c0_i32 = arith.constant 0 : i32
    %c0_i32_0 = arith.constant 0 : i32
    return %arg0, %c0_i32 : i32, i32
  }
  func.func @transform_2(%arg0: i32) -> (i32, i32, i32) {
    %c0_i32 = arith.constant 0 : i32
    %c0_i32_0 = arith.constant 0 : i32
    %c0_i32_1 = arith.constant 0 : i32
    return %arg0, %c0_i32, %c0_i32_0 : i32, i32, i32
  }
  func.func @transform_3(%arg0: i32) -> (i32, i32) {
    %c0_i32 = arith.constant 0 : i32
    %c0_i32_0 = arith.constant 0 : i32
    %c0_i32_1 = arith.constant 0 : i32
    return %c0_i32, %c0_i32_0 : i32, i32
  }
  func.func @transform_4(%arg0: i32) -> (i32, i32) {
    %c0_i32 = arith.constant 0 : i32
    %c0_i32_0 = arith.constant 0 : i32
    %c0_i32_1 = arith.constant 0 : i32
    return %c0_i32, %c0_i32_0 : i32, i32
  }
  func.func @transform_5(%arg0: i32) -> (i32, i32) {
    %c0_i32 = arith.constant 0 : i32
    %c0_i32_0 = arith.constant 0 : i32
    %c0_i32_1 = arith.constant 0 : i32
    return %c0_i32, %c0_i32_0 : i32, i32
  }
  func.func @transform_6(%arg0: i32) -> (i32, i32) {
    %c0_i32 = arith.constant 0 : i32
    %c0_i32_0 = arith.constant 0 : i32
    %c0_i32_1 = arith.constant 0 : i32
    return %c0_i32, %c0_i32_0 : i32, i32
  }
  func.func @transform_7(%arg0: i32) -> (i32, i32) {
    %c0_i32 = arith.constant 0 : i32
    %c0_i32_0 = arith.constant 0 : i32
    %c0_i32_1 = arith.constant 0 : i32
    return %c0_i32, %c0_i32_0 : i32, i32
  }
  func.func @transform_8(%arg0: i32) -> (i32, i32) {
    %c0_i32 = arith.constant 0 : i32
    %c0_i32_0 = arith.constant 0 : i32
    %c0_i32_1 = arith.constant 0 : i32
    return %c0_i32, %c0_i32_0 : i32, i32
  }
  func.func @transform_9(%arg0: i32) -> (i32, i32) {
    %c0_i32 = arith.constant 0 : i32
    %c0_i32_0 = arith.constant 0 : i32
    %c0_i32_1 = arith.constant 0 : i32
    return %c0_i32, %c0_i32_0 : i32, i32
  }
  func.func @transform_10(%arg0: i32) -> (i32, i32) {
    %c0_i32 = arith.constant 0 : i32
    %c0_i32_0 = arith.constant 0 : i32
    %c0_i32_1 = arith.constant 0 : i32
    return %c0_i32, %c0_i32_0 : i32, i32
  }
  func.func @transform_11(%arg0: i32) -> (i32, i32) {
    %c0_i32 = arith.constant 0 : i32
    %c0_i32_0 = arith.constant 0 : i32
    %c0_i32_1 = arith.constant 0 : i32
    return %c0_i32, %c0_i32_0 : i32, i32
  }
  func.func @transform_12(%arg0: i32) -> (i32, i32) {
    %c0_i32 = arith.constant 0 : i32
    %c0_i32_0 = arith.constant 0 : i32
    %c0_i32_1 = arith.constant 0 : i32
    return %c0_i32, %c0_i32_0 : i32, i32
  }
  func.func @transform_13(%arg0: i32) -> (i32, i32) {
    %c0_i32 = arith.constant 0 : i32
    %c0_i32_0 = arith.constant 0 : i32
    %c0_i32_1 = arith.constant 0 : i32
    return %c0_i32, %c0_i32_0 : i32, i32
  }
  func.func @transform_14(%arg0: i32) -> (i32, i32) {
    %c0_i32 = arith.constant 0 : i32
    %c0_i32_0 = arith.constant 0 : i32
    %c0_i32_1 = arith.constant 0 : i32
    return %c0_i32, %c0_i32_0 : i32, i32
  }
  func.func @transform_15(%arg0: i32) -> (i32, i32) {
    %c0_i32 = arith.constant 0 : i32
    %c0_i32_0 = arith.constant 0 : i32
    %c0_i32_1 = arith.constant 0 : i32
    return %c0_i32, %c0_i32_0 : i32, i32
  }
  func.func @transform_16(%arg0: i32) -> (i32, i32) {
    %c0_i32 = arith.constant 0 : i32
    %c0_i32_0 = arith.constant 0 : i32
    %c0_i32_1 = arith.constant 0 : i32
    return %c0_i32, %c0_i32_0 : i32, i32
  }
  func.func @transform_17(%arg0: i32) -> (i32, i32) {
    %c0_i32 = arith.constant 0 : i32
    %c0_i32_0 = arith.constant 0 : i32
    %c0_i32_1 = arith.constant 0 : i32
    return %c0_i32, %c0_i32_0 : i32, i32
  }
  func.func @transform_18(%arg0: i32) -> (i32, i32) {
    %c0_i32 = arith.constant 0 : i32
    %c0_i32_0 = arith.constant 0 : i32
    %c0_i32_1 = arith.constant 0 : i32
    return %c0_i32, %c0_i32_0 : i32, i32
  }
  func.func @transform_19(%arg0: i32) -> (i32, i32) {
    %c0_i32 = arith.constant 0 : i32
    %c0_i32_0 = arith.constant 0 : i32
    %c0_i32_1 = arith.constant 0 : i32
    return %c0_i32, %c0_i32_0 : i32, i32
  }
  func.func @transform_20(%arg0: i32) -> (i32, i32) {
    %c0_i32 = arith.constant 0 : i32
    %c0_i32_0 = arith.constant 0 : i32
    %c0_i32_1 = arith.constant 0 : i32
    return %c0_i32, %c0_i32_0 : i32, i32
  }
  func.func @transform_21(%arg0: i32) -> (i32, i32) {
    %c0_i32 = arith.constant 0 : i32
    %c0_i32_0 = arith.constant 0 : i32
    %c0_i32_1 = arith.constant 0 : i32
    return %c0_i32, %c0_i32_0 : i32, i32
  }
  func.func @transform_22(%arg0: i32) -> (i32, i32) {
    %c0_i32 = arith.constant 0 : i32
    %c0_i32_0 = arith.constant 0 : i32
    %c0_i32_1 = arith.constant 0 : i32
    return %c0_i32, %c0_i32_0 : i32, i32
  }
  func.func @transform_23(%arg0: i32) -> (i32, i32) {
    %c0_i32 = arith.constant 0 : i32
    %c0_i32_0 = arith.constant 0 : i32
    %c0_i32_1 = arith.constant 0 : i32
    return %c0_i32, %c0_i32_0 : i32, i32
  }
  func.func @transform_24(%arg0: i32) -> (i32, i32) {
    %c0_i32 = arith.constant 0 : i32
    %c0_i32_0 = arith.constant 0 : i32
    %c0_i32_1 = arith.constant 0 : i32
    return %c0_i32, %c0_i32_0 : i32, i32
  }
  func.func @transform_25(%arg0: i32) -> (i32, i32) {
    %c0_i32 = arith.constant 0 : i32
    %c0_i32_0 = arith.constant 0 : i32
    %c0_i32_1 = arith.constant 0 : i32
    return %c0_i32, %c0_i32_0 : i32, i32
  }
  func.func @transform_26(%arg0: i32) -> (i32, i32) {
    %c0_i32 = arith.constant 0 : i32
    %c0_i32_0 = arith.constant 0 : i32
    %c0_i32_1 = arith.constant 0 : i32
    return %c0_i32, %c0_i32_0 : i32, i32
  }
  func.func @transform_27(%arg0: i32) -> (i32, i32) {
    %c0_i32 = arith.constant 0 : i32
    %c0_i32_0 = arith.constant 0 : i32
    %c0_i32_1 = arith.constant 0 : i32
    return %c0_i32, %c0_i32_0 : i32, i32
  }
  func.func @transform_28(%arg0: i32) -> (i32, i32) {
    %c0_i32 = arith.constant 0 : i32
    %c0_i32_0 = arith.constant 0 : i32
    %c0_i32_1 = arith.constant 0 : i32
    return %c0_i32, %c0_i32_0 : i32, i32
  }
  func.func @transform_29(%arg0: i32) -> (i32, i32) {
    %c0_i32 = arith.constant 0 : i32
    %c0_i32_0 = arith.constant 0 : i32
    %c0_i32_1 = arith.constant 0 : i32
    return %c0_i32, %c0_i32_0 : i32, i32
  }
  func.func @transform_30(%arg0: i32) -> (i32, i32) {
    %c0_i32 = arith.constant 0 : i32
    %c0_i32_0 = arith.constant 0 : i32
    %c0_i32_1 = arith.constant 0 : i32
    return %c0_i32, %c0_i32_0 : i32, i32
  }
  func.func @transform_31(%arg0: i32) -> (i32, i32) {
    %c0_i32 = arith.constant 0 : i32
    %c0_i32_0 = arith.constant 0 : i32
    %c0_i32_1 = arith.constant 0 : i32
    return %c0_i32, %c0_i32_0 : i32, i32
  }
  func.func @transform_32(%arg0: i32) -> (i32, i32) {
    %c0_i32 = arith.constant 0 : i32
    %c0_i32_0 = arith.constant 0 : i32
    %c0_i32_1 = arith.constant 0 : i32
    return %c0_i32, %c0_i32_0 : i32, i32
  }
  func.func @transform_33(%arg0: i32) -> (i32, i32) {
    %c0_i32 = arith.constant 0 : i32
    %c0_i32_0 = arith.constant 0 : i32
    %c0_i32_1 = arith.constant 0 : i32
    return %c0_i32, %c0_i32_0 : i32, i32
  }
}

</mosaic_0001>

<sc_bundles>
// kernel: kernel.6.cloned.1.call-start
scs
__scs_entry_jumppad:
0x0: {  	(pc) =	sbr.rel $0x88, $3  }
0x1: {  	(tag) =	ssettag $0x0;
	lr =	simm.s32 $0x1  }
0x2: {  	[smem:$0x3F7D] =	sst lr;
	_ =	strace $0xD0000000  }
0x3: {  	_ = 	snop  }
0x4: {  	_ = 	snop  }
0x5: {  	_ = 	snop  }
0x6: {  	_ = 	snop  }
0x7: {  	_ = 	snop  }
__scs_overlays_trampoline_lowered:
0x8: {  	[smem:$0x3F8C] =	sst s0  }
0x9: {  	[smem:$0x3F8D] =	sst s1  }
0xa: {  	[smem:$0x3F8E] =	sst s2  }
0xb: {  	[smem:$0x3F8F] =	sst s3  }
0xc: {  	[smem:$0x3F90] =	sst s4  }
0xd: {  	[smem:$0x3F91] =	sst s5  }
0xe: {  	[smem:$0x3F92] =	sst s6  }
0xf: {  	[smem:$0x3F93] =	sst s7  }
0x10: {  	[smem:$0x3F94] =	sst s8  }
0x11: {  	[smem:$0x3F95] =	sst s9;
	s0 =	simm.s32 @!p0 $0x0  }
0x12: {  	s1 =	sld [smem:$0x3F7B];
	s0 =	simm.s32 @p0 $0x1  }
0x13: {  	[smem:$0x3F96] =	sst s0;
	s0 =	simm.s32 @!p1 $0x0  }
0x14: {  	s2 =	sld [smem:$0x3F7A];
	s0 =	simm.s32 @p1 $0x1  }
0x15: {  	[smem:$0x3F97] =	sst s0;
	s0 =	simm.s32 @!p2 $0x0  }
0x16: {  	s3 =	sld [smem:$0x3FDB];
	s0 =	simm.s32 @p2 $0x1  }
0x17: {  	s4 =	simm.s32 $0x1BF5;
	[smem:$0x3F99] =	sst s0  }
0x18: {  	s0 =	sld [smem:$0x3F7C];
	_ =	swait.ge [sflag:s4], $0x0  }
0x19: {  	s7 =	sld [smem:$0x3F7D]  }
0x1a: {  	s8 =	sadd.s32 $0xFFFFE003, lr  }
0x1b: {  	s9 =	sadd.s32 $0xFFFFFEF7, lr;
	s5 =	simm.s32 $0xFFFFFFFF;
	p2 =	slt.u32 s8, $0xFFFFF086  }
0x1c: {  	p1 =	slt.u32 s9, $0xF7A;
	s5 =	simm.s32 @!p2 $0x0  }
0x1d: {  	s5 =	simm.s32 @p1 $0x1;
	p0 =	seq.s32 s7, s2  }
0x1e: {  	s7 =	smul.u32 @!p0 $0xF7A, s2;
	p2 =	seq.s32 @!p0 s5, $0x0  }
0x1f: {  	s9 =	smul.u32 $0xF7A, s1;
	s8 =	simm.s32 @!p0 $0x1BF5;
	p2 =	por !p2, p0  }
0x20: {  	[sflag:s8] =	ssyncset.s32 @!p0 $0xFFFFF086;
	s6 =	sadd.s32 @!p0 s3, s7;
	s7 =	simm.s32 @!p0 $0x108  }
0x21: {  	s3 =	sadd.s32 s3, s9;
	s6 =	sadd.s32 @!p0 $0x88, s6;
	s7 =	simm.s32 @p2 $0x1082  }
0x22: {  	[simem:s7], [sflag:s8] =	dma.local @!p0 [hbm:s6], $0xF7A  }
0x23: {  	s9 =	sor.u32 $0xD0000000, s2;
	s6 =	simm.s32 $0x108;
	_ =	swait.ge @!p0 [sflag:s8], $0x0  }
0x24: {  	s3 =	sadd.s32 $0x88, s3;
	s6 =	simm.s32 @!p1 $0x1082;
	[sflag:s4] =	ssyncset.s32 $0xFFFFF086  }
0x25: {  	[simem:s6], [sflag:s4] =	dma.local [hbm:s3], $0xF7A  }
0x26: {  	[smem:$0x3F7D] =	sst s1;
	(tag) =	ssettag s2;
	_ =	strace s9  }
0x27: {  	s1 =	sld [smem:$0x3F8D]  }
0x28: {  	s2 =	sld [smem:$0x3F8E]  }
0x29: {  	s4 =	sld [smem:$0x3F90]  }
0x2a: {  	p0 =	seq.s32 s5, $0x0;
	s5 =	sld [smem:$0x3F91]  }
0x2b: {  	s6 =	sld [smem:$0x3F92]  }
0x2c: {  	s7 =	sld [smem:$0x3F93]  }
0x2d: {  	s3 =	simm.s32 $0x108;
	s8 =	sld [smem:$0x3F94]  }
0x2e: {  	s3 =	simm.s32 @!p0 $0x1082;
	s9 =	sld [smem:$0x3F95]  }
0x2f: {  	lr =	sadd.s32 s0, s3;
	s0 =	sld [smem:$0x3F8C]  }
0x30: {  	s3 =	sld [smem:$0x3F8F]  }
0x31: {  	[smem:$0x3F98] =	sst s10  }
0x32: {  	s10 =	sld [smem:$0x3F96];
	_ =	sdelay $0x3  }
0x33: {  	p0 =	seq.s32 s10, $0x1;
	s10 =	sld [smem:$0x3F98];
	_ =	sdelay $0x3  }
0x34: {  	[smem:$0x3F98] =	sst s10  }
0x35: {  	s10 =	sld [smem:$0x3F97];
	_ =	sdelay $0x3  }
0x36: {  	p1 =	seq.s32 s10, $0x1;
	s10 =	sld [smem:$0x3F98];
	_ =	sdelay $0x3  }
0x37: {  	[smem:$0x3F98] =	sst s10  }
0x38: {  	s10 =	sld [smem:$0x3F99]  }
0x39: {  	_ = 	snop;
	(pc) =	sbr.ind lr, $3  }
0x3a: {  	_ = 	snop  }
0x3b: {  	_ = 	snop  }
0x3c: {  	p2 =	seq.s32 s10, $0x1;
	s10 =	sld [smem:$0x3F98]  }
0x3d: {  	_ =	shalt  }
0x3e: {  	_ =	shalt  }
0x3f: {  	_ =	shalt  }
0x40: {  	_ =	shalt  }
0x41: {  	_ =	shalt  }
0x42: {  	_ =	shalt  }
0x43: {  	_ =	shalt  }
0x44: {  	_ =	shalt  }
0x45: {  	_ =	shalt  }
0x46: {  	_ =	shalt  }
0x47: {  	_ =	shalt  }
0x48: {  	_ =	shalt  }
0x49: {  	_ =	shalt  }
0x4a: {  	_ =	shalt  }
0x4b: {  	_ =	shalt  }
0x4c: {  	_ =	shalt  }
0x4d: {  	_ =	shalt  }
0x4e: {  	_ =	shalt  }
0x4f: {  	_ =	shalt  }
0x50: {  	_ =	shalt  }
0x51: {  	_ =	shalt  }
0x52: {  	_ =	shalt  }
0x53: {  	_ =	shalt  }
0x54: {  	_ =	shalt  }
0x55: {  	_ =	shalt  }
0x56: {  	_ =	shalt  }
0x57: {  	_ =	shalt  }
0x58: {  	_ =	shalt  }
0x59: {  	_ =	shalt  }
0x5a: {  	_ =	shalt  }
0x5b: {  	_ =	shalt  }
0x5c: {  	_ =	shalt  }
0x5d: {  	_ =	shalt  }
0x5e: {  	_ =	shalt  }
0x5f: {  	_ =	shalt  }
0x60: {  	_ =	shalt  }
0x61: {  	_ =	shalt  }
0x62: {  	_ =	shalt  }
0x63: {  	_ =	shalt  }
0x64: {  	_ =	shalt  }
0x65: {  	_ =	shalt  }
0x66: {  	_ =	shalt  }
0x67: {  	_ =	shalt  }
0x68: {  	_ =	shalt  }
0x69: {  	_ =	shalt  }
0x6a: {  	_ =	shalt  }
0x6b: {  	_ =	shalt  }
0x6c: {  	_ =	shalt  }
0x6d: {  	_ =	shalt  }
0x6e: {  	_ =	shalt  }
0x6f: {  	_ =	shalt  }
0x70: {  	_ =	shalt  }
0x71: {  	_ =	shalt  }
0x72: {  	_ =	shalt  }
0x73: {  	_ =	shalt  }
0x74: {  	_ =	shalt  }
0x75: {  	_ =	shalt  }
0x76: {  	_ =	shalt  }
0x77: {  	_ =	shalt  }
0x78: {  	_ =	shalt  }
0x79: {  	_ =	shalt  }
0x7a: {  	_ =	shalt  }
0x7b: {  	_ =	shalt  }
0x7c: {  	_ =	shalt  }
0x7d: {  	_ =	shalt  }
0x7e: {  	_ =	shalt  }
0x7f: {  	_ =	shalt  }
0x80: {  	_ =	shalt  }
0x81: {  	_ =	shalt  }
0x82: {  	_ =	shalt  }
0x83: {  	_ =	shalt  }
0x84: {  	_ =	shalt  }
0x85: {  	_ =	shalt  }
0x86: {  	_ =	shalt  }
0x87: {  	_ =	shalt  }
.Lfunc_end0:
.L_simem_size_0:
called_computation_lowered:
.L_overlay_start_0:
0x88: {  	s2 =	sld [smem:$0x3FD9]  }
0x89: {  	s3 =	sld [smem:$0x3FFE];
	_ =	sdelay $0x1  }
0x8a: {  	s1 =	srdreg.scid  }
0x8b: {  	s0 =	sand.u32 $0x1, s1  }
0x8c: {  	s17 =	sshll.u32 s0, $0xA;
	s2 =	sadd.s32 s3, s2  }
0x8d: {  	s2 =	sadd.s32 s2, s17  }
0x8e: {  	[smem:$0x3FA4] =	sst s2  }
0x8f: {  	_ = 	snop  }
0x90: {  	s2 =	sld [smem:$0x3FC9]  }
0x91: {  	s18 =	sld [smem:$0x3FD0];
	(tm) =	ssettm $0x1  }
0x92: {  	s4 =	sld [smem:$0x3FFB];
	_ =	sdelay $0x3  }
0x93: {  	_ =	strace s4  }
0x94: {  	s4 =	sld [smem:$0x3FFC];
	_ =	sdelay $0x3  }
0x95: {  	_ =	strace s4  }
0x96: {  	s4 =	sld [smem:$0x3FFD];
	_ =	sdelay $0x3  }
0x97: {  	_ =	strace s4  }
0x98: {  	_ =	strace $0x8FFFFFFF  }
0x99: {  	s19 =	sld [smem:$0x3FDB];
	_ =	sdelay $0x1  }
0x9a: {  	s5 =	simm.s32 $_scs_section_size  }
0x9b: {  	s6 =	simm.s32 $_size__tile_overlayer_lowered;
	s7 =	simm.s32 $_tile_overlayer_lowered  }
0x9c: {  	s22 =	simm.s32 $0x1BFF;
	s21 =	sshll.u32 s7, $0x1;
	s4 =	sadd.s32 s5, s19  }
0x9d: {  	s8 =	simm.s32 $0x0;
	s20 =	sshll.u32 s6, $0x1;
	s6 =	sadd.s32 s21, s4  }
0x9e: {  	[timem:s8], [sflag:s22] =	dma.local [hbm:s6], s20  }
0x9f: {  	_ =	swait.ge [sflag:s22], s20  }
0xa0: {  	s5 =	ssub.s32 $0x0, s20;
	[sflag:s22] =	ssyncset.done $0x0  }
0xa1: {  	[sflag:s22] =	ssyncadd.s32 s5;
	_ =	sdelay $0x1  }
0xa2: {  	s23 =	simm.s32 $0x1B8B  }
0xa3: {  	_ =	swait.ge [sflag:s23], $0x1  }
0xa4: {  	[sflag:s23] =	ssyncset.done $0x0  }
0xa5: {  	s25 =	simm.s32 $0x1B8E;
	s24 =	sld [smem:$0x3FFE];
	[sflag:s23] =	ssyncadd.s32 $0xFFFFFFFF  }
0xa6: {  	s26 =	simm.s32 $execute0_lowered;
	[smem:$0x3FD2] =	sst s25  }
0xa7: {  	s6 =	sshll.u32 s26, $0x1;
	_ =	strace $0x80000046;
	[dreg:$0x1] =	wrdreg $0xFFFFFFFF  }
0xa8: {  	s28 =	simm.s32 $_size_execute0_lowered;
	s4 =	sadd.s32 s4, s6;
	[dreg:$0x0] =	wrdreg $0x0  }
0xa9: {  	s6 =	sshll.u32 s28, $0x1;
	[dreg:$0x2] =	wrdreg s4  }
0xaa: {  	[dreg:$0x3] =	wrdreg s6  }
0xab: {  	[dreg:$0x4] =	wrdreg $0xC0  }
0xac: {  	_ =	task [dreg:s8], $0x5FFFF  }
0xad: {  	[dreg:$0x1] =	wrdreg $0xFFFFFFFF  }
0xae: {  	[dreg:$0x0] =	wrdreg $0x60  }
0xaf: {  	[dreg:$0x2] =	wrdreg s2  }
0xb0: {  	[dreg:$0x3] =	wrdreg s24  }
0xb1: {  	[dreg:$0x4] =	wrdreg s18  }
0xb2: {  	[dreg:$0x5] =	wrdreg $0x90000  }
0xb3: {  	[dreg:$0x6] =	wrdreg $0x9  }
0xb4: {  	_ =	task.clear_ibuf [dreg:s8], $0x7FFFF;
	_ =	strace $0x90000046  }
0xb5: {  	s29 =	simm.s32 $0x9;
	_ =	strace $0x80000048  }
0xb6: {  	_ =	swait.ge [sflag:s29], $0x1  }
0xb7: {  	[sflag:s29] =	ssyncadd.s32 $0xFFFFFFFF  }
0xb8: {  	_ =	strace $0x90000048  }
0xb9: {  	_ =	sfence  }
0xba: {  	s30 =	sld [smem:$0x0];
	_ =	sdelay $0x2  }
0xbb: {  	s31 =	sshll.u32 s1, $0xD;
	s1 =	sshrl.u32 s1, $0x2  }
0xbc: {  	s3 =	sand.u32 $0x4000, s31;
	s1 =	sadd.s32 s1, s30  }
0xbd: {  	s0 =	sor.u32 s3, s0;
	s1 =	sshll.u32 s1, $0x11  }
0xbe: {  	s0 =	sor.u32 s1, s0  }
0xbf: {  	s0 =	sadd.s32 $0x8F2B, s0  }
0xc0: {  	[sflag:s0] =	ssyncadd.remote.s32 $0x1  }
0xc1: {  	_ =	sfence.sel $0xFFFF  }
0xc2: {  	[dreg:$0x0] =	wrdreg $0xFFFFFFFF;
	(pc) =	sbr.abs _section_cstart, $3  }
0xc3: {  	[dreg:$0x1] =	wrdreg $0xFFFFFFFF  }
0xc4: {  	_ =	task.clear_ibuf [dreg:s8], $0x2FFFF;
	_ =	strace $0x9FFFFFFF  }
0xc5: {  	(tm) =	ssettm $0x7FFFFFFF  }
tec
execute0_lowered:
.L_overlay_start_1:
0x0: {  	(tag) =	ssettag $0x1  }
0x1: {  	s0 =	rddreg [dreg:$0x0]  }
0x2: {  	s1 =	rddreg [dreg:$0x1]  }
0x3: {  	s2 =	rddreg [dreg:$0x2];
	s4 =	srdreg.scid  }
0x4: {  	s3 =	rddreg [dreg:$0x3];
	s14 =	stileid.u32;
	s18 =	simm.s32 $0x200  }
0x5: {  	s19 =	simm.s32 $0x980;
	s21 =	simm.s32 $0x280;
	s28 =	simm.s32 $0x500  }
0x6: {  	s29 =	simm.s32 $0xC80;
	s30 =	simm.s32 $0x580;
	s7 =	smul.u32 $0x2800, s14  }
0x7: {  	s31 =	simm.s32 $0xD00;
	s5 =	sand.u32 $0x1, s4;
	s22 =	smul.u32 $0x4E000, s14  }
0x8: {  	s4 =	simm.s32 $0x0;
	s15 =	sadd.s32 $0xF600, s1;
	s8 =	smul.u32 $0x2700, s14  }
0x9: {  	s13 =	smul.u32 $0x13800, s14;
	s16 =	sadd.s32 $0x138000, s3;
	p1 =	seq.s32 s14, $0xF  }
0xa: {  	p2 =	sne.s32 s14, $0xF;
	s6 =	smul.u32 $0x28000, s5;
	[smem:$0x7FF] =	sst s4  }
0xb: {  	s10 =	ssub.s32 $0x2, s5;
	_ =	strace $0x80000047;
	[dreg:$0x14] =	wrdreg s15  }
0xc: {  	s11 =	smul.u32 $0x138800, s5;
	p0 =	sne.s32 s5, $0x0;
	[dreg:$0xc] =	wrdreg s18  }
0xd: {  	s20 =	sshrl.u32 s16, $0x3;
	s5 =	simm.s32 $0xE80;
	[dreg:$0x16] =	wrdreg s16  }
0xe: {  	s12 =	sshrl.u32 s10, $0x1;
	s23 =	sadd.s32 s15, s8;
	[dreg:$0x1e] =	wrdreg s20  }
0xf: {  	s8 =	sadd.s32 s0, s8;
	s15 =	simm.s32 $0x900;
	[dreg:$0xd] =	wrdreg s19  }
0x10: {  	[dreg:$0xe] =	wrdreg s21;
	s18 =	simm.s32 $0x7D;
	s19 =	simm.s32 $0x1000  }
0x11: {  	s20 =	simm.s32 $0x5000;
	s21 =	simm.s32 $0x1;
	s16 =	simm.s32 $0x700  }
0x12: {  	s6 =	sadd.s32 s7, s6;
	s7 =	sshrl.u32 s22, $0x2;
	[dreg:$0x15] =	wrdreg s23  }
0x13: {  	s10 =	ssub.s32 s10, s12;
	s24 =	sadd.s32 s13, s11;
	[dreg:$0x17] =	wrdreg s8  }
0x14: {  	s11 =	sshrl.u32 s11, $0x3;
	s12 =	sshll.u32 s14, $0x6;
	[dreg:$0xb] =	wrdreg s15  }
0x15: {  	s13 =	simm.s32 $0x180;
	s15 =	simm.s32 $0x3;
	[dreg:$0x1b] =	wrdreg s12  }
0x16: {  	s22 =	simm.s32 $0xA00;
	s23 =	simm.s32 $0x300;
	[dreg:$0xa] =	wrdreg s13  }
0x17: {  	s6 =	sshrl.u32 s6, $0x3;
	s7 =	sadd.s32 s7, s3;
	[dreg:$0xf] =	wrdreg s22  }
0x18: {  	s25 =	sshrl.u32 s24, $0x3;
	[dreg:$0x10] =	wrdreg s23;
	s24 =	simm.s32 $0xA80  }
0x19: {  	s9 =	sadd.s32 s6, s1;
	s6 =	sadd.s32 s6, s2;
	[dreg:$0x11] =	wrdreg s24  }
0x1a: {  	s22 =	simm.s32 $0x2;
	s2 =	sor.u32 $0x1C03, s12;
	[dreg:$0x6] =	wrdreg s6  }
0x1b: {  	s1 =	sadd.s32 $0x36800, s1;
	s17 =	sshrl.u32 s7, $0x3;
	[dreg:$0x1c] =	wrdreg s2  }
0x1c: {  	s23 =	simm.s32 $0x400;
	s8 =	sadd.s32 s1, s25;
	[dreg:$0x1d] =	wrdreg s17  }
0x1d: {  	s13 =	simm.s32 $0x0;
	s26 =	sadd.s32 $0x5600, s9;
	[dreg:$0x18] =	wrdreg s8  }
0x1e: {  	s24 =	simm.s32 $0xB80;
	s9 =	simm.s32 $0x80;
	[dreg:$0x5] =	wrdreg s26  }
0x1f: {  	s1 =	sadd.s32 s1, s11;
	s11 =	simm.s32 $0x880;
	[dreg:$0x7] =	wrdreg s9  }
0x20: {  	s17 =	simm.s32 $0x800;
	s25 =	simm.s32 $0x380;
	[dreg:$0x9] =	wrdreg s11  }
0x21: {  	s2 =	simm.s32 $0xD80;
	s1 =	sadd.s32 $0x27000, s1;
	[dreg:$0x12] =	wrdreg s25  }
0x22: {  	s6 =	simm.s32 $0x680;
	s8 =	smax.u32 s10, $0x1;
	[dreg:$0x19] =	wrdreg s1  }
0x23: {  	s10 =	simm.s32 $0x100;
	s26 =	simm.s32 $0xB00;
	[dreg:$0x1a] =	wrdreg s8  }
0x24: {  	s25 =	simm.s32 $0x480;
	s9 =	simm.s32 $0x780;
	[dreg:$0x8] =	wrdreg s10  }
0x25: {  	s11 =	simm.s32 $0xF80;
	[dreg:$0x13] =	wrdreg s26;
	s26 =	simm.s32 $0xC00  }
0x26: {  	s1 =	simm.s32 $0x600;
	s8 =	simm.s32 $0xE00;
	s10 =	simm.s32 $0xF00  }
.LBB2_1:
.Ltmp0:
0x27: {  	(pc) =	sbr.rel @p0 .LBB2_3-.Ltmp0, $2  }
0x28: {  	_ =	sdelay $0x2  }
0x29: {  	[dreg:$0x1f] =	wrdreg s13  }
0x2a: {  	s7 =	rddreg [dreg:$0x17]  }
0x2b: {  	s12 =	rddreg [dreg:$0x1c]  }
0x2c: {  	s13 =	rddreg [dreg:$0x1d]  }
0x2d: {  	[spmem:s13], [sflag:s12] =	dma.local [hbm:s7], $0x2700  }
.Ltmp1:
0x2e: {  	_ = 	snop;
	(pc) =	sbr.rel @p1 .LBB2_4-.Ltmp1, $4  }
.Ltmp2:
0x2f: {  	_ = 	snop;
	(pc) =	sbr.rel @!p1 .LBB2_5-.Ltmp2, $4  }
0x30: {  	_ =	swait.ge [sflag:s15], $0x2700  }
0x31: {  	[sflag:s15] =	ssyncset.done $0x0  }
0x32: {  	s13 =	smov.u32 s0;
	[sflag:s15] =	ssyncadd.s32 $0xFFFFD900  }
0x33: {  	_ = 	snop  }
.LBB2_3:
0x34: {  	s7 =	rddreg [dreg:$0x1b]  }
0x35: {  	s14 =	rddreg [dreg:$0x15]  }
.Ltmp3:
0x36: {  	s13 =	rddreg [dreg:$0x1d];
	s12 =	sor.u32 $0x1C03, s7;
	(pc) =	sbr.rel @p2 .LBB2_5-.Ltmp3, $4  }
0x37: {  	[spmem:s13], [sflag:s12] =	dma.local [hbm:s14], $0x2700  }
0x38: {  	_ =	swait.ge [sflag:s15], $0x2700  }
0x39: {  	[sflag:s15] =	ssyncset.done $0x0  }
0x3a: {  	s13 =	rddreg [dreg:$0x14];
	[sflag:s15] =	ssyncadd.s32 $0xFFFFD900  }
.LBB2_4:
0x3b: {  	s13 =	sadd.s32 $0x27000, s13;
	s7 =	rddreg [dreg:$0x1e]  }
0x3c: {  	[spmem:s7], [sflag:s12] =	dma.local [hbm:s13], $0x100  }
0x3d: {  	_ =	swait.ge [sflag:s15], $0x100  }
0x3e: {  	[sflag:s15] =	ssyncset.done $0x0  }
0x3f: {  	[sflag:s15] =	ssyncadd.s32 $0xFFFFFF00  }
.LBB2_5:
0x40: {  	[bflag:$0x0] =	sbarrier.arrive $0xFFFF  }
0x41: {  	s12 =	rddreg [dreg:$0x6]  }
0x42: {  	s12 =	sadd.s32 $0x0, s12  }
0x43: {  	[tilespmem:s4], [sflag:$0x3] =	stream.linear.gather [hbm4b:s12+s4], $0x800, $0x38;
	[tilespmem:$0x1C880] =	vst v63  }
0x44: {  	_ =	swait.ge [sflag:s15], $0x800  }
0x45: {  	s13 =	rddreg [dreg:$0x5];
	[sflag:s15] =	ssyncset.done $0x0  }
0x46: {  	[sflag:s15] =	ssyncadd.s32 $0xFFFFF800;
	s12 =	sadd.s32 $0x0, s13  }
0x47: {  	[tilespmem:s17], [sflag:$0x3] =	stream.linear.gather [hbm4b:s12+s4], $0x800, $0x38;
	[tilespmem:$0x1C880] =	vst v63  }
0x48: {  	_ =	swait.ge [sflag:s15], $0x800  }
0x49: {  	[sflag:s15] =	ssyncset.done $0x0  }
0x4a: {  	[sflag:s15] =	ssyncadd.s32 $0xFFFFF800  }
0x4b: {  	[tilespmem:s19], [sflag:$0x1] =	stream.indirect.gather [hbm4b:s0+s18], $0x80, s4, s18, $0xb8;
	[tilespmem:$0x1C880] =	vst v63  }
0x4c: {  	s14 =	rddreg [dreg:$0x7]  }
0x4d: {  	[tilespmem:s20], [sflag:$0x2] =	stream.indirect.gather [hbm4b:s0+s18], $0x80, s14, s18, $0xb8;
	[tilespmem:$0x1C880] =	vst v63  }
0x4e: {  	_ =	swait.ge [sflag:s21], $0x3E80  }
0x4f: {  	[sflag:s21] =	ssyncset.done $0x0  }
0x50: {  	[sflag:s21] =	ssyncadd.s32 $0xFFFFC180  }
0x51: {  	[spmem:s3] =	stream.indirect.scatter.add.f32 [tilespmem:s19], [sflag:$0x3], $0x80, s17, s18, $0xb8;
	[tilespmem:$0x1C880] =	vst v63  }
0x52: {  	_ =	swait.ge [sflag:s15], $0x3E80  }
0x53: {  	[sflag:s15] =	ssyncset.done $0x0  }
0x54: {  	s7 =	rddreg [dreg:$0x8];
	[sflag:s15] =	ssyncadd.s32 $0xFFFFC180  }
0x55: {  	[tilespmem:s19], [sflag:$0x1] =	stream.indirect.gather [hbm4b:s0+s18], $0x80, s7, s18, $0xb8;
	[tilespmem:$0x1C880] =	vst v63  }
0x56: {  	_ =	swait.ge [sflag:s22], $0x3E80  }
0x57: {  	[sflag:s22] =	ssyncset.done $0x0  }
0x58: {  	s13 =	rddreg [dreg:$0x9];
	[sflag:s22] =	ssyncadd.s32 $0xFFFFC180  }
0x59: {  	[spmem:s3] =	stream.indirect.scatter.add.f32 [tilespmem:s20], [sflag:$0x3], $0x80, s13, s18, $0xb8;
	[tilespmem:$0x1C880] =	vst v63  }
0x5a: {  	_ =	swait.ge [sflag:s15], $0x3E80  }
0x5b: {  	[sflag:s15] =	ssyncset.done $0x0  }
0x5c: {  	s14 =	rddreg [dreg:$0xa];
	[sflag:s15] =	ssyncadd.s32 $0xFFFFC180  }
0x5d: {  	[tilespmem:s20], [sflag:$0x2] =	stream.indirect.gather [hbm4b:s0+s18], $0x80, s14, s18, $0xb8;
	[tilespmem:$0x1C880] =	vst v63  }
0x5e: {  	_ =	swait.ge [sflag:s21], $0x3E80  }
0x5f: {  	[sflag:s21] =	ssyncset.done $0x0  }
0x60: {  	s7 =	rddreg [dreg:$0xb];
	[sflag:s21] =	ssyncadd.s32 $0xFFFFC180  }
0x61: {  	[spmem:s3] =	stream.indirect.scatter.add.f32 [tilespmem:s19], [sflag:$0x3], $0x80, s7, s18, $0xb8;
	[tilespmem:$0x1C880] =	vst v63  }
0x62: {  	_ =	swait.ge [sflag:s15], $0x3E80  }
0x63: {  	[sflag:s15] =	ssyncset.done $0x0  }
0x64: {  	s13 =	rddreg [dreg:$0xc];
	[sflag:s15] =	ssyncadd.s32 $0xFFFFC180  }
0x65: {  	[tilespmem:s19], [sflag:$0x1] =	stream.indirect.gather [hbm4b:s0+s18], $0x80, s13, s18, $0xb8;
	[tilespmem:$0x1C880] =	vst v63  }
0x66: {  	_ =	swait.ge [sflag:s22], $0x3E80  }
0x67: {  	[sflag:s22] =	ssyncset.done $0x0  }
0x68: {  	s14 =	rddreg [dreg:$0xd];
	[sflag:s22] =	ssyncadd.s32 $0xFFFFC180  }
0x69: {  	[spmem:s3] =	stream.indirect.scatter.add.f32 [tilespmem:s20], [sflag:$0x3], $0x80, s14, s18, $0xb8;
	[tilespmem:$0x1C880] =	vst v63  }
0x6a: {  	_ =	swait.ge [sflag:s15], $0x3E80  }
0x6b: {  	[sflag:s15] =	ssyncset.done $0x0  }
0x6c: {  	s7 =	rddreg [dreg:$0xe];
	[sflag:s15] =	ssyncadd.s32 $0xFFFFC180  }
0x6d: {  	[tilespmem:s20], [sflag:$0x2] =	stream.indirect.gather [hbm4b:s0+s18], $0x80, s7, s18, $0xb8;
	[tilespmem:$0x1C880] =	vst v63  }
0x6e: {  	_ =	swait.ge [sflag:s21], $0x3E80  }
0x6f: {  	[sflag:s21] =	ssyncset.done $0x0  }
0x70: {  	s13 =	rddreg [dreg:$0xf];
	[sflag:s21] =	ssyncadd.s32 $0xFFFFC180  }
0x71: {  	[spmem:s3] =	stream.indirect.scatter.add.f32 [tilespmem:s19], [sflag:$0x3], $0x80, s13, s18, $0xb8;
	[tilespmem:$0x1C880] =	vst v63  }
0x72: {  	_ =	swait.ge [sflag:s15], $0x3E80  }
0x73: {  	[sflag:s15] =	ssyncset.done $0x0  }
0x74: {  	s14 =	rddreg [dreg:$0x10];
	[sflag:s15] =	ssyncadd.s32 $0xFFFFC180  }
0x75: {  	[tilespmem:s19], [sflag:$0x1] =	stream.indirect.gather [hbm4b:s0+s18], $0x80, s14, s18, $0xb8;
	[tilespmem:$0x1C880] =	vst v63  }
0x76: {  	_ =	swait.ge [sflag:s22], $0x3E80  }
0x77: {  	[sflag:s22] =	ssyncset.done $0x0  }
0x78: {  	s7 =	rddreg [dreg:$0x11];
	[sflag:s22] =	ssyncadd.s32 $0xFFFFC180  }
0x79: {  	[spmem:s3] =	stream.indirect.scatter.add.f32 [tilespmem:s20], [sflag:$0x3], $0x80, s7, s18, $0xb8;
	[tilespmem:$0x1C880] =	vst v63  }
0x7a: {  	_ =	swait.ge [sflag:s15], $0x3E80  }
0x7b: {  	[sflag:s15] =	ssyncset.done $0x0  }
0x7c: {  	s13 =	rddreg [dreg:$0x12];
	[sflag:s15] =	ssyncadd.s32 $0xFFFFC180  }
0x7d: {  	[tilespmem:s20], [sflag:$0x2] =	stream.indirect.gather [hbm4b:s0+s18], $0x80, s13, s18, $0xb8;
	[tilespmem:$0x1C880] =	vst v63  }
0x7e: {  	_ =	swait.ge [sflag:s21], $0x3E80  }
0x7f: {  	[sflag:s21] =	ssyncset.done $0x0  }
0x80: {  	s14 =	rddreg [dreg:$0x13];
	[sflag:s21] =	ssyncadd.s32 $0xFFFFC180  }
0x81: {  	[spmem:s3] =	stream.indirect.scatter.add.f32 [tilespmem:s19], [sflag:$0x3], $0x80, s14, s18, $0xb8;
	[tilespmem:$0x1C880] =	vst v63  }
0x82: {  	_ =	swait.ge [sflag:s15], $0x3E80  }
0x83: {  	[sflag:s15] =	ssyncset.done $0x0  }
0x84: {  	[sflag:s15] =	ssyncadd.s32 $0xFFFFC180  }
0x85: {  	[tilespmem:s19], [sflag:$0x1] =	stream.indirect.gather [hbm4b:s0+s18], $0x80, s23, s18, $0xb8;
	[tilespmem:$0x1C880] =	vst v63  }
0x86: {  	_ =	swait.ge [sflag:s22], $0x3E80  }
0x87: {  	[sflag:s22] =	ssyncset.done $0x0  }
0x88: {  	[sflag:s22] =	ssyncadd.s32 $0xFFFFC180  }
0x89: {  	[spmem:s3] =	stream.indirect.scatter.add.f32 [tilespmem:s20], [sflag:$0x3], $0x80, s24, s18, $0xb8;
	[tilespmem:$0x1C880] =	vst v63  }
0x8a: {  	_ =	swait.ge [sflag:s15], $0x3E80  }
0x8b: {  	[sflag:s15] =	ssyncset.done $0x0  }
0x8c: {  	[sflag:s15] =	ssyncadd.s32 $0xFFFFC180  }
0x8d: {  	[tilespmem:s20], [sflag:$0x2] =	stream.indirect.gather [hbm4b:s0+s18], $0x80, s25, s18, $0xb8;
	[tilespmem:$0x1C880] =	vst v63  }
0x8e: {  	_ =	swait.ge [sflag:s21], $0x3E80  }
0x8f: {  	[sflag:s21] =	ssyncset.done $0x0  }
0x90: {  	[sflag:s21] =	ssyncadd.s32 $0xFFFFC180  }
0x91: {  	[spmem:s3] =	stream.indirect.scatter.add.f32 [tilespmem:s19], [sflag:$0x3], $0x80, s26, s18, $0xb8;
	[tilespmem:$0x1C880] =	vst v63  }
0x92: {  	_ =	swait.ge [sflag:s15], $0x3E80  }
0x93: {  	[sflag:s15] =	ssyncset.done $0x0  }
0x94: {  	[sflag:s15] =	ssyncadd.s32 $0xFFFFC180  }
0x95: {  	[tilespmem:s19], [sflag:$0x1] =	stream.indirect.gather [hbm4b:s0+s18], $0x80, s28, s18, $0xb8;
	[tilespmem:$0x1C880] =	vst v63  }
0x96: {  	_ =	swait.ge [sflag:s22], $0x3E80  }
0x97: {  	[sflag:s22] =	ssyncset.done $0x0  }
0x98: {  	[sflag:s22] =	ssyncadd.s32 $0xFFFFC180  }
0x99: {  	[spmem:s3] =	stream.indirect.scatter.add.f32 [tilespmem:s20], [sflag:$0x3], $0x80, s29, s18, $0xb8;
	[tilespmem:$0x1C880] =	vst v63  }
0x9a: {  	_ =	swait.ge [sflag:s15], $0x3E80  }
0x9b: {  	[sflag:s15] =	ssyncset.done $0x0  }
0x9c: {  	[sflag:s15] =	ssyncadd.s32 $0xFFFFC180  }
0x9d: {  	[tilespmem:s20], [sflag:$0x2] =	stream.indirect.gather [hbm4b:s0+s18], $0x80, s30, s18, $0xb8;
	[tilespmem:$0x1C880] =	vst v63  }
0x9e: {  	_ =	swait.ge [sflag:s21], $0x3E80  }
0x9f: {  	[sflag:s21] =	ssyncset.done $0x0  }
0xa0: {  	[sflag:s21] =	ssyncadd.s32 $0xFFFFC180  }
0xa1: {  	[spmem:s3] =	stream.indirect.scatter.add.f32 [tilespmem:s19], [sflag:$0x3], $0x80, s31, s18, $0xb8;
	[tilespmem:$0x1C880] =	vst v63  }
0xa2: {  	_ =	swait.ge [sflag:s15], $0x3E80  }
0xa3: {  	[sflag:s15] =	ssyncset.done $0x0  }
0xa4: {  	[sflag:s15] =	ssyncadd.s32 $0xFFFFC180  }
0xa5: {  	[tilespmem:s19], [sflag:$0x1] =	stream.indirect.gather [hbm4b:s0+s18], $0x80, s1, s18, $0xb8;
	[tilespmem:$0x1C880] =	vst v63  }
0xa6: {  	_ =	swait.ge [sflag:s22], $0x3E80  }
0xa7: {  	[sflag:s22] =	ssyncset.done $0x0  }
0xa8: {  	[sflag:s22] =	ssyncadd.s32 $0xFFFFC180  }
0xa9: {  	[spmem:s3] =	stream.indirect.scatter.add.f32 [tilespmem:s20], [sflag:$0x3], $0x80, s2, s18, $0xb8;
	[tilespmem:$0x1C880] =	vst v63  }
0xaa: {  	_ =	swait.ge [sflag:s15], $0x3E80  }
0xab: {  	[sflag:s15] =	ssyncset.done $0x0  }
0xac: {  	[sflag:s15] =	ssyncadd.s32 $0xFFFFC180  }
0xad: {  	[tilespmem:s20], [sflag:$0x2] =	stream.indirect.gather [hbm4b:s0+s18], $0x80, s6, s18, $0xb8;
	[tilespmem:$0x1C880] =	vst v63  }
0xae: {  	_ =	swait.ge [sflag:s21], $0x3E80  }
0xaf: {  	[sflag:s21] =	ssyncset.done $0x0  }
0xb0: {  	[sflag:s21] =	ssyncadd.s32 $0xFFFFC180  }
0xb1: {  	[spmem:s3] =	stream.indirect.scatter.add.f32 [tilespmem:s19], [sflag:$0x3], $0x80, s8, s18, $0xb8;
	[tilespmem:$0x1C880] =	vst v63  }
0xb2: {  	_ =	swait.ge [sflag:s15], $0x3E80  }
0xb3: {  	[sflag:s15] =	ssyncset.done $0x0  }
0xb4: {  	[sflag:s15] =	ssyncadd.s32 $0xFFFFC180  }
0xb5: {  	[tilespmem:s19], [sflag:$0x1] =	stream.indirect.gather [hbm4b:s0+s18], $0x80, s16, s18, $0xb8;
	[tilespmem:$0x1C880] =	vst v63  }
0xb6: {  	_ =	swait.ge [sflag:s22], $0x3E80  }
0xb7: {  	[sflag:s22] =	ssyncset.done $0x0  }
0xb8: {  	[sflag:s22] =	ssyncadd.s32 $0xFFFFC180  }
0xb9: {  	[spmem:s3] =	stream.indirect.scatter.add.f32 [tilespmem:s20], [sflag:$0x3], $0x80, s5, s18, $0xb8;
	[tilespmem:$0x1C880] =	vst v63  }
0xba: {  	_ =	swait.ge [sflag:s15], $0x3E80  }
0xbb: {  	[sflag:s15] =	ssyncset.done $0x0  }
0xbc: {  	[sflag:s15] =	ssyncadd.s32 $0xFFFFC180  }
0xbd: {  	[tilespmem:s20], [sflag:$0x2] =	stream.indirect.gather [hbm4b:s0+s18], $0x80, s9, s18, $0xb8;
	[tilespmem:$0x1C880] =	vst v63  }
0xbe: {  	_ =	swait.ge [sflag:s21], $0x3E80  }
0xbf: {  	[sflag:s21] =	ssyncset.done $0x0  }
0xc0: {  	[sflag:s21] =	ssyncadd.s32 $0xFFFFC180  }
0xc1: {  	[spmem:s3] =	stream.indirect.scatter.add.f32 [tilespmem:s19], [sflag:$0x3], $0x80, s10, s18, $0xb8;
	[tilespmem:$0x1C880] =	vst v63  }
0xc2: {  	_ =	swait.ge [sflag:s15], $0x3E80  }
0xc3: {  	[sflag:s15] =	ssyncset.done $0x0  }
0xc4: {  	[sflag:s15] =	ssyncadd.s32 $0xFFFFC180  }
0xc5: {  	_ =	swait.ge [sflag:s22], $0x3E80  }
0xc6: {  	[sflag:s22] =	ssyncset.done $0x0  }
0xc7: {  	[sflag:s22] =	ssyncadd.s32 $0xFFFFC180  }
0xc8: {  	[spmem:s3] =	stream.indirect.scatter.add.f32 [tilespmem:s20], [sflag:$0x3], $0x80, s11, s18, $0xb8;
	[tilespmem:$0x1C880] =	vst v63  }
0xc9: {  	s12 =	simm.s32 $0x200;
	_ =	swait.ge [sflag:s15], $0x3E80  }
0xca: {  	s13 =	simm.s32 $0x100;
	s14 =	rddreg [dreg:$0x6];
	[sflag:s15] =	ssyncset.done $0x0  }
.LBB2_6:
0xcb: {  	[sflag:s15] =	ssyncadd.s32 $0xFFFFC180;
	s14 =	sadd.s32 s13, s14  }
0xcc: {  	[tilespmem:s4], [sflag:$0x3] =	stream.linear.gather [hbm4b:s14+s4], $0x800, $0x38;
	[tilespmem:$0x1C880] =	vst v63  }
0xcd: {  	_ =	swait.ge [sflag:s15], $0x800  }
0xce: {  	s14 =	rddreg [dreg:$0x5];
	[sflag:s15] =	ssyncset.done $0x0  }
0xcf: {  	[sflag:s15] =	ssyncadd.s32 $0xFFFFF800;
	s14 =	sadd.s32 s13, s14  }
0xd0: {  	[tilespmem:s17], [sflag:$0x3] =	stream.linear.gather [hbm4b:s14+s4], $0x800, $0x38;
	[tilespmem:$0x1C880] =	vst v63  }
0xd1: {  	_ =	swait.ge [sflag:s15], $0x800  }
0xd2: {  	[sflag:s15] =	ssyncset.done $0x0  }
0xd3: {  	[sflag:s15] =	ssyncadd.s32 $0xFFFFF800  }
0xd4: {  	[tilespmem:s19], [sflag:$0x1] =	stream.indirect.gather [hbm4b:s0+s18], $0x80, s4, s18, $0xb8;
	[tilespmem:$0x1C880] =	vst v63  }
0xd5: {  	s14 =	rddreg [dreg:$0x7]  }
0xd6: {  	[tilespmem:s20], [sflag:$0x2] =	stream.indirect.gather [hbm4b:s0+s18], $0x80, s14, s18, $0xb8;
	[tilespmem:$0x1C880] =	vst v63  }
0xd7: {  	_ =	swait.ge [sflag:s21], $0x3E80  }
0xd8: {  	[sflag:s21] =	ssyncset.done $0x0  }
0xd9: {  	[sflag:s21] =	ssyncadd.s32 $0xFFFFC180  }
0xda: {  	[spmem:s3] =	stream.indirect.scatter.add.f32 [tilespmem:s19], [sflag:$0x3], $0x80, s17, s18, $0xb8;
	[tilespmem:$0x1C880] =	vst v63  }
0xdb: {  	_ =	swait.ge [sflag:s15], $0x3E80  }
0xdc: {  	[sflag:s15] =	ssyncset.done $0x0  }
0xdd: {  	s14 =	rddreg [dreg:$0x8];
	[sflag:s15] =	ssyncadd.s32 $0xFFFFC180  }
0xde: {  	[tilespmem:s19], [sflag:$0x1] =	stream.indirect.gather [hbm4b:s0+s18], $0x80, s14, s18, $0xb8;
	[tilespmem:$0x1C880] =	vst v63  }
0xdf: {  	_ =	swait.ge [sflag:s22], $0x3E80  }
0xe0: {  	[sflag:s22] =	ssyncset.done $0x0  }
0xe1: {  	s14 =	rddreg [dreg:$0x9];
	[sflag:s22] =	ssyncadd.s32 $0xFFFFC180  }
0xe2: {  	[spmem:s3] =	stream.indirect.scatter.add.f32 [tilespmem:s20], [sflag:$0x3], $0x80, s14, s18, $0xb8;
	[tilespmem:$0x1C880] =	vst v63  }
0xe3: {  	_ =	swait.ge [sflag:s15], $0x3E80  }
0xe4: {  	[sflag:s15] =	ssyncset.done $0x0  }
0xe5: {  	s14 =	rddreg [dreg:$0xa];
	[sflag:s15] =	ssyncadd.s32 $0xFFFFC180  }
0xe6: {  	[tilespmem:s20], [sflag:$0x2] =	stream.indirect.gather [hbm4b:s0+s18], $0x80, s14, s18, $0xb8;
	[tilespmem:$0x1C880] =	vst v63  }
0xe7: {  	_ =	swait.ge [sflag:s21], $0x3E80  }
0xe8: {  	[sflag:s21] =	ssyncset.done $0x0  }
0xe9: {  	s14 =	rddreg [dreg:$0xb];
	[sflag:s21] =	ssyncadd.s32 $0xFFFFC180  }
0xea: {  	[spmem:s3] =	stream.indirect.scatter.add.f32 [tilespmem:s19], [sflag:$0x3], $0x80, s14, s18, $0xb8;
	[tilespmem:$0x1C880] =	vst v63  }
0xeb: {  	_ =	swait.ge [sflag:s15], $0x3E80  }
0xec: {  	[sflag:s15] =	ssyncset.done $0x0  }
0xed: {  	s14 =	rddreg [dreg:$0xc];
	[sflag:s15] =	ssyncadd.s32 $0xFFFFC180  }
0xee: {  	[tilespmem:s19], [sflag:$0x1] =	stream.indirect.gather [hbm4b:s0+s18], $0x80, s14, s18, $0xb8;
	[tilespmem:$0x1C880] =	vst v63  }
0xef: {  	_ =	swait.ge [sflag:s22], $0x3E80  }
0xf0: {  	[sflag:s22] =	ssyncset.done $0x0  }
0xf1: {  	s14 =	rddreg [dreg:$0xd];
	[sflag:s22] =	ssyncadd.s32 $0xFFFFC180  }
0xf2: {  	[spmem:s3] =	stream.indirect.scatter.add.f32 [tilespmem:s20], [sflag:$0x3], $0x80, s14, s18, $0xb8;
	[tilespmem:$0x1C880] =	vst v63  }
0xf3: {  	_ =	swait.ge [sflag:s15], $0x3E80  }
0xf4: {  	[sflag:s15] =	ssyncset.done $0x0  }
0xf5: {  	s14 =	rddreg [dreg:$0xe];
	[sflag:s15] =	ssyncadd.s32 $0xFFFFC180  }
0xf6: {  	[tilespmem:s20], [sflag:$0x2] =	stream.indirect.gather [hbm4b:s0+s18], $0x80, s14, s18, $0xb8;
	[tilespmem:$0x1C880] =	vst v63  }
0xf7: {  	_ =	swait.ge [sflag:s21], $0x3E80  }
0xf8: {  	[sflag:s21] =	ssyncset.done $0x0  }
0xf9: {  	s14 =	rddreg [dreg:$0xf];
	[sflag:s21] =	ssyncadd.s32 $0xFFFFC180  }
0xfa: {  	[spmem:s3] =	stream.indirect.scatter.add.f32 [tilespmem:s19], [sflag:$0x3], $0x80, s14, s18, $0xb8;
	[tilespmem:$0x1C880] =	vst v63  }
0xfb: {  	_ =	swait.ge [sflag:s15], $0x3E80  }
0xfc: {  	[sflag:s15] =	ssyncset.done $0x0  }
0xfd: {  	s14 =	rddreg [dreg:$0x10];
	[sflag:s15] =	ssyncadd.s32 $0xFFFFC180  }
0xfe: {  	[tilespmem:s19], [sflag:$0x1] =	stream.indirect.gather [hbm4b:s0+s18], $0x80, s14, s18, $0xb8;
	[tilespmem:$0x1C880] =	vst v63  }
0xff: {  	_ =	swait.ge [sflag:s22], $0x3E80  }
0x100: {  	[sflag:s22] =	ssyncset.done $0x0  }
0x101: {  	s14 =	rddreg [dreg:$0x11];
	[sflag:s22] =	ssyncadd.s32 $0xFFFFC180  }
0x102: {  	[spmem:s3] =	stream.indirect.scatter.add.f32 [tilespmem:s20], [sflag:$0x3], $0x80, s14, s18, $0xb8;
	[tilespmem:$0x1C880] =	vst v63  }
0x103: {  	_ =	swait.ge [sflag:s15], $0x3E80  }
0x104: {  	[sflag:s15] =	ssyncset.done $0x0  }
0x105: {  	s14 =	rddreg [dreg:$0x12];
	[sflag:s15] =	ssyncadd.s32 $0xFFFFC180  }
0x106: {  	[tilespmem:s20], [sflag:$0x2] =	stream.indirect.gather [hbm4b:s0+s18], $0x80, s14, s18, $0xb8;
	[tilespmem:$0x1C880] =	vst v63  }
0x107: {  	_ =	swait.ge [sflag:s21], $0x3E80  }
0x108: {  	[sflag:s21] =	ssyncset.done $0x0  }
0x109: {  	s14 =	rddreg [dreg:$0x13];
	[sflag:s21] =	ssyncadd.s32 $0xFFFFC180  }
0x10a: {  	[spmem:s3] =	stream.indirect.scatter.add.f32 [tilespmem:s19], [sflag:$0x3], $0x80, s14, s18, $0xb8;
	[tilespmem:$0x1C880] =	vst v63  }
0x10b: {  	_ =	swait.ge [sflag:s15], $0x3E80  }
0x10c: {  	[sflag:s15] =	ssyncset.done $0x0  }
0x10d: {  	[sflag:s15] =	ssyncadd.s32 $0xFFFFC180  }
0x10e: {  	[tilespmem:s19], [sflag:$0x1] =	stream.indirect.gather [hbm4b:s0+s18], $0x80, s23, s18, $0xb8;
	[tilespmem:$0x1C880] =	vst v63  }
0x10f: {  	_ =	swait.ge [sflag:s22], $0x3E80  }
0x110: {  	[sflag:s22] =	ssyncset.done $0x0  }
0x111: {  	[sflag:s22] =	ssyncadd.s32 $0xFFFFC180  }
0x112: {  	[spmem:s3] =	stream.indirect.scatter.add.f32 [tilespmem:s20], [sflag:$0x3], $0x80, s24, s18, $0xb8;
	[tilespmem:$0x1C880] =	vst v63  }
0x113: {  	_ =	swait.ge [sflag:s15], $0x3E80  }
0x114: {  	[sflag:s15] =	ssyncset.done $0x0  }
0x115: {  	[sflag:s15] =	ssyncadd.s32 $0xFFFFC180  }
0x116: {  	[tilespmem:s20], [sflag:$0x2] =	stream.indirect.gather [hbm4b:s0+s18], $0x80, s25, s18, $0xb8;
	[tilespmem:$0x1C880] =	vst v63  }
0x117: {  	_ =	swait.ge [sflag:s21], $0x3E80  }
0x118: {  	[sflag:s21] =	ssyncset.done $0x0  }
0x119: {  	[sflag:s21] =	ssyncadd.s32 $0xFFFFC180  }
0x11a: {  	[spmem:s3] =	stream.indirect.scatter.add.f32 [tilespmem:s19], [sflag:$0x3], $0x80, s26, s18, $0xb8;
	[tilespmem:$0x1C880] =	vst v63  }
0x11b: {  	_ =	swait.ge [sflag:s15], $0x3E80  }
0x11c: {  	[sflag:s15] =	ssyncset.done $0x0  }
0x11d: {  	[sflag:s15] =	ssyncadd.s32 $0xFFFFC180  }
0x11e: {  	[tilespmem:s19], [sflag:$0x1] =	stream.indirect.gather [hbm4b:s0+s18], $0x80, s28, s18, $0xb8;
	[tilespmem:$0x1C880] =	vst v63  }
0x11f: {  	_ =	swait.ge [sflag:s22], $0x3E80  }
0x120: {  	[sflag:s22] =	ssyncset.done $0x0  }
0x121: {  	[sflag:s22] =	ssyncadd.s32 $0xFFFFC180  }
0x122: {  	[spmem:s3] =	stream.indirect.scatter.add.f32 [tilespmem:s20], [sflag:$0x3], $0x80, s29, s18, $0xb8;
	[tilespmem:$0x1C880] =	vst v63  }
0x123: {  	_ =	swait.ge [sflag:s15], $0x3E80  }
0x124: {  	[sflag:s15] =	ssyncset.done $0x0  }
0x125: {  	[sflag:s15] =	ssyncadd.s32 $0xFFFFC180  }
0x126: {  	[tilespmem:s20], [sflag:$0x2] =	stream.indirect.gather [hbm4b:s0+s18], $0x80, s30, s18, $0xb8;
	[tilespmem:$0x1C880] =	vst v63  }
0x127: {  	_ =	swait.ge [sflag:s21], $0x3E80  }
0x128: {  	[sflag:s21] =	ssyncset.done $0x0  }
0x129: {  	[sflag:s21] =	ssyncadd.s32 $0xFFFFC180  }
0x12a: {  	[spmem:s3] =	stream.indirect.scatter.add.f32 [tilespmem:s19], [sflag:$0x3], $0x80, s31, s18, $0xb8;
	[tilespmem:$0x1C880] =	vst v63  }
0x12b: {  	_ =	swait.ge [sflag:s15], $0x3E80  }
0x12c: {  	[sflag:s15] =	ssyncset.done $0x0  }
0x12d: {  	[sflag:s15] =	ssyncadd.s32 $0xFFFFC180  }
0x12e: {  	[tilespmem:s19], [sflag:$0x1] =	stream.indirect.gather [hbm4b:s0+s18], $0x80, s1, s18, $0xb8;
	[tilespmem:$0x1C880] =	vst v63  }
0x12f: {  	_ =	swait.ge [sflag:s22], $0x3E80  }
0x130: {  	[sflag:s22] =	ssyncset.done $0x0  }
0x131: {  	[sflag:s22] =	ssyncadd.s32 $0xFFFFC180  }
0x132: {  	[spmem:s3] =	stream.indirect.scatter.add.f32 [tilespmem:s20], [sflag:$0x3], $0x80, s2, s18, $0xb8;
	[tilespmem:$0x1C880] =	vst v63  }
0x133: {  	_ =	swait.ge [sflag:s15], $0x3E80  }
0x134: {  	[sflag:s15] =	ssyncset.done $0x0  }
0x135: {  	[sflag:s15] =	ssyncadd.s32 $0xFFFFC180  }
0x136: {  	[tilespmem:s20], [sflag:$0x2] =	stream.indirect.gather [hbm4b:s0+s18], $0x80, s6, s18, $0xb8;
	[tilespmem:$0x1C880] =	vst v63  }
0x137: {  	_ =	swait.ge [sflag:s21], $0x3E80  }
0x138: {  	[sflag:s21] =	ssyncset.done $0x0  }
0x139: {  	[sflag:s21] =	ssyncadd.s32 $0xFFFFC180  }
0x13a: {  	[spmem:s3] =	stream.indirect.scatter.add.f32 [tilespmem:s19], [sflag:$0x3], $0x80, s8, s18, $0xb8;
	[tilespmem:$0x1C880] =	vst v63  }
0x13b: {  	_ =	swait.ge [sflag:s15], $0x3E80  }
0x13c: {  	[sflag:s15] =	ssyncset.done $0x0  }
0x13d: {  	[sflag:s15] =	ssyncadd.s32 $0xFFFFC180  }
0x13e: {  	[tilespmem:s19], [sflag:$0x1] =	stream.indirect.gather [hbm4b:s0+s18], $0x80, s16, s18, $0xb8;
	[tilespmem:$0x1C880] =	vst v63  }
0x13f: {  	_ =	swait.ge [sflag:s22], $0x3E80  }
0x140: {  	[sflag:s22] =	ssyncset.done $0x0  }
0x141: {  	[sflag:s22] =	ssyncadd.s32 $0xFFFFC180  }
0x142: {  	[spmem:s3] =	stream.indirect.scatter.add.f32 [tilespmem:s20], [sflag:$0x3], $0x80, s5, s18, $0xb8;
	[tilespmem:$0x1C880] =	vst v63  }
0x143: {  	_ =	swait.ge [sflag:s15], $0x3E80  }
0x144: {  	[sflag:s15] =	ssyncset.done $0x0  }
0x145: {  	[sflag:s15] =	ssyncadd.s32 $0xFFFFC180  }
0x146: {  	[tilespmem:s20], [sflag:$0x2] =	stream.indirect.gather [hbm4b:s0+s18], $0x80, s9, s18, $0xb8;
	[tilespmem:$0x1C880] =	vst v63  }
0x147: {  	_ =	swait.ge [sflag:s21], $0x3E80  }
0x148: {  	[sflag:s21] =	ssyncset.done $0x0  }
0x149: {  	[sflag:s21] =	ssyncadd.s32 $0xFFFFC180  }
0x14a: {  	[spmem:s3] =	stream.indirect.scatter.add.f32 [tilespmem:s19], [sflag:$0x3], $0x80, s10, s18, $0xb8;
	[tilespmem:$0x1C880] =	vst v63  }
0x14b: {  	_ =	swait.ge [sflag:s15], $0x3E80  }
0x14c: {  	[sflag:s15] =	ssyncset.done $0x0  }
0x14d: {  	[sflag:s15] =	ssyncadd.s32 $0xFFFFC180  }
0x14e: {  	p3 =	sne.s32 s12, $0x400;
	_ =	swait.ge [sflag:s22], $0x3E80  }
.Ltmp4:
0x14f: {  	[sflag:s22] =	ssyncset.done $0x0;
	(pc) =	sbr.rel @p3 .LBB2_6-.Ltmp4, $4  }
0x150: {  	[sflag:s22] =	ssyncadd.s32 $0xFFFFC180  }
0x151: {  	[spmem:s3] =	stream.indirect.scatter.add.f32 [tilespmem:s20], [sflag:$0x3], $0x80, s11, s18, $0xb8;
	[tilespmem:$0x1C880] =	vst v63  }
0x152: {  	s7 =	smov.u32 s12;
	s12 =	sadd.s32 $0x100, s12;
	_ =	swait.ge [sflag:s15], $0x3E80  }
0x153: {  	s13 =	smov.u32 s7;
	s14 =	rddreg [dreg:$0x6];
	[sflag:s15] =	ssyncset.done $0x0  }
0x154: {  	[sflag:s15] =	ssyncadd.s32 $0xFFFFC180;
	s7 =	sadd.s32 s13, s14  }
0x155: {  	[tilespmem:s4], [sflag:$0x3] =	stream.linear.gather [hbm4b:s7+s4], $0x800, $0x38;
	[tilespmem:$0x1C880] =	vst v63  }
0x156: {  	_ =	swait.ge [sflag:s15], $0x800  }
0x157: {  	s14 =	rddreg [dreg:$0x5];
	[sflag:s15] =	ssyncset.done $0x0  }
0x158: {  	[sflag:s15] =	ssyncadd.s32 $0xFFFFF800;
	s7 =	sadd.s32 s13, s14  }
0x159: {  	[tilespmem:s17], [sflag:$0x3] =	stream.linear.gather [hbm4b:s7+s4], $0x800, $0x38;
	[tilespmem:$0x1C880] =	vst v63  }
0x15a: {  	_ =	swait.ge [sflag:s15], $0x800  }
0x15b: {  	[sflag:s15] =	ssyncset.done $0x0  }
0x15c: {  	[sflag:s15] =	ssyncadd.s32 $0xFFFFF800  }
0x15d: {  	[tilespmem:s19], [sflag:$0x1] =	stream.indirect.gather [hbm4b:s0+s18], $0x80, s4, s18, $0xb8;
	[tilespmem:$0x1C880] =	vst v63  }
0x15e: {  	s12 =	rddreg [dreg:$0x7]  }
0x15f: {  	[tilespmem:s20], [sflag:$0x2] =	stream.indirect.gather [hbm4b:s0+s18], $0x80, s12, s18, $0xb8;
	[tilespmem:$0x1C880] =	vst v63  }
0x160: {  	_ =	swait.ge [sflag:s21], $0x3E80  }
0x161: {  	[sflag:s21] =	ssyncset.done $0x0  }
0x162: {  	[sflag:s21] =	ssyncadd.s32 $0xFFFFC180  }
0x163: {  	[spmem:s3] =	stream.indirect.scatter.add.f32 [tilespmem:s19], [sflag:$0x3], $0x80, s17, s18, $0xb8;
	[tilespmem:$0x1C880] =	vst v63  }
0x164: {  	_ =	swait.ge [sflag:s15], $0x3E80  }
0x165: {  	[sflag:s15] =	ssyncset.done $0x0  }
0x166: {  	s13 =	rddreg [dreg:$0x8];
	[sflag:s15] =	ssyncadd.s32 $0xFFFFC180  }
0x167: {  	[tilespmem:s19], [sflag:$0x1] =	stream.indirect.gather [hbm4b:s0+s18], $0x80, s13, s18, $0xb8;
	[tilespmem:$0x1C880] =	vst v63  }
0x168: {  	_ =	swait.ge [sflag:s22], $0x3E80  }
0x169: {  	[sflag:s22] =	ssyncset.done $0x0  }
0x16a: {  	s14 =	rddreg [dreg:$0x9];
	[sflag:s22] =	ssyncadd.s32 $0xFFFFC180  }
0x16b: {  	[spmem:s3] =	stream.indirect.scatter.add.f32 [tilespmem:s20], [sflag:$0x3], $0x80, s14, s18, $0xb8;
	[tilespmem:$0x1C880] =	vst v63  }
0x16c: {  	_ =	swait.ge [sflag:s15], $0x3E80  }
0x16d: {  	[sflag:s15] =	ssyncset.done $0x0  }
0x16e: {  	s12 =	rddreg [dreg:$0xa];
	[sflag:s15] =	ssyncadd.s32 $0xFFFFC180  }
0x16f: {  	[tilespmem:s20], [sflag:$0x2] =	stream.indirect.gather [hbm4b:s0+s18], $0x80, s12, s18, $0xb8;
	[tilespmem:$0x1C880] =	vst v63  }
0x170: {  	_ =	swait.ge [sflag:s21], $0x3E80  }
0x171: {  	[sflag:s21] =	ssyncset.done $0x0  }
0x172: {  	s13 =	rddreg [dreg:$0xb];
	[sflag:s21] =	ssyncadd.s32 $0xFFFFC180  }
0x173: {  	[spmem:s3] =	stream.indirect.scatter.add.f32 [tilespmem:s19], [sflag:$0x3], $0x80, s13, s18, $0xb8;
	[tilespmem:$0x1C880] =	vst v63  }
0x174: {  	_ =	swait.ge [sflag:s15], $0x3E80  }
0x175: {  	[sflag:s15] =	ssyncset.done $0x0  }
0x176: {  	s14 =	rddreg [dreg:$0xc];
	[sflag:s15] =	ssyncadd.s32 $0xFFFFC180  }
0x177: {  	[tilespmem:s19], [sflag:$0x1] =	stream.indirect.gather [hbm4b:s0+s18], $0x80, s14, s18, $0xb8;
	[tilespmem:$0x1C880] =	vst v63  }
0x178: {  	_ =	swait.ge [sflag:s22], $0x3E80  }
0x179: {  	[sflag:s22] =	ssyncset.done $0x0  }
0x17a: {  	s12 =	rddreg [dreg:$0xd];
	[sflag:s22] =	ssyncadd.s32 $0xFFFFC180  }
0x17b: {  	[spmem:s3] =	stream.indirect.scatter.add.f32 [tilespmem:s20], [sflag:$0x3], $0x80, s12, s18, $0xb8;
	[tilespmem:$0x1C880] =	vst v63  }
0x17c: {  	_ =	swait.ge [sflag:s15], $0x3E80  }
0x17d: {  	[sflag:s15] =	ssyncset.done $0x0  }
0x17e: {  	s13 =	rddreg [dreg:$0xe];
	[sflag:s15] =	ssyncadd.s32 $0xFFFFC180  }
0x17f: {  	[tilespmem:s20], [sflag:$0x2] =	stream.indirect.gather [hbm4b:s0+s18], $0x80, s13, s18, $0xb8;
	[tilespmem:$0x1C880] =	vst v63  }
0x180: {  	_ =	swait.ge [sflag:s21], $0x3E80  }
0x181: {  	[sflag:s21] =	ssyncset.done $0x0  }
0x182: {  	s14 =	rddreg [dreg:$0xf];
	[sflag:s21] =	ssyncadd.s32 $0xFFFFC180  }
0x183: {  	[spmem:s3] =	stream.indirect.scatter.add.f32 [tilespmem:s19], [sflag:$0x3], $0x80, s14, s18, $0xb8;
	[tilespmem:$0x1C880] =	vst v63  }
0x184: {  	_ =	swait.ge [sflag:s15], $0x3E80  }
0x185: {  	[sflag:s15] =	ssyncset.done $0x0  }
0x186: {  	s12 =	rddreg [dreg:$0x10];
	[sflag:s15] =	ssyncadd.s32 $0xFFFFC180  }
0x187: {  	[tilespmem:s19], [sflag:$0x1] =	stream.indirect.gather [hbm4b:s0+s18], $0x80, s12, s18, $0xb8;
	[tilespmem:$0x1C880] =	vst v63  }
0x188: {  	_ =	swait.ge [sflag:s22], $0x3E80  }
0x189: {  	[sflag:s22] =	ssyncset.done $0x0  }
0x18a: {  	s13 =	rddreg [dreg:$0x11];
	[sflag:s22] =	ssyncadd.s32 $0xFFFFC180  }
0x18b: {  	[spmem:s3] =	stream.indirect.scatter.add.f32 [tilespmem:s20], [sflag:$0x3], $0x80, s13, s18, $0xb8;
	[tilespmem:$0x1C880] =	vst v63  }
0x18c: {  	_ =	swait.ge [sflag:s15], $0x3E80  }
0x18d: {  	[sflag:s15] =	ssyncset.done $0x0  }
0x18e: {  	s14 =	rddreg [dreg:$0x12];
	[sflag:s15] =	ssyncadd.s32 $0xFFFFC180  }
0x18f: {  	[tilespmem:s20], [sflag:$0x2] =	stream.indirect.gather [hbm4b:s0+s18], $0x80, s14, s18, $0xb8;
	[tilespmem:$0x1C880] =	vst v63  }
0x190: {  	_ =	swait.ge [sflag:s21], $0x3E80  }
0x191: {  	[sflag:s21] =	ssyncset.done $0x0  }
0x192: {  	s12 =	rddreg [dreg:$0x13];
	[sflag:s21] =	ssyncadd.s32 $0xFFFFC180  }
0x193: {  	[spmem:s3] =	stream.indirect.scatter.add.f32 [tilespmem:s19], [sflag:$0x3], $0x80, s12, s18, $0xb8;
	[tilespmem:$0x1C880] =	vst v63  }
0x194: {  	_ =	swait.ge [sflag:s15], $0x3E80  }
0x195: {  	[sflag:s15] =	ssyncset.done $0x0  }
0x196: {  	[sflag:s15] =	ssyncadd.s32 $0xFFFFC180  }
0x197: {  	[tilespmem:s19], [sflag:$0x1] =	stream.indirect.gather [hbm4b:s0+s18], $0x80, s23, s18, $0xb8;
	[tilespmem:$0x1C880] =	vst v63  }
0x198: {  	_ =	swait.ge [sflag:s22], $0x3E80  }
0x199: {  	[sflag:s22] =	ssyncset.done $0x0  }
0x19a: {  	[sflag:s22] =	ssyncadd.s32 $0xFFFFC180  }
0x19b: {  	[spmem:s3] =	stream.indirect.scatter.add.f32 [tilespmem:s20], [sflag:$0x3], $0x80, s24, s18, $0xb8;
	[tilespmem:$0x1C880] =	vst v63  }
0x19c: {  	_ =	swait.ge [sflag:s15], $0x3E80  }
0x19d: {  	[sflag:s15] =	ssyncset.done $0x0  }
0x19e: {  	[sflag:s15] =	ssyncadd.s32 $0xFFFFC180  }
0x19f: {  	[tilespmem:s20], [sflag:$0x2] =	stream.indirect.gather [hbm4b:s0+s18], $0x80, s25, s18, $0xb8;
	[tilespmem:$0x1C880] =	vst v63  }
0x1a0: {  	_ =	swait.ge [sflag:s21], $0x3E80  }
0x1a1: {  	[sflag:s21] =	ssyncset.done $0x0  }
0x1a2: {  	[sflag:s21] =	ssyncadd.s32 $0xFFFFC180  }
0x1a3: {  	[spmem:s3] =	stream.indirect.scatter.add.f32 [tilespmem:s19], [sflag:$0x3], $0x80, s26, s18, $0xb8;
	[tilespmem:$0x1C880] =	vst v63  }
0x1a4: {  	_ =	swait.ge [sflag:s15], $0x3E80  }
0x1a5: {  	[sflag:s15] =	ssyncset.done $0x0  }
0x1a6: {  	[sflag:s15] =	ssyncadd.s32 $0xFFFFC180  }
0x1a7: {  	[tilespmem:s19], [sflag:$0x1] =	stream.indirect.gather [hbm4b:s0+s18], $0x80, s28, s18, $0xb8;
	[tilespmem:$0x1C880] =	vst v63  }
0x1a8: {  	_ =	swait.ge [sflag:s22], $0x3E80  }
0x1a9: {  	[sflag:s22] =	ssyncset.done $0x0  }
0x1aa: {  	[sflag:s22] =	ssyncadd.s32 $0xFFFFC180  }
0x1ab: {  	[spmem:s3] =	stream.indirect.scatter.add.f32 [tilespmem:s20], [sflag:$0x3], $0x80, s29, s18, $0xb8;
	[tilespmem:$0x1C880] =	vst v63  }
0x1ac: {  	_ =	swait.ge [sflag:s15], $0x3E80  }
0x1ad: {  	[sflag:s15] =	ssyncset.done $0x0  }
0x1ae: {  	[sflag:s15] =	ssyncadd.s32 $0xFFFFC180  }
0x1af: {  	[tilespmem:s20], [sflag:$0x2] =	stream.indirect.gather [hbm4b:s0+s18], $0x80, s30, s18, $0xb8;
	[tilespmem:$0x1C880] =	vst v63  }
0x1b0: {  	_ =	swait.ge [sflag:s21], $0x3E80  }
0x1b1: {  	[sflag:s21] =	ssyncset.done $0x0  }
0x1b2: {  	[sflag:s21] =	ssyncadd.s32 $0xFFFFC180  }
0x1b3: {  	[spmem:s3] =	stream.indirect.scatter.add.f32 [tilespmem:s19], [sflag:$0x3], $0x80, s31, s18, $0xb8;
	[tilespmem:$0x1C880] =	vst v63  }
0x1b4: {  	_ =	swait.ge [sflag:s15], $0x3E80  }
0x1b5: {  	[sflag:s15] =	ssyncset.done $0x0  }
0x1b6: {  	[sflag:s15] =	ssyncadd.s32 $0xFFFFC180  }
0x1b7: {  	[tilespmem:s19], [sflag:$0x1] =	stream.indirect.gather [hbm4b:s0+s18], $0x80, s1, s18, $0xb8;
	[tilespmem:$0x1C880] =	vst v63  }
0x1b8: {  	_ =	swait.ge [sflag:s22], $0x3E80  }
0x1b9: {  	[sflag:s22] =	ssyncset.done $0x0  }
0x1ba: {  	[sflag:s22] =	ssyncadd.s32 $0xFFFFC180  }
0x1bb: {  	[spmem:s3] =	stream.indirect.scatter.add.f32 [tilespmem:s20], [sflag:$0x3], $0x80, s2, s18, $0xb8;
	[tilespmem:$0x1C880] =	vst v63  }
0x1bc: {  	_ =	swait.ge [sflag:s15], $0x3E80  }
0x1bd: {  	[sflag:s15] =	ssyncset.done $0x0  }
0x1be: {  	[sflag:s15] =	ssyncadd.s32 $0xFFFFC180  }
0x1bf: {  	[tilespmem:s20], [sflag:$0x2] =	stream.indirect.gather [hbm4b:s0+s18], $0x80, s6, s18, $0xb8;
	[tilespmem:$0x1C880] =	vst v63  }
0x1c0: {  	_ =	swait.ge [sflag:s21], $0x3E80  }
0x1c1: {  	[sflag:s21] =	ssyncset.done $0x0  }
0x1c2: {  	[sflag:s21] =	ssyncadd.s32 $0xFFFFC180  }
0x1c3: {  	[spmem:s3] =	stream.indirect.scatter.add.f32 [tilespmem:s19], [sflag:$0x3], $0x80, s8, s18, $0xb8;
	[tilespmem:$0x1C880] =	vst v63  }
0x1c4: {  	_ =	swait.ge [sflag:s15], $0x3E80  }
0x1c5: {  	[sflag:s15] =	ssyncset.done $0x0  }
0x1c6: {  	[sflag:s15] =	ssyncadd.s32 $0xFFFFC180  }
0x1c7: {  	[tilespmem:s19], [sflag:$0x1] =	stream.indirect.gather [hbm4b:s0+s18], $0x80, s16, s18, $0xb8;
	[tilespmem:$0x1C880] =	vst v63  }
0x1c8: {  	_ =	swait.ge [sflag:s22], $0x3E80  }
0x1c9: {  	[sflag:s22] =	ssyncset.done $0x0  }
0x1ca: {  	[sflag:s22] =	ssyncadd.s32 $0xFFFFC180  }
0x1cb: {  	[spmem:s3] =	stream.indirect.scatter.add.f32 [tilespmem:s20], [sflag:$0x3], $0x80, s5, s18, $0xb8;
	[tilespmem:$0x1C880] =	vst v63  }
0x1cc: {  	_ =	swait.ge [sflag:s15], $0x3E80  }
0x1cd: {  	[sflag:s15] =	ssyncset.done $0x0  }
0x1ce: {  	[sflag:s15] =	ssyncadd.s32 $0xFFFFC180  }
0x1cf: {  	[tilespmem:s20], [sflag:$0x2] =	stream.indirect.gather [hbm4b:s0+s18], $0x80, s9, s18, $0xb8;
	[tilespmem:$0x1C880] =	vst v63  }
0x1d0: {  	_ =	swait.ge [sflag:s21], $0x3E80  }
0x1d1: {  	[sflag:s21] =	ssyncset.done $0x0  }
0x1d2: {  	[sflag:s21] =	ssyncadd.s32 $0xFFFFC180  }
0x1d3: {  	[spmem:s3] =	stream.indirect.scatter.add.f32 [tilespmem:s19], [sflag:$0x3], $0x80, s10, s18, $0xb8;
	[tilespmem:$0x1C880] =	vst v63  }
0x1d4: {  	_ =	swait.ge [sflag:s15], $0x3E80  }
0x1d5: {  	[sflag:s15] =	ssyncset.done $0x0  }
0x1d6: {  	[sflag:s15] =	ssyncadd.s32 $0xFFFFC180  }
0x1d7: {  	_ =	swait.ge [sflag:s22], $0x3E80  }
0x1d8: {  	[sflag:s22] =	ssyncset.done $0x0  }
0x1d9: {  	[sflag:s22] =	ssyncadd.s32 $0xFFFFC180  }
0x1da: {  	[spmem:s3] =	stream.indirect.scatter.add.f32 [tilespmem:s20], [sflag:$0x3], $0x80, s11, s18, $0xb8;
	[tilespmem:$0x1C880] =	vst v63  }
0x1db: {  	_ =	swait.ge [sflag:s15], $0x3E80  }
0x1dc: {  	[sflag:s15] =	ssyncset.done $0x0  }
0x1dd: {  	[sflag:s15] =	ssyncadd.s32 $0xFFFFC180  }
0x1de: {  	[bflag:$0x0] =	sbarrier.arrive $0xFFFF  }
0x1df: {  	s13 =	rddreg [dreg:$0x1b]  }
0x1e0: {  	s12 =	rddreg [dreg:$0x18]  }
0x1e1: {  	s14 =	rddreg [dreg:$0x1d];
	s7 =	sor.u32 $0x1C03, s13  }
0x1e2: {  	[hbm:s12], [sflag:s7] =	dma.local [spmem:s14], $0x2700  }
0x1e3: {  	_ =	swait.ge [sflag:s15], $0x2700  }
0x1e4: {  	[sflag:s15] =	ssyncset.done $0x0;
	s12 =	rddreg [dreg:$0x16]  }
0x1e5: {  	s13 =	rddreg [dreg:$0x19];
	[sflag:s15] =	ssyncadd.s32 $0xFFFFD900;
	s12 =	sshrl.u32 @!p2 s12, $0x3  }
0x1e6: {  	[hbm:s13], [sflag:s7] =	dma.local @!p2 [spmem:s12], $0x100  }
0x1e7: {  	s7 =	simm.s32 @!p2 $0x3  }
0x1e8: {  	_ =	swait.ge @!p2 [sflag:s7], $0x100  }
0x1e9: {  	s12 =	rddreg [dreg:$0x1f]  }
0x1ea: {  	s14 =	rddreg [dreg:$0x1a];
	s13 =	sadd.s32 $0x1, s12  }
0x1eb: {  	p3 =	sne.s32 s13, s14  }
.Ltmp5:
0x1ec: {  	_ = 	snop;
	(pc) =	sbr.rel @p3 .LBB2_1-.Ltmp5, $3  }
0x1ed: {  	_ =	sdelay $0x1  }
0x1ee: {  	[sflag:s7] =	ssyncset.done @!p2 $0x0  }
0x1ef: {  	[sflag:s7] =	ssyncadd.s32 @!p2 $0xFFFFFF00  }
0x1f0: {  	_ =	sfence.sel $0x180000  }
0x1f1: {  	[bflag:$0x0] =	sbarrier.arrive $0xFFFF  }
0x1f2: {  	_ =	strace $0x90000047  }
0x1f3: {  	s0 =	stileid.u32;
	[bflag:$0x2] =	sbarrier.arrive $0xFFFF  }
0x1f4: {  	p0 =	sne.s32 s0, $0x0;
	s0 =	rddreg [dreg:$0x4]  }
0x1f5: {  	s0 =	sadd.s32 @!p0 $0x100000, s0  }
0x1f6: {  	[sflag:s0] =	ssyncadd.tile.s32 @!p0 $0x1;
	_ =	shalt  }
.Lfunc_end2:
_tile_overlayer_lowered:
.L_overlay_start_2:
0x1f7: {  	(tag) =	ssettag $0x2  }
0x1f8: {  	s0 =	rddreg [dreg:$0x0];
	s2 =	stileid.u32  }
0x1f9: {  	s1 =	rddreg [dreg:$0x1];
	p0 =	sne.s32 s2, $0x0  }
0x1fa: {  	s3 =	rddreg [dreg:$0x2];
	[bflag:$0x3] =	sbarrier.arrive $0xFFFF;
	s2 =	simm.s32 @!p0 $0x1C03  }
0x1fb: {  	[timem:s3], [sflag:s2] =	dma.local @!p0 [hbm:s0], s1  }
0x1fc: {  	s0 =	simm.s32 @!p0 $0x3  }
0x1fd: {  	_ =	swait.ge @!p0 [sflag:s0], s1  }
0x1fe: {  	s1 =	ssub.s32 @!p0 $0x0, s1;
	[sflag:s0] =	ssyncset.done @!p0 $0x0  }
0x1ff: {  	[sflag:s0] =	ssyncadd.s32 @!p0 s1  }
0x200: {  	[bflag:$0x3] =	sbarrier.arrive $0xFFFF  }
0x201: {  	_ =	shalt  }

// kernel: kernel.9.cloned.1.call-start
scs
__scs_entry_jumppad:
0x0: {  	(pc) =	sbr.rel $0x88, $3  }
0x1: {  	(tag) =	ssettag $0x0;
	lr =	simm.s32 $0x1  }
0x2: {  	[smem:$0x3F7D] =	sst lr;
	_ =	strace $0xD0000000  }
0x3: {  	_ = 	snop  }
0x4: {  	_ = 	snop  }
0x5: {  	_ = 	snop  }
0x6: {  	_ = 	snop  }
0x7: {  	_ = 	snop  }
__scs_overlays_trampoline_lowered:
0x8: {  	[smem:$0x3F8C] =	sst s0  }
0x9: {  	[smem:$0x3F8D] =	sst s1  }
0xa: {  	[smem:$0x3F8E] =	sst s2  }
0xb: {  	[smem:$0x3F8F] =	sst s3  }
0xc: {  	[smem:$0x3F90] =	sst s4  }
0xd: {  	[smem:$0x3F91] =	sst s5  }
0xe: {  	[smem:$0x3F92] =	sst s6  }
0xf: {  	[smem:$0x3F93] =	sst s7  }
0x10: {  	[smem:$0x3F94] =	sst s8  }
0x11: {  	[smem:$0x3F95] =	sst s9;
	s0 =	simm.s32 @!p0 $0x0  }
0x12: {  	s1 =	sld [smem:$0x3F7B];
	s0 =	simm.s32 @p0 $0x1  }
0x13: {  	[smem:$0x3F96] =	sst s0;
	s0 =	simm.s32 @!p1 $0x0  }
0x14: {  	s2 =	sld [smem:$0x3F7A];
	s0 =	simm.s32 @p1 $0x1  }
0x15: {  	[smem:$0x3F97] =	sst s0;
	s0 =	simm.s32 @!p2 $0x0  }
0x16: {  	s3 =	sld [smem:$0x3FDB];
	s0 =	simm.s32 @p2 $0x1  }
0x17: {  	s4 =	simm.s32 $0x1BF5;
	[smem:$0x3F99] =	sst s0  }
0x18: {  	s0 =	sld [smem:$0x3F7C];
	_ =	swait.ge [sflag:s4], $0x0  }
0x19: {  	s7 =	sld [smem:$0x3F7D]  }
0x1a: {  	s8 =	sadd.s32 $0xFFFFE003, lr  }
0x1b: {  	s9 =	sadd.s32 $0xFFFFFEF7, lr;
	s5 =	simm.s32 $0xFFFFFFFF;
	p2 =	slt.u32 s8, $0xFFFFF086  }
0x1c: {  	p1 =	slt.u32 s9, $0xF7A;
	s5 =	simm.s32 @!p2 $0x0  }
0x1d: {  	s5 =	simm.s32 @p1 $0x1;
	p0 =	seq.s32 s7, s2  }
0x1e: {  	s7 =	smul.u32 @!p0 $0xF7A, s2;
	p2 =	seq.s32 @!p0 s5, $0x0  }
0x1f: {  	s9 =	smul.u32 $0xF7A, s1;
	s8 =	simm.s32 @!p0 $0x1BF5;
	p2 =	por !p2, p0  }
0x20: {  	[sflag:s8] =	ssyncset.s32 @!p0 $0xFFFFF086;
	s6 =	sadd.s32 @!p0 s3, s7;
	s7 =	simm.s32 @!p0 $0x108  }
0x21: {  	s3 =	sadd.s32 s3, s9;
	s6 =	sadd.s32 @!p0 $0x88, s6;
	s7 =	simm.s32 @p2 $0x1082  }
0x22: {  	[simem:s7], [sflag:s8] =	dma.local @!p0 [hbm:s6], $0xF7A  }
0x23: {  	s9 =	sor.u32 $0xD0000000, s2;
	s6 =	simm.s32 $0x108;
	_ =	swait.ge @!p0 [sflag:s8], $0x0  }
0x24: {  	s3 =	sadd.s32 $0x88, s3;
	s6 =	simm.s32 @!p1 $0x1082;
	[sflag:s4] =	ssyncset.s32 $0xFFFFF086  }
0x25: {  	[simem:s6], [sflag:s4] =	dma.local [hbm:s3], $0xF7A  }
0x26: {  	[smem:$0x3F7D] =	sst s1;
	(tag) =	ssettag s2;
	_ =	strace s9  }
0x27: {  	s1 =	sld [smem:$0x3F8D]  }
0x28: {  	s2 =	sld [smem:$0x3F8E]  }
0x29: {  	s4 =	sld [smem:$0x3F90]  }
0x2a: {  	p0 =	seq.s32 s5, $0x0;
	s5 =	sld [smem:$0x3F91]  }
0x2b: {  	s6 =	sld [smem:$0x3F92]  }
0x2c: {  	s7 =	sld [smem:$0x3F93]  }
0x2d: {  	s3 =	simm.s32 $0x108;
	s8 =	sld [smem:$0x3F94]  }
0x2e: {  	s3 =	simm.s32 @!p0 $0x1082;
	s9 =	sld [smem:$0x3F95]  }
0x2f: {  	lr =	sadd.s32 s0, s3;
	s0 =	sld [smem:$0x3F8C]  }
0x30: {  	s3 =	sld [smem:$0x3F8F]  }
0x31: {  	[smem:$0x3F98] =	sst s10  }
0x32: {  	s10 =	sld [smem:$0x3F96];
	_ =	sdelay $0x3  }
0x33: {  	p0 =	seq.s32 s10, $0x1;
	s10 =	sld [smem:$0x3F98];
	_ =	sdelay $0x3  }
0x34: {  	[smem:$0x3F98] =	sst s10  }
0x35: {  	s10 =	sld [smem:$0x3F97];
	_ =	sdelay $0x3  }
0x36: {  	p1 =	seq.s32 s10, $0x1;
	s10 =	sld [smem:$0x3F98];
	_ =	sdelay $0x3  }
0x37: {  	[smem:$0x3F98] =	sst s10  }
0x38: {  	s10 =	sld [smem:$0x3F99]  }
0x39: {  	_ = 	snop;
	(pc) =	sbr.ind lr, $3  }
0x3a: {  	_ = 	snop  }
0x3b: {  	_ = 	snop  }
0x3c: {  	p2 =	seq.s32 s10, $0x1;
	s10 =	sld [smem:$0x3F98]  }
0x3d: {  	_ =	shalt  }
0x3e: {  	_ =	shalt  }
0x3f: {  	_ =	shalt  }
0x40: {  	_ =	shalt  }
0x41: {  	_ =	shalt  }
0x42: {  	_ =	shalt  }
0x43: {  	_ =	shalt  }
0x44: {  	_ =	shalt  }
0x45: {  	_ =	shalt  }
0x46: {  	_ =	shalt  }
0x47: {  	_ =	shalt  }
0x48: {  	_ =	shalt  }
0x49: {  	_ =	shalt  }
0x4a: {  	_ =	shalt  }
0x4b: {  	_ =	shalt  }
0x4c: {  	_ =	shalt  }
0x4d: {  	_ =	shalt  }
0x4e: {  	_ =	shalt  }
0x4f: {  	_ =	shalt  }
0x50: {  	_ =	shalt  }
0x51: {  	_ =	shalt  }
0x52: {  	_ =	shalt  }
0x53: {  	_ =	shalt  }
0x54: {  	_ =	shalt  }
0x55: {  	_ =	shalt  }
0x56: {  	_ =	shalt  }
0x57: {  	_ =	shalt  }
0x58: {  	_ =	shalt  }
0x59: {  	_ =	shalt  }
0x5a: {  	_ =	shalt  }
0x5b: {  	_ =	shalt  }
0x5c: {  	_ =	shalt  }
0x5d: {  	_ =	shalt  }
0x5e: {  	_ =	shalt  }
0x5f: {  	_ =	shalt  }
0x60: {  	_ =	shalt  }
0x61: {  	_ =	shalt  }
0x62: {  	_ =	shalt  }
0x63: {  	_ =	shalt  }
0x64: {  	_ =	shalt  }
0x65: {  	_ =	shalt  }
0x66: {  	_ =	shalt  }
0x67: {  	_ =	shalt  }
0x68: {  	_ =	shalt  }
0x69: {  	_ =	shalt  }
0x6a: {  	_ =	shalt  }
0x6b: {  	_ =	shalt  }
0x6c: {  	_ =	shalt  }
0x6d: {  	_ =	shalt  }
0x6e: {  	_ =	shalt  }
0x6f: {  	_ =	shalt  }
0x70: {  	_ =	shalt  }
0x71: {  	_ =	shalt  }
0x72: {  	_ =	shalt  }
0x73: {  	_ =	shalt  }
0x74: {  	_ =	shalt  }
0x75: {  	_ =	shalt  }
0x76: {  	_ =	shalt  }
0x77: {  	_ =	shalt  }
0x78: {  	_ =	shalt  }
0x79: {  	_ =	shalt  }
0x7a: {  	_ =	shalt  }
0x7b: {  	_ =	shalt  }
0x7c: {  	_ =	shalt  }
0x7d: {  	_ =	shalt  }
0x7e: {  	_ =	shalt  }
0x7f: {  	_ =	shalt  }
0x80: {  	_ =	shalt  }
0x81: {  	_ =	shalt  }
0x82: {  	_ =	shalt  }
0x83: {  	_ =	shalt  }
0x84: {  	_ =	shalt  }
0x85: {  	_ =	shalt  }
0x86: {  	_ =	shalt  }
0x87: {  	_ =	shalt  }
.Lfunc_end0:
.L_simem_size_0:
called_computation.1_lowered:
.L_overlay_start_0:
0x88: {  	s2 =	sld [smem:$0x3FD9]  }
0x89: {  	s3 =	sld [smem:$0x3FFE];
	_ =	sdelay $0x1  }
0x8a: {  	s1 =	srdreg.scid  }
0x8b: {  	s0 =	sand.u32 $0x1, s1  }
0x8c: {  	s17 =	sshll.u32 s0, $0xA;
	s2 =	sadd.s32 s3, s2  }
0x8d: {  	s2 =	sadd.s32 s2, s17  }
0x8e: {  	[smem:$0x3FA4] =	sst s2  }
0x8f: {  	_ = 	snop  }
0x90: {  	s2 =	sld [smem:$0x3FD0];
	(tm) =	ssettm $0x1  }
0x91: {  	s18 =	sld [smem:$0x3FFB];
	_ =	sdelay $0x3  }
0x92: {  	_ =	strace s18  }
0x93: {  	s3 =	sld [smem:$0x3FFC];
	_ =	sdelay $0x3  }
0x94: {  	_ =	strace s3  }
0x95: {  	s3 =	sld [smem:$0x3FFD];
	_ =	sdelay $0x3  }
0x96: {  	_ =	strace s3  }
0x97: {  	_ =	strace $0x8FFFFFFF  }
0x98: {  	s19 =	sld [smem:$0x3FDB];
	_ =	sdelay $0x1  }
0x99: {  	s4 =	simm.s32 $_scs_section_size  }
0x9a: {  	s5 =	simm.s32 $_size__tile_overlayer_lowered;
	s6 =	simm.s32 $_tile_overlayer_lowered  }
0x9b: {  	s22 =	simm.s32 $0x1BFF;
	s21 =	sshll.u32 s6, $0x1;
	s3 =	sadd.s32 s4, s19  }
0x9c: {  	s7 =	simm.s32 $0x0;
	s20 =	sshll.u32 s5, $0x1;
	s5 =	sadd.s32 s21, s3  }
0x9d: {  	[timem:s7], [sflag:s22] =	dma.local [hbm:s5], s20  }
0x9e: {  	_ =	swait.ge [sflag:s22], s20  }
0x9f: {  	s4 =	ssub.s32 $0x0, s20;
	[sflag:s22] =	ssyncset.done $0x0  }
0xa0: {  	[sflag:s22] =	ssyncadd.s32 s4;
	_ =	sdelay $0x1  }
0xa1: {  	s23 =	simm.s32 $0x1B8B  }
0xa2: {  	_ =	swait.ge [sflag:s23], $0x1  }
0xa3: {  	[sflag:s23] =	ssyncset.done $0x0  }
0xa4: {  	s25 =	simm.s32 $0x1B8E;
	s24 =	sld [smem:$0x3FFE];
	[sflag:s23] =	ssyncadd.s32 $0xFFFFFFFF  }
0xa5: {  	s26 =	simm.s32 $execute0_lowered;
	[smem:$0x3FD2] =	sst s25  }
0xa6: {  	s5 =	sshll.u32 s26, $0x1;
	_ =	strace $0x80000049;
	[dreg:$0x1] =	wrdreg $0xFFFFFFFF  }
0xa7: {  	s28 =	simm.s32 $_size_execute0_lowered;
	s3 =	sadd.s32 s3, s5;
	[dreg:$0x0] =	wrdreg $0x0  }
0xa8: {  	s5 =	sshll.u32 s28, $0x1;
	[dreg:$0x2] =	wrdreg s3  }
0xa9: {  	[dreg:$0x3] =	wrdreg s5  }
0xaa: {  	[dreg:$0x4] =	wrdreg $0xC0  }
0xab: {  	_ =	task [dreg:s7], $0x5FFFF  }
0xac: {  	[dreg:$0x1] =	wrdreg $0xFFFFFFFF  }
0xad: {  	[dreg:$0x0] =	wrdreg $0x60  }
0xae: {  	[dreg:$0x2] =	wrdreg s24  }
0xaf: {  	[dreg:$0x3] =	wrdreg s2  }
0xb0: {  	[dreg:$0x4] =	wrdreg $0x90000  }
0xb1: {  	[dreg:$0x5] =	wrdreg $0x9  }
0xb2: {  	_ =	task.clear_ibuf [dreg:s7], $0x6FFFF;
	_ =	strace $0x90000049  }
0xb3: {  	s29 =	simm.s32 $0x9;
	_ =	strace $0x8000004B  }
0xb4: {  	_ =	swait.ge [sflag:s29], $0x1  }
0xb5: {  	[sflag:s29] =	ssyncadd.s32 $0xFFFFFFFF  }
0xb6: {  	_ =	strace $0x9000004B  }
0xb7: {  	_ =	sfence  }
0xb8: {  	s30 =	sld [smem:$0x0];
	_ =	sdelay $0x2  }
0xb9: {  	s31 =	sshll.u32 s1, $0xD;
	s1 =	sshrl.u32 s1, $0x2  }
0xba: {  	s3 =	sand.u32 $0x4000, s31;
	s1 =	sadd.s32 s1, s30  }
0xbb: {  	s0 =	sor.u32 s3, s0;
	s1 =	sshll.u32 s1, $0x11  }
0xbc: {  	s0 =	sor.u32 s1, s0  }
0xbd: {  	s0 =	sadd.s32 $0x8F2B, s0  }
0xbe: {  	[sflag:s0] =	ssyncadd.remote.s32 $0x1  }
0xbf: {  	_ =	sfence.sel $0xFFFF  }
0xc0: {  	[dreg:$0x0] =	wrdreg $0xFFFFFFFF;
	(pc) =	sbr.abs _section_cstart, $3  }
0xc1: {  	[dreg:$0x1] =	wrdreg $0xFFFFFFFF  }
0xc2: {  	_ =	task.clear_ibuf [dreg:s7], $0x2FFFF;
	_ =	strace $0x9FFFFFFF  }
0xc3: {  	(tm) =	ssettm $0x7FFFFFFF  }
tec
execute0_lowered:
.L_overlay_start_1:
0x0: {  	(tag) =	ssettag $0x1  }
0x1: {  	s0 =	rddreg [dreg:$0x0]  }
0x2: {  	s2 =	rddreg [dreg:$0x1]  }
0x3: {  	s1 =	rddreg [dreg:$0x2];
	s3 =	srdreg.scid  }
0x4: {  	s14 =	stileid.u32;
	s18 =	simm.s32 $0x200;
	s19 =	simm.s32 $0x980  }
0x5: {  	s21 =	simm.s32 $0x280;
	s28 =	simm.s32 $0x500;
	s29 =	simm.s32 $0xC80  }
0x6: {  	s30 =	simm.s32 $0x580;
	s31 =	simm.s32 $0xD00;
	s7 =	smul.u32 $0x2800, s14  }
0x7: {  	s5 =	sand.u32 $0x1, s3;
	s3 =	simm.s32 $0x0;
	s22 =	smul.u32 $0x4E000, s14  }
0x8: {  	s4 =	sadd.s32 $0x36800, s0;
	s15 =	sadd.s32 $0xF600, s0;
	s8 =	smul.u32 $0x2700, s14  }
0x9: {  	s13 =	smul.u32 $0x13800, s14;
	s16 =	sadd.s32 $0x138000, s1;
	p1 =	seq.s32 s14, $0xF  }
0xa: {  	p2 =	sne.s32 s14, $0xF;
	s6 =	smul.u32 $0x28000, s5;
	[smem:$0x7FF] =	sst s3  }
0xb: {  	s10 =	ssub.s32 $0x2, s5;
	_ =	strace $0x8000004A;
	[dreg:$0x13] =	wrdreg s15  }
0xc: {  	s11 =	smul.u32 $0x138800, s5;
	p0 =	sne.s32 s5, $0x0;
	[dreg:$0xb] =	wrdreg s18  }
0xd: {  	s20 =	sshrl.u32 s16, $0x3;
	s5 =	simm.s32 $0xE80;
	[dreg:$0x15] =	wrdreg s16  }
0xe: {  	s12 =	sshrl.u32 s10, $0x1;
	s23 =	sadd.s32 s15, s8;
	[dreg:$0x1d] =	wrdreg s20  }
0xf: {  	s8 =	sadd.s32 s4, s8;
	s15 =	simm.s32 $0x900;
	[dreg:$0xc] =	wrdreg s19  }
0x10: {  	[dreg:$0xd] =	wrdreg s21;
	s18 =	simm.s32 $0x7D;
	s19 =	simm.s32 $0x1000  }
0x11: {  	s20 =	simm.s32 $0x5000;
	s21 =	simm.s32 $0x1;
	s16 =	simm.s32 $0x700  }
0x12: {  	s6 =	sadd.s32 s7, s6;
	s7 =	sshrl.u32 s22, $0x2;
	[dreg:$0x14] =	wrdreg s23  }
0x13: {  	s10 =	ssub.s32 s10, s12;
	s24 =	sadd.s32 s13, s11;
	[dreg:$0x16] =	wrdreg s8  }
0x14: {  	s11 =	sshrl.u32 s11, $0x3;
	s12 =	sshll.u32 s14, $0x6;
	[dreg:$0xa] =	wrdreg s15  }
0x15: {  	s13 =	simm.s32 $0x180;
	s15 =	simm.s32 $0x3;
	[dreg:$0x1a] =	wrdreg s12  }
0x16: {  	s22 =	simm.s32 $0xA00;
	s23 =	simm.s32 $0x300;
	[dreg:$0x9] =	wrdreg s13  }
0x17: {  	s6 =	sshrl.u32 s6, $0x3;
	s7 =	sadd.s32 s7, s1;
	[dreg:$0xe] =	wrdreg s22  }
0x18: {  	s25 =	sshrl.u32 s24, $0x3;
	[dreg:$0xf] =	wrdreg s23;
	s24 =	simm.s32 $0xA80  }
0x19: {  	s9 =	sadd.s32 s6, s0;
	s6 =	sadd.s32 s6, s2;
	[dreg:$0x10] =	wrdreg s24  }
0x1a: {  	s22 =	simm.s32 $0x2;
	s2 =	sor.u32 $0x1C03, s12;
	[dreg:$0x5] =	wrdreg s6  }
0x1b: {  	s0 =	sadd.s32 $0x5DA00, s0;
	s17 =	sshrl.u32 s7, $0x3;
	[dreg:$0x1b] =	wrdreg s2  }
0x1c: {  	s23 =	simm.s32 $0x400;
	s8 =	sadd.s32 s0, s25;
	[dreg:$0x1c] =	wrdreg s17  }
0x1d: {  	s13 =	simm.s32 $0x0;
	s26 =	sadd.s32 $0x5600, s9;
	[dreg:$0x17] =	wrdreg s8  }
0x1e: {  	s24 =	simm.s32 $0xB80;
	s9 =	simm.s32 $0x80;
	[dreg:$0x4] =	wrdreg s26  }
0x1f: {  	s0 =	sadd.s32 s0, s11;
	s11 =	simm.s32 $0x880;
	[dreg:$0x6] =	wrdreg s9  }
0x20: {  	s17 =	simm.s32 $0x800;
	s25 =	simm.s32 $0x380;
	[dreg:$0x8] =	wrdreg s11  }
0x21: {  	s2 =	simm.s32 $0xD80;
	s0 =	sadd.s32 $0x27000, s0;
	[dreg:$0x11] =	wrdreg s25  }
0x22: {  	s6 =	simm.s32 $0x680;
	s8 =	smax.u32 s10, $0x1;
	[dreg:$0x18] =	wrdreg s0  }
0x23: {  	s10 =	simm.s32 $0x100;
	s26 =	simm.s32 $0xB00;
	[dreg:$0x19] =	wrdreg s8  }
0x24: {  	s25 =	simm.s32 $0x480;
	s9 =	simm.s32 $0x780;
	[dreg:$0x7] =	wrdreg s10  }
0x25: {  	s11 =	simm.s32 $0xF80;
	[dreg:$0x12] =	wrdreg s26;
	s26 =	simm.s32 $0xC00  }
0x26: {  	s0 =	simm.s32 $0x600;
	s8 =	simm.s32 $0xE00;
	s10 =	simm.s32 $0xF00  }
.LBB2_1:
.Ltmp0:
0x27: {  	(pc) =	sbr.rel @p0 .LBB2_3-.Ltmp0, $2  }
0x28: {  	_ =	sdelay $0x2  }
0x29: {  	[dreg:$0x1e] =	wrdreg s13  }
0x2a: {  	s7 =	rddreg [dreg:$0x16]  }
0x2b: {  	s12 =	rddreg [dreg:$0x1b]  }
0x2c: {  	s13 =	rddreg [dreg:$0x1c]  }
0x2d: {  	[spmem:s13], [sflag:s12] =	dma.local [hbm:s7], $0x2700  }
.Ltmp1:
0x2e: {  	_ = 	snop;
	(pc) =	sbr.rel @p1 .LBB2_4-.Ltmp1, $4  }
.Ltmp2:
0x2f: {  	_ = 	snop;
	(pc) =	sbr.rel @!p1 .LBB2_5-.Ltmp2, $4  }
0x30: {  	_ =	swait.ge [sflag:s15], $0x2700  }
0x31: {  	[sflag:s15] =	ssyncset.done $0x0  }
0x32: {  	s13 =	smov.u32 s4;
	[sflag:s15] =	ssyncadd.s32 $0xFFFFD900  }
0x33: {  	_ = 	snop  }
.LBB2_3:
0x34: {  	s7 =	rddreg [dreg:$0x1a]  }
0x35: {  	s14 =	rddreg [dreg:$0x14]  }
.Ltmp3:
0x36: {  	s13 =	rddreg [dreg:$0x1c];
	s12 =	sor.u32 $0x1C03, s7;
	(pc) =	sbr.rel @p2 .LBB2_5-.Ltmp3, $4  }
0x37: {  	[spmem:s13], [sflag:s12] =	dma.local [hbm:s14], $0x2700  }
0x38: {  	_ =	swait.ge [sflag:s15], $0x2700  }
0x39: {  	[sflag:s15] =	ssyncset.done $0x0  }
0x3a: {  	s13 =	rddreg [dreg:$0x13];
	[sflag:s15] =	ssyncadd.s32 $0xFFFFD900  }
.LBB2_4:
0x3b: {  	s13 =	sadd.s32 $0x27000, s13;
	s7 =	rddreg [dreg:$0x1d]  }
0x3c: {  	[spmem:s7], [sflag:s12] =	dma.local [hbm:s13], $0x100  }
0x3d: {  	_ =	swait.ge [sflag:s15], $0x100  }
0x3e: {  	[sflag:s15] =	ssyncset.done $0x0  }
0x3f: {  	[sflag:s15] =	ssyncadd.s32 $0xFFFFFF00  }
.LBB2_5:
0x40: {  	[bflag:$0x0] =	sbarrier.arrive $0xFFFF  }
0x41: {  	s12 =	rddreg [dreg:$0x5]  }
0x42: {  	s12 =	sadd.s32 $0x0, s12  }
0x43: {  	[tilespmem:s3], [sflag:$0x3] =	stream.linear.gather [hbm4b:s12+s3], $0x800, $0x38;
	[tilespmem:$0x1C880] =	vst v63  }
0x44: {  	_ =	swait.ge [sflag:s15], $0x800  }
0x45: {  	s13 =	rddreg [dreg:$0x4];
	[sflag:s15] =	ssyncset.done $0x0  }
0x46: {  	[sflag:s15] =	ssyncadd.s32 $0xFFFFF800;
	s12 =	sadd.s32 $0x0, s13  }
0x47: {  	[tilespmem:s17], [sflag:$0x3] =	stream.linear.gather [hbm4b:s12+s3], $0x800, $0x38;
	[tilespmem:$0x1C880] =	vst v63  }
0x48: {  	_ =	swait.ge [sflag:s15], $0x800  }
0x49: {  	[sflag:s15] =	ssyncset.done $0x0  }
0x4a: {  	[sflag:s15] =	ssyncadd.s32 $0xFFFFF800  }
0x4b: {  	[tilespmem:s19], [sflag:$0x1] =	stream.indirect.gather [hbm4b:s4+s18], $0x80, s3, s18, $0xb8;
	[tilespmem:$0x1C880] =	vst v63  }
0x4c: {  	s14 =	rddreg [dreg:$0x6]  }
0x4d: {  	[tilespmem:s20], [sflag:$0x2] =	stream.indirect.gather [hbm4b:s4+s18], $0x80, s14, s18, $0xb8;
	[tilespmem:$0x1C880] =	vst v63  }
0x4e: {  	_ =	swait.ge [sflag:s21], $0x3E80  }
0x4f: {  	[sflag:s21] =	ssyncset.done $0x0  }
0x50: {  	[sflag:s21] =	ssyncadd.s32 $0xFFFFC180  }
0x51: {  	[spmem:s1] =	stream.indirect.scatter.add.f32 [tilespmem:s19], [sflag:$0x3], $0x80, s17, s18, $0xb8;
	[tilespmem:$0x1C880] =	vst v63  }
0x52: {  	_ =	swait.ge [sflag:s15], $0x3E80  }
0x53: {  	[sflag:s15] =	ssyncset.done $0x0  }
0x54: {  	s7 =	rddreg [dreg:$0x7];
	[sflag:s15] =	ssyncadd.s32 $0xFFFFC180  }
0x55: {  	[tilespmem:s19], [sflag:$0x1] =	stream.indirect.gather [hbm4b:s4+s18], $0x80, s7, s18, $0xb8;
	[tilespmem:$0x1C880] =	vst v63  }
0x56: {  	_ =	swait.ge [sflag:s22], $0x3E80  }
0x57: {  	[sflag:s22] =	ssyncset.done $0x0  }
0x58: {  	s13 =	rddreg [dreg:$0x8];
	[sflag:s22] =	ssyncadd.s32 $0xFFFFC180  }
0x59: {  	[spmem:s1] =	stream.indirect.scatter.add.f32 [tilespmem:s20], [sflag:$0x3], $0x80, s13, s18, $0xb8;
	[tilespmem:$0x1C880] =	vst v63  }
0x5a: {  	_ =	swait.ge [sflag:s15], $0x3E80  }
0x5b: {  	[sflag:s15] =	ssyncset.done $0x0  }
0x5c: {  	s14 =	rddreg [dreg:$0x9];
	[sflag:s15] =	ssyncadd.s32 $0xFFFFC180  }
0x5d: {  	[tilespmem:s20], [sflag:$0x2] =	stream.indirect.gather [hbm4b:s4+s18], $0x80, s14, s18, $0xb8;
	[tilespmem:$0x1C880] =	vst v63  }
0x5e: {  	_ =	swait.ge [sflag:s21], $0x3E80  }
0x5f: {  	[sflag:s21] =	ssyncset.done $0x0  }
0x60: {  	s7 =	rddreg [dreg:$0xa];
	[sflag:s21] =	ssyncadd.s32 $0xFFFFC180  }
0x61: {  	[spmem:s1] =	stream.indirect.scatter.add.f32 [tilespmem:s19], [sflag:$0x3], $0x80, s7, s18, $0xb8;
	[tilespmem:$0x1C880] =	vst v63  }
0x62: {  	_ =	swait.ge [sflag:s15], $0x3E80  }
0x63: {  	[sflag:s15] =	ssyncset.done $0x0  }
0x64: {  	s13 =	rddreg [dreg:$0xb];
	[sflag:s15] =	ssyncadd.s32 $0xFFFFC180  }
0x65: {  	[tilespmem:s19], [sflag:$0x1] =	stream.indirect.gather [hbm4b:s4+s18], $0x80, s13, s18, $0xb8;
	[tilespmem:$0x1C880] =	vst v63  }
0x66: {  	_ =	swait.ge [sflag:s22], $0x3E80  }
0x67: {  	[sflag:s22] =	ssyncset.done $0x0  }
0x68: {  	s14 =	rddreg [dreg:$0xc];
	[sflag:s22] =	ssyncadd.s32 $0xFFFFC180  }
0x69: {  	[spmem:s1] =	stream.indirect.scatter.add.f32 [tilespmem:s20], [sflag:$0x3], $0x80, s14, s18, $0xb8;
	[tilespmem:$0x1C880] =	vst v63  }
0x6a: {  	_ =	swait.ge [sflag:s15], $0x3E80  }
0x6b: {  	[sflag:s15] =	ssyncset.done $0x0  }
0x6c: {  	s7 =	rddreg [dreg:$0xd];
	[sflag:s15] =	ssyncadd.s32 $0xFFFFC180  }
0x6d: {  	[tilespmem:s20], [sflag:$0x2] =	stream.indirect.gather [hbm4b:s4+s18], $0x80, s7, s18, $0xb8;
	[tilespmem:$0x1C880] =	vst v63  }
0x6e: {  	_ =	swait.ge [sflag:s21], $0x3E80  }
0x6f: {  	[sflag:s21] =	ssyncset.done $0x0  }
0x70: {  	s13 =	rddreg [dreg:$0xe];
	[sflag:s21] =	ssyncadd.s32 $0xFFFFC180  }
0x71: {  	[spmem:s1] =	stream.indirect.scatter.add.f32 [tilespmem:s19], [sflag:$0x3], $0x80, s13, s18, $0xb8;
	[tilespmem:$0x1C880] =	vst v63  }
0x72: {  	_ =	swait.ge [sflag:s15], $0x3E80  }
0x73: {  	[sflag:s15] =	ssyncset.done $0x0  }
0x74: {  	s14 =	rddreg [dreg:$0xf];
	[sflag:s15] =	ssyncadd.s32 $0xFFFFC180  }
0x75: {  	[tilespmem:s19], [sflag:$0x1] =	stream.indirect.gather [hbm4b:s4+s18], $0x80, s14, s18, $0xb8;
	[tilespmem:$0x1C880] =	vst v63  }
0x76: {  	_ =	swait.ge [sflag:s22], $0x3E80  }
0x77: {  	[sflag:s22] =	ssyncset.done $0x0  }
0x78: {  	s7 =	rddreg [dreg:$0x10];
	[sflag:s22] =	ssyncadd.s32 $0xFFFFC180  }
0x79: {  	[spmem:s1] =	stream.indirect.scatter.add.f32 [tilespmem:s20], [sflag:$0x3], $0x80, s7, s18, $0xb8;
	[tilespmem:$0x1C880] =	vst v63  }
0x7a: {  	_ =	swait.ge [sflag:s15], $0x3E80  }
0x7b: {  	[sflag:s15] =	ssyncset.done $0x0  }
0x7c: {  	s13 =	rddreg [dreg:$0x11];
	[sflag:s15] =	ssyncadd.s32 $0xFFFFC180  }
0x7d: {  	[tilespmem:s20], [sflag:$0x2] =	stream.indirect.gather [hbm4b:s4+s18], $0x80, s13, s18, $0xb8;
	[tilespmem:$0x1C880] =	vst v63  }
0x7e: {  	_ =	swait.ge [sflag:s21], $0x3E80  }
0x7f: {  	[sflag:s21] =	ssyncset.done $0x0  }
0x80: {  	s14 =	rddreg [dreg:$0x12];
	[sflag:s21] =	ssyncadd.s32 $0xFFFFC180  }
0x81: {  	[spmem:s1] =	stream.indirect.scatter.add.f32 [tilespmem:s19], [sflag:$0x3], $0x80, s14, s18, $0xb8;
	[tilespmem:$0x1C880] =	vst v63  }
0x82: {  	_ =	swait.ge [sflag:s15], $0x3E80  }
0x83: {  	[sflag:s15] =	ssyncset.done $0x0  }
0x84: {  	[sflag:s15] =	ssyncadd.s32 $0xFFFFC180  }
0x85: {  	[tilespmem:s19], [sflag:$0x1] =	stream.indirect.gather [hbm4b:s4+s18], $0x80, s23, s18, $0xb8;
	[tilespmem:$0x1C880] =	vst v63  }
0x86: {  	_ =	swait.ge [sflag:s22], $0x3E80  }
0x87: {  	[sflag:s22] =	ssyncset.done $0x0  }
0x88: {  	[sflag:s22] =	ssyncadd.s32 $0xFFFFC180  }
0x89: {  	[spmem:s1] =	stream.indirect.scatter.add.f32 [tilespmem:s20], [sflag:$0x3], $0x80, s24, s18, $0xb8;
	[tilespmem:$0x1C880] =	vst v63  }
0x8a: {  	_ =	swait.ge [sflag:s15], $0x3E80  }
0x8b: {  	[sflag:s15] =	ssyncset.done $0x0  }
0x8c: {  	[sflag:s15] =	ssyncadd.s32 $0xFFFFC180  }
0x8d: {  	[tilespmem:s20], [sflag:$0x2] =	stream.indirect.gather [hbm4b:s4+s18], $0x80, s25, s18, $0xb8;
	[tilespmem:$0x1C880] =	vst v63  }
0x8e: {  	_ =	swait.ge [sflag:s21], $0x3E80  }
0x8f: {  	[sflag:s21] =	ssyncset.done $0x0  }
0x90: {  	[sflag:s21] =	ssyncadd.s32 $0xFFFFC180  }
0x91: {  	[spmem:s1] =	stream.indirect.scatter.add.f32 [tilespmem:s19], [sflag:$0x3], $0x80, s26, s18, $0xb8;
	[tilespmem:$0x1C880] =	vst v63  }
0x92: {  	_ =	swait.ge [sflag:s15], $0x3E80  }
0x93: {  	[sflag:s15] =	ssyncset.done $0x0  }
0x94: {  	[sflag:s15] =	ssyncadd.s32 $0xFFFFC180  }
0x95: {  	[tilespmem:s19], [sflag:$0x1] =	stream.indirect.gather [hbm4b:s4+s18], $0x80, s28, s18, $0xb8;
	[tilespmem:$0x1C880] =	vst v63  }
0x96: {  	_ =	swait.ge [sflag:s22], $0x3E80  }
0x97: {  	[sflag:s22] =	ssyncset.done $0x0  }
0x98: {  	[sflag:s22] =	ssyncadd.s32 $0xFFFFC180  }
0x99: {  	[spmem:s1] =	stream.indirect.scatter.add.f32 [tilespmem:s20], [sflag:$0x3], $0x80, s29, s18, $0xb8;
	[tilespmem:$0x1C880] =	vst v63  }
0x9a: {  	_ =	swait.ge [sflag:s15], $0x3E80  }
0x9b: {  	[sflag:s15] =	ssyncset.done $0x0  }
0x9c: {  	[sflag:s15] =	ssyncadd.s32 $0xFFFFC180  }
0x9d: {  	[tilespmem:s20], [sflag:$0x2] =	stream.indirect.gather [hbm4b:s4+s18], $0x80, s30, s18, $0xb8;
	[tilespmem:$0x1C880] =	vst v63  }
0x9e: {  	_ =	swait.ge [sflag:s21], $0x3E80  }
0x9f: {  	[sflag:s21] =	ssyncset.done $0x0  }
0xa0: {  	[sflag:s21] =	ssyncadd.s32 $0xFFFFC180  }
0xa1: {  	[spmem:s1] =	stream.indirect.scatter.add.f32 [tilespmem:s19], [sflag:$0x3], $0x80, s31, s18, $0xb8;
	[tilespmem:$0x1C880] =	vst v63  }
0xa2: {  	_ =	swait.ge [sflag:s15], $0x3E80  }
0xa3: {  	[sflag:s15] =	ssyncset.done $0x0  }
0xa4: {  	[sflag:s15] =	ssyncadd.s32 $0xFFFFC180  }
0xa5: {  	[tilespmem:s19], [sflag:$0x1] =	stream.indirect.gather [hbm4b:s4+s18], $0x80, s0, s18, $0xb8;
	[tilespmem:$0x1C880] =	vst v63  }
0xa6: {  	_ =	swait.ge [sflag:s22], $0x3E80  }
0xa7: {  	[sflag:s22] =	ssyncset.done $0x0  }
0xa8: {  	[sflag:s22] =	ssyncadd.s32 $0xFFFFC180  }
0xa9: {  	[spmem:s1] =	stream.indirect.scatter.add.f32 [tilespmem:s20], [sflag:$0x3], $0x80, s2, s18, $0xb8;
	[tilespmem:$0x1C880] =	vst v63  }
0xaa: {  	_ =	swait.ge [sflag:s15], $0x3E80  }
0xab: {  	[sflag:s15] =	ssyncset.done $0x0  }
0xac: {  	[sflag:s15] =	ssyncadd.s32 $0xFFFFC180  }
0xad: {  	[tilespmem:s20], [sflag:$0x2] =	stream.indirect.gather [hbm4b:s4+s18], $0x80, s6, s18, $0xb8;
	[tilespmem:$0x1C880] =	vst v63  }
0xae: {  	_ =	swait.ge [sflag:s21], $0x3E80  }
0xaf: {  	[sflag:s21] =	ssyncset.done $0x0  }
0xb0: {  	[sflag:s21] =	ssyncadd.s32 $0xFFFFC180  }
0xb1: {  	[spmem:s1] =	stream.indirect.scatter.add.f32 [tilespmem:s19], [sflag:$0x3], $0x80, s8, s18, $0xb8;
	[tilespmem:$0x1C880] =	vst v63  }
0xb2: {  	_ =	swait.ge [sflag:s15], $0x3E80  }
0xb3: {  	[sflag:s15] =	ssyncset.done $0x0  }
0xb4: {  	[sflag:s15] =	ssyncadd.s32 $0xFFFFC180  }
0xb5: {  	[tilespmem:s19], [sflag:$0x1] =	stream.indirect.gather [hbm4b:s4+s18], $0x80, s16, s18, $0xb8;
	[tilespmem:$0x1C880] =	vst v63  }
0xb6: {  	_ =	swait.ge [sflag:s22], $0x3E80  }
0xb7: {  	[sflag:s22] =	ssyncset.done $0x0  }
0xb8: {  	[sflag:s22] =	ssyncadd.s32 $0xFFFFC180  }
0xb9: {  	[spmem:s1] =	stream.indirect.scatter.add.f32 [tilespmem:s20], [sflag:$0x3], $0x80, s5, s18, $0xb8;
	[tilespmem:$0x1C880] =	vst v63  }
0xba: {  	_ =	swait.ge [sflag:s15], $0x3E80  }
0xbb: {  	[sflag:s15] =	ssyncset.done $0x0  }
0xbc: {  	[sflag:s15] =	ssyncadd.s32 $0xFFFFC180  }
0xbd: {  	[tilespmem:s20], [sflag:$0x2] =	stream.indirect.gather [hbm4b:s4+s18], $0x80, s9, s18, $0xb8;
	[tilespmem:$0x1C880] =	vst v63  }
0xbe: {  	_ =	swait.ge [sflag:s21], $0x3E80  }
0xbf: {  	[sflag:s21] =	ssyncset.done $0x0  }
0xc0: {  	[sflag:s21] =	ssyncadd.s32 $0xFFFFC180  }
0xc1: {  	[spmem:s1] =	stream.indirect.scatter.add.f32 [tilespmem:s19], [sflag:$0x3], $0x80, s10, s18, $0xb8;
	[tilespmem:$0x1C880] =	vst v63  }
0xc2: {  	_ =	swait.ge [sflag:s15], $0x3E80  }
0xc3: {  	[sflag:s15] =	ssyncset.done $0x0  }
0xc4: {  	[sflag:s15] =	ssyncadd.s32 $0xFFFFC180  }
0xc5: {  	_ =	swait.ge [sflag:s22], $0x3E80  }
0xc6: {  	[sflag:s22] =	ssyncset.done $0x0  }
0xc7: {  	[sflag:s22] =	ssyncadd.s32 $0xFFFFC180  }
0xc8: {  	[spmem:s1] =	stream.indirect.scatter.add.f32 [tilespmem:s20], [sflag:$0x3], $0x80, s11, s18, $0xb8;
	[tilespmem:$0x1C880] =	vst v63  }
0xc9: {  	s12 =	simm.s32 $0x200;
	_ =	swait.ge [sflag:s15], $0x3E80  }
0xca: {  	s13 =	simm.s32 $0x100;
	s14 =	rddreg [dreg:$0x5];
	[sflag:s15] =	ssyncset.done $0x0  }
.LBB2_6:
0xcb: {  	[sflag:s15] =	ssyncadd.s32 $0xFFFFC180;
	s14 =	sadd.s32 s13, s14  }
0xcc: {  	[tilespmem:s3], [sflag:$0x3] =	stream.linear.gather [hbm4b:s14+s3], $0x800, $0x38;
	[tilespmem:$0x1C880] =	vst v63  }
0xcd: {  	_ =	swait.ge [sflag:s15], $0x800  }
0xce: {  	s14 =	rddreg [dreg:$0x4];
	[sflag:s15] =	ssyncset.done $0x0  }
0xcf: {  	[sflag:s15] =	ssyncadd.s32 $0xFFFFF800;
	s14 =	sadd.s32 s13, s14  }
0xd0: {  	[tilespmem:s17], [sflag:$0x3] =	stream.linear.gather [hbm4b:s14+s3], $0x800, $0x38;
	[tilespmem:$0x1C880] =	vst v63  }
0xd1: {  	_ =	swait.ge [sflag:s15], $0x800  }
0xd2: {  	[sflag:s15] =	ssyncset.done $0x0  }
0xd3: {  	[sflag:s15] =	ssyncadd.s32 $0xFFFFF800  }
0xd4: {  	[tilespmem:s19], [sflag:$0x1] =	stream.indirect.gather [hbm4b:s4+s18], $0x80, s3, s18, $0xb8;
	[tilespmem:$0x1C880] =	vst v63  }
0xd5: {  	s14 =	rddreg [dreg:$0x6]  }
0xd6: {  	[tilespmem:s20], [sflag:$0x2] =	stream.indirect.gather [hbm4b:s4+s18], $0x80, s14, s18, $0xb8;
	[tilespmem:$0x1C880] =	vst v63  }
0xd7: {  	_ =	swait.ge [sflag:s21], $0x3E80  }
0xd8: {  	[sflag:s21] =	ssyncset.done $0x0  }
0xd9: {  	[sflag:s21] =	ssyncadd.s32 $0xFFFFC180  }
0xda: {  	[spmem:s1] =	stream.indirect.scatter.add.f32 [tilespmem:s19], [sflag:$0x3], $0x80, s17, s18, $0xb8;
	[tilespmem:$0x1C880] =	vst v63  }
0xdb: {  	_ =	swait.ge [sflag:s15], $0x3E80  }
0xdc: {  	[sflag:s15] =	ssyncset.done $0x0  }
0xdd: {  	s14 =	rddreg [dreg:$0x7];
	[sflag:s15] =	ssyncadd.s32 $0xFFFFC180  }
0xde: {  	[tilespmem:s19], [sflag:$0x1] =	stream.indirect.gather [hbm4b:s4+s18], $0x80, s14, s18, $0xb8;
	[tilespmem:$0x1C880] =	vst v63  }
0xdf: {  	_ =	swait.ge [sflag:s22], $0x3E80  }
0xe0: {  	[sflag:s22] =	ssyncset.done $0x0  }
0xe1: {  	s14 =	rddreg [dreg:$0x8];
	[sflag:s22] =	ssyncadd.s32 $0xFFFFC180  }
0xe2: {  	[spmem:s1] =	stream.indirect.scatter.add.f32 [tilespmem:s20], [sflag:$0x3], $0x80, s14, s18, $0xb8;
	[tilespmem:$0x1C880] =	vst v63  }
0xe3: {  	_ =	swait.ge [sflag:s15], $0x3E80  }
0xe4: {  	[sflag:s15] =	ssyncset.done $0x0  }
0xe5: {  	s14 =	rddreg [dreg:$0x9];
	[sflag:s15] =	ssyncadd.s32 $0xFFFFC180  }
0xe6: {  	[tilespmem:s20], [sflag:$0x2] =	stream.indirect.gather [hbm4b:s4+s18], $0x80, s14, s18, $0xb8;
	[tilespmem:$0x1C880] =	vst v63  }
0xe7: {  	_ =	swait.ge [sflag:s21], $0x3E80  }
0xe8: {  	[sflag:s21] =	ssyncset.done $0x0  }
0xe9: {  	s14 =	rddreg [dreg:$0xa];
	[sflag:s21] =	ssyncadd.s32 $0xFFFFC180  }
0xea: {  	[spmem:s1] =	stream.indirect.scatter.add.f32 [tilespmem:s19], [sflag:$0x3], $0x80, s14, s18, $0xb8;
	[tilespmem:$0x1C880] =	vst v63  }
0xeb: {  	_ =	swait.ge [sflag:s15], $0x3E80  }
0xec: {  	[sflag:s15] =	ssyncset.done $0x0  }
0xed: {  	s14 =	rddreg [dreg:$0xb];
	[sflag:s15] =	ssyncadd.s32 $0xFFFFC180  }
0xee: {  	[tilespmem:s19], [sflag:$0x1] =	stream.indirect.gather [hbm4b:s4+s18], $0x80, s14, s18, $0xb8;
	[tilespmem:$0x1C880] =	vst v63  }
0xef: {  	_ =	swait.ge [sflag:s22], $0x3E80  }
0xf0: {  	[sflag:s22] =	ssyncset.done $0x0  }
0xf1: {  	s14 =	rddreg [dreg:$0xc];
	[sflag:s22] =	ssyncadd.s32 $0xFFFFC180  }
0xf2: {  	[spmem:s1] =	stream.indirect.scatter.add.f32 [tilespmem:s20], [sflag:$0x3], $0x80, s14, s18, $0xb8;
	[tilespmem:$0x1C880] =	vst v63  }
0xf3: {  	_ =	swait.ge [sflag:s15], $0x3E80  }
0xf4: {  	[sflag:s15] =	ssyncset.done $0x0  }
0xf5: {  	s14 =	rddreg [dreg:$0xd];
	[sflag:s15] =	ssyncadd.s32 $0xFFFFC180  }
0xf6: {  	[tilespmem:s20], [sflag:$0x2] =	stream.indirect.gather [hbm4b:s4+s18], $0x80, s14, s18, $0xb8;
	[tilespmem:$0x1C880] =	vst v63  }
0xf7: {  	_ =	swait.ge [sflag:s21], $0x3E80  }
0xf8: {  	[sflag:s21] =	ssyncset.done $0x0  }
0xf9: {  	s14 =	rddreg [dreg:$0xe];
	[sflag:s21] =	ssyncadd.s32 $0xFFFFC180  }
0xfa: {  	[spmem:s1] =	stream.indirect.scatter.add.f32 [tilespmem:s19], [sflag:$0x3], $0x80, s14, s18, $0xb8;
	[tilespmem:$0x1C880] =	vst v63  }
0xfb: {  	_ =	swait.ge [sflag:s15], $0x3E80  }
0xfc: {  	[sflag:s15] =	ssyncset.done $0x0  }
0xfd: {  	s14 =	rddreg [dreg:$0xf];
	[sflag:s15] =	ssyncadd.s32 $0xFFFFC180  }
0xfe: {  	[tilespmem:s19], [sflag:$0x1] =	stream.indirect.gather [hbm4b:s4+s18], $0x80, s14, s18, $0xb8;
	[tilespmem:$0x1C880] =	vst v63  }
0xff: {  	_ =	swait.ge [sflag:s22], $0x3E80  }
0x100: {  	[sflag:s22] =	ssyncset.done $0x0  }
0x101: {  	s14 =	rddreg [dreg:$0x10];
	[sflag:s22] =	ssyncadd.s32 $0xFFFFC180  }
0x102: {  	[spmem:s1] =	stream.indirect.scatter.add.f32 [tilespmem:s20], [sflag:$0x3], $0x80, s14, s18, $0xb8;
	[tilespmem:$0x1C880] =	vst v63  }
0x103: {  	_ =	swait.ge [sflag:s15], $0x3E80  }
0x104: {  	[sflag:s15] =	ssyncset.done $0x0  }
0x105: {  	s14 =	rddreg [dreg:$0x11];
	[sflag:s15] =	ssyncadd.s32 $0xFFFFC180  }
0x106: {  	[tilespmem:s20], [sflag:$0x2] =	stream.indirect.gather [hbm4b:s4+s18], $0x80, s14, s18, $0xb8;
	[tilespmem:$0x1C880] =	vst v63  }
0x107: {  	_ =	swait.ge [sflag:s21], $0x3E80  }
0x108: {  	[sflag:s21] =	ssyncset.done $0x0  }
0x109: {  	s14 =	rddreg [dreg:$0x12];
	[sflag:s21] =	ssyncadd.s32 $0xFFFFC180  }
0x10a: {  	[spmem:s1] =	stream.indirect.scatter.add.f32 [tilespmem:s19], [sflag:$0x3], $0x80, s14, s18, $0xb8;
	[tilespmem:$0x1C880] =	vst v63  }
0x10b: {  	_ =	swait.ge [sflag:s15], $0x3E80  }
0x10c: {  	[sflag:s15] =	ssyncset.done $0x0  }
0x10d: {  	[sflag:s15] =	ssyncadd.s32 $0xFFFFC180  }
0x10e: {  	[tilespmem:s19], [sflag:$0x1] =	stream.indirect.gather [hbm4b:s4+s18], $0x80, s23, s18, $0xb8;
	[tilespmem:$0x1C880] =	vst v63  }
0x10f: {  	_ =	swait.ge [sflag:s22], $0x3E80  }
0x110: {  	[sflag:s22] =	ssyncset.done $0x0  }
0x111: {  	[sflag:s22] =	ssyncadd.s32 $0xFFFFC180  }
0x112: {  	[spmem:s1] =	stream.indirect.scatter.add.f32 [tilespmem:s20], [sflag:$0x3], $0x80, s24, s18, $0xb8;
	[tilespmem:$0x1C880] =	vst v63  }
0x113: {  	_ =	swait.ge [sflag:s15], $0x3E80  }
0x114: {  	[sflag:s15] =	ssyncset.done $0x0  }
0x115: {  	[sflag:s15] =	ssyncadd.s32 $0xFFFFC180  }
0x116: {  	[tilespmem:s20], [sflag:$0x2] =	stream.indirect.gather [hbm4b:s4+s18], $0x80, s25, s18, $0xb8;
	[tilespmem:$0x1C880] =	vst v63  }
0x117: {  	_ =	swait.ge [sflag:s21], $0x3E80  }
0x118: {  	[sflag:s21] =	ssyncset.done $0x0  }
0x119: {  	[sflag:s21] =	ssyncadd.s32 $0xFFFFC180  }
0x11a: {  	[spmem:s1] =	stream.indirect.scatter.add.f32 [tilespmem:s19], [sflag:$0x3], $0x80, s26, s18, $0xb8;
	[tilespmem:$0x1C880] =	vst v63  }
0x11b: {  	_ =	swait.ge [sflag:s15], $0x3E80  }
0x11c: {  	[sflag:s15] =	ssyncset.done $0x0  }
0x11d: {  	[sflag:s15] =	ssyncadd.s32 $0xFFFFC180  }
0x11e: {  	[tilespmem:s19], [sflag:$0x1] =	stream.indirect.gather [hbm4b:s4+s18], $0x80, s28, s18, $0xb8;
	[tilespmem:$0x1C880] =	vst v63  }
0x11f: {  	_ =	swait.ge [sflag:s22], $0x3E80  }
0x120: {  	[sflag:s22] =	ssyncset.done $0x0  }
0x121: {  	[sflag:s22] =	ssyncadd.s32 $0xFFFFC180  }
0x122: {  	[spmem:s1] =	stream.indirect.scatter.add.f32 [tilespmem:s20], [sflag:$0x3], $0x80, s29, s18, $0xb8;
	[tilespmem:$0x1C880] =	vst v63  }
0x123: {  	_ =	swait.ge [sflag:s15], $0x3E80  }
0x124: {  	[sflag:s15] =	ssyncset.done $0x0  }
0x125: {  	[sflag:s15] =	ssyncadd.s32 $0xFFFFC180  }
0x126: {  	[tilespmem:s20], [sflag:$0x2] =	stream.indirect.gather [hbm4b:s4+s18], $0x80, s30, s18, $0xb8;
	[tilespmem:$0x1C880] =	vst v63  }
0x127: {  	_ =	swait.ge [sflag:s21], $0x3E80  }
0x128: {  	[sflag:s21] =	ssyncset.done $0x0  }
0x129: {  	[sflag:s21] =	ssyncadd.s32 $0xFFFFC180  }
0x12a: {  	[spmem:s1] =	stream.indirect.scatter.add.f32 [tilespmem:s19], [sflag:$0x3], $0x80, s31, s18, $0xb8;
	[tilespmem:$0x1C880] =	vst v63  }
0x12b: {  	_ =	swait.ge [sflag:s15], $0x3E80  }
0x12c: {  	[sflag:s15] =	ssyncset.done $0x0  }
0x12d: {  	[sflag:s15] =	ssyncadd.s32 $0xFFFFC180  }
0x12e: {  	[tilespmem:s19], [sflag:$0x1] =	stream.indirect.gather [hbm4b:s4+s18], $0x80, s0, s18, $0xb8;
	[tilespmem:$0x1C880] =	vst v63  }
0x12f: {  	_ =	swait.ge [sflag:s22], $0x3E80  }
0x130: {  	[sflag:s22] =	ssyncset.done $0x0  }
0x131: {  	[sflag:s22] =	ssyncadd.s32 $0xFFFFC180  }
0x132: {  	[spmem:s1] =	stream.indirect.scatter.add.f32 [tilespmem:s20], [sflag:$0x3], $0x80, s2, s18, $0xb8;
	[tilespmem:$0x1C880] =	vst v63  }
0x133: {  	_ =	swait.ge [sflag:s15], $0x3E80  }
0x134: {  	[sflag:s15] =	ssyncset.done $0x0  }
0x135: {  	[sflag:s15] =	ssyncadd.s32 $0xFFFFC180  }
0x136: {  	[tilespmem:s20], [sflag:$0x2] =	stream.indirect.gather [hbm4b:s4+s18], $0x80, s6, s18, $0xb8;
	[tilespmem:$0x1C880] =	vst v63  }
0x137: {  	_ =	swait.ge [sflag:s21], $0x3E80  }
0x138: {  	[sflag:s21] =	ssyncset.done $0x0  }
0x139: {  	[sflag:s21] =	ssyncadd.s32 $0xFFFFC180  }
0x13a: {  	[spmem:s1] =	stream.indirect.scatter.add.f32 [tilespmem:s19], [sflag:$0x3], $0x80, s8, s18, $0xb8;
	[tilespmem:$0x1C880] =	vst v63  }
0x13b: {  	_ =	swait.ge [sflag:s15], $0x3E80  }
0x13c: {  	[sflag:s15] =	ssyncset.done $0x0  }
0x13d: {  	[sflag:s15] =	ssyncadd.s32 $0xFFFFC180  }
0x13e: {  	[tilespmem:s19], [sflag:$0x1] =	stream.indirect.gather [hbm4b:s4+s18], $0x80, s16, s18, $0xb8;
	[tilespmem:$0x1C880] =	vst v63  }
0x13f: {  	_ =	swait.ge [sflag:s22], $0x3E80  }
0x140: {  	[sflag:s22] =	ssyncset.done $0x0  }
0x141: {  	[sflag:s22] =	ssyncadd.s32 $0xFFFFC180  }
0x142: {  	[spmem:s1] =	stream.indirect.scatter.add.f32 [tilespmem:s20], [sflag:$0x3], $0x80, s5, s18, $0xb8;
	[tilespmem:$0x1C880] =	vst v63  }
0x143: {  	_ =	swait.ge [sflag:s15], $0x3E80  }
0x144: {  	[sflag:s15] =	ssyncset.done $0x0  }
0x145: {  	[sflag:s15] =	ssyncadd.s32 $0xFFFFC180  }
0x146: {  	[tilespmem:s20], [sflag:$0x2] =	stream.indirect.gather [hbm4b:s4+s18], $0x80, s9, s18, $0xb8;
	[tilespmem:$0x1C880] =	vst v63  }
0x147: {  	_ =	swait.ge [sflag:s21], $0x3E80  }
0x148: {  	[sflag:s21] =	ssyncset.done $0x0  }
0x149: {  	[sflag:s21] =	ssyncadd.s32 $0xFFFFC180  }
0x14a: {  	[spmem:s1] =	stream.indirect.scatter.add.f32 [tilespmem:s19], [sflag:$0x3], $0x80, s10, s18, $0xb8;
	[tilespmem:$0x1C880] =	vst v63  }
0x14b: {  	_ =	swait.ge [sflag:s15], $0x3E80  }
0x14c: {  	[sflag:s15] =	ssyncset.done $0x0  }
0x14d: {  	[sflag:s15] =	ssyncadd.s32 $0xFFFFC180  }
0x14e: {  	p3 =	sne.s32 s12, $0x400;
	_ =	swait.ge [sflag:s22], $0x3E80  }
.Ltmp4:
0x14f: {  	[sflag:s22] =	ssyncset.done $0x0;
	(pc) =	sbr.rel @p3 .LBB2_6-.Ltmp4, $4  }
0x150: {  	[sflag:s22] =	ssyncadd.s32 $0xFFFFC180  }
0x151: {  	[spmem:s1] =	stream.indirect.scatter.add.f32 [tilespmem:s20], [sflag:$0x3], $0x80, s11, s18, $0xb8;
	[tilespmem:$0x1C880] =	vst v63  }
0x152: {  	s7 =	smov.u32 s12;
	s12 =	sadd.s32 $0x100, s12;
	_ =	swait.ge [sflag:s15], $0x3E80  }
0x153: {  	s13 =	smov.u32 s7;
	s14 =	rddreg [dreg:$0x5];
	[sflag:s15] =	ssyncset.done $0x0  }
0x154: {  	[sflag:s15] =	ssyncadd.s32 $0xFFFFC180;
	s7 =	sadd.s32 s13, s14  }
0x155: {  	[tilespmem:s3], [sflag:$0x3] =	stream.linear.gather [hbm4b:s7+s3], $0x800, $0x38;
	[tilespmem:$0x1C880] =	vst v63  }
0x156: {  	_ =	swait.ge [sflag:s15], $0x800  }
0x157: {  	s14 =	rddreg [dreg:$0x4];
	[sflag:s15] =	ssyncset.done $0x0  }
0x158: {  	[sflag:s15] =	ssyncadd.s32 $0xFFFFF800;
	s7 =	sadd.s32 s13, s14  }
0x159: {  	[tilespmem:s17], [sflag:$0x3] =	stream.linear.gather [hbm4b:s7+s3], $0x800, $0x38;
	[tilespmem:$0x1C880] =	vst v63  }
0x15a: {  	_ =	swait.ge [sflag:s15], $0x800  }
0x15b: {  	[sflag:s15] =	ssyncset.done $0x0  }
0x15c: {  	[sflag:s15] =	ssyncadd.s32 $0xFFFFF800  }
0x15d: {  	[tilespmem:s19], [sflag:$0x1] =	stream.indirect.gather [hbm4b:s4+s18], $0x80, s3, s18, $0xb8;
	[tilespmem:$0x1C880] =	vst v63  }
0x15e: {  	s12 =	rddreg [dreg:$0x6]  }
0x15f: {  	[tilespmem:s20], [sflag:$0x2] =	stream.indirect.gather [hbm4b:s4+s18], $0x80, s12, s18, $0xb8;
	[tilespmem:$0x1C880] =	vst v63  }
0x160: {  	_ =	swait.ge [sflag:s21], $0x3E80  }
0x161: {  	[sflag:s21] =	ssyncset.done $0x0  }
0x162: {  	[sflag:s21] =	ssyncadd.s32 $0xFFFFC180  }
0x163: {  	[spmem:s1] =	stream.indirect.scatter.add.f32 [tilespmem:s19], [sflag:$0x3], $0x80, s17, s18, $0xb8;
	[tilespmem:$0x1C880] =	vst v63  }
0x164: {  	_ =	swait.ge [sflag:s15], $0x3E80  }
0x165: {  	[sflag:s15] =	ssyncset.done $0x0  }
0x166: {  	s13 =	rddreg [dreg:$0x7];
	[sflag:s15] =	ssyncadd.s32 $0xFFFFC180  }
0x167: {  	[tilespmem:s19], [sflag:$0x1] =	stream.indirect.gather [hbm4b:s4+s18], $0x80, s13, s18, $0xb8;
	[tilespmem:$0x1C880] =	vst v63  }
0x168: {  	_ =	swait.ge [sflag:s22], $0x3E80  }
0x169: {  	[sflag:s22] =	ssyncset.done $0x0  }
0x16a: {  	s14 =	rddreg [dreg:$0x8];
	[sflag:s22] =	ssyncadd.s32 $0xFFFFC180  }
0x16b: {  	[spmem:s1] =	stream.indirect.scatter.add.f32 [tilespmem:s20], [sflag:$0x3], $0x80, s14, s18, $0xb8;
	[tilespmem:$0x1C880] =	vst v63  }
0x16c: {  	_ =	swait.ge [sflag:s15], $0x3E80  }
0x16d: {  	[sflag:s15] =	ssyncset.done $0x0  }
0x16e: {  	s12 =	rddreg [dreg:$0x9];
	[sflag:s15] =	ssyncadd.s32 $0xFFFFC180  }
0x16f: {  	[tilespmem:s20], [sflag:$0x2] =	stream.indirect.gather [hbm4b:s4+s18], $0x80, s12, s18, $0xb8;
	[tilespmem:$0x1C880] =	vst v63  }
0x170: {  	_ =	swait.ge [sflag:s21], $0x3E80  }
0x171: {  	[sflag:s21] =	ssyncset.done $0x0  }
0x172: {  	s13 =	rddreg [dreg:$0xa];
	[sflag:s21] =	ssyncadd.s32 $0xFFFFC180  }
0x173: {  	[spmem:s1] =	stream.indirect.scatter.add.f32 [tilespmem:s19], [sflag:$0x3], $0x80, s13, s18, $0xb8;
	[tilespmem:$0x1C880] =	vst v63  }
0x174: {  	_ =	swait.ge [sflag:s15], $0x3E80  }
0x175: {  	[sflag:s15] =	ssyncset.done $0x0  }
0x176: {  	s14 =	rddreg [dreg:$0xb];
	[sflag:s15] =	ssyncadd.s32 $0xFFFFC180  }
0x177: {  	[tilespmem:s19], [sflag:$0x1] =	stream.indirect.gather [hbm4b:s4+s18], $0x80, s14, s18, $0xb8;
	[tilespmem:$0x1C880] =	vst v63  }
0x178: {  	_ =	swait.ge [sflag:s22], $0x3E80  }
0x179: {  	[sflag:s22] =	ssyncset.done $0x0  }
0x17a: {  	s12 =	rddreg [dreg:$0xc];
	[sflag:s22] =	ssyncadd.s32 $0xFFFFC180  }
0x17b: {  	[spmem:s1] =	stream.indirect.scatter.add.f32 [tilespmem:s20], [sflag:$0x3], $0x80, s12, s18, $0xb8;
	[tilespmem:$0x1C880] =	vst v63  }
0x17c: {  	_ =	swait.ge [sflag:s15], $0x3E80  }
0x17d: {  	[sflag:s15] =	ssyncset.done $0x0  }
0x17e: {  	s13 =	rddreg [dreg:$0xd];
	[sflag:s15] =	ssyncadd.s32 $0xFFFFC180  }
0x17f: {  	[tilespmem:s20], [sflag:$0x2] =	stream.indirect.gather [hbm4b:s4+s18], $0x80, s13, s18, $0xb8;
	[tilespmem:$0x1C880] =	vst v63  }
0x180: {  	_ =	swait.ge [sflag:s21], $0x3E80  }
0x181: {  	[sflag:s21] =	ssyncset.done $0x0  }
0x182: {  	s14 =	rddreg [dreg:$0xe];
	[sflag:s21] =	ssyncadd.s32 $0xFFFFC180  }
0x183: {  	[spmem:s1] =	stream.indirect.scatter.add.f32 [tilespmem:s19], [sflag:$0x3], $0x80, s14, s18, $0xb8;
	[tilespmem:$0x1C880] =	vst v63  }
0x184: {  	_ =	swait.ge [sflag:s15], $0x3E80  }
0x185: {  	[sflag:s15] =	ssyncset.done $0x0  }
0x186: {  	s12 =	rddreg [dreg:$0xf];
	[sflag:s15] =	ssyncadd.s32 $0xFFFFC180  }
0x187: {  	[tilespmem:s19], [sflag:$0x1] =	stream.indirect.gather [hbm4b:s4+s18], $0x80, s12, s18, $0xb8;
	[tilespmem:$0x1C880] =	vst v63  }
0x188: {  	_ =	swait.ge [sflag:s22], $0x3E80  }
0x189: {  	[sflag:s22] =	ssyncset.done $0x0  }
0x18a: {  	s13 =	rddreg [dreg:$0x10];
	[sflag:s22] =	ssyncadd.s32 $0xFFFFC180  }
0x18b: {  	[spmem:s1] =	stream.indirect.scatter.add.f32 [tilespmem:s20], [sflag:$0x3], $0x80, s13, s18, $0xb8;
	[tilespmem:$0x1C880] =	vst v63  }
0x18c: {  	_ =	swait.ge [sflag:s15], $0x3E80  }
0x18d: {  	[sflag:s15] =	ssyncset.done $0x0  }
0x18e: {  	s14 =	rddreg [dreg:$0x11];
	[sflag:s15] =	ssyncadd.s32 $0xFFFFC180  }
0x18f: {  	[tilespmem:s20], [sflag:$0x2] =	stream.indirect.gather [hbm4b:s4+s18], $0x80, s14, s18, $0xb8;
	[tilespmem:$0x1C880] =	vst v63  }
0x190: {  	_ =	swait.ge [sflag:s21], $0x3E80  }
0x191: {  	[sflag:s21] =	ssyncset.done $0x0  }
0x192: {  	s12 =	rddreg [dreg:$0x12];
	[sflag:s21] =	ssyncadd.s32 $0xFFFFC180  }
0x193: {  	[spmem:s1] =	stream.indirect.scatter.add.f32 [tilespmem:s19], [sflag:$0x3], $0x80, s12, s18, $0xb8;
	[tilespmem:$0x1C880] =	vst v63  }
0x194: {  	_ =	swait.ge [sflag:s15], $0x3E80  }
0x195: {  	[sflag:s15] =	ssyncset.done $0x0  }
0x196: {  	[sflag:s15] =	ssyncadd.s32 $0xFFFFC180  }
0x197: {  	[tilespmem:s19], [sflag:$0x1] =	stream.indirect.gather [hbm4b:s4+s18], $0x80, s23, s18, $0xb8;
	[tilespmem:$0x1C880] =	vst v63  }
0x198: {  	_ =	swait.ge [sflag:s22], $0x3E80  }
0x199: {  	[sflag:s22] =	ssyncset.done $0x0  }
0x19a: {  	[sflag:s22] =	ssyncadd.s32 $0xFFFFC180  }
0x19b: {  	[spmem:s1] =	stream.indirect.scatter.add.f32 [tilespmem:s20], [sflag:$0x3], $0x80, s24, s18, $0xb8;
	[tilespmem:$0x1C880] =	vst v63  }
0x19c: {  	_ =	swait.ge [sflag:s15], $0x3E80  }
0x19d: {  	[sflag:s15] =	ssyncset.done $0x0  }
0x19e: {  	[sflag:s15] =	ssyncadd.s32 $0xFFFFC180  }
0x19f: {  	[tilespmem:s20], [sflag:$0x2] =	stream.indirect.gather [hbm4b:s4+s18], $0x80, s25, s18, $0xb8;
	[tilespmem:$0x1C880] =	vst v63  }
0x1a0: {  	_ =	swait.ge [sflag:s21], $0x3E80  }
0x1a1: {  	[sflag:s21] =	ssyncset.done $0x0  }
0x1a2: {  	[sflag:s21] =	ssyncadd.s32 $0xFFFFC180  }
0x1a3: {  	[spmem:s1] =	stream.indirect.scatter.add.f32 [tilespmem:s19], [sflag:$0x3], $0x80, s26, s18, $0xb8;
	[tilespmem:$0x1C880] =	vst v63  }
0x1a4: {  	_ =	swait.ge [sflag:s15], $0x3E80  }
0x1a5: {  	[sflag:s15] =	ssyncset.done $0x0  }
0x1a6: {  	[sflag:s15] =	ssyncadd.s32 $0xFFFFC180  }
0x1a7: {  	[tilespmem:s19], [sflag:$0x1] =	stream.indirect.gather [hbm4b:s4+s18], $0x80, s28, s18, $0xb8;
	[tilespmem:$0x1C880] =	vst v63  }
0x1a8: {  	_ =	swait.ge [sflag:s22], $0x3E80  }
0x1a9: {  	[sflag:s22] =	ssyncset.done $0x0  }
0x1aa: {  	[sflag:s22] =	ssyncadd.s32 $0xFFFFC180  }
0x1ab: {  	[spmem:s1] =	stream.indirect.scatter.add.f32 [tilespmem:s20], [sflag:$0x3], $0x80, s29, s18, $0xb8;
	[tilespmem:$0x1C880] =	vst v63  }
0x1ac: {  	_ =	swait.ge [sflag:s15], $0x3E80  }
0x1ad: {  	[sflag:s15] =	ssyncset.done $0x0  }
0x1ae: {  	[sflag:s15] =	ssyncadd.s32 $0xFFFFC180  }
0x1af: {  	[tilespmem:s20], [sflag:$0x2] =	stream.indirect.gather [hbm4b:s4+s18], $0x80, s30, s18, $0xb8;
	[tilespmem:$0x1C880] =	vst v63  }
0x1b0: {  	_ =	swait.ge [sflag:s21], $0x3E80  }
0x1b1: {  	[sflag:s21] =	ssyncset.done $0x0  }
0x1b2: {  	[sflag:s21] =	ssyncadd.s32 $0xFFFFC180  }
0x1b3: {  	[spmem:s1] =	stream.indirect.scatter.add.f32 [tilespmem:s19], [sflag:$0x3], $0x80, s31, s18, $0xb8;
	[tilespmem:$0x1C880] =	vst v63  }
0x1b4: {  	_ =	swait.ge [sflag:s15], $0x3E80  }
0x1b5: {  	[sflag:s15] =	ssyncset.done $0x0  }
0x1b6: {  	[sflag:s15] =	ssyncadd.s32 $0xFFFFC180  }
0x1b7: {  	[tilespmem:s19], [sflag:$0x1] =	stream.indirect.gather [hbm4b:s4+s18], $0x80, s0, s18, $0xb8;
	[tilespmem:$0x1C880] =	vst v63  }
0x1b8: {  	_ =	swait.ge [sflag:s22], $0x3E80  }
0x1b9: {  	[sflag:s22] =	ssyncset.done $0x0  }
0x1ba: {  	[sflag:s22] =	ssyncadd.s32 $0xFFFFC180  }
0x1bb: {  	[spmem:s1] =	stream.indirect.scatter.add.f32 [tilespmem:s20], [sflag:$0x3], $0x80, s2, s18, $0xb8;
	[tilespmem:$0x1C880] =	vst v63  }
0x1bc: {  	_ =	swait.ge [sflag:s15], $0x3E80  }
0x1bd: {  	[sflag:s15] =	ssyncset.done $0x0  }
0x1be: {  	[sflag:s15] =	ssyncadd.s32 $0xFFFFC180  }
0x1bf: {  	[tilespmem:s20], [sflag:$0x2] =	stream.indirect.gather [hbm4b:s4+s18], $0x80, s6, s18, $0xb8;
	[tilespmem:$0x1C880] =	vst v63  }
0x1c0: {  	_ =	swait.ge [sflag:s21], $0x3E80  }
0x1c1: {  	[sflag:s21] =	ssyncset.done $0x0  }
0x1c2: {  	[sflag:s21] =	ssyncadd.s32 $0xFFFFC180  }
0x1c3: {  	[spmem:s1] =	stream.indirect.scatter.add.f32 [tilespmem:s19], [sflag:$0x3], $0x80, s8, s18, $0xb8;
	[tilespmem:$0x1C880] =	vst v63  }
0x1c4: {  	_ =	swait.ge [sflag:s15], $0x3E80  }
0x1c5: {  	[sflag:s15] =	ssyncset.done $0x0  }
0x1c6: {  	[sflag:s15] =	ssyncadd.s32 $0xFFFFC180  }
0x1c7: {  	[tilespmem:s19], [sflag:$0x1] =	stream.indirect.gather [hbm4b:s4+s18], $0x80, s16, s18, $0xb8;
	[tilespmem:$0x1C880] =	vst v63  }
0x1c8: {  	_ =	swait.ge [sflag:s22], $0x3E80  }
0x1c9: {  	[sflag:s22] =	ssyncset.done $0x0  }
0x1ca: {  	[sflag:s22] =	ssyncadd.s32 $0xFFFFC180  }
0x1cb: {  	[spmem:s1] =	stream.indirect.scatter.add.f32 [tilespmem:s20], [sflag:$0x3], $0x80, s5, s18, $0xb8;
	[tilespmem:$0x1C880] =	vst v63  }
0x1cc: {  	_ =	swait.ge [sflag:s15], $0x3E80  }
0x1cd: {  	[sflag:s15] =	ssyncset.done $0x0  }
0x1ce: {  	[sflag:s15] =	ssyncadd.s32 $0xFFFFC180  }
0x1cf: {  	[tilespmem:s20], [sflag:$0x2] =	stream.indirect.gather [hbm4b:s4+s18], $0x80, s9, s18, $0xb8;
	[tilespmem:$0x1C880] =	vst v63  }
0x1d0: {  	_ =	swait.ge [sflag:s21], $0x3E80  }
0x1d1: {  	[sflag:s21] =	ssyncset.done $0x0  }
0x1d2: {  	[sflag:s21] =	ssyncadd.s32 $0xFFFFC180  }
0x1d3: {  	[spmem:s1] =	stream.indirect.scatter.add.f32 [tilespmem:s19], [sflag:$0x3], $0x80, s10, s18, $0xb8;
	[tilespmem:$0x1C880] =	vst v63  }
0x1d4: {  	_ =	swait.ge [sflag:s15], $0x3E80  }
0x1d5: {  	[sflag:s15] =	ssyncset.done $0x0  }
0x1d6: {  	[sflag:s15] =	ssyncadd.s32 $0xFFFFC180  }
0x1d7: {  	_ =	swait.ge [sflag:s22], $0x3E80  }
0x1d8: {  	[sflag:s22] =	ssyncset.done $0x0  }
0x1d9: {  	[sflag:s22] =	ssyncadd.s32 $0xFFFFC180  }
0x1da: {  	[spmem:s1] =	stream.indirect.scatter.add.f32 [tilespmem:s20], [sflag:$0x3], $0x80, s11, s18, $0xb8;
	[tilespmem:$0x1C880] =	vst v63  }
0x1db: {  	_ =	swait.ge [sflag:s15], $0x3E80  }
0x1dc: {  	[sflag:s15] =	ssyncset.done $0x0  }
0x1dd: {  	[sflag:s15] =	ssyncadd.s32 $0xFFFFC180  }
0x1de: {  	[bflag:$0x0] =	sbarrier.arrive $0xFFFF  }
0x1df: {  	s13 =	rddreg [dreg:$0x1a]  }
0x1e0: {  	s12 =	rddreg [dreg:$0x17]  }
0x1e1: {  	s14 =	rddreg [dreg:$0x1c];
	s7 =	sor.u32 $0x1C03, s13  }
0x1e2: {  	[hbm:s12], [sflag:s7] =	dma.local [spmem:s14], $0x2700  }
0x1e3: {  	_ =	swait.ge [sflag:s15], $0x2700  }
0x1e4: {  	[sflag:s15] =	ssyncset.done $0x0;
	s12 =	rddreg [dreg:$0x15]  }
0x1e5: {  	s13 =	rddreg [dreg:$0x18];
	[sflag:s15] =	ssyncadd.s32 $0xFFFFD900;
	s12 =	sshrl.u32 @!p2 s12, $0x3  }
0x1e6: {  	[hbm:s13], [sflag:s7] =	dma.local @!p2 [spmem:s12], $0x100  }
0x1e7: {  	s7 =	simm.s32 @!p2 $0x3  }
0x1e8: {  	_ =	swait.ge @!p2 [sflag:s7], $0x100  }
0x1e9: {  	s12 =	rddreg [dreg:$0x1e]  }
0x1ea: {  	s14 =	rddreg [dreg:$0x19];
	s13 =	sadd.s32 $0x1, s12  }
0x1eb: {  	p3 =	sne.s32 s13, s14  }
.Ltmp5:
0x1ec: {  	_ = 	snop;
	(pc) =	sbr.rel @p3 .LBB2_1-.Ltmp5, $3  }
0x1ed: {  	_ =	sdelay $0x1  }
0x1ee: {  	[sflag:s7] =	ssyncset.done @!p2 $0x0  }
0x1ef: {  	[sflag:s7] =	ssyncadd.s32 @!p2 $0xFFFFFF00  }
0x1f0: {  	_ =	sfence.sel $0x180000  }
0x1f1: {  	[bflag:$0x0] =	sbarrier.arrive $0xFFFF  }
0x1f2: {  	_ =	strace $0x9000004A  }
0x1f3: {  	s0 =	stileid.u32;
	[bflag:$0x2] =	sbarrier.arrive $0xFFFF  }
0x1f4: {  	p0 =	sne.s32 s0, $0x0;
	s0 =	rddreg [dreg:$0x3]  }
0x1f5: {  	s0 =	sadd.s32 @!p0 $0x100000, s0  }
0x1f6: {  	[sflag:s0] =	ssyncadd.tile.s32 @!p0 $0x1;
	_ =	shalt  }
.Lfunc_end2:
_tile_overlayer_lowered:
.L_overlay_start_2:
0x1f7: {  	(tag) =	ssettag $0x2  }
0x1f8: {  	s0 =	rddreg [dreg:$0x0];
	s2 =	stileid.u32  }
0x1f9: {  	s1 =	rddreg [dreg:$0x1];
	p0 =	sne.s32 s2, $0x0  }
0x1fa: {  	s3 =	rddreg [dreg:$0x2];
	[bflag:$0x3] =	sbarrier.arrive $0xFFFF;
	s2 =	simm.s32 @!p0 $0x1C03  }
0x1fb: {  	[timem:s3], [sflag:s2] =	dma.local @!p0 [hbm:s0], s1  }
0x1fc: {  	s0 =	simm.s32 @!p0 $0x3  }
0x1fd: {  	_ =	swait.ge @!p0 [sflag:s0], s1  }
0x1fe: {  	s1 =	ssub.s32 @!p0 $0x0, s1;
	[sflag:s0] =	ssyncset.done @!p0 $0x0  }
0x1ff: {  	[sflag:s0] =	ssyncadd.s32 @!p0 s1  }
0x200: {  	[bflag:$0x3] =	sbarrier.arrive $0xFFFF  }
0x201: {  	_ =	shalt  }

</sc_bundles>
